<compile_context>
chip_gen: v7x
topology: tpu7x:2x2x1
jax: 0.10.2.dev20260603
libtpu: 0.0.44.dev20260713+nightly
codegen_flags: <defaults>
</compile_context>

<pallas_src>
import functools

import jax
import jax.numpy as jnp
from jax import lax
from jax.experimental import pallas as pl
from jax.experimental.pallas import tpu as pltpu
from jax.experimental.pallas import tpu_sc as plsc

NUM_SYMBOLS = 1000000
EMBED_DIM = 64
BATCH = 16384
HIST = 50

NC = 2
NS = 16
NW = NC * NS
CH = 128
HCH = CH // 2
CPW = BATCH // CH // NW
NBLK = HIST * CPW
NBUF = 10
LOOK = 5

_mesh = plsc.VectorSubcoreMesh(core_axis_name="c", subcore_axis_name="s")


@functools.partial(
    pl.kernel,
    mesh=_mesh,
    out_type=jax.ShapeDtypeStruct((HIST * BATCH // 2, 2 * EMBED_DIM), jnp.float32),
    compiler_params=pltpu.CompilerParams(use_tc_tiling_on_sc=False),
    scratch_types=[
        pltpu.VMEM((HIST, CPW * CH), jnp.int32),
        pltpu.VMEM((NBUF, 2, HCH, EMBED_DIM), jnp.float32),
        pltpu.SemaphoreType.DMA((NBUF,)),
        pltpu.SemaphoreType.DMA((NBUF,)),
    ],
)
def _emb_lookup(xr_hbm, tbl_hbm, out_hbm, idx_v, rows_v, gsem, wsem):
    wid = lax.axis_index("s") * NC + lax.axis_index("c")
    pltpu.sync_copy(xr_hbm.at[:, pl.ds(wid * (CPW * CH), CPW * CH)], idx_v)

    def fire_gather(g, slot):
        h = g // CPW
        cg = g % CPW
        for half in range(2):
            pltpu.async_copy(
                tbl_hbm.at[idx_v.at[h, pl.ds(cg * CH + half * HCH, HCH)]],
                rows_v.at[slot, half],
                gsem.at[slot],
            )

    def wait_gather(slot):
        for half in range(2):
            pltpu.make_async_copy(
                tbl_hbm.at[idx_v.at[0, pl.ds(0, HCH)]],
                rows_v.at[slot, half],
                gsem.at[slot],
            ).wait()

    def write_parts(g, slot, fire):
        h = g // CPW
        p0 = (wid * CPW + (g % CPW)) * HCH
        for half in range(2):
            dst = out_hbm.at[
                pl.ds(h * (BATCH // 2) + p0, HCH),
                pl.ds(half * EMBED_DIM, EMBED_DIM),
            ]
            cp = (
                pltpu.async_copy(rows_v.at[slot, half], dst, wsem.at[slot])
                if fire
                else pltpu.make_async_copy(
                    rows_v.at[slot, half], dst, wsem.at[slot]
                ).wait()
            )

    for b in range(LOOK):
        fire_gather(b, b)

    def group(go, carry):
        for b in range(NBUF):
            g = go * NBUF + b
            wait_gather(b)
            write_parts(g, b, True)
            s2 = (b + LOOK) % NBUF
            g2 = g + LOOK

            @pl.when(g2 >= NBUF)
            def _():
                write_parts(g2 - NBUF, s2, False)

            @pl.when(g2 < NBLK)
            def _():
                fire_gather(g2, s2)
        return carry

    lax.fori_loop(0, NBLK // NBUF, group, 0)

    for i in range(LOOK):
        g = NBLK - LOOK + i
        write_parts(g, g % NBUF, False)


def kernel(x, table):
    xr = (
        x.T.astype(jnp.int32)
        .reshape(HIST, BATCH // CH, HCH, 2)
        .transpose(0, 1, 3, 2)
        .reshape(HIST, BATCH)
    )
    out_pair = _emb_lookup(xr, table)
    return (
        out_pair.reshape(HIST, BATCH // 2, 2, EMBED_DIM)
        .transpose(1, 2, 0, 3)
        .reshape(BATCH, HIST, EMBED_DIM)
    )

# --- scband reference (transcript-rebuilt; emitter-appended) ---
"""Pipeline reference for scband-symbolic-embedding-66606352827339 (READ-ONLY COPY).

The authoritative reference and input builder live on the scoring server;
editing this copy changes nothing except your own understanding.
"""

import jax, jax.numpy as jnp
import numpy as np

NUM_SYMBOLS = 1000000
EMBED_DIM = 64
BATCH = 16384
HIST = 50

def setup_inputs(seed: int = 0) -> dict:
    key = jax.random.key(seed)
    k1, k2 = jax.random.split(key)
    x = jax.random.randint(k1, (BATCH, HIST), 0, NUM_SYMBOLS, dtype=jnp.int64 if jax.config.jax_enable_x64 else jnp.int32)
    table = jax.random.normal(k2, (NUM_SYMBOLS, EMBED_DIM), dtype=jnp.float32)
    return {"x": x, "table": table}

def reference(x, table):
    # nn.Embedding forward: gather rows of the embedding table
    return jnp.take(table, x, axis=0)

if __name__ == "__main__":
    import jax
    _d = setup_inputs()
    print(jax.jit(kernel)(*tuple(_d.values())))

</pallas_src>

<mosaic_0001>
#map = affine_map<(d0, d1) -> (0, 0)>
module attributes {stable_mosaic.version = 14 : i64} {
  func.func @_emb_lookup(%arg0: i32, %arg1: i32, %arg2: memref<50x16384xi32, #tpu.memory_space<hbm>>, %arg3: memref<1000000x64xf32, #tpu.memory_space<hbm>>, %arg4: memref<409600x128xf32, #tpu.memory_space<hbm>>, %arg5: memref<50x512xi32, #tpu.memory_space<vmem>>, %arg6: memref<10x2x64x64xf32, #tpu.memory_space<vmem>>, %arg7: memref<10x!tpu.dma_semaphore, #tpu.memory_space<semaphore_mem>>, %arg8: memref<10x!tpu.dma_semaphore, #tpu.memory_space<semaphore_mem>>) attributes {dimension_semantics = [#tpu.dimension_semantics<core_parallel>, #tpu.dimension_semantics<subcore_parallel>], iteration_bounds = array<i64: 2, 16>, scalar_prefetch = 0 : i64, scratch_operands = 4 : i64, tpu.core_type = #tpu.core_type<sc_vector_subcore>, window_params = [{transform_indices = #map}, {transform_indices = #map}, {transform_indices = #map}]} {
    %mul3A = arith.constant 2 : i32
    %mul3A_0 = arith.muli %arg1, %mul3A : i32
    %add3A = arith.addi %mul3A_0, %arg0 : i32
    %mul3A_1 = arith.constant 512 : i32
    %mul3A_2 = arith.muli %add3A, %mul3A_1 : i32
    "tpu.region"() ({
      %run_scoped3A = tpu.sem_alloc : memref<!tpu.dma_semaphore, #tpu.memory_space<semaphore_mem>>
      %dma_start3A_386 = arith.constant 0 : i32
      %dma_start3A_387 = tpu.memref_slice %arg2[%dma_start3A_386, %mul3A_2] : memref<50x16384xi32, #tpu.memory_space<hbm>> -> memref<50x512xi32, #tpu.memory_space<hbm>>
      %dma_start3A_388 = arith.constant 0 : i32
      %dma_start3A_389 = tpu.memref_slice %arg2[%dma_start3A_388, %mul3A_2] : memref<50x16384xi32, #tpu.memory_space<hbm>> -> memref<50x512xi32, #tpu.memory_space<hbm>>
      tpu.enqueue_dma source(%dma_start3A_389 : memref<50x512xi32, #tpu.memory_space<hbm>>) target(%arg5 : memref<50x512xi32, #tpu.memory_space<vmem>>) target_semaphore(%run_scoped3A : memref<!tpu.dma_semaphore, #tpu.memory_space<semaphore_mem>>)
      %dma_wait3A_390 = arith.constant 0 : i32
      %dma_wait3A_391 = tpu.memref_slice %arg2[%dma_wait3A_390, %mul3A_2] : memref<50x16384xi32, #tpu.memory_space<hbm>> -> memref<50x512xi32, #tpu.memory_space<hbm>>
      %dma_wait3A_392 = arith.constant 0 : i32
      %dma_wait3A_393 = tpu.memref_slice %arg2[%dma_wait3A_392, %mul3A_2] : memref<50x16384xi32, #tpu.memory_space<hbm>> -> memref<50x512xi32, #tpu.memory_space<hbm>>
      tpu.wait_dma2 semaphore(%run_scoped3A : memref<!tpu.dma_semaphore, #tpu.memory_space<semaphore_mem>>) src(%dma_wait3A_393 : memref<50x512xi32, #tpu.memory_space<hbm>>) dst(%arg5 : memref<50x512xi32, #tpu.memory_space<vmem>>)
      tpu.yield
    }) : () -> ()
    %dma_start3A = arith.constant 0 : i32
    %dma_start3A_3 = arith.constant 0 : i32
    %dma_start3A_4 = arith.constant 0 : i32
    %dma_start3A_5 = arith.constant 0 : i32
    %dma_start3A_6 = arith.constant 0 : i32
    %dma_start3A_7 = arith.constant 0 : i32
    %dma_start3A_8 = tpu.memref_slice %arg6[%dma_start3A_3, %dma_start3A_4, %dma_start3A_6, %dma_start3A_7] : memref<10x2x64x64xf32, #tpu.memory_space<vmem>> -> memref<1x1x64x64xf32, #tpu.memory_space<vmem>>
    %dma_start3A_9 = tpu.memref_squeeze %dma_start3A_8 : memref<1x1x64x64xf32, #tpu.memory_space<vmem>> -> memref<64x64xf32, #tpu.memory_space<vmem>>
    %dma_start3A_10 = arith.constant 0 : i32
    %dma_start3A_11 = tpu.memref_slice %arg5[%dma_start3A, %dma_start3A_10] : memref<50x512xi32, #tpu.memory_space<vmem>> -> memref<1x64xi32, #tpu.memory_space<vmem>>
    %dma_start3A_12 = tpu.memref_squeeze %dma_start3A_11 : memref<1x64xi32, #tpu.memory_space<vmem>> -> memref<64xi32, #tpu.memory_space<vmem>>
    %dma_start3A_13 = arith.constant 0 : i32
    %dma_start3A_14 = arith.constant 0 : i32
    %dma_start3A_15 = tpu.memref_slice %arg3[%dma_start3A_13, %dma_start3A_14] : memref<1000000x64xf32, #tpu.memory_space<hbm>> -> memref<1000000x64xf32, #tpu.memory_space<hbm>>
    %dma_start3A_16 = tpu.memref_slice %arg7[%dma_start3A_5] : memref<10x!tpu.dma_semaphore, #tpu.memory_space<semaphore_mem>> -> memref<1x!tpu.dma_semaphore, #tpu.memory_space<semaphore_mem>>
    %dma_start3A_17 = tpu.memref_squeeze %dma_start3A_16 : memref<1x!tpu.dma_semaphore, #tpu.memory_space<semaphore_mem>> -> memref<!tpu.dma_semaphore, #tpu.memory_space<semaphore_mem>>
    tpu.enqueue_indirect_dma source(%dma_start3A_15 : memref<1000000x64xf32, #tpu.memory_space<hbm>>) target(%dma_start3A_9 : memref<64x64xf32, #tpu.memory_space<vmem>>) offsets(%dma_start3A_12 : memref<64xi32, #tpu.memory_space<vmem>>) semaphore(%dma_start3A_17 : memref<!tpu.dma_semaphore, #tpu.memory_space<semaphore_mem>>)
    %dma_start3A_18 = arith.constant 0 : i32
    %dma_start3A_19 = arith.constant 0 : i32
    %dma_start3A_20 = arith.constant 1 : i32
    %dma_start3A_21 = arith.constant 0 : i32
    %dma_start3A_22 = arith.constant 0 : i32
    %dma_start3A_23 = arith.constant 0 : i32
    %dma_start3A_24 = tpu.memref_slice %arg6[%dma_start3A_19, %dma_start3A_20, %dma_start3A_22, %dma_start3A_23] : memref<10x2x64x64xf32, #tpu.memory_space<vmem>> -> memref<1x1x64x64xf32, #tpu.memory_space<vmem>>
    %dma_start3A_25 = tpu.memref_squeeze %dma_start3A_24 : memref<1x1x64x64xf32, #tpu.memory_space<vmem>> -> memref<64x64xf32, #tpu.memory_space<vmem>>
    %dma_start3A_26 = arith.constant 64 : i32
    %dma_start3A_27 = tpu.memref_slice %arg5[%dma_start3A_18, %dma_start3A_26] : memref<50x512xi32, #tpu.memory_space<vmem>> -> memref<1x64xi32, #tpu.memory_space<vmem>>
    %dma_start3A_28 = tpu.memref_squeeze %dma_start3A_27 : memref<1x64xi32, #tpu.memory_space<vmem>> -> memref<64xi32, #tpu.memory_space<vmem>>
    %dma_start3A_29 = arith.constant 0 : i32
    %dma_start3A_30 = arith.constant 0 : i32
    %dma_start3A_31 = tpu.memref_slice %arg3[%dma_start3A_29, %dma_start3A_30] : memref<1000000x64xf32, #tpu.memory_space<hbm>> -> memref<1000000x64xf32, #tpu.memory_space<hbm>>
    %dma_start3A_32 = tpu.memref_slice %arg7[%dma_start3A_21] : memref<10x!tpu.dma_semaphore, #tpu.memory_space<semaphore_mem>> -> memref<1x!tpu.dma_semaphore, #tpu.memory_space<semaphore_mem>>
    %dma_start3A_33 = tpu.memref_squeeze %dma_start3A_32 : memref<1x!tpu.dma_semaphore, #tpu.memory_space<semaphore_mem>> -> memref<!tpu.dma_semaphore, #tpu.memory_space<semaphore_mem>>
    tpu.enqueue_indirect_dma source(%dma_start3A_31 : memref<1000000x64xf32, #tpu.memory_space<hbm>>) target(%dma_start3A_25 : memref<64x64xf32, #tpu.memory_space<vmem>>) offsets(%dma_start3A_28 : memref<64xi32, #tpu.memory_space<vmem>>) semaphore(%dma_start3A_33 : memref<!tpu.dma_semaphore, #tpu.memory_space<semaphore_mem>>)
    %dma_start3A_34 = arith.constant 0 : i32
    %dma_start3A_35 = arith.constant 1 : i32
    %dma_start3A_36 = arith.constant 0 : i32
    %dma_start3A_37 = arith.constant 1 : i32
    %dma_start3A_38 = arith.constant 0 : i32
    %dma_start3A_39 = arith.constant 0 : i32
    %dma_start3A_40 = tpu.memref_slice %arg6[%dma_start3A_35, %dma_start3A_36, %dma_start3A_38, %dma_start3A_39] : memref<10x2x64x64xf32, #tpu.memory_space<vmem>> -> memref<1x1x64x64xf32, #tpu.memory_space<vmem>>
    %dma_start3A_41 = tpu.memref_squeeze %dma_start3A_40 : memref<1x1x64x64xf32, #tpu.memory_space<vmem>> -> memref<64x64xf32, #tpu.memory_space<vmem>>
    %dma_start3A_42 = arith.constant 128 : i32
    %dma_start3A_43 = tpu.memref_slice %arg5[%dma_start3A_34, %dma_start3A_42] : memref<50x512xi32, #tpu.memory_space<vmem>> -> memref<1x64xi32, #tpu.memory_space<vmem>>
    %dma_start3A_44 = tpu.memref_squeeze %dma_start3A_43 : memref<1x64xi32, #tpu.memory_space<vmem>> -> memref<64xi32, #tpu.memory_space<vmem>>
    %dma_start3A_45 = arith.constant 0 : i32
    %dma_start3A_46 = arith.constant 0 : i32
    %dma_start3A_47 = tpu.memref_slice %arg3[%dma_start3A_45, %dma_start3A_46] : memref<1000000x64xf32, #tpu.memory_space<hbm>> -> memref<1000000x64xf32, #tpu.memory_space<hbm>>
    %dma_start3A_48 = tpu.memref_slice %arg7[%dma_start3A_37] : memref<10x!tpu.dma_semaphore, #tpu.memory_space<semaphore_mem>> -> memref<1x!tpu.dma_semaphore, #tpu.memory_space<semaphore_mem>>
    %dma_start3A_49 = tpu.memref_squeeze %dma_start3A_48 : memref<1x!tpu.dma_semaphore, #tpu.memory_space<semaphore_mem>> -> memref<!tpu.dma_semaphore, #tpu.memory_space<semaphore_mem>>
    tpu.enqueue_indirect_dma source(%dma_start3A_47 : memref<1000000x64xf32, #tpu.memory_space<hbm>>) target(%dma_start3A_41 : memref<64x64xf32, #tpu.memory_space<vmem>>) offsets(%dma_start3A_44 : memref<64xi32, #tpu.memory_space<vmem>>) semaphore(%dma_start3A_49 : memref<!tpu.dma_semaphore, #tpu.memory_space<semaphore_mem>>)
    %dma_start3A_50 = arith.constant 0 : i32
    %dma_start3A_51 = arith.constant 1 : i32
    %dma_start3A_52 = arith.constant 1 : i32
    %dma_start3A_53 = arith.constant 1 : i32
    %dma_start3A_54 = arith.constant 0 : i32
    %dma_start3A_55 = arith.constant 0 : i32
    %dma_start3A_56 = tpu.memref_slice %arg6[%dma_start3A_51, %dma_start3A_52, %dma_start3A_54, %dma_start3A_55] : memref<10x2x64x64xf32, #tpu.memory_space<vmem>> -> memref<1x1x64x64xf32, #tpu.memory_space<vmem>>
    %dma_start3A_57 = tpu.memref_squeeze %dma_start3A_56 : memref<1x1x64x64xf32, #tpu.memory_space<vmem>> -> memref<64x64xf32, #tpu.memory_space<vmem>>
    %dma_start3A_58 = arith.constant 192 : i32
    %dma_start3A_59 = tpu.memref_slice %arg5[%dma_start3A_50, %dma_start3A_58] : memref<50x512xi32, #tpu.memory_space<vmem>> -> memref<1x64xi32, #tpu.memory_space<vmem>>
    %dma_start3A_60 = tpu.memref_squeeze %dma_start3A_59 : memref<1x64xi32, #tpu.memory_space<vmem>> -> memref<64xi32, #tpu.memory_space<vmem>>
    %dma_start3A_61 = arith.constant 0 : i32
    %dma_start3A_62 = arith.constant 0 : i32
    %dma_start3A_63 = tpu.memref_slice %arg3[%dma_start3A_61, %dma_start3A_62] : memref<1000000x64xf32, #tpu.memory_space<hbm>> -> memref<1000000x64xf32, #tpu.memory_space<hbm>>
    %dma_start3A_64 = tpu.memref_slice %arg7[%dma_start3A_53] : memref<10x!tpu.dma_semaphore, #tpu.memory_space<semaphore_mem>> -> memref<1x!tpu.dma_semaphore, #tpu.memory_space<semaphore_mem>>
    %dma_start3A_65 = tpu.memref_squeeze %dma_start3A_64 : memref<1x!tpu.dma_semaphore, #tpu.memory_space<semaphore_mem>> -> memref<!tpu.dma_semaphore, #tpu.memory_space<semaphore_mem>>
    tpu.enqueue_indirect_dma source(%dma_start3A_63 : memref<1000000x64xf32, #tpu.memory_space<hbm>>) target(%dma_start3A_57 : memref<64x64xf32, #tpu.memory_space<vmem>>) offsets(%dma_start3A_60 : memref<64xi32, #tpu.memory_space<vmem>>) semaphore(%dma_start3A_65 : memref<!tpu.dma_semaphore, #tpu.memory_space<semaphore_mem>>)
    %dma_start3A_66 = arith.constant 0 : i32
    %dma_start3A_67 = arith.constant 2 : i32
    %dma_start3A_68 = arith.constant 0 : i32
    %dma_start3A_69 = arith.constant 2 : i32
    %dma_start3A_70 = arith.constant 0 : i32
    %dma_start3A_71 = arith.constant 0 : i32
    %dma_start3A_72 = tpu.memref_slice %arg6[%dma_start3A_67, %dma_start3A_68, %dma_start3A_70, %dma_start3A_71] : memref<10x2x64x64xf32, #tpu.memory_space<vmem>> -> memref<1x1x64x64xf32, #tpu.memory_space<vmem>>
    %dma_start3A_73 = tpu.memref_squeeze %dma_start3A_72 : memref<1x1x64x64xf32, #tpu.memory_space<vmem>> -> memref<64x64xf32, #tpu.memory_space<vmem>>
    %dma_start3A_74 = arith.constant 256 : i32
    %dma_start3A_75 = tpu.memref_slice %arg5[%dma_start3A_66, %dma_start3A_74] : memref<50x512xi32, #tpu.memory_space<vmem>> -> memref<1x64xi32, #tpu.memory_space<vmem>>
    %dma_start3A_76 = tpu.memref_squeeze %dma_start3A_75 : memref<1x64xi32, #tpu.memory_space<vmem>> -> memref<64xi32, #tpu.memory_space<vmem>>
    %dma_start3A_77 = arith.constant 0 : i32
    %dma_start3A_78 = arith.constant 0 : i32
    %dma_start3A_79 = tpu.memref_slice %arg3[%dma_start3A_77, %dma_start3A_78] : memref<1000000x64xf32, #tpu.memory_space<hbm>> -> memref<1000000x64xf32, #tpu.memory_space<hbm>>
    %dma_start3A_80 = tpu.memref_slice %arg7[%dma_start3A_69] : memref<10x!tpu.dma_semaphore, #tpu.memory_space<semaphore_mem>> -> memref<1x!tpu.dma_semaphore, #tpu.memory_space<semaphore_mem>>
    %dma_start3A_81 = tpu.memref_squeeze %dma_start3A_80 : memref<1x!tpu.dma_semaphore, #tpu.memory_space<semaphore_mem>> -> memref<!tpu.dma_semaphore, #tpu.memory_space<semaphore_mem>>
    tpu.enqueue_indirect_dma source(%dma_start3A_79 : memref<1000000x64xf32, #tpu.memory_space<hbm>>) target(%dma_start3A_73 : memref<64x64xf32, #tpu.memory_space<vmem>>) offsets(%dma_start3A_76 : memref<64xi32, #tpu.memory_space<vmem>>) semaphore(%dma_start3A_81 : memref<!tpu.dma_semaphore, #tpu.memory_space<semaphore_mem>>)
    %dma_start3A_82 = arith.constant 0 : i32
    %dma_start3A_83 = arith.constant 2 : i32
    %dma_start3A_84 = arith.constant 1 : i32
    %dma_start3A_85 = arith.constant 2 : i32
    %dma_start3A_86 = arith.constant 0 : i32
    %dma_start3A_87 = arith.constant 0 : i32
    %dma_start3A_88 = tpu.memref_slice %arg6[%dma_start3A_83, %dma_start3A_84, %dma_start3A_86, %dma_start3A_87] : memref<10x2x64x64xf32, #tpu.memory_space<vmem>> -> memref<1x1x64x64xf32, #tpu.memory_space<vmem>>
    %dma_start3A_89 = tpu.memref_squeeze %dma_start3A_88 : memref<1x1x64x64xf32, #tpu.memory_space<vmem>> -> memref<64x64xf32, #tpu.memory_space<vmem>>
    %dma_start3A_90 = arith.constant 320 : i32
    %dma_start3A_91 = tpu.memref_slice %arg5[%dma_start3A_82, %dma_start3A_90] : memref<50x512xi32, #tpu.memory_space<vmem>> -> memref<1x64xi32, #tpu.memory_space<vmem>>
    %dma_start3A_92 = tpu.memref_squeeze %dma_start3A_91 : memref<1x64xi32, #tpu.memory_space<vmem>> -> memref<64xi32, #tpu.memory_space<vmem>>
    %dma_start3A_93 = arith.constant 0 : i32
    %dma_start3A_94 = arith.constant 0 : i32
    %dma_start3A_95 = tpu.memref_slice %arg3[%dma_start3A_93, %dma_start3A_94] : memref<1000000x64xf32, #tpu.memory_space<hbm>> -> memref<1000000x64xf32, #tpu.memory_space<hbm>>
    %dma_start3A_96 = tpu.memref_slice %arg7[%dma_start3A_85] : memref<10x!tpu.dma_semaphore, #tpu.memory_space<semaphore_mem>> -> memref<1x!tpu.dma_semaphore, #tpu.memory_space<semaphore_mem>>
    %dma_start3A_97 = tpu.memref_squeeze %dma_start3A_96 : memref<1x!tpu.dma_semaphore, #tpu.memory_space<semaphore_mem>> -> memref<!tpu.dma_semaphore, #tpu.memory_space<semaphore_mem>>
    tpu.enqueue_indirect_dma source(%dma_start3A_95 : memref<1000000x64xf32, #tpu.memory_space<hbm>>) target(%dma_start3A_89 : memref<64x64xf32, #tpu.memory_space<vmem>>) offsets(%dma_start3A_92 : memref<64xi32, #tpu.memory_space<vmem>>) semaphore(%dma_start3A_97 : memref<!tpu.dma_semaphore, #tpu.memory_space<semaphore_mem>>)
    %dma_start3A_98 = arith.constant 0 : i32
    %dma_start3A_99 = arith.constant 3 : i32
    %dma_start3A_100 = arith.constant 0 : i32
    %dma_start3A_101 = arith.constant 3 : i32
    %dma_start3A_102 = arith.constant 0 : i32
    %dma_start3A_103 = arith.constant 0 : i32
    %dma_start3A_104 = tpu.memref_slice %arg6[%dma_start3A_99, %dma_start3A_100, %dma_start3A_102, %dma_start3A_103] : memref<10x2x64x64xf32, #tpu.memory_space<vmem>> -> memref<1x1x64x64xf32, #tpu.memory_space<vmem>>
    %dma_start3A_105 = tpu.memref_squeeze %dma_start3A_104 : memref<1x1x64x64xf32, #tpu.memory_space<vmem>> -> memref<64x64xf32, #tpu.memory_space<vmem>>
    %dma_start3A_106 = arith.constant 384 : i32
    %dma_start3A_107 = tpu.memref_slice %arg5[%dma_start3A_98, %dma_start3A_106] : memref<50x512xi32, #tpu.memory_space<vmem>> -> memref<1x64xi32, #tpu.memory_space<vmem>>
    %dma_start3A_108 = tpu.memref_squeeze %dma_start3A_107 : memref<1x64xi32, #tpu.memory_space<vmem>> -> memref<64xi32, #tpu.memory_space<vmem>>
    %dma_start3A_109 = arith.constant 0 : i32
    %dma_start3A_110 = arith.constant 0 : i32
    %dma_start3A_111 = tpu.memref_slice %arg3[%dma_start3A_109, %dma_start3A_110] : memref<1000000x64xf32, #tpu.memory_space<hbm>> -> memref<1000000x64xf32, #tpu.memory_space<hbm>>
    %dma_start3A_112 = tpu.memref_slice %arg7[%dma_start3A_101] : memref<10x!tpu.dma_semaphore, #tpu.memory_space<semaphore_mem>> -> memref<1x!tpu.dma_semaphore, #tpu.memory_space<semaphore_mem>>
    %dma_start3A_113 = tpu.memref_squeeze %dma_start3A_112 : memref<1x!tpu.dma_semaphore, #tpu.memory_space<semaphore_mem>> -> memref<!tpu.dma_semaphore, #tpu.memory_space<semaphore_mem>>
    tpu.enqueue_indirect_dma source(%dma_start3A_111 : memref<1000000x64xf32, #tpu.memory_space<hbm>>) target(%dma_start3A_105 : memref<64x64xf32, #tpu.memory_space<vmem>>) offsets(%dma_start3A_108 : memref<64xi32, #tpu.memory_space<vmem>>) semaphore(%dma_start3A_113 : memref<!tpu.dma_semaphore, #tpu.memory_space<semaphore_mem>>)
    %dma_start3A_114 = arith.constant 0 : i32
    %dma_start3A_115 = arith.constant 3 : i32
    %dma_start3A_116 = arith.constant 1 : i32
    %dma_start3A_117 = arith.constant 3 : i32
    %dma_start3A_118 = arith.constant 0 : i32
    %dma_start3A_119 = arith.constant 0 : i32
    %dma_start3A_120 = tpu.memref_slice %arg6[%dma_start3A_115, %dma_start3A_116, %dma_start3A_118, %dma_start3A_119] : memref<10x2x64x64xf32, #tpu.memory_space<vmem>> -> memref<1x1x64x64xf32, #tpu.memory_space<vmem>>
    %dma_start3A_121 = tpu.memref_squeeze %dma_start3A_120 : memref<1x1x64x64xf32, #tpu.memory_space<vmem>> -> memref<64x64xf32, #tpu.memory_space<vmem>>
    %dma_start3A_122 = arith.constant 448 : i32
    %dma_start3A_123 = tpu.memref_slice %arg5[%dma_start3A_114, %dma_start3A_122] : memref<50x512xi32, #tpu.memory_space<vmem>> -> memref<1x64xi32, #tpu.memory_space<vmem>>
    %dma_start3A_124 = tpu.memref_squeeze %dma_start3A_123 : memref<1x64xi32, #tpu.memory_space<vmem>> -> memref<64xi32, #tpu.memory_space<vmem>>
    %dma_start3A_125 = arith.constant 0 : i32
    %dma_start3A_126 = arith.constant 0 : i32
    %dma_start3A_127 = tpu.memref_slice %arg3[%dma_start3A_125, %dma_start3A_126] : memref<1000000x64xf32, #tpu.memory_space<hbm>> -> memref<1000000x64xf32, #tpu.memory_space<hbm>>
    %dma_start3A_128 = tpu.memref_slice %arg7[%dma_start3A_117] : memref<10x!tpu.dma_semaphore, #tpu.memory_space<semaphore_mem>> -> memref<1x!tpu.dma_semaphore, #tpu.memory_space<semaphore_mem>>
    %dma_start3A_129 = tpu.memref_squeeze %dma_start3A_128 : memref<1x!tpu.dma_semaphore, #tpu.memory_space<semaphore_mem>> -> memref<!tpu.dma_semaphore, #tpu.memory_space<semaphore_mem>>
    tpu.enqueue_indirect_dma source(%dma_start3A_127 : memref<1000000x64xf32, #tpu.memory_space<hbm>>) target(%dma_start3A_121 : memref<64x64xf32, #tpu.memory_space<vmem>>) offsets(%dma_start3A_124 : memref<64xi32, #tpu.memory_space<vmem>>) semaphore(%dma_start3A_129 : memref<!tpu.dma_semaphore, #tpu.memory_space<semaphore_mem>>)
    %dma_start3A_130 = arith.constant 1 : i32
    %dma_start3A_131 = arith.constant 4 : i32
    %dma_start3A_132 = arith.constant 0 : i32
    %dma_start3A_133 = arith.constant 4 : i32
    %dma_start3A_134 = arith.constant 0 : i32
    %dma_start3A_135 = arith.constant 0 : i32
    %dma_start3A_136 = tpu.memref_slice %arg6[%dma_start3A_131, %dma_start3A_132, %dma_start3A_134, %dma_start3A_135] : memref<10x2x64x64xf32, #tpu.memory_space<vmem>> -> memref<1x1x64x64xf32, #tpu.memory_space<vmem>>
    %dma_start3A_137 = tpu.memref_squeeze %dma_start3A_136 : memref<1x1x64x64xf32, #tpu.memory_space<vmem>> -> memref<64x64xf32, #tpu.memory_space<vmem>>
    %dma_start3A_138 = arith.constant 0 : i32
    %dma_start3A_139 = tpu.memref_slice %arg5[%dma_start3A_130, %dma_start3A_138] : memref<50x512xi32, #tpu.memory_space<vmem>> -> memref<1x64xi32, #tpu.memory_space<vmem>>
    %dma_start3A_140 = tpu.memref_squeeze %dma_start3A_139 : memref<1x64xi32, #tpu.memory_space<vmem>> -> memref<64xi32, #tpu.memory_space<vmem>>
    %dma_start3A_141 = arith.constant 0 : i32
    %dma_start3A_142 = arith.constant 0 : i32
    %dma_start3A_143 = tpu.memref_slice %arg3[%dma_start3A_141, %dma_start3A_142] : memref<1000000x64xf32, #tpu.memory_space<hbm>> -> memref<1000000x64xf32, #tpu.memory_space<hbm>>
    %dma_start3A_144 = tpu.memref_slice %arg7[%dma_start3A_133] : memref<10x!tpu.dma_semaphore, #tpu.memory_space<semaphore_mem>> -> memref<1x!tpu.dma_semaphore, #tpu.memory_space<semaphore_mem>>
    %dma_start3A_145 = tpu.memref_squeeze %dma_start3A_144 : memref<1x!tpu.dma_semaphore, #tpu.memory_space<semaphore_mem>> -> memref<!tpu.dma_semaphore, #tpu.memory_space<semaphore_mem>>
    tpu.enqueue_indirect_dma source(%dma_start3A_143 : memref<1000000x64xf32, #tpu.memory_space<hbm>>) target(%dma_start3A_137 : memref<64x64xf32, #tpu.memory_space<vmem>>) offsets(%dma_start3A_140 : memref<64xi32, #tpu.memory_space<vmem>>) semaphore(%dma_start3A_145 : memref<!tpu.dma_semaphore, #tpu.memory_space<semaphore_mem>>)
    %dma_start3A_146 = arith.constant 1 : i32
    %dma_start3A_147 = arith.constant 4 : i32
    %dma_start3A_148 = arith.constant 1 : i32
    %dma_start3A_149 = arith.constant 4 : i32
    %dma_start3A_150 = arith.constant 0 : i32
    %dma_start3A_151 = arith.constant 0 : i32
    %dma_start3A_152 = tpu.memref_slice %arg6[%dma_start3A_147, %dma_start3A_148, %dma_start3A_150, %dma_start3A_151] : memref<10x2x64x64xf32, #tpu.memory_space<vmem>> -> memref<1x1x64x64xf32, #tpu.memory_space<vmem>>
    %dma_start3A_153 = tpu.memref_squeeze %dma_start3A_152 : memref<1x1x64x64xf32, #tpu.memory_space<vmem>> -> memref<64x64xf32, #tpu.memory_space<vmem>>
    %dma_start3A_154 = arith.constant 64 : i32
    %dma_start3A_155 = tpu.memref_slice %arg5[%dma_start3A_146, %dma_start3A_154] : memref<50x512xi32, #tpu.memory_space<vmem>> -> memref<1x64xi32, #tpu.memory_space<vmem>>
    %dma_start3A_156 = tpu.memref_squeeze %dma_start3A_155 : memref<1x64xi32, #tpu.memory_space<vmem>> -> memref<64xi32, #tpu.memory_space<vmem>>
    %dma_start3A_157 = arith.constant 0 : i32
    %dma_start3A_158 = arith.constant 0 : i32
    %dma_start3A_159 = tpu.memref_slice %arg3[%dma_start3A_157, %dma_start3A_158] : memref<1000000x64xf32, #tpu.memory_space<hbm>> -> memref<1000000x64xf32, #tpu.memory_space<hbm>>
    %dma_start3A_160 = tpu.memref_slice %arg7[%dma_start3A_149] : memref<10x!tpu.dma_semaphore, #tpu.memory_space<semaphore_mem>> -> memref<1x!tpu.dma_semaphore, #tpu.memory_space<semaphore_mem>>
    %dma_start3A_161 = tpu.memref_squeeze %dma_start3A_160 : memref<1x!tpu.dma_semaphore, #tpu.memory_space<semaphore_mem>> -> memref<!tpu.dma_semaphore, #tpu.memory_space<semaphore_mem>>
    tpu.enqueue_indirect_dma source(%dma_start3A_159 : memref<1000000x64xf32, #tpu.memory_space<hbm>>) target(%dma_start3A_153 : memref<64x64xf32, #tpu.memory_space<vmem>>) offsets(%dma_start3A_156 : memref<64xi32, #tpu.memory_space<vmem>>) semaphore(%dma_start3A_161 : memref<!tpu.dma_semaphore, #tpu.memory_space<semaphore_mem>>)
    %scan3A = arith.constant 0 : i32
    %scan3A_162 = arith.constant 0 : i32
    %scan3A_163 = arith.constant 20 : i32
    %scan3A_164 = arith.addi %scan3A_162, %scan3A_163 : i32
    %scan3A_165 = arith.constant 1 : i32
    scf.for %scan3A_386 = %scan3A_162 to %scan3A_164 step %scan3A_165  : i32 {
      %mul3A_387 = arith.constant 10 : i32
      %mul3A_388 = arith.muli %scan3A_386, %mul3A_387 : i32
      %add3A_389 = arith.constant 0 : i32
      %add3A_390 = arith.addi %mul3A_388, %add3A_389 : i32
      %dma_wait3A_391 = arith.constant 0 : i32
      %dma_wait3A_392 = arith.constant 0 : i32
      %dma_wait3A_393 = arith.constant 0 : i32
      %dma_wait3A_394 = arith.constant 0 : i32
      %dma_wait3A_395 = arith.constant 0 : i32
      %dma_wait3A_396 = arith.constant 0 : i32
      %dma_wait3A_397 = tpu.memref_slice %arg6[%dma_wait3A_392, %dma_wait3A_393, %dma_wait3A_395, %dma_wait3A_396] : memref<10x2x64x64xf32, #tpu.memory_space<vmem>> -> memref<1x1x64x64xf32, #tpu.memory_space<vmem>>
      %dma_wait3A_398 = tpu.memref_squeeze %dma_wait3A_397 : memref<1x1x64x64xf32, #tpu.memory_space<vmem>> -> memref<64x64xf32, #tpu.memory_space<vmem>>
      %dma_wait3A_399 = arith.constant 0 : i32
      %dma_wait3A_400 = tpu.memref_slice %arg5[%dma_wait3A_391, %dma_wait3A_399] : memref<50x512xi32, #tpu.memory_space<vmem>> -> memref<1x64xi32, #tpu.memory_space<vmem>>
      %dma_wait3A_401 = tpu.memref_squeeze %dma_wait3A_400 : memref<1x64xi32, #tpu.memory_space<vmem>> -> memref<64xi32, #tpu.memory_space<vmem>>
      %dma_wait3A_402 = arith.constant 0 : i32
      %dma_wait3A_403 = arith.constant 0 : i32
      %dma_wait3A_404 = tpu.memref_slice %arg3[%dma_wait3A_402, %dma_wait3A_403] : memref<1000000x64xf32, #tpu.memory_space<hbm>> -> memref<1000000x64xf32, #tpu.memory_space<hbm>>
      %dma_wait3A_405 = tpu.memref_slice %arg7[%dma_wait3A_394] : memref<10x!tpu.dma_semaphore, #tpu.memory_space<semaphore_mem>> -> memref<1x!tpu.dma_semaphore, #tpu.memory_space<semaphore_mem>>
      %dma_wait3A_406 = tpu.memref_squeeze %dma_wait3A_405 : memref<1x!tpu.dma_semaphore, #tpu.memory_space<semaphore_mem>> -> memref<!tpu.dma_semaphore, #tpu.memory_space<semaphore_mem>>
      tpu.wait_indirect_dma semaphore(%dma_wait3A_406 : memref<!tpu.dma_semaphore, #tpu.memory_space<semaphore_mem>>) src(%dma_wait3A_404 : memref<1000000x64xf32, #tpu.memory_space<hbm>>) dst(%dma_wait3A_398 : memref<64x64xf32, #tpu.memory_space<vmem>>)
      %dma_wait3A_407 = arith.constant 0 : i32
      %dma_wait3A_408 = arith.constant 0 : i32
      %dma_wait3A_409 = arith.constant 1 : i32
      %dma_wait3A_410 = arith.constant 0 : i32
      %dma_wait3A_411 = arith.constant 0 : i32
      %dma_wait3A_412 = arith.constant 0 : i32
      %dma_wait3A_413 = tpu.memref_slice %arg6[%dma_wait3A_408, %dma_wait3A_409, %dma_wait3A_411, %dma_wait3A_412] : memref<10x2x64x64xf32, #tpu.memory_space<vmem>> -> memref<1x1x64x64xf32, #tpu.memory_space<vmem>>
      %dma_wait3A_414 = tpu.memref_squeeze %dma_wait3A_413 : memref<1x1x64x64xf32, #tpu.memory_space<vmem>> -> memref<64x64xf32, #tpu.memory_space<vmem>>
      %dma_wait3A_415 = arith.constant 0 : i32
      %dma_wait3A_416 = tpu.memref_slice %arg5[%dma_wait3A_407, %dma_wait3A_415] : memref<50x512xi32, #tpu.memory_space<vmem>> -> memref<1x64xi32, #tpu.memory_space<vmem>>
      %dma_wait3A_417 = tpu.memref_squeeze %dma_wait3A_416 : memref<1x64xi32, #tpu.memory_space<vmem>> -> memref<64xi32, #tpu.memory_space<vmem>>
      %dma_wait3A_418 = arith.constant 0 : i32
      %dma_wait3A_419 = arith.constant 0 : i32
      %dma_wait3A_420 = tpu.memref_slice %arg3[%dma_wait3A_418, %dma_wait3A_419] : memref<1000000x64xf32, #tpu.memory_space<hbm>> -> memref<1000000x64xf32, #tpu.memory_space<hbm>>
      %dma_wait3A_421 = tpu.memref_slice %arg7[%dma_wait3A_410] : memref<10x!tpu.dma_semaphore, #tpu.memory_space<semaphore_mem>> -> memref<1x!tpu.dma_semaphore, #tpu.memory_space<semaphore_mem>>
      %dma_wait3A_422 = tpu.memref_squeeze %dma_wait3A_421 : memref<1x!tpu.dma_semaphore, #tpu.memory_space<semaphore_mem>> -> memref<!tpu.dma_semaphore, #tpu.memory_space<semaphore_mem>>
      tpu.wait_indirect_dma semaphore(%dma_wait3A_422 : memref<!tpu.dma_semaphore, #tpu.memory_space<semaphore_mem>>) src(%dma_wait3A_420 : memref<1000000x64xf32, #tpu.memory_space<hbm>>) dst(%dma_wait3A_414 : memref<64x64xf32, #tpu.memory_space<vmem>>)
      %jit3A = arith.constant 4 : i32
      %div3A = arith.divsi %add3A_390, %jit3A : i32
      %sign3A = arith.constant 0 : i32
      %sign3A_423 = arith.cmpi sgt, %add3A_390, %sign3A : i32
      %sign3A_424 = arith.extui %sign3A_423 : i1 to i32
      %sign3A_425 = arith.constant 0 : i32
      %sign3A_426 = arith.cmpi slt, %add3A_390, %sign3A_425 : i32
      %sign3A_427 = arith.extui %sign3A_426 : i1 to i32
      %sign3A_428 = arith.subi %sign3A_424, %sign3A_427 : i32
      %sign3A_429 = arith.constant 0 : i32
      %sign3A_430 = arith.cmpi sgt, %jit3A, %sign3A_429 : i32
      %sign3A_431 = arith.extui %sign3A_430 : i1 to i32
      %sign3A_432 = arith.constant 0 : i32
      %sign3A_433 = arith.cmpi slt, %jit3A, %sign3A_432 : i32
      %sign3A_434 = arith.extui %sign3A_433 : i1 to i32
      %sign3A_435 = arith.subi %sign3A_431, %sign3A_434 : i32
      %ne3A = arith.cmpi ne, %sign3A_428, %sign3A_435 : i32
      %rem3A = arith.remsi %add3A_390, %jit3A : i32
      %ne3A_436 = arith.constant 0 : i32
      %ne3A_437 = arith.cmpi ne, %rem3A, %ne3A_436 : i32
      %and3A = arith.andi %ne3A, %ne3A_437 : i1
      %sub3A = arith.constant 1 : i32
      %sub3A_438 = arith.subi %div3A, %sub3A : i32
      %select_n3A = arith.select %and3A, %sub3A_438, %div3A : i32
      %mul3A_439 = arith.constant 4 : i32
      %mul3A_440 = arith.muli %add3A, %mul3A_439 : i32
      %jit3A_441 = arith.constant 4 : i32
      %eq3A = arith.constant 0 : i32
      %eq3A_442 = arith.cmpi eq, %jit3A_441, %eq3A : i32
      %jit3A_443 = arith.constant 1 : i32
      %select_n3A_444 = arith.select %eq3A_442, %jit3A_443, %jit3A_441 : i32
      %rem3A_445 = arith.remsi %add3A_390, %select_n3A_444 : i32
      %ne3A_446 = arith.constant 0 : i32
      %ne3A_447 = arith.cmpi ne, %rem3A_445, %ne3A_446 : i32
      %lt3A = arith.constant 0 : i32
      %lt3A_448 = arith.cmpi slt, %rem3A_445, %lt3A : i32
      %lt3A_449 = arith.constant 0 : i32
      %lt3A_450 = arith.cmpi slt, %select_n3A_444, %lt3A_449 : i32
      %ne3A_451 = arith.xori %lt3A_448, %lt3A_450 : i1
      %and3A_452 = arith.andi %ne3A_451, %ne3A_447 : i1
      %add3A_453 = arith.addi %rem3A_445, %select_n3A_444 : i32
      %select_n3A_454 = arith.select %and3A_452, %add3A_453, %rem3A_445 : i32
      %add3A_455 = arith.addi %mul3A_440, %select_n3A_454 : i32
      %mul3A_456 = arith.constant 64 : i32
      %mul3A_457 = arith.muli %add3A_455, %mul3A_456 : i32
      %mul3A_458 = arith.constant 8192 : i32
      %mul3A_459 = arith.muli %select_n3A, %mul3A_458 : i32
      %add3A_460 = arith.addi %mul3A_459, %mul3A_457 : i32
      %dma_start3A_461 = arith.constant 0 : i32
      %dma_start3A_462 = arith.constant 0 : i32
      %dma_start3A_463 = arith.constant 0 : i32
      %dma_start3A_464 = arith.constant 0 : i32
      %dma_start3A_465 = arith.constant 0 : i32
      %dma_start3A_466 = tpu.memref_slice %arg6[%dma_start3A_461, %dma_start3A_462, %dma_start3A_464, %dma_start3A_465] : memref<10x2x64x64xf32, #tpu.memory_space<vmem>> -> memref<1x1x64x64xf32, #tpu.memory_space<vmem>>
      %dma_start3A_467 = tpu.memref_squeeze %dma_start3A_466 : memref<1x1x64x64xf32, #tpu.memory_space<vmem>> -> memref<64x64xf32, #tpu.memory_space<vmem>>
      %dma_start3A_468 = arith.constant 0 : i32
      %dma_start3A_469 = tpu.memref_slice %arg4[%add3A_460, %dma_start3A_468] : memref<409600x128xf32, #tpu.memory_space<hbm>> -> memref<64x64xf32, #tpu.memory_space<hbm>>
      %dma_start3A_470 = tpu.memref_slice %arg8[%dma_start3A_463] : memref<10x!tpu.dma_semaphore, #tpu.memory_space<semaphore_mem>> -> memref<1x!tpu.dma_semaphore, #tpu.memory_space<semaphore_mem>>
      %dma_start3A_471 = tpu.memref_squeeze %dma_start3A_470 : memref<1x!tpu.dma_semaphore, #tpu.memory_space<semaphore_mem>> -> memref<!tpu.dma_semaphore, #tpu.memory_space<semaphore_mem>>
      %dma_start3A_472 = arith.constant 0 : i32
      %dma_start3A_473 = tpu.memref_slice %arg4[%add3A_460, %dma_start3A_472] : memref<409600x128xf32, #tpu.memory_space<hbm>> -> memref<64x64xf32, #tpu.memory_space<hbm>>
      %dma_start3A_474 = arith.constant 0 : i32
      %dma_start3A_475 = arith.constant 0 : i32
      %dma_start3A_476 = tpu.memref_slice %arg6[%dma_start3A_461, %dma_start3A_462, %dma_start3A_474, %dma_start3A_475] : memref<10x2x64x64xf32, #tpu.memory_space<vmem>> -> memref<1x1x64x64xf32, #tpu.memory_space<vmem>>
      %dma_start3A_477 = tpu.memref_squeeze %dma_start3A_476 : memref<1x1x64x64xf32, #tpu.memory_space<vmem>> -> memref<64x64xf32, #tpu.memory_space<vmem>>
      tpu.enqueue_dma source(%dma_start3A_477 : memref<64x64xf32, #tpu.memory_space<vmem>>) target(%dma_start3A_473 : memref<64x64xf32, #tpu.memory_space<hbm>>) target_semaphore(%dma_start3A_471 : memref<!tpu.dma_semaphore, #tpu.memory_space<semaphore_mem>>)
      %mul3A_478 = arith.constant 8192 : i32
      %mul3A_479 = arith.muli %select_n3A, %mul3A_478 : i32
      %add3A_480 = arith.addi %mul3A_479, %mul3A_457 : i32
      %dma_start3A_481 = arith.constant 0 : i32
      %dma_start3A_482 = arith.constant 1 : i32
      %dma_start3A_483 = arith.constant 0 : i32
      %dma_start3A_484 = arith.constant 0 : i32
      %dma_start3A_485 = arith.constant 0 : i32
      %dma_start3A_486 = tpu.memref_slice %arg6[%dma_start3A_481, %dma_start3A_482, %dma_start3A_484, %dma_start3A_485] : memref<10x2x64x64xf32, #tpu.memory_space<vmem>> -> memref<1x1x64x64xf32, #tpu.memory_space<vmem>>
      %dma_start3A_487 = tpu.memref_squeeze %dma_start3A_486 : memref<1x1x64x64xf32, #tpu.memory_space<vmem>> -> memref<64x64xf32, #tpu.memory_space<vmem>>
      %dma_start3A_488 = arith.constant 64 : i32
      %dma_start3A_489 = tpu.memref_slice %arg4[%add3A_480, %dma_start3A_488] : memref<409600x128xf32, #tpu.memory_space<hbm>> -> memref<64x64xf32, #tpu.memory_space<hbm>>
      %dma_start3A_490 = tpu.memref_slice %arg8[%dma_start3A_483] : memref<10x!tpu.dma_semaphore, #tpu.memory_space<semaphore_mem>> -> memref<1x!tpu.dma_semaphore, #tpu.memory_space<semaphore_mem>>
      %dma_start3A_491 = tpu.memref_squeeze %dma_start3A_490 : memref<1x!tpu.dma_semaphore, #tpu.memory_space<semaphore_mem>> -> memref<!tpu.dma_semaphore, #tpu.memory_space<semaphore_mem>>
      %dma_start3A_492 = arith.constant 64 : i32
      %dma_start3A_493 = tpu.memref_slice %arg4[%add3A_480, %dma_start3A_492] : memref<409600x128xf32, #tpu.memory_space<hbm>> -> memref<64x64xf32, #tpu.memory_space<hbm>>
      %dma_start3A_494 = arith.constant 0 : i32
      %dma_start3A_495 = arith.constant 0 : i32
      %dma_start3A_496 = tpu.memref_slice %arg6[%dma_start3A_481, %dma_start3A_482, %dma_start3A_494, %dma_start3A_495] : memref<10x2x64x64xf32, #tpu.memory_space<vmem>> -> memref<1x1x64x64xf32, #tpu.memory_space<vmem>>
      %dma_start3A_497 = tpu.memref_squeeze %dma_start3A_496 : memref<1x1x64x64xf32, #tpu.memory_space<vmem>> -> memref<64x64xf32, #tpu.memory_space<vmem>>
      tpu.enqueue_dma source(%dma_start3A_497 : memref<64x64xf32, #tpu.memory_space<vmem>>) target(%dma_start3A_493 : memref<64x64xf32, #tpu.memory_space<hbm>>) target_semaphore(%dma_start3A_491 : memref<!tpu.dma_semaphore, #tpu.memory_space<semaphore_mem>>)
      %add3A_498 = arith.constant 5 : i32
      %add3A_499 = arith.addi %add3A_390, %add3A_498 : i32
      %ge3A = arith.constant 10 : i32
      %ge3A_500 = arith.cmpi sge, %add3A_499, %ge3A : i32
      %convert_element_type3A = arith.extui %ge3A_500 : i1 to i32
      %cond3A = arith.constant 0 : i32
      %cond3A_501 = arith.cmpi ne, %convert_element_type3A, %cond3A : i32
      scf.if %cond3A_501 {
        %sub3A_1704 = arith.constant 10 : i32
        %sub3A_1705 = arith.subi %add3A_499, %sub3A_1704 : i32
        %jit3A_1706 = arith.constant 4 : i32
        %div3A_1707 = arith.divsi %sub3A_1705, %jit3A_1706 : i32
        %sign3A_1708 = arith.constant 0 : i32
        %sign3A_1709 = arith.cmpi sgt, %sub3A_1705, %sign3A_1708 : i32
        %sign3A_1710 = arith.extui %sign3A_1709 : i1 to i32
        %sign3A_1711 = arith.constant 0 : i32
        %sign3A_1712 = arith.cmpi slt, %sub3A_1705, %sign3A_1711 : i32
        %sign3A_1713 = arith.extui %sign3A_1712 : i1 to i32
        %sign3A_1714 = arith.subi %sign3A_1710, %sign3A_1713 : i32
        %sign3A_1715 = arith.constant 0 : i32
        %sign3A_1716 = arith.cmpi sgt, %jit3A_1706, %sign3A_1715 : i32
        %sign3A_1717 = arith.extui %sign3A_1716 : i1 to i32
        %sign3A_1718 = arith.constant 0 : i32
        %sign3A_1719 = arith.cmpi slt, %jit3A_1706, %sign3A_1718 : i32
        %sign3A_1720 = arith.extui %sign3A_1719 : i1 to i32
        %sign3A_1721 = arith.subi %sign3A_1717, %sign3A_1720 : i32
        %ne3A_1722 = arith.cmpi ne, %sign3A_1714, %sign3A_1721 : i32
        %rem3A_1723 = arith.remsi %sub3A_1705, %jit3A_1706 : i32
        %ne3A_1724 = arith.constant 0 : i32
        %ne3A_1725 = arith.cmpi ne, %rem3A_1723, %ne3A_1724 : i32
        %and3A_1726 = arith.andi %ne3A_1722, %ne3A_1725 : i1
        %sub3A_1727 = arith.constant 1 : i32
        %sub3A_1728 = arith.subi %div3A_1707, %sub3A_1727 : i32
        %select_n3A_1729 = arith.select %and3A_1726, %sub3A_1728, %div3A_1707 : i32
        %mul3A_1730 = arith.constant 4 : i32
        %mul3A_1731 = arith.muli %add3A, %mul3A_1730 : i32
        %jit3A_1732 = arith.constant 4 : i32
        %eq3A_1733 = arith.constant 0 : i32
        %eq3A_1734 = arith.cmpi eq, %jit3A_1732, %eq3A_1733 : i32
        %jit3A_1735 = arith.constant 1 : i32
        %select_n3A_1736 = arith.select %eq3A_1734, %jit3A_1735, %jit3A_1732 : i32
        %rem3A_1737 = arith.remsi %sub3A_1705, %select_n3A_1736 : i32
        %ne3A_1738 = arith.constant 0 : i32
        %ne3A_1739 = arith.cmpi ne, %rem3A_1737, %ne3A_1738 : i32
        %lt3A_1740 = arith.constant 0 : i32
        %lt3A_1741 = arith.cmpi slt, %rem3A_1737, %lt3A_1740 : i32
        %lt3A_1742 = arith.constant 0 : i32
        %lt3A_1743 = arith.cmpi slt, %select_n3A_1736, %lt3A_1742 : i32
        %ne3A_1744 = arith.xori %lt3A_1741, %lt3A_1743 : i1
        %and3A_1745 = arith.andi %ne3A_1744, %ne3A_1739 : i1
        %add3A_1746 = arith.addi %rem3A_1737, %select_n3A_1736 : i32
        %select_n3A_1747 = arith.select %and3A_1745, %add3A_1746, %rem3A_1737 : i32
        %add3A_1748 = arith.addi %mul3A_1731, %select_n3A_1747 : i32
        %mul3A_1749 = arith.constant 64 : i32
        %mul3A_1750 = arith.muli %add3A_1748, %mul3A_1749 : i32
        %mul3A_1751 = arith.constant 8192 : i32
        %mul3A_1752 = arith.muli %select_n3A_1729, %mul3A_1751 : i32
        %add3A_1753 = arith.addi %mul3A_1752, %mul3A_1750 : i32
        %dma_wait3A_1754 = arith.constant 5 : i32
        %dma_wait3A_1755 = arith.constant 0 : i32
        %dma_wait3A_1756 = arith.constant 5 : i32
        %dma_wait3A_1757 = arith.constant 0 : i32
        %dma_wait3A_1758 = arith.constant 0 : i32
        %dma_wait3A_1759 = tpu.memref_slice %arg6[%dma_wait3A_1754, %dma_wait3A_1755, %dma_wait3A_1757, %dma_wait3A_1758] : memref<10x2x64x64xf32, #tpu.memory_space<vmem>> -> memref<1x1x64x64xf32, #tpu.memory_space<vmem>>
        %dma_wait3A_1760 = tpu.memref_squeeze %dma_wait3A_1759 : memref<1x1x64x64xf32, #tpu.memory_space<vmem>> -> memref<64x64xf32, #tpu.memory_space<vmem>>
        %dma_wait3A_1761 = arith.constant 0 : i32
        %dma_wait3A_1762 = tpu.memref_slice %arg4[%add3A_1753, %dma_wait3A_1761] : memref<409600x128xf32, #tpu.memory_space<hbm>> -> memref<64x64xf32, #tpu.memory_space<hbm>>
        %dma_wait3A_1763 = tpu.memref_slice %arg8[%dma_wait3A_1756] : memref<10x!tpu.dma_semaphore, #tpu.memory_space<semaphore_mem>> -> memref<1x!tpu.dma_semaphore, #tpu.memory_space<semaphore_mem>>
        %dma_wait3A_1764 = tpu.memref_squeeze %dma_wait3A_1763 : memref<1x!tpu.dma_semaphore, #tpu.memory_space<semaphore_mem>> -> memref<!tpu.dma_semaphore, #tpu.memory_space<semaphore_mem>>
        %dma_wait3A_1765 = arith.constant 0 : i32
        %dma_wait3A_1766 = tpu.memref_slice %arg4[%add3A_1753, %dma_wait3A_1765] : memref<409600x128xf32, #tpu.memory_space<hbm>> -> memref<64x64xf32, #tpu.memory_space<hbm>>
        %dma_wait3A_1767 = arith.constant 0 : i32
        %dma_wait3A_1768 = arith.constant 0 : i32
        %dma_wait3A_1769 = tpu.memref_slice %arg6[%dma_wait3A_1754, %dma_wait3A_1755, %dma_wait3A_1767, %dma_wait3A_1768] : memref<10x2x64x64xf32, #tpu.memory_space<vmem>> -> memref<1x1x64x64xf32, #tpu.memory_space<vmem>>
        %dma_wait3A_1770 = tpu.memref_squeeze %dma_wait3A_1769 : memref<1x1x64x64xf32, #tpu.memory_space<vmem>> -> memref<64x64xf32, #tpu.memory_space<vmem>>
        tpu.wait_dma2 semaphore(%dma_wait3A_1764 : memref<!tpu.dma_semaphore, #tpu.memory_space<semaphore_mem>>) src(%dma_wait3A_1770 : memref<64x64xf32, #tpu.memory_space<vmem>>) dst(%dma_wait3A_1766 : memref<64x64xf32, #tpu.memory_space<hbm>>)
        %mul3A_1771 = arith.constant 8192 : i32
        %mul3A_1772 = arith.muli %select_n3A_1729, %mul3A_1771 : i32
        %add3A_1773 = arith.addi %mul3A_1772, %mul3A_1750 : i32
        %dma_wait3A_1774 = arith.constant 5 : i32
        %dma_wait3A_1775 = arith.constant 1 : i32
        %dma_wait3A_1776 = arith.constant 5 : i32
        %dma_wait3A_1777 = arith.constant 0 : i32
        %dma_wait3A_1778 = arith.constant 0 : i32
        %dma_wait3A_1779 = tpu.memref_slice %arg6[%dma_wait3A_1774, %dma_wait3A_1775, %dma_wait3A_1777, %dma_wait3A_1778] : memref<10x2x64x64xf32, #tpu.memory_space<vmem>> -> memref<1x1x64x64xf32, #tpu.memory_space<vmem>>
        %dma_wait3A_1780 = tpu.memref_squeeze %dma_wait3A_1779 : memref<1x1x64x64xf32, #tpu.memory_space<vmem>> -> memref<64x64xf32, #tpu.memory_space<vmem>>
        %dma_wait3A_1781 = arith.constant 64 : i32
        %dma_wait3A_1782 = tpu.memref_slice %arg4[%add3A_1773, %dma_wait3A_1781] : memref<409600x128xf32, #tpu.memory_space<hbm>> -> memref<64x64xf32, #tpu.memory_space<hbm>>
        %dma_wait3A_1783 = tpu.memref_slice %arg8[%dma_wait3A_1776] : memref<10x!tpu.dma_semaphore, #tpu.memory_space<semaphore_mem>> -> memref<1x!tpu.dma_semaphore, #tpu.memory_space<semaphore_mem>>
        %dma_wait3A_1784 = tpu.memref_squeeze %dma_wait3A_1783 : memref<1x!tpu.dma_semaphore, #tpu.memory_space<semaphore_mem>> -> memref<!tpu.dma_semaphore, #tpu.memory_space<semaphore_mem>>
        %dma_wait3A_1785 = arith.constant 64 : i32
        %dma_wait3A_1786 = tpu.memref_slice %arg4[%add3A_1773, %dma_wait3A_1785] : memref<409600x128xf32, #tpu.memory_space<hbm>> -> memref<64x64xf32, #tpu.memory_space<hbm>>
        %dma_wait3A_1787 = arith.constant 0 : i32
        %dma_wait3A_1788 = arith.constant 0 : i32
        %dma_wait3A_1789 = tpu.memref_slice %arg6[%dma_wait3A_1774, %dma_wait3A_1775, %dma_wait3A_1787, %dma_wait3A_1788] : memref<10x2x64x64xf32, #tpu.memory_space<vmem>> -> memref<1x1x64x64xf32, #tpu.memory_space<vmem>>
        %dma_wait3A_1790 = tpu.memref_squeeze %dma_wait3A_1789 : memref<1x1x64x64xf32, #tpu.memory_space<vmem>> -> memref<64x64xf32, #tpu.memory_space<vmem>>
        tpu.wait_dma2 semaphore(%dma_wait3A_1784 : memref<!tpu.dma_semaphore, #tpu.memory_space<semaphore_mem>>) src(%dma_wait3A_1790 : memref<64x64xf32, #tpu.memory_space<vmem>>) dst(%dma_wait3A_1786 : memref<64x64xf32, #tpu.memory_space<hbm>>)
      } else {
      }
      %lt3A_502 = arith.constant 200 : i32
      %lt3A_503 = arith.cmpi slt, %add3A_499, %lt3A_502 : i32
      %convert_element_type3A_504 = arith.extui %lt3A_503 : i1 to i32
      %cond3A_505 = arith.constant 0 : i32
      %cond3A_506 = arith.cmpi ne, %convert_element_type3A_504, %cond3A_505 : i32
      scf.if %cond3A_506 {
        %jit3A_1704 = arith.constant 4 : i32
        %div3A_1705 = arith.divsi %add3A_499, %jit3A_1704 : i32
        %sign3A_1706 = arith.constant 0 : i32
        %sign3A_1707 = arith.cmpi sgt, %add3A_499, %sign3A_1706 : i32
        %sign3A_1708 = arith.extui %sign3A_1707 : i1 to i32
        %sign3A_1709 = arith.constant 0 : i32
        %sign3A_1710 = arith.cmpi slt, %add3A_499, %sign3A_1709 : i32
        %sign3A_1711 = arith.extui %sign3A_1710 : i1 to i32
        %sign3A_1712 = arith.subi %sign3A_1708, %sign3A_1711 : i32
        %sign3A_1713 = arith.constant 0 : i32
        %sign3A_1714 = arith.cmpi sgt, %jit3A_1704, %sign3A_1713 : i32
        %sign3A_1715 = arith.extui %sign3A_1714 : i1 to i32
        %sign3A_1716 = arith.constant 0 : i32
        %sign3A_1717 = arith.cmpi slt, %jit3A_1704, %sign3A_1716 : i32
        %sign3A_1718 = arith.extui %sign3A_1717 : i1 to i32
        %sign3A_1719 = arith.subi %sign3A_1715, %sign3A_1718 : i32
        %ne3A_1720 = arith.cmpi ne, %sign3A_1712, %sign3A_1719 : i32
        %rem3A_1721 = arith.remsi %add3A_499, %jit3A_1704 : i32
        %ne3A_1722 = arith.constant 0 : i32
        %ne3A_1723 = arith.cmpi ne, %rem3A_1721, %ne3A_1722 : i32
        %and3A_1724 = arith.andi %ne3A_1720, %ne3A_1723 : i1
        %sub3A_1725 = arith.constant 1 : i32
        %sub3A_1726 = arith.subi %div3A_1705, %sub3A_1725 : i32
        %select_n3A_1727 = arith.select %and3A_1724, %sub3A_1726, %div3A_1705 : i32
        %jit3A_1728 = arith.constant 4 : i32
        %eq3A_1729 = arith.constant 0 : i32
        %eq3A_1730 = arith.cmpi eq, %jit3A_1728, %eq3A_1729 : i32
        %jit3A_1731 = arith.constant 1 : i32
        %select_n3A_1732 = arith.select %eq3A_1730, %jit3A_1731, %jit3A_1728 : i32
        %rem3A_1733 = arith.remsi %add3A_499, %select_n3A_1732 : i32
        %ne3A_1734 = arith.constant 0 : i32
        %ne3A_1735 = arith.cmpi ne, %rem3A_1733, %ne3A_1734 : i32
        %lt3A_1736 = arith.constant 0 : i32
        %lt3A_1737 = arith.cmpi slt, %rem3A_1733, %lt3A_1736 : i32
        %lt3A_1738 = arith.constant 0 : i32
        %lt3A_1739 = arith.cmpi slt, %select_n3A_1732, %lt3A_1738 : i32
        %ne3A_1740 = arith.xori %lt3A_1737, %lt3A_1739 : i1
        %and3A_1741 = arith.andi %ne3A_1740, %ne3A_1735 : i1
        %add3A_1742 = arith.addi %rem3A_1733, %select_n3A_1732 : i32
        %select_n3A_1743 = arith.select %and3A_1741, %add3A_1742, %rem3A_1733 : i32
        %mul3A_1744 = arith.constant 128 : i32
        %mul3A_1745 = arith.muli %select_n3A_1743, %mul3A_1744 : i32
        %add3A_1746 = arith.constant 0 : i32
        %add3A_1747 = arith.addi %mul3A_1745, %add3A_1746 : i32
        %dma_start3A_1748 = arith.constant 5 : i32
        %dma_start3A_1749 = arith.constant 0 : i32
        %dma_start3A_1750 = arith.constant 5 : i32
        %dma_start3A_1751 = arith.constant 0 : i32
        %dma_start3A_1752 = arith.constant 0 : i32
        %dma_start3A_1753 = tpu.memref_slice %arg6[%dma_start3A_1748, %dma_start3A_1749, %dma_start3A_1751, %dma_start3A_1752] : memref<10x2x64x64xf32, #tpu.memory_space<vmem>> -> memref<1x1x64x64xf32, #tpu.memory_space<vmem>>
        %dma_start3A_1754 = tpu.memref_squeeze %dma_start3A_1753 : memref<1x1x64x64xf32, #tpu.memory_space<vmem>> -> memref<64x64xf32, #tpu.memory_space<vmem>>
        %dma_start3A_1755 = tpu.memref_slice %arg5[%select_n3A_1727, %add3A_1747] : memref<50x512xi32, #tpu.memory_space<vmem>> -> memref<1x64xi32, #tpu.memory_space<vmem>>
        %dma_start3A_1756 = tpu.memref_squeeze %dma_start3A_1755 : memref<1x64xi32, #tpu.memory_space<vmem>> -> memref<64xi32, #tpu.memory_space<vmem>>
        %dma_start3A_1757 = arith.constant 0 : i32
        %dma_start3A_1758 = arith.constant 0 : i32
        %dma_start3A_1759 = tpu.memref_slice %arg3[%dma_start3A_1757, %dma_start3A_1758] : memref<1000000x64xf32, #tpu.memory_space<hbm>> -> memref<1000000x64xf32, #tpu.memory_space<hbm>>
        %dma_start3A_1760 = tpu.memref_slice %arg7[%dma_start3A_1750] : memref<10x!tpu.dma_semaphore, #tpu.memory_space<semaphore_mem>> -> memref<1x!tpu.dma_semaphore, #tpu.memory_space<semaphore_mem>>
        %dma_start3A_1761 = tpu.memref_squeeze %dma_start3A_1760 : memref<1x!tpu.dma_semaphore, #tpu.memory_space<semaphore_mem>> -> memref<!tpu.dma_semaphore, #tpu.memory_space<semaphore_mem>>
        tpu.enqueue_indirect_dma source(%dma_start3A_1759 : memref<1000000x64xf32, #tpu.memory_space<hbm>>) target(%dma_start3A_1754 : memref<64x64xf32, #tpu.memory_space<vmem>>) offsets(%dma_start3A_1756 : memref<64xi32, #tpu.memory_space<vmem>>) semaphore(%dma_start3A_1761 : memref<!tpu.dma_semaphore, #tpu.memory_space<semaphore_mem>>)
        %mul3A_1762 = arith.constant 128 : i32
        %mul3A_1763 = arith.muli %select_n3A_1743, %mul3A_1762 : i32
        %add3A_1764 = arith.constant 64 : i32
        %add3A_1765 = arith.addi %mul3A_1763, %add3A_1764 : i32
        %dma_start3A_1766 = arith.constant 5 : i32
        %dma_start3A_1767 = arith.constant 1 : i32
        %dma_start3A_1768 = arith.constant 5 : i32
        %dma_start3A_1769 = arith.constant 0 : i32
        %dma_start3A_1770 = arith.constant 0 : i32
        %dma_start3A_1771 = tpu.memref_slice %arg6[%dma_start3A_1766, %dma_start3A_1767, %dma_start3A_1769, %dma_start3A_1770] : memref<10x2x64x64xf32, #tpu.memory_space<vmem>> -> memref<1x1x64x64xf32, #tpu.memory_space<vmem>>
        %dma_start3A_1772 = tpu.memref_squeeze %dma_start3A_1771 : memref<1x1x64x64xf32, #tpu.memory_space<vmem>> -> memref<64x64xf32, #tpu.memory_space<vmem>>
        %dma_start3A_1773 = tpu.memref_slice %arg5[%select_n3A_1727, %add3A_1765] : memref<50x512xi32, #tpu.memory_space<vmem>> -> memref<1x64xi32, #tpu.memory_space<vmem>>
        %dma_start3A_1774 = tpu.memref_squeeze %dma_start3A_1773 : memref<1x64xi32, #tpu.memory_space<vmem>> -> memref<64xi32, #tpu.memory_space<vmem>>
        %dma_start3A_1775 = arith.constant 0 : i32
        %dma_start3A_1776 = arith.constant 0 : i32
        %dma_start3A_1777 = tpu.memref_slice %arg3[%dma_start3A_1775, %dma_start3A_1776] : memref<1000000x64xf32, #tpu.memory_space<hbm>> -> memref<1000000x64xf32, #tpu.memory_space<hbm>>
        %dma_start3A_1778 = tpu.memref_slice %arg7[%dma_start3A_1768] : memref<10x!tpu.dma_semaphore, #tpu.memory_space<semaphore_mem>> -> memref<1x!tpu.dma_semaphore, #tpu.memory_space<semaphore_mem>>
        %dma_start3A_1779 = tpu.memref_squeeze %dma_start3A_1778 : memref<1x!tpu.dma_semaphore, #tpu.memory_space<semaphore_mem>> -> memref<!tpu.dma_semaphore, #tpu.memory_space<semaphore_mem>>
        tpu.enqueue_indirect_dma source(%dma_start3A_1777 : memref<1000000x64xf32, #tpu.memory_space<hbm>>) target(%dma_start3A_1772 : memref<64x64xf32, #tpu.memory_space<vmem>>) offsets(%dma_start3A_1774 : memref<64xi32, #tpu.memory_space<vmem>>) semaphore(%dma_start3A_1779 : memref<!tpu.dma_semaphore, #tpu.memory_space<semaphore_mem>>)
      } else {
      }
      %mul3A_507 = arith.constant 10 : i32
      %mul3A_508 = arith.muli %scan3A_386, %mul3A_507 : i32
      %add3A_509 = arith.constant 1 : i32
      %add3A_510 = arith.addi %mul3A_508, %add3A_509 : i32
      %dma_wait3A_511 = arith.constant 0 : i32
      %dma_wait3A_512 = arith.constant 1 : i32
      %dma_wait3A_513 = arith.constant 0 : i32
      %dma_wait3A_514 = arith.constant 1 : i32
      %dma_wait3A_515 = arith.constant 0 : i32
      %dma_wait3A_516 = arith.constant 0 : i32
      %dma_wait3A_517 = tpu.memref_slice %arg6[%dma_wait3A_512, %dma_wait3A_513, %dma_wait3A_515, %dma_wait3A_516] : memref<10x2x64x64xf32, #tpu.memory_space<vmem>> -> memref<1x1x64x64xf32, #tpu.memory_space<vmem>>
      %dma_wait3A_518 = tpu.memref_squeeze %dma_wait3A_517 : memref<1x1x64x64xf32, #tpu.memory_space<vmem>> -> memref<64x64xf32, #tpu.memory_space<vmem>>
      %dma_wait3A_519 = arith.constant 0 : i32
      %dma_wait3A_520 = tpu.memref_slice %arg5[%dma_wait3A_511, %dma_wait3A_519] : memref<50x512xi32, #tpu.memory_space<vmem>> -> memref<1x64xi32, #tpu.memory_space<vmem>>
      %dma_wait3A_521 = tpu.memref_squeeze %dma_wait3A_520 : memref<1x64xi32, #tpu.memory_space<vmem>> -> memref<64xi32, #tpu.memory_space<vmem>>
      %dma_wait3A_522 = arith.constant 0 : i32
      %dma_wait3A_523 = arith.constant 0 : i32
      %dma_wait3A_524 = tpu.memref_slice %arg3[%dma_wait3A_522, %dma_wait3A_523] : memref<1000000x64xf32, #tpu.memory_space<hbm>> -> memref<1000000x64xf32, #tpu.memory_space<hbm>>
      %dma_wait3A_525 = tpu.memref_slice %arg7[%dma_wait3A_514] : memref<10x!tpu.dma_semaphore, #tpu.memory_space<semaphore_mem>> -> memref<1x!tpu.dma_semaphore, #tpu.memory_space<semaphore_mem>>
      %dma_wait3A_526 = tpu.memref_squeeze %dma_wait3A_525 : memref<1x!tpu.dma_semaphore, #tpu.memory_space<semaphore_mem>> -> memref<!tpu.dma_semaphore, #tpu.memory_space<semaphore_mem>>
      tpu.wait_indirect_dma semaphore(%dma_wait3A_526 : memref<!tpu.dma_semaphore, #tpu.memory_space<semaphore_mem>>) src(%dma_wait3A_524 : memref<1000000x64xf32, #tpu.memory_space<hbm>>) dst(%dma_wait3A_518 : memref<64x64xf32, #tpu.memory_space<vmem>>)
      %dma_wait3A_527 = arith.constant 0 : i32
      %dma_wait3A_528 = arith.constant 1 : i32
      %dma_wait3A_529 = arith.constant 1 : i32
      %dma_wait3A_530 = arith.constant 1 : i32
      %dma_wait3A_531 = arith.constant 0 : i32
      %dma_wait3A_532 = arith.constant 0 : i32
      %dma_wait3A_533 = tpu.memref_slice %arg6[%dma_wait3A_528, %dma_wait3A_529, %dma_wait3A_531, %dma_wait3A_532] : memref<10x2x64x64xf32, #tpu.memory_space<vmem>> -> memref<1x1x64x64xf32, #tpu.memory_space<vmem>>
      %dma_wait3A_534 = tpu.memref_squeeze %dma_wait3A_533 : memref<1x1x64x64xf32, #tpu.memory_space<vmem>> -> memref<64x64xf32, #tpu.memory_space<vmem>>
      %dma_wait3A_535 = arith.constant 0 : i32
      %dma_wait3A_536 = tpu.memref_slice %arg5[%dma_wait3A_527, %dma_wait3A_535] : memref<50x512xi32, #tpu.memory_space<vmem>> -> memref<1x64xi32, #tpu.memory_space<vmem>>
      %dma_wait3A_537 = tpu.memref_squeeze %dma_wait3A_536 : memref<1x64xi32, #tpu.memory_space<vmem>> -> memref<64xi32, #tpu.memory_space<vmem>>
      %dma_wait3A_538 = arith.constant 0 : i32
      %dma_wait3A_539 = arith.constant 0 : i32
      %dma_wait3A_540 = tpu.memref_slice %arg3[%dma_wait3A_538, %dma_wait3A_539] : memref<1000000x64xf32, #tpu.memory_space<hbm>> -> memref<1000000x64xf32, #tpu.memory_space<hbm>>
      %dma_wait3A_541 = tpu.memref_slice %arg7[%dma_wait3A_530] : memref<10x!tpu.dma_semaphore, #tpu.memory_space<semaphore_mem>> -> memref<1x!tpu.dma_semaphore, #tpu.memory_space<semaphore_mem>>
      %dma_wait3A_542 = tpu.memref_squeeze %dma_wait3A_541 : memref<1x!tpu.dma_semaphore, #tpu.memory_space<semaphore_mem>> -> memref<!tpu.dma_semaphore, #tpu.memory_space<semaphore_mem>>
      tpu.wait_indirect_dma semaphore(%dma_wait3A_542 : memref<!tpu.dma_semaphore, #tpu.memory_space<semaphore_mem>>) src(%dma_wait3A_540 : memref<1000000x64xf32, #tpu.memory_space<hbm>>) dst(%dma_wait3A_534 : memref<64x64xf32, #tpu.memory_space<vmem>>)
      %jit3A_543 = arith.constant 4 : i32
      %div3A_544 = arith.divsi %add3A_510, %jit3A_543 : i32
      %sign3A_545 = arith.constant 0 : i32
      %sign3A_546 = arith.cmpi sgt, %add3A_510, %sign3A_545 : i32
      %sign3A_547 = arith.extui %sign3A_546 : i1 to i32
      %sign3A_548 = arith.constant 0 : i32
      %sign3A_549 = arith.cmpi slt, %add3A_510, %sign3A_548 : i32
      %sign3A_550 = arith.extui %sign3A_549 : i1 to i32
      %sign3A_551 = arith.subi %sign3A_547, %sign3A_550 : i32
      %sign3A_552 = arith.constant 0 : i32
      %sign3A_553 = arith.cmpi sgt, %jit3A_543, %sign3A_552 : i32
      %sign3A_554 = arith.extui %sign3A_553 : i1 to i32
      %sign3A_555 = arith.constant 0 : i32
      %sign3A_556 = arith.cmpi slt, %jit3A_543, %sign3A_555 : i32
      %sign3A_557 = arith.extui %sign3A_556 : i1 to i32
      %sign3A_558 = arith.subi %sign3A_554, %sign3A_557 : i32
      %ne3A_559 = arith.cmpi ne, %sign3A_551, %sign3A_558 : i32
      %rem3A_560 = arith.remsi %add3A_510, %jit3A_543 : i32
      %ne3A_561 = arith.constant 0 : i32
      %ne3A_562 = arith.cmpi ne, %rem3A_560, %ne3A_561 : i32
      %and3A_563 = arith.andi %ne3A_559, %ne3A_562 : i1
      %sub3A_564 = arith.constant 1 : i32
      %sub3A_565 = arith.subi %div3A_544, %sub3A_564 : i32
      %select_n3A_566 = arith.select %and3A_563, %sub3A_565, %div3A_544 : i32
      %mul3A_567 = arith.constant 4 : i32
      %mul3A_568 = arith.muli %add3A, %mul3A_567 : i32
      %jit3A_569 = arith.constant 4 : i32
      %eq3A_570 = arith.constant 0 : i32
      %eq3A_571 = arith.cmpi eq, %jit3A_569, %eq3A_570 : i32
      %jit3A_572 = arith.constant 1 : i32
      %select_n3A_573 = arith.select %eq3A_571, %jit3A_572, %jit3A_569 : i32
      %rem3A_574 = arith.remsi %add3A_510, %select_n3A_573 : i32
      %ne3A_575 = arith.constant 0 : i32
      %ne3A_576 = arith.cmpi ne, %rem3A_574, %ne3A_575 : i32
      %lt3A_577 = arith.constant 0 : i32
      %lt3A_578 = arith.cmpi slt, %rem3A_574, %lt3A_577 : i32
      %lt3A_579 = arith.constant 0 : i32
      %lt3A_580 = arith.cmpi slt, %select_n3A_573, %lt3A_579 : i32
      %ne3A_581 = arith.xori %lt3A_578, %lt3A_580 : i1
      %and3A_582 = arith.andi %ne3A_581, %ne3A_576 : i1
      %add3A_583 = arith.addi %rem3A_574, %select_n3A_573 : i32
      %select_n3A_584 = arith.select %and3A_582, %add3A_583, %rem3A_574 : i32
      %add3A_585 = arith.addi %mul3A_568, %select_n3A_584 : i32
      %mul3A_586 = arith.constant 64 : i32
      %mul3A_587 = arith.muli %add3A_585, %mul3A_586 : i32
      %mul3A_588 = arith.constant 8192 : i32
      %mul3A_589 = arith.muli %select_n3A_566, %mul3A_588 : i32
      %add3A_590 = arith.addi %mul3A_589, %mul3A_587 : i32
      %dma_start3A_591 = arith.constant 1 : i32
      %dma_start3A_592 = arith.constant 0 : i32
      %dma_start3A_593 = arith.constant 1 : i32
      %dma_start3A_594 = arith.constant 0 : i32
      %dma_start3A_595 = arith.constant 0 : i32
      %dma_start3A_596 = tpu.memref_slice %arg6[%dma_start3A_591, %dma_start3A_592, %dma_start3A_594, %dma_start3A_595] : memref<10x2x64x64xf32, #tpu.memory_space<vmem>> -> memref<1x1x64x64xf32, #tpu.memory_space<vmem>>
      %dma_start3A_597 = tpu.memref_squeeze %dma_start3A_596 : memref<1x1x64x64xf32, #tpu.memory_space<vmem>> -> memref<64x64xf32, #tpu.memory_space<vmem>>
      %dma_start3A_598 = arith.constant 0 : i32
      %dma_start3A_599 = tpu.memref_slice %arg4[%add3A_590, %dma_start3A_598] : memref<409600x128xf32, #tpu.memory_space<hbm>> -> memref<64x64xf32, #tpu.memory_space<hbm>>
      %dma_start3A_600 = tpu.memref_slice %arg8[%dma_start3A_593] : memref<10x!tpu.dma_semaphore, #tpu.memory_space<semaphore_mem>> -> memref<1x!tpu.dma_semaphore, #tpu.memory_space<semaphore_mem>>
      %dma_start3A_601 = tpu.memref_squeeze %dma_start3A_600 : memref<1x!tpu.dma_semaphore, #tpu.memory_space<semaphore_mem>> -> memref<!tpu.dma_semaphore, #tpu.memory_space<semaphore_mem>>
      %dma_start3A_602 = arith.constant 0 : i32
      %dma_start3A_603 = tpu.memref_slice %arg4[%add3A_590, %dma_start3A_602] : memref<409600x128xf32, #tpu.memory_space<hbm>> -> memref<64x64xf32, #tpu.memory_space<hbm>>
      %dma_start3A_604 = arith.constant 0 : i32
      %dma_start3A_605 = arith.constant 0 : i32
      %dma_start3A_606 = tpu.memref_slice %arg6[%dma_start3A_591, %dma_start3A_592, %dma_start3A_604, %dma_start3A_605] : memref<10x2x64x64xf32, #tpu.memory_space<vmem>> -> memref<1x1x64x64xf32, #tpu.memory_space<vmem>>
      %dma_start3A_607 = tpu.memref_squeeze %dma_start3A_606 : memref<1x1x64x64xf32, #tpu.memory_space<vmem>> -> memref<64x64xf32, #tpu.memory_space<vmem>>
      tpu.enqueue_dma source(%dma_start3A_607 : memref<64x64xf32, #tpu.memory_space<vmem>>) target(%dma_start3A_603 : memref<64x64xf32, #tpu.memory_space<hbm>>) target_semaphore(%dma_start3A_601 : memref<!tpu.dma_semaphore, #tpu.memory_space<semaphore_mem>>)
      %mul3A_608 = arith.constant 8192 : i32
      %mul3A_609 = arith.muli %select_n3A_566, %mul3A_608 : i32
      %add3A_610 = arith.addi %mul3A_609, %mul3A_587 : i32
      %dma_start3A_611 = arith.constant 1 : i32
      %dma_start3A_612 = arith.constant 1 : i32
      %dma_start3A_613 = arith.constant 1 : i32
      %dma_start3A_614 = arith.constant 0 : i32
      %dma_start3A_615 = arith.constant 0 : i32
      %dma_start3A_616 = tpu.memref_slice %arg6[%dma_start3A_611, %dma_start3A_612, %dma_start3A_614, %dma_start3A_615] : memref<10x2x64x64xf32, #tpu.memory_space<vmem>> -> memref<1x1x64x64xf32, #tpu.memory_space<vmem>>
      %dma_start3A_617 = tpu.memref_squeeze %dma_start3A_616 : memref<1x1x64x64xf32, #tpu.memory_space<vmem>> -> memref<64x64xf32, #tpu.memory_space<vmem>>
      %dma_start3A_618 = arith.constant 64 : i32
      %dma_start3A_619 = tpu.memref_slice %arg4[%add3A_610, %dma_start3A_618] : memref<409600x128xf32, #tpu.memory_space<hbm>> -> memref<64x64xf32, #tpu.memory_space<hbm>>
      %dma_start3A_620 = tpu.memref_slice %arg8[%dma_start3A_613] : memref<10x!tpu.dma_semaphore, #tpu.memory_space<semaphore_mem>> -> memref<1x!tpu.dma_semaphore, #tpu.memory_space<semaphore_mem>>
      %dma_start3A_621 = tpu.memref_squeeze %dma_start3A_620 : memref<1x!tpu.dma_semaphore, #tpu.memory_space<semaphore_mem>> -> memref<!tpu.dma_semaphore, #tpu.memory_space<semaphore_mem>>
      %dma_start3A_622 = arith.constant 64 : i32
      %dma_start3A_623 = tpu.memref_slice %arg4[%add3A_610, %dma_start3A_622] : memref<409600x128xf32, #tpu.memory_space<hbm>> -> memref<64x64xf32, #tpu.memory_space<hbm>>
      %dma_start3A_624 = arith.constant 0 : i32
      %dma_start3A_625 = arith.constant 0 : i32
      %dma_start3A_626 = tpu.memref_slice %arg6[%dma_start3A_611, %dma_start3A_612, %dma_start3A_624, %dma_start3A_625] : memref<10x2x64x64xf32, #tpu.memory_space<vmem>> -> memref<1x1x64x64xf32, #tpu.memory_space<vmem>>
      %dma_start3A_627 = tpu.memref_squeeze %dma_start3A_626 : memref<1x1x64x64xf32, #tpu.memory_space<vmem>> -> memref<64x64xf32, #tpu.memory_space<vmem>>
      tpu.enqueue_dma source(%dma_start3A_627 : memref<64x64xf32, #tpu.memory_space<vmem>>) target(%dma_start3A_623 : memref<64x64xf32, #tpu.memory_space<hbm>>) target_semaphore(%dma_start3A_621 : memref<!tpu.dma_semaphore, #tpu.memory_space<semaphore_mem>>)
      %add3A_628 = arith.constant 5 : i32
      %add3A_629 = arith.addi %add3A_510, %add3A_628 : i32
      %ge3A_630 = arith.constant 10 : i32
      %ge3A_631 = arith.cmpi sge, %add3A_629, %ge3A_630 : i32
      %convert_element_type3A_632 = arith.extui %ge3A_631 : i1 to i32
      %cond3A_633 = arith.constant 0 : i32
      %cond3A_634 = arith.cmpi ne, %convert_element_type3A_632, %cond3A_633 : i32
      scf.if %cond3A_634 {
        %sub3A_1704 = arith.constant 10 : i32
        %sub3A_1705 = arith.subi %add3A_629, %sub3A_1704 : i32
        %jit3A_1706 = arith.constant 4 : i32
        %div3A_1707 = arith.divsi %sub3A_1705, %jit3A_1706 : i32
        %sign3A_1708 = arith.constant 0 : i32
        %sign3A_1709 = arith.cmpi sgt, %sub3A_1705, %sign3A_1708 : i32
        %sign3A_1710 = arith.extui %sign3A_1709 : i1 to i32
        %sign3A_1711 = arith.constant 0 : i32
        %sign3A_1712 = arith.cmpi slt, %sub3A_1705, %sign3A_1711 : i32
        %sign3A_1713 = arith.extui %sign3A_1712 : i1 to i32
        %sign3A_1714 = arith.subi %sign3A_1710, %sign3A_1713 : i32
        %sign3A_1715 = arith.constant 0 : i32
        %sign3A_1716 = arith.cmpi sgt, %jit3A_1706, %sign3A_1715 : i32
        %sign3A_1717 = arith.extui %sign3A_1716 : i1 to i32
        %sign3A_1718 = arith.constant 0 : i32
        %sign3A_1719 = arith.cmpi slt, %jit3A_1706, %sign3A_1718 : i32
        %sign3A_1720 = arith.extui %sign3A_1719 : i1 to i32
        %sign3A_1721 = arith.subi %sign3A_1717, %sign3A_1720 : i32
        %ne3A_1722 = arith.cmpi ne, %sign3A_1714, %sign3A_1721 : i32
        %rem3A_1723 = arith.remsi %sub3A_1705, %jit3A_1706 : i32
        %ne3A_1724 = arith.constant 0 : i32
        %ne3A_1725 = arith.cmpi ne, %rem3A_1723, %ne3A_1724 : i32
        %and3A_1726 = arith.andi %ne3A_1722, %ne3A_1725 : i1
        %sub3A_1727 = arith.constant 1 : i32
        %sub3A_1728 = arith.subi %div3A_1707, %sub3A_1727 : i32
        %select_n3A_1729 = arith.select %and3A_1726, %sub3A_1728, %div3A_1707 : i32
        %mul3A_1730 = arith.constant 4 : i32
        %mul3A_1731 = arith.muli %add3A, %mul3A_1730 : i32
        %jit3A_1732 = arith.constant 4 : i32
        %eq3A_1733 = arith.constant 0 : i32
        %eq3A_1734 = arith.cmpi eq, %jit3A_1732, %eq3A_1733 : i32
        %jit3A_1735 = arith.constant 1 : i32
        %select_n3A_1736 = arith.select %eq3A_1734, %jit3A_1735, %jit3A_1732 : i32
        %rem3A_1737 = arith.remsi %sub3A_1705, %select_n3A_1736 : i32
        %ne3A_1738 = arith.constant 0 : i32
        %ne3A_1739 = arith.cmpi ne, %rem3A_1737, %ne3A_1738 : i32
        %lt3A_1740 = arith.constant 0 : i32
        %lt3A_1741 = arith.cmpi slt, %rem3A_1737, %lt3A_1740 : i32
        %lt3A_1742 = arith.constant 0 : i32
        %lt3A_1743 = arith.cmpi slt, %select_n3A_1736, %lt3A_1742 : i32
        %ne3A_1744 = arith.xori %lt3A_1741, %lt3A_1743 : i1
        %and3A_1745 = arith.andi %ne3A_1744, %ne3A_1739 : i1
        %add3A_1746 = arith.addi %rem3A_1737, %select_n3A_1736 : i32
        %select_n3A_1747 = arith.select %and3A_1745, %add3A_1746, %rem3A_1737 : i32
        %add3A_1748 = arith.addi %mul3A_1731, %select_n3A_1747 : i32
        %mul3A_1749 = arith.constant 64 : i32
        %mul3A_1750 = arith.muli %add3A_1748, %mul3A_1749 : i32
        %mul3A_1751 = arith.constant 8192 : i32
        %mul3A_1752 = arith.muli %select_n3A_1729, %mul3A_1751 : i32
        %add3A_1753 = arith.addi %mul3A_1752, %mul3A_1750 : i32
        %dma_wait3A_1754 = arith.constant 6 : i32
        %dma_wait3A_1755 = arith.constant 0 : i32
        %dma_wait3A_1756 = arith.constant 6 : i32
        %dma_wait3A_1757 = arith.constant 0 : i32
        %dma_wait3A_1758 = arith.constant 0 : i32
        %dma_wait3A_1759 = tpu.memref_slice %arg6[%dma_wait3A_1754, %dma_wait3A_1755, %dma_wait3A_1757, %dma_wait3A_1758] : memref<10x2x64x64xf32, #tpu.memory_space<vmem>> -> memref<1x1x64x64xf32, #tpu.memory_space<vmem>>
        %dma_wait3A_1760 = tpu.memref_squeeze %dma_wait3A_1759 : memref<1x1x64x64xf32, #tpu.memory_space<vmem>> -> memref<64x64xf32, #tpu.memory_space<vmem>>
        %dma_wait3A_1761 = arith.constant 0 : i32
        %dma_wait3A_1762 = tpu.memref_slice %arg4[%add3A_1753, %dma_wait3A_1761] : memref<409600x128xf32, #tpu.memory_space<hbm>> -> memref<64x64xf32, #tpu.memory_space<hbm>>
        %dma_wait3A_1763 = tpu.memref_slice %arg8[%dma_wait3A_1756] : memref<10x!tpu.dma_semaphore, #tpu.memory_space<semaphore_mem>> -> memref<1x!tpu.dma_semaphore, #tpu.memory_space<semaphore_mem>>
        %dma_wait3A_1764 = tpu.memref_squeeze %dma_wait3A_1763 : memref<1x!tpu.dma_semaphore, #tpu.memory_space<semaphore_mem>> -> memref<!tpu.dma_semaphore, #tpu.memory_space<semaphore_mem>>
        %dma_wait3A_1765 = arith.constant 0 : i32
        %dma_wait3A_1766 = tpu.memref_slice %arg4[%add3A_1753, %dma_wait3A_1765] : memref<409600x128xf32, #tpu.memory_space<hbm>> -> memref<64x64xf32, #tpu.memory_space<hbm>>
        %dma_wait3A_1767 = arith.constant 0 : i32
        %dma_wait3A_1768 = arith.constant 0 : i32
        %dma_wait3A_1769 = tpu.memref_slice %arg6[%dma_wait3A_1754, %dma_wait3A_1755, %dma_wait3A_1767, %dma_wait3A_1768] : memref<10x2x64x64xf32, #tpu.memory_space<vmem>> -> memref<1x1x64x64xf32, #tpu.memory_space<vmem>>
        %dma_wait3A_1770 = tpu.memref_squeeze %dma_wait3A_1769 : memref<1x1x64x64xf32, #tpu.memory_space<vmem>> -> memref<64x64xf32, #tpu.memory_space<vmem>>
        tpu.wait_dma2 semaphore(%dma_wait3A_1764 : memref<!tpu.dma_semaphore, #tpu.memory_space<semaphore_mem>>) src(%dma_wait3A_1770 : memref<64x64xf32, #tpu.memory_space<vmem>>) dst(%dma_wait3A_1766 : memref<64x64xf32, #tpu.memory_space<hbm>>)
        %mul3A_1771 = arith.constant 8192 : i32
        %mul3A_1772 = arith.muli %select_n3A_1729, %mul3A_1771 : i32
        %add3A_1773 = arith.addi %mul3A_1772, %mul3A_1750 : i32
        %dma_wait3A_1774 = arith.constant 6 : i32
        %dma_wait3A_1775 = arith.constant 1 : i32
        %dma_wait3A_1776 = arith.constant 6 : i32
        %dma_wait3A_1777 = arith.constant 0 : i32
        %dma_wait3A_1778 = arith.constant 0 : i32
        %dma_wait3A_1779 = tpu.memref_slice %arg6[%dma_wait3A_1774, %dma_wait3A_1775, %dma_wait3A_1777, %dma_wait3A_1778] : memref<10x2x64x64xf32, #tpu.memory_space<vmem>> -> memref<1x1x64x64xf32, #tpu.memory_space<vmem>>
        %dma_wait3A_1780 = tpu.memref_squeeze %dma_wait3A_1779 : memref<1x1x64x64xf32, #tpu.memory_space<vmem>> -> memref<64x64xf32, #tpu.memory_space<vmem>>
        %dma_wait3A_1781 = arith.constant 64 : i32
        %dma_wait3A_1782 = tpu.memref_slice %arg4[%add3A_1773, %dma_wait3A_1781] : memref<409600x128xf32, #tpu.memory_space<hbm>> -> memref<64x64xf32, #tpu.memory_space<hbm>>
        %dma_wait3A_1783 = tpu.memref_slice %arg8[%dma_wait3A_1776] : memref<10x!tpu.dma_semaphore, #tpu.memory_space<semaphore_mem>> -> memref<1x!tpu.dma_semaphore, #tpu.memory_space<semaphore_mem>>
        %dma_wait3A_1784 = tpu.memref_squeeze %dma_wait3A_1783 : memref<1x!tpu.dma_semaphore, #tpu.memory_space<semaphore_mem>> -> memref<!tpu.dma_semaphore, #tpu.memory_space<semaphore_mem>>
        %dma_wait3A_1785 = arith.constant 64 : i32
        %dma_wait3A_1786 = tpu.memref_slice %arg4[%add3A_1773, %dma_wait3A_1785] : memref<409600x128xf32, #tpu.memory_space<hbm>> -> memref<64x64xf32, #tpu.memory_space<hbm>>
        %dma_wait3A_1787 = arith.constant 0 : i32
        %dma_wait3A_1788 = arith.constant 0 : i32
        %dma_wait3A_1789 = tpu.memref_slice %arg6[%dma_wait3A_1774, %dma_wait3A_1775, %dma_wait3A_1787, %dma_wait3A_1788] : memref<10x2x64x64xf32, #tpu.memory_space<vmem>> -> memref<1x1x64x64xf32, #tpu.memory_space<vmem>>
        %dma_wait3A_1790 = tpu.memref_squeeze %dma_wait3A_1789 : memref<1x1x64x64xf32, #tpu.memory_space<vmem>> -> memref<64x64xf32, #tpu.memory_space<vmem>>
        tpu.wait_dma2 semaphore(%dma_wait3A_1784 : memref<!tpu.dma_semaphore, #tpu.memory_space<semaphore_mem>>) src(%dma_wait3A_1790 : memref<64x64xf32, #tpu.memory_space<vmem>>) dst(%dma_wait3A_1786 : memref<64x64xf32, #tpu.memory_space<hbm>>)
      } else {
      }
      %lt3A_635 = arith.constant 200 : i32
      %lt3A_636 = arith.cmpi slt, %add3A_629, %lt3A_635 : i32
      %convert_element_type3A_637 = arith.extui %lt3A_636 : i1 to i32
      %cond3A_638 = arith.constant 0 : i32
      %cond3A_639 = arith.cmpi ne, %convert_element_type3A_637, %cond3A_638 : i32
      scf.if %cond3A_639 {
        %jit3A_1704 = arith.constant 4 : i32
        %div3A_1705 = arith.divsi %add3A_629, %jit3A_1704 : i32
        %sign3A_1706 = arith.constant 0 : i32
        %sign3A_1707 = arith.cmpi sgt, %add3A_629, %sign3A_1706 : i32
        %sign3A_1708 = arith.extui %sign3A_1707 : i1 to i32
        %sign3A_1709 = arith.constant 0 : i32
        %sign3A_1710 = arith.cmpi slt, %add3A_629, %sign3A_1709 : i32
        %sign3A_1711 = arith.extui %sign3A_1710 : i1 to i32
        %sign3A_1712 = arith.subi %sign3A_1708, %sign3A_1711 : i32
        %sign3A_1713 = arith.constant 0 : i32
        %sign3A_1714 = arith.cmpi sgt, %jit3A_1704, %sign3A_1713 : i32
        %sign3A_1715 = arith.extui %sign3A_1714 : i1 to i32
        %sign3A_1716 = arith.constant 0 : i32
        %sign3A_1717 = arith.cmpi slt, %jit3A_1704, %sign3A_1716 : i32
        %sign3A_1718 = arith.extui %sign3A_1717 : i1 to i32
        %sign3A_1719 = arith.subi %sign3A_1715, %sign3A_1718 : i32
        %ne3A_1720 = arith.cmpi ne, %sign3A_1712, %sign3A_1719 : i32
        %rem3A_1721 = arith.remsi %add3A_629, %jit3A_1704 : i32
        %ne3A_1722 = arith.constant 0 : i32
        %ne3A_1723 = arith.cmpi ne, %rem3A_1721, %ne3A_1722 : i32
        %and3A_1724 = arith.andi %ne3A_1720, %ne3A_1723 : i1
        %sub3A_1725 = arith.constant 1 : i32
        %sub3A_1726 = arith.subi %div3A_1705, %sub3A_1725 : i32
        %select_n3A_1727 = arith.select %and3A_1724, %sub3A_1726, %div3A_1705 : i32
        %jit3A_1728 = arith.constant 4 : i32
        %eq3A_1729 = arith.constant 0 : i32
        %eq3A_1730 = arith.cmpi eq, %jit3A_1728, %eq3A_1729 : i32
        %jit3A_1731 = arith.constant 1 : i32
        %select_n3A_1732 = arith.select %eq3A_1730, %jit3A_1731, %jit3A_1728 : i32
        %rem3A_1733 = arith.remsi %add3A_629, %select_n3A_1732 : i32
        %ne3A_1734 = arith.constant 0 : i32
        %ne3A_1735 = arith.cmpi ne, %rem3A_1733, %ne3A_1734 : i32
        %lt3A_1736 = arith.constant 0 : i32
        %lt3A_1737 = arith.cmpi slt, %rem3A_1733, %lt3A_1736 : i32
        %lt3A_1738 = arith.constant 0 : i32
        %lt3A_1739 = arith.cmpi slt, %select_n3A_1732, %lt3A_1738 : i32
        %ne3A_1740 = arith.xori %lt3A_1737, %lt3A_1739 : i1
        %and3A_1741 = arith.andi %ne3A_1740, %ne3A_1735 : i1
        %add3A_1742 = arith.addi %rem3A_1733, %select_n3A_1732 : i32
        %select_n3A_1743 = arith.select %and3A_1741, %add3A_1742, %rem3A_1733 : i32
        %mul3A_1744 = arith.constant 128 : i32
        %mul3A_1745 = arith.muli %select_n3A_1743, %mul3A_1744 : i32
        %add3A_1746 = arith.constant 0 : i32
        %add3A_1747 = arith.addi %mul3A_1745, %add3A_1746 : i32
        %dma_start3A_1748 = arith.constant 6 : i32
        %dma_start3A_1749 = arith.constant 0 : i32
        %dma_start3A_1750 = arith.constant 6 : i32
        %dma_start3A_1751 = arith.constant 0 : i32
        %dma_start3A_1752 = arith.constant 0 : i32
        %dma_start3A_1753 = tpu.memref_slice %arg6[%dma_start3A_1748, %dma_start3A_1749, %dma_start3A_1751, %dma_start3A_1752] : memref<10x2x64x64xf32, #tpu.memory_space<vmem>> -> memref<1x1x64x64xf32, #tpu.memory_space<vmem>>
        %dma_start3A_1754 = tpu.memref_squeeze %dma_start3A_1753 : memref<1x1x64x64xf32, #tpu.memory_space<vmem>> -> memref<64x64xf32, #tpu.memory_space<vmem>>
        %dma_start3A_1755 = tpu.memref_slice %arg5[%select_n3A_1727, %add3A_1747] : memref<50x512xi32, #tpu.memory_space<vmem>> -> memref<1x64xi32, #tpu.memory_space<vmem>>
        %dma_start3A_1756 = tpu.memref_squeeze %dma_start3A_1755 : memref<1x64xi32, #tpu.memory_space<vmem>> -> memref<64xi32, #tpu.memory_space<vmem>>
        %dma_start3A_1757 = arith.constant 0 : i32
        %dma_start3A_1758 = arith.constant 0 : i32
        %dma_start3A_1759 = tpu.memref_slice %arg3[%dma_start3A_1757, %dma_start3A_1758] : memref<1000000x64xf32, #tpu.memory_space<hbm>> -> memref<1000000x64xf32, #tpu.memory_space<hbm>>
        %dma_start3A_1760 = tpu.memref_slice %arg7[%dma_start3A_1750] : memref<10x!tpu.dma_semaphore, #tpu.memory_space<semaphore_mem>> -> memref<1x!tpu.dma_semaphore, #tpu.memory_space<semaphore_mem>>
        %dma_start3A_1761 = tpu.memref_squeeze %dma_start3A_1760 : memref<1x!tpu.dma_semaphore, #tpu.memory_space<semaphore_mem>> -> memref<!tpu.dma_semaphore, #tpu.memory_space<semaphore_mem>>
        tpu.enqueue_indirect_dma source(%dma_start3A_1759 : memref<1000000x64xf32, #tpu.memory_space<hbm>>) target(%dma_start3A_1754 : memref<64x64xf32, #tpu.memory_space<vmem>>) offsets(%dma_start3A_1756 : memref<64xi32, #tpu.memory_space<vmem>>) semaphore(%dma_start3A_1761 : memref<!tpu.dma_semaphore, #tpu.memory_space<semaphore_mem>>)
        %mul3A_1762 = arith.constant 128 : i32
        %mul3A_1763 = arith.muli %select_n3A_1743, %mul3A_1762 : i32
        %add3A_1764 = arith.constant 64 : i32
        %add3A_1765 = arith.addi %mul3A_1763, %add3A_1764 : i32
        %dma_start3A_1766 = arith.constant 6 : i32
        %dma_start3A_1767 = arith.constant 1 : i32
        %dma_start3A_1768 = arith.constant 6 : i32
        %dma_start3A_1769 = arith.constant 0 : i32
        %dma_start3A_1770 = arith.constant 0 : i32
        %dma_start3A_1771 = tpu.memref_slice %arg6[%dma_start3A_1766, %dma_start3A_1767, %dma_start3A_1769, %dma_start3A_1770] : memref<10x2x64x64xf32, #tpu.memory_space<vmem>> -> memref<1x1x64x64xf32, #tpu.memory_space<vmem>>
        %dma_start3A_1772 = tpu.memref_squeeze %dma_start3A_1771 : memref<1x1x64x64xf32, #tpu.memory_space<vmem>> -> memref<64x64xf32, #tpu.memory_space<vmem>>
        %dma_start3A_1773 = tpu.memref_slice %arg5[%select_n3A_1727, %add3A_1765] : memref<50x512xi32, #tpu.memory_space<vmem>> -> memref<1x64xi32, #tpu.memory_space<vmem>>
        %dma_start3A_1774 = tpu.memref_squeeze %dma_start3A_1773 : memref<1x64xi32, #tpu.memory_space<vmem>> -> memref<64xi32, #tpu.memory_space<vmem>>
        %dma_start3A_1775 = arith.constant 0 : i32
        %dma_start3A_1776 = arith.constant 0 : i32
        %dma_start3A_1777 = tpu.memref_slice %arg3[%dma_start3A_1775, %dma_start3A_1776] : memref<1000000x64xf32, #tpu.memory_space<hbm>> -> memref<1000000x64xf32, #tpu.memory_space<hbm>>
        %dma_start3A_1778 = tpu.memref_slice %arg7[%dma_start3A_1768] : memref<10x!tpu.dma_semaphore, #tpu.memory_space<semaphore_mem>> -> memref<1x!tpu.dma_semaphore, #tpu.memory_space<semaphore_mem>>
        %dma_start3A_1779 = tpu.memref_squeeze %dma_start3A_1778 : memref<1x!tpu.dma_semaphore, #tpu.memory_space<semaphore_mem>> -> memref<!tpu.dma_semaphore, #tpu.memory_space<semaphore_mem>>
        tpu.enqueue_indirect_dma source(%dma_start3A_1777 : memref<1000000x64xf32, #tpu.memory_space<hbm>>) target(%dma_start3A_1772 : memref<64x64xf32, #tpu.memory_space<vmem>>) offsets(%dma_start3A_1774 : memref<64xi32, #tpu.memory_space<vmem>>) semaphore(%dma_start3A_1779 : memref<!tpu.dma_semaphore, #tpu.memory_space<semaphore_mem>>)
      } else {
      }
      %mul3A_640 = arith.constant 10 : i32
      %mul3A_641 = arith.muli %scan3A_386, %mul3A_640 : i32
      %add3A_642 = arith.constant 2 : i32
      %add3A_643 = arith.addi %mul3A_641, %add3A_642 : i32
      %dma_wait3A_644 = arith.constant 0 : i32
      %dma_wait3A_645 = arith.constant 2 : i32
      %dma_wait3A_646 = arith.constant 0 : i32
      %dma_wait3A_647 = arith.constant 2 : i32
      %dma_wait3A_648 = arith.constant 0 : i32
      %dma_wait3A_649 = arith.constant 0 : i32
      %dma_wait3A_650 = tpu.memref_slice %arg6[%dma_wait3A_645, %dma_wait3A_646, %dma_wait3A_648, %dma_wait3A_649] : memref<10x2x64x64xf32, #tpu.memory_space<vmem>> -> memref<1x1x64x64xf32, #tpu.memory_space<vmem>>
      %dma_wait3A_651 = tpu.memref_squeeze %dma_wait3A_650 : memref<1x1x64x64xf32, #tpu.memory_space<vmem>> -> memref<64x64xf32, #tpu.memory_space<vmem>>
      %dma_wait3A_652 = arith.constant 0 : i32
      %dma_wait3A_653 = tpu.memref_slice %arg5[%dma_wait3A_644, %dma_wait3A_652] : memref<50x512xi32, #tpu.memory_space<vmem>> -> memref<1x64xi32, #tpu.memory_space<vmem>>
      %dma_wait3A_654 = tpu.memref_squeeze %dma_wait3A_653 : memref<1x64xi32, #tpu.memory_space<vmem>> -> memref<64xi32, #tpu.memory_space<vmem>>
      %dma_wait3A_655 = arith.constant 0 : i32
      %dma_wait3A_656 = arith.constant 0 : i32
      %dma_wait3A_657 = tpu.memref_slice %arg3[%dma_wait3A_655, %dma_wait3A_656] : memref<1000000x64xf32, #tpu.memory_space<hbm>> -> memref<1000000x64xf32, #tpu.memory_space<hbm>>
      %dma_wait3A_658 = tpu.memref_slice %arg7[%dma_wait3A_647] : memref<10x!tpu.dma_semaphore, #tpu.memory_space<semaphore_mem>> -> memref<1x!tpu.dma_semaphore, #tpu.memory_space<semaphore_mem>>
      %dma_wait3A_659 = tpu.memref_squeeze %dma_wait3A_658 : memref<1x!tpu.dma_semaphore, #tpu.memory_space<semaphore_mem>> -> memref<!tpu.dma_semaphore, #tpu.memory_space<semaphore_mem>>
      tpu.wait_indirect_dma semaphore(%dma_wait3A_659 : memref<!tpu.dma_semaphore, #tpu.memory_space<semaphore_mem>>) src(%dma_wait3A_657 : memref<1000000x64xf32, #tpu.memory_space<hbm>>) dst(%dma_wait3A_651 : memref<64x64xf32, #tpu.memory_space<vmem>>)
      %dma_wait3A_660 = arith.constant 0 : i32
      %dma_wait3A_661 = arith.constant 2 : i32
      %dma_wait3A_662 = arith.constant 1 : i32
      %dma_wait3A_663 = arith.constant 2 : i32
      %dma_wait3A_664 = arith.constant 0 : i32
      %dma_wait3A_665 = arith.constant 0 : i32
      %dma_wait3A_666 = tpu.memref_slice %arg6[%dma_wait3A_661, %dma_wait3A_662, %dma_wait3A_664, %dma_wait3A_665] : memref<10x2x64x64xf32, #tpu.memory_space<vmem>> -> memref<1x1x64x64xf32, #tpu.memory_space<vmem>>
      %dma_wait3A_667 = tpu.memref_squeeze %dma_wait3A_666 : memref<1x1x64x64xf32, #tpu.memory_space<vmem>> -> memref<64x64xf32, #tpu.memory_space<vmem>>
      %dma_wait3A_668 = arith.constant 0 : i32
      %dma_wait3A_669 = tpu.memref_slice %arg5[%dma_wait3A_660, %dma_wait3A_668] : memref<50x512xi32, #tpu.memory_space<vmem>> -> memref<1x64xi32, #tpu.memory_space<vmem>>
      %dma_wait3A_670 = tpu.memref_squeeze %dma_wait3A_669 : memref<1x64xi32, #tpu.memory_space<vmem>> -> memref<64xi32, #tpu.memory_space<vmem>>
      %dma_wait3A_671 = arith.constant 0 : i32
      %dma_wait3A_672 = arith.constant 0 : i32
      %dma_wait3A_673 = tpu.memref_slice %arg3[%dma_wait3A_671, %dma_wait3A_672] : memref<1000000x64xf32, #tpu.memory_space<hbm>> -> memref<1000000x64xf32, #tpu.memory_space<hbm>>
      %dma_wait3A_674 = tpu.memref_slice %arg7[%dma_wait3A_663] : memref<10x!tpu.dma_semaphore, #tpu.memory_space<semaphore_mem>> -> memref<1x!tpu.dma_semaphore, #tpu.memory_space<semaphore_mem>>
      %dma_wait3A_675 = tpu.memref_squeeze %dma_wait3A_674 : memref<1x!tpu.dma_semaphore, #tpu.memory_space<semaphore_mem>> -> memref<!tpu.dma_semaphore, #tpu.memory_space<semaphore_mem>>
      tpu.wait_indirect_dma semaphore(%dma_wait3A_675 : memref<!tpu.dma_semaphore, #tpu.memory_space<semaphore_mem>>) src(%dma_wait3A_673 : memref<1000000x64xf32, #tpu.memory_space<hbm>>) dst(%dma_wait3A_667 : memref<64x64xf32, #tpu.memory_space<vmem>>)
      %jit3A_676 = arith.constant 4 : i32
      %div3A_677 = arith.divsi %add3A_643, %jit3A_676 : i32
      %sign3A_678 = arith.constant 0 : i32
      %sign3A_679 = arith.cmpi sgt, %add3A_643, %sign3A_678 : i32
      %sign3A_680 = arith.extui %sign3A_679 : i1 to i32
      %sign3A_681 = arith.constant 0 : i32
      %sign3A_682 = arith.cmpi slt, %add3A_643, %sign3A_681 : i32
      %sign3A_683 = arith.extui %sign3A_682 : i1 to i32
      %sign3A_684 = arith.subi %sign3A_680, %sign3A_683 : i32
      %sign3A_685 = arith.constant 0 : i32
      %sign3A_686 = arith.cmpi sgt, %jit3A_676, %sign3A_685 : i32
      %sign3A_687 = arith.extui %sign3A_686 : i1 to i32
      %sign3A_688 = arith.constant 0 : i32
      %sign3A_689 = arith.cmpi slt, %jit3A_676, %sign3A_688 : i32
      %sign3A_690 = arith.extui %sign3A_689 : i1 to i32
      %sign3A_691 = arith.subi %sign3A_687, %sign3A_690 : i32
      %ne3A_692 = arith.cmpi ne, %sign3A_684, %sign3A_691 : i32
      %rem3A_693 = arith.remsi %add3A_643, %jit3A_676 : i32
      %ne3A_694 = arith.constant 0 : i32
      %ne3A_695 = arith.cmpi ne, %rem3A_693, %ne3A_694 : i32
      %and3A_696 = arith.andi %ne3A_692, %ne3A_695 : i1
      %sub3A_697 = arith.constant 1 : i32
      %sub3A_698 = arith.subi %div3A_677, %sub3A_697 : i32
      %select_n3A_699 = arith.select %and3A_696, %sub3A_698, %div3A_677 : i32
      %mul3A_700 = arith.constant 4 : i32
      %mul3A_701 = arith.muli %add3A, %mul3A_700 : i32
      %jit3A_702 = arith.constant 4 : i32
      %eq3A_703 = arith.constant 0 : i32
      %eq3A_704 = arith.cmpi eq, %jit3A_702, %eq3A_703 : i32
      %jit3A_705 = arith.constant 1 : i32
      %select_n3A_706 = arith.select %eq3A_704, %jit3A_705, %jit3A_702 : i32
      %rem3A_707 = arith.remsi %add3A_643, %select_n3A_706 : i32
      %ne3A_708 = arith.constant 0 : i32
      %ne3A_709 = arith.cmpi ne, %rem3A_707, %ne3A_708 : i32
      %lt3A_710 = arith.constant 0 : i32
      %lt3A_711 = arith.cmpi slt, %rem3A_707, %lt3A_710 : i32
      %lt3A_712 = arith.constant 0 : i32
      %lt3A_713 = arith.cmpi slt, %select_n3A_706, %lt3A_712 : i32
      %ne3A_714 = arith.xori %lt3A_711, %lt3A_713 : i1
      %and3A_715 = arith.andi %ne3A_714, %ne3A_709 : i1
      %add3A_716 = arith.addi %rem3A_707, %select_n3A_706 : i32
      %select_n3A_717 = arith.select %and3A_715, %add3A_716, %rem3A_707 : i32
      %add3A_718 = arith.addi %mul3A_701, %select_n3A_717 : i32
      %mul3A_719 = arith.constant 64 : i32
      %mul3A_720 = arith.muli %add3A_718, %mul3A_719 : i32
      %mul3A_721 = arith.constant 8192 : i32
      %mul3A_722 = arith.muli %select_n3A_699, %mul3A_721 : i32
      %add3A_723 = arith.addi %mul3A_722, %mul3A_720 : i32
      %dma_start3A_724 = arith.constant 2 : i32
      %dma_start3A_725 = arith.constant 0 : i32
      %dma_start3A_726 = arith.constant 2 : i32
      %dma_start3A_727 = arith.constant 0 : i32
      %dma_start3A_728 = arith.constant 0 : i32
      %dma_start3A_729 = tpu.memref_slice %arg6[%dma_start3A_724, %dma_start3A_725, %dma_start3A_727, %dma_start3A_728] : memref<10x2x64x64xf32, #tpu.memory_space<vmem>> -> memref<1x1x64x64xf32, #tpu.memory_space<vmem>>
      %dma_start3A_730 = tpu.memref_squeeze %dma_start3A_729 : memref<1x1x64x64xf32, #tpu.memory_space<vmem>> -> memref<64x64xf32, #tpu.memory_space<vmem>>
      %dma_start3A_731 = arith.constant 0 : i32
      %dma_start3A_732 = tpu.memref_slice %arg4[%add3A_723, %dma_start3A_731] : memref<409600x128xf32, #tpu.memory_space<hbm>> -> memref<64x64xf32, #tpu.memory_space<hbm>>
      %dma_start3A_733 = tpu.memref_slice %arg8[%dma_start3A_726] : memref<10x!tpu.dma_semaphore, #tpu.memory_space<semaphore_mem>> -> memref<1x!tpu.dma_semaphore, #tpu.memory_space<semaphore_mem>>
      %dma_start3A_734 = tpu.memref_squeeze %dma_start3A_733 : memref<1x!tpu.dma_semaphore, #tpu.memory_space<semaphore_mem>> -> memref<!tpu.dma_semaphore, #tpu.memory_space<semaphore_mem>>
      %dma_start3A_735 = arith.constant 0 : i32
      %dma_start3A_736 = tpu.memref_slice %arg4[%add3A_723, %dma_start3A_735] : memref<409600x128xf32, #tpu.memory_space<hbm>> -> memref<64x64xf32, #tpu.memory_space<hbm>>
      %dma_start3A_737 = arith.constant 0 : i32
      %dma_start3A_738 = arith.constant 0 : i32
      %dma_start3A_739 = tpu.memref_slice %arg6[%dma_start3A_724, %dma_start3A_725, %dma_start3A_737, %dma_start3A_738] : memref<10x2x64x64xf32, #tpu.memory_space<vmem>> -> memref<1x1x64x64xf32, #tpu.memory_space<vmem>>
      %dma_start3A_740 = tpu.memref_squeeze %dma_start3A_739 : memref<1x1x64x64xf32, #tpu.memory_space<vmem>> -> memref<64x64xf32, #tpu.memory_space<vmem>>
      tpu.enqueue_dma source(%dma_start3A_740 : memref<64x64xf32, #tpu.memory_space<vmem>>) target(%dma_start3A_736 : memref<64x64xf32, #tpu.memory_space<hbm>>) target_semaphore(%dma_start3A_734 : memref<!tpu.dma_semaphore, #tpu.memory_space<semaphore_mem>>)
      %mul3A_741 = arith.constant 8192 : i32
      %mul3A_742 = arith.muli %select_n3A_699, %mul3A_741 : i32
      %add3A_743 = arith.addi %mul3A_742, %mul3A_720 : i32
      %dma_start3A_744 = arith.constant 2 : i32
      %dma_start3A_745 = arith.constant 1 : i32
      %dma_start3A_746 = arith.constant 2 : i32
      %dma_start3A_747 = arith.constant 0 : i32
      %dma_start3A_748 = arith.constant 0 : i32
      %dma_start3A_749 = tpu.memref_slice %arg6[%dma_start3A_744, %dma_start3A_745, %dma_start3A_747, %dma_start3A_748] : memref<10x2x64x64xf32, #tpu.memory_space<vmem>> -> memref<1x1x64x64xf32, #tpu.memory_space<vmem>>
      %dma_start3A_750 = tpu.memref_squeeze %dma_start3A_749 : memref<1x1x64x64xf32, #tpu.memory_space<vmem>> -> memref<64x64xf32, #tpu.memory_space<vmem>>
      %dma_start3A_751 = arith.constant 64 : i32
      %dma_start3A_752 = tpu.memref_slice %arg4[%add3A_743, %dma_start3A_751] : memref<409600x128xf32, #tpu.memory_space<hbm>> -> memref<64x64xf32, #tpu.memory_space<hbm>>
      %dma_start3A_753 = tpu.memref_slice %arg8[%dma_start3A_746] : memref<10x!tpu.dma_semaphore, #tpu.memory_space<semaphore_mem>> -> memref<1x!tpu.dma_semaphore, #tpu.memory_space<semaphore_mem>>
      %dma_start3A_754 = tpu.memref_squeeze %dma_start3A_753 : memref<1x!tpu.dma_semaphore, #tpu.memory_space<semaphore_mem>> -> memref<!tpu.dma_semaphore, #tpu.memory_space<semaphore_mem>>
      %dma_start3A_755 = arith.constant 64 : i32
      %dma_start3A_756 = tpu.memref_slice %arg4[%add3A_743, %dma_start3A_755] : memref<409600x128xf32, #tpu.memory_space<hbm>> -> memref<64x64xf32, #tpu.memory_space<hbm>>
      %dma_start3A_757 = arith.constant 0 : i32
      %dma_start3A_758 = arith.constant 0 : i32
      %dma_start3A_759 = tpu.memref_slice %arg6[%dma_start3A_744, %dma_start3A_745, %dma_start3A_757, %dma_start3A_758] : memref<10x2x64x64xf32, #tpu.memory_space<vmem>> -> memref<1x1x64x64xf32, #tpu.memory_space<vmem>>
      %dma_start3A_760 = tpu.memref_squeeze %dma_start3A_759 : memref<1x1x64x64xf32, #tpu.memory_space<vmem>> -> memref<64x64xf32, #tpu.memory_space<vmem>>
      tpu.enqueue_dma source(%dma_start3A_760 : memref<64x64xf32, #tpu.memory_space<vmem>>) target(%dma_start3A_756 : memref<64x64xf32, #tpu.memory_space<hbm>>) target_semaphore(%dma_start3A_754 : memref<!tpu.dma_semaphore, #tpu.memory_space<semaphore_mem>>)
      %add3A_761 = arith.constant 5 : i32
      %add3A_762 = arith.addi %add3A_643, %add3A_761 : i32
      %ge3A_763 = arith.constant 10 : i32
      %ge3A_764 = arith.cmpi sge, %add3A_762, %ge3A_763 : i32
      %convert_element_type3A_765 = arith.extui %ge3A_764 : i1 to i32
      %cond3A_766 = arith.constant 0 : i32
      %cond3A_767 = arith.cmpi ne, %convert_element_type3A_765, %cond3A_766 : i32
      scf.if %cond3A_767 {
        %sub3A_1704 = arith.constant 10 : i32
        %sub3A_1705 = arith.subi %add3A_762, %sub3A_1704 : i32
        %jit3A_1706 = arith.constant 4 : i32
        %div3A_1707 = arith.divsi %sub3A_1705, %jit3A_1706 : i32
        %sign3A_1708 = arith.constant 0 : i32
        %sign3A_1709 = arith.cmpi sgt, %sub3A_1705, %sign3A_1708 : i32
        %sign3A_1710 = arith.extui %sign3A_1709 : i1 to i32
        %sign3A_1711 = arith.constant 0 : i32
        %sign3A_1712 = arith.cmpi slt, %sub3A_1705, %sign3A_1711 : i32
        %sign3A_1713 = arith.extui %sign3A_1712 : i1 to i32
        %sign3A_1714 = arith.subi %sign3A_1710, %sign3A_1713 : i32
        %sign3A_1715 = arith.constant 0 : i32
        %sign3A_1716 = arith.cmpi sgt, %jit3A_1706, %sign3A_1715 : i32
        %sign3A_1717 = arith.extui %sign3A_1716 : i1 to i32
        %sign3A_1718 = arith.constant 0 : i32
        %sign3A_1719 = arith.cmpi slt, %jit3A_1706, %sign3A_1718 : i32
        %sign3A_1720 = arith.extui %sign3A_1719 : i1 to i32
        %sign3A_1721 = arith.subi %sign3A_1717, %sign3A_1720 : i32
        %ne3A_1722 = arith.cmpi ne, %sign3A_1714, %sign3A_1721 : i32
        %rem3A_1723 = arith.remsi %sub3A_1705, %jit3A_1706 : i32
        %ne3A_1724 = arith.constant 0 : i32
        %ne3A_1725 = arith.cmpi ne, %rem3A_1723, %ne3A_1724 : i32
        %and3A_1726 = arith.andi %ne3A_1722, %ne3A_1725 : i1
        %sub3A_1727 = arith.constant 1 : i32
        %sub3A_1728 = arith.subi %div3A_1707, %sub3A_1727 : i32
        %select_n3A_1729 = arith.select %and3A_1726, %sub3A_1728, %div3A_1707 : i32
        %mul3A_1730 = arith.constant 4 : i32
        %mul3A_1731 = arith.muli %add3A, %mul3A_1730 : i32
        %jit3A_1732 = arith.constant 4 : i32
        %eq3A_1733 = arith.constant 0 : i32
        %eq3A_1734 = arith.cmpi eq, %jit3A_1732, %eq3A_1733 : i32
        %jit3A_1735 = arith.constant 1 : i32
        %select_n3A_1736 = arith.select %eq3A_1734, %jit3A_1735, %jit3A_1732 : i32
        %rem3A_1737 = arith.remsi %sub3A_1705, %select_n3A_1736 : i32
        %ne3A_1738 = arith.constant 0 : i32
        %ne3A_1739 = arith.cmpi ne, %rem3A_1737, %ne3A_1738 : i32
        %lt3A_1740 = arith.constant 0 : i32
        %lt3A_1741 = arith.cmpi slt, %rem3A_1737, %lt3A_1740 : i32
        %lt3A_1742 = arith.constant 0 : i32
        %lt3A_1743 = arith.cmpi slt, %select_n3A_1736, %lt3A_1742 : i32
        %ne3A_1744 = arith.xori %lt3A_1741, %lt3A_1743 : i1
        %and3A_1745 = arith.andi %ne3A_1744, %ne3A_1739 : i1
        %add3A_1746 = arith.addi %rem3A_1737, %select_n3A_1736 : i32
        %select_n3A_1747 = arith.select %and3A_1745, %add3A_1746, %rem3A_1737 : i32
        %add3A_1748 = arith.addi %mul3A_1731, %select_n3A_1747 : i32
        %mul3A_1749 = arith.constant 64 : i32
        %mul3A_1750 = arith.muli %add3A_1748, %mul3A_1749 : i32
        %mul3A_1751 = arith.constant 8192 : i32
        %mul3A_1752 = arith.muli %select_n3A_1729, %mul3A_1751 : i32
        %add3A_1753 = arith.addi %mul3A_1752, %mul3A_1750 : i32
        %dma_wait3A_1754 = arith.constant 7 : i32
        %dma_wait3A_1755 = arith.constant 0 : i32
        %dma_wait3A_1756 = arith.constant 7 : i32
        %dma_wait3A_1757 = arith.constant 0 : i32
        %dma_wait3A_1758 = arith.constant 0 : i32
        %dma_wait3A_1759 = tpu.memref_slice %arg6[%dma_wait3A_1754, %dma_wait3A_1755, %dma_wait3A_1757, %dma_wait3A_1758] : memref<10x2x64x64xf32, #tpu.memory_space<vmem>> -> memref<1x1x64x64xf32, #tpu.memory_space<vmem>>
        %dma_wait3A_1760 = tpu.memref_squeeze %dma_wait3A_1759 : memref<1x1x64x64xf32, #tpu.memory_space<vmem>> -> memref<64x64xf32, #tpu.memory_space<vmem>>
        %dma_wait3A_1761 = arith.constant 0 : i32
        %dma_wait3A_1762 = tpu.memref_slice %arg4[%add3A_1753, %dma_wait3A_1761] : memref<409600x128xf32, #tpu.memory_space<hbm>> -> memref<64x64xf32, #tpu.memory_space<hbm>>
        %dma_wait3A_1763 = tpu.memref_slice %arg8[%dma_wait3A_1756] : memref<10x!tpu.dma_semaphore, #tpu.memory_space<semaphore_mem>> -> memref<1x!tpu.dma_semaphore, #tpu.memory_space<semaphore_mem>>
        %dma_wait3A_1764 = tpu.memref_squeeze %dma_wait3A_1763 : memref<1x!tpu.dma_semaphore, #tpu.memory_space<semaphore_mem>> -> memref<!tpu.dma_semaphore, #tpu.memory_space<semaphore_mem>>
        %dma_wait3A_1765 = arith.constant 0 : i32
        %dma_wait3A_1766 = tpu.memref_slice %arg4[%add3A_1753, %dma_wait3A_1765] : memref<409600x128xf32, #tpu.memory_space<hbm>> -> memref<64x64xf32, #tpu.memory_space<hbm>>
        %dma_wait3A_1767 = arith.constant 0 : i32
        %dma_wait3A_1768 = arith.constant 0 : i32
        %dma_wait3A_1769 = tpu.memref_slice %arg6[%dma_wait3A_1754, %dma_wait3A_1755, %dma_wait3A_1767, %dma_wait3A_1768] : memref<10x2x64x64xf32, #tpu.memory_space<vmem>> -> memref<1x1x64x64xf32, #tpu.memory_space<vmem>>
        %dma_wait3A_1770 = tpu.memref_squeeze %dma_wait3A_1769 : memref<1x1x64x64xf32, #tpu.memory_space<vmem>> -> memref<64x64xf32, #tpu.memory_space<vmem>>
        tpu.wait_dma2 semaphore(%dma_wait3A_1764 : memref<!tpu.dma_semaphore, #tpu.memory_space<semaphore_mem>>) src(%dma_wait3A_1770 : memref<64x64xf32, #tpu.memory_space<vmem>>) dst(%dma_wait3A_1766 : memref<64x64xf32, #tpu.memory_space<hbm>>)
        %mul3A_1771 = arith.constant 8192 : i32
        %mul3A_1772 = arith.muli %select_n3A_1729, %mul3A_1771 : i32
        %add3A_1773 = arith.addi %mul3A_1772, %mul3A_1750 : i32
        %dma_wait3A_1774 = arith.constant 7 : i32
        %dma_wait3A_1775 = arith.constant 1 : i32
        %dma_wait3A_1776 = arith.constant 7 : i32
        %dma_wait3A_1777 = arith.constant 0 : i32
        %dma_wait3A_1778 = arith.constant 0 : i32
        %dma_wait3A_1779 = tpu.memref_slice %arg6[%dma_wait3A_1774, %dma_wait3A_1775, %dma_wait3A_1777, %dma_wait3A_1778] : memref<10x2x64x64xf32, #tpu.memory_space<vmem>> -> memref<1x1x64x64xf32, #tpu.memory_space<vmem>>
        %dma_wait3A_1780 = tpu.memref_squeeze %dma_wait3A_1779 : memref<1x1x64x64xf32, #tpu.memory_space<vmem>> -> memref<64x64xf32, #tpu.memory_space<vmem>>
        %dma_wait3A_1781 = arith.constant 64 : i32
        %dma_wait3A_1782 = tpu.memref_slice %arg4[%add3A_1773, %dma_wait3A_1781] : memref<409600x128xf32, #tpu.memory_space<hbm>> -> memref<64x64xf32, #tpu.memory_space<hbm>>
        %dma_wait3A_1783 = tpu.memref_slice %arg8[%dma_wait3A_1776] : memref<10x!tpu.dma_semaphore, #tpu.memory_space<semaphore_mem>> -> memref<1x!tpu.dma_semaphore, #tpu.memory_space<semaphore_mem>>
        %dma_wait3A_1784 = tpu.memref_squeeze %dma_wait3A_1783 : memref<1x!tpu.dma_semaphore, #tpu.memory_space<semaphore_mem>> -> memref<!tpu.dma_semaphore, #tpu.memory_space<semaphore_mem>>
        %dma_wait3A_1785 = arith.constant 64 : i32
        %dma_wait3A_1786 = tpu.memref_slice %arg4[%add3A_1773, %dma_wait3A_1785] : memref<409600x128xf32, #tpu.memory_space<hbm>> -> memref<64x64xf32, #tpu.memory_space<hbm>>
        %dma_wait3A_1787 = arith.constant 0 : i32
        %dma_wait3A_1788 = arith.constant 0 : i32
        %dma_wait3A_1789 = tpu.memref_slice %arg6[%dma_wait3A_1774, %dma_wait3A_1775, %dma_wait3A_1787, %dma_wait3A_1788] : memref<10x2x64x64xf32, #tpu.memory_space<vmem>> -> memref<1x1x64x64xf32, #tpu.memory_space<vmem>>
        %dma_wait3A_1790 = tpu.memref_squeeze %dma_wait3A_1789 : memref<1x1x64x64xf32, #tpu.memory_space<vmem>> -> memref<64x64xf32, #tpu.memory_space<vmem>>
        tpu.wait_dma2 semaphore(%dma_wait3A_1784 : memref<!tpu.dma_semaphore, #tpu.memory_space<semaphore_mem>>) src(%dma_wait3A_1790 : memref<64x64xf32, #tpu.memory_space<vmem>>) dst(%dma_wait3A_1786 : memref<64x64xf32, #tpu.memory_space<hbm>>)
      } else {
      }
      %lt3A_768 = arith.constant 200 : i32
      %lt3A_769 = arith.cmpi slt, %add3A_762, %lt3A_768 : i32
      %convert_element_type3A_770 = arith.extui %lt3A_769 : i1 to i32
      %cond3A_771 = arith.constant 0 : i32
      %cond3A_772 = arith.cmpi ne, %convert_element_type3A_770, %cond3A_771 : i32
      scf.if %cond3A_772 {
        %jit3A_1704 = arith.constant 4 : i32
        %div3A_1705 = arith.divsi %add3A_762, %jit3A_1704 : i32
        %sign3A_1706 = arith.constant 0 : i32
        %sign3A_1707 = arith.cmpi sgt, %add3A_762, %sign3A_1706 : i32
        %sign3A_1708 = arith.extui %sign3A_1707 : i1 to i32
        %sign3A_1709 = arith.constant 0 : i32
        %sign3A_1710 = arith.cmpi slt, %add3A_762, %sign3A_1709 : i32
        %sign3A_1711 = arith.extui %sign3A_1710 : i1 to i32
        %sign3A_1712 = arith.subi %sign3A_1708, %sign3A_1711 : i32
        %sign3A_1713 = arith.constant 0 : i32
        %sign3A_1714 = arith.cmpi sgt, %jit3A_1704, %sign3A_1713 : i32
        %sign3A_1715 = arith.extui %sign3A_1714 : i1 to i32
        %sign3A_1716 = arith.constant 0 : i32
        %sign3A_1717 = arith.cmpi slt, %jit3A_1704, %sign3A_1716 : i32
        %sign3A_1718 = arith.extui %sign3A_1717 : i1 to i32
        %sign3A_1719 = arith.subi %sign3A_1715, %sign3A_1718 : i32
        %ne3A_1720 = arith.cmpi ne, %sign3A_1712, %sign3A_1719 : i32
        %rem3A_1721 = arith.remsi %add3A_762, %jit3A_1704 : i32
        %ne3A_1722 = arith.constant 0 : i32
        %ne3A_1723 = arith.cmpi ne, %rem3A_1721, %ne3A_1722 : i32
        %and3A_1724 = arith.andi %ne3A_1720, %ne3A_1723 : i1
        %sub3A_1725 = arith.constant 1 : i32
        %sub3A_1726 = arith.subi %div3A_1705, %sub3A_1725 : i32
        %select_n3A_1727 = arith.select %and3A_1724, %sub3A_1726, %div3A_1705 : i32
        %jit3A_1728 = arith.constant 4 : i32
        %eq3A_1729 = arith.constant 0 : i32
        %eq3A_1730 = arith.cmpi eq, %jit3A_1728, %eq3A_1729 : i32
        %jit3A_1731 = arith.constant 1 : i32
        %select_n3A_1732 = arith.select %eq3A_1730, %jit3A_1731, %jit3A_1728 : i32
        %rem3A_1733 = arith.remsi %add3A_762, %select_n3A_1732 : i32
        %ne3A_1734 = arith.constant 0 : i32
        %ne3A_1735 = arith.cmpi ne, %rem3A_1733, %ne3A_1734 : i32
        %lt3A_1736 = arith.constant 0 : i32
        %lt3A_1737 = arith.cmpi slt, %rem3A_1733, %lt3A_1736 : i32
        %lt3A_1738 = arith.constant 0 : i32
        %lt3A_1739 = arith.cmpi slt, %select_n3A_1732, %lt3A_1738 : i32
        %ne3A_1740 = arith.xori %lt3A_1737, %lt3A_1739 : i1
        %and3A_1741 = arith.andi %ne3A_1740, %ne3A_1735 : i1
        %add3A_1742 = arith.addi %rem3A_1733, %select_n3A_1732 : i32
        %select_n3A_1743 = arith.select %and3A_1741, %add3A_1742, %rem3A_1733 : i32
        %mul3A_1744 = arith.constant 128 : i32
        %mul3A_1745 = arith.muli %select_n3A_1743, %mul3A_1744 : i32
        %add3A_1746 = arith.constant 0 : i32
        %add3A_1747 = arith.addi %mul3A_1745, %add3A_1746 : i32
        %dma_start3A_1748 = arith.constant 7 : i32
        %dma_start3A_1749 = arith.constant 0 : i32
        %dma_start3A_1750 = arith.constant 7 : i32
        %dma_start3A_1751 = arith.constant 0 : i32
        %dma_start3A_1752 = arith.constant 0 : i32
        %dma_start3A_1753 = tpu.memref_slice %arg6[%dma_start3A_1748, %dma_start3A_1749, %dma_start3A_1751, %dma_start3A_1752] : memref<10x2x64x64xf32, #tpu.memory_space<vmem>> -> memref<1x1x64x64xf32, #tpu.memory_space<vmem>>
        %dma_start3A_1754 = tpu.memref_squeeze %dma_start3A_1753 : memref<1x1x64x64xf32, #tpu.memory_space<vmem>> -> memref<64x64xf32, #tpu.memory_space<vmem>>
        %dma_start3A_1755 = tpu.memref_slice %arg5[%select_n3A_1727, %add3A_1747] : memref<50x512xi32, #tpu.memory_space<vmem>> -> memref<1x64xi32, #tpu.memory_space<vmem>>
        %dma_start3A_1756 = tpu.memref_squeeze %dma_start3A_1755 : memref<1x64xi32, #tpu.memory_space<vmem>> -> memref<64xi32, #tpu.memory_space<vmem>>
        %dma_start3A_1757 = arith.constant 0 : i32
        %dma_start3A_1758 = arith.constant 0 : i32
        %dma_start3A_1759 = tpu.memref_slice %arg3[%dma_start3A_1757, %dma_start3A_1758] : memref<1000000x64xf32, #tpu.memory_space<hbm>> -> memref<1000000x64xf32, #tpu.memory_space<hbm>>
        %dma_start3A_1760 = tpu.memref_slice %arg7[%dma_start3A_1750] : memref<10x!tpu.dma_semaphore, #tpu.memory_space<semaphore_mem>> -> memref<1x!tpu.dma_semaphore, #tpu.memory_space<semaphore_mem>>
        %dma_start3A_1761 = tpu.memref_squeeze %dma_start3A_1760 : memref<1x!tpu.dma_semaphore, #tpu.memory_space<semaphore_mem>> -> memref<!tpu.dma_semaphore, #tpu.memory_space<semaphore_mem>>
        tpu.enqueue_indirect_dma source(%dma_start3A_1759 : memref<1000000x64xf32, #tpu.memory_space<hbm>>) target(%dma_start3A_1754 : memref<64x64xf32, #tpu.memory_space<vmem>>) offsets(%dma_start3A_1756 : memref<64xi32, #tpu.memory_space<vmem>>) semaphore(%dma_start3A_1761 : memref<!tpu.dma_semaphore, #tpu.memory_space<semaphore_mem>>)
        %mul3A_1762 = arith.constant 128 : i32
        %mul3A_1763 = arith.muli %select_n3A_1743, %mul3A_1762 : i32
        %add3A_1764 = arith.constant 64 : i32
        %add3A_1765 = arith.addi %mul3A_1763, %add3A_1764 : i32
        %dma_start3A_1766 = arith.constant 7 : i32
        %dma_start3A_1767 = arith.constant 1 : i32
        %dma_start3A_1768 = arith.constant 7 : i32
        %dma_start3A_1769 = arith.constant 0 : i32
        %dma_start3A_1770 = arith.constant 0 : i32
        %dma_start3A_1771 = tpu.memref_slice %arg6[%dma_start3A_1766, %dma_start3A_1767, %dma_start3A_1769, %dma_start3A_1770] : memref<10x2x64x64xf32, #tpu.memory_space<vmem>> -> memref<1x1x64x64xf32, #tpu.memory_space<vmem>>
        %dma_start3A_1772 = tpu.memref_squeeze %dma_start3A_1771 : memref<1x1x64x64xf32, #tpu.memory_space<vmem>> -> memref<64x64xf32, #tpu.memory_space<vmem>>
        %dma_start3A_1773 = tpu.memref_slice %arg5[%select_n3A_1727, %add3A_1765] : memref<50x512xi32, #tpu.memory_space<vmem>> -> memref<1x64xi32, #tpu.memory_space<vmem>>
        %dma_start3A_1774 = tpu.memref_squeeze %dma_start3A_1773 : memref<1x64xi32, #tpu.memory_space<vmem>> -> memref<64xi32, #tpu.memory_space<vmem>>
        %dma_start3A_1775 = arith.constant 0 : i32
        %dma_start3A_1776 = arith.constant 0 : i32
        %dma_start3A_1777 = tpu.memref_slice %arg3[%dma_start3A_1775, %dma_start3A_1776] : memref<1000000x64xf32, #tpu.memory_space<hbm>> -> memref<1000000x64xf32, #tpu.memory_space<hbm>>
        %dma_start3A_1778 = tpu.memref_slice %arg7[%dma_start3A_1768] : memref<10x!tpu.dma_semaphore, #tpu.memory_space<semaphore_mem>> -> memref<1x!tpu.dma_semaphore, #tpu.memory_space<semaphore_mem>>
        %dma_start3A_1779 = tpu.memref_squeeze %dma_start3A_1778 : memref<1x!tpu.dma_semaphore, #tpu.memory_space<semaphore_mem>> -> memref<!tpu.dma_semaphore, #tpu.memory_space<semaphore_mem>>
        tpu.enqueue_indirect_dma source(%dma_start3A_1777 : memref<1000000x64xf32, #tpu.memory_space<hbm>>) target(%dma_start3A_1772 : memref<64x64xf32, #tpu.memory_space<vmem>>) offsets(%dma_start3A_1774 : memref<64xi32, #tpu.memory_space<vmem>>) semaphore(%dma_start3A_1779 : memref<!tpu.dma_semaphore, #tpu.memory_space<semaphore_mem>>)
      } else {
      }
      %mul3A_773 = arith.constant 10 : i32
      %mul3A_774 = arith.muli %scan3A_386, %mul3A_773 : i32
      %add3A_775 = arith.constant 3 : i32
      %add3A_776 = arith.addi %mul3A_774, %add3A_775 : i32
      %dma_wait3A_777 = arith.constant 0 : i32
      %dma_wait3A_778 = arith.constant 3 : i32
      %dma_wait3A_779 = arith.constant 0 : i32
      %dma_wait3A_780 = arith.constant 3 : i32
      %dma_wait3A_781 = arith.constant 0 : i32
      %dma_wait3A_782 = arith.constant 0 : i32
      %dma_wait3A_783 = tpu.memref_slice %arg6[%dma_wait3A_778, %dma_wait3A_779, %dma_wait3A_781, %dma_wait3A_782] : memref<10x2x64x64xf32, #tpu.memory_space<vmem>> -> memref<1x1x64x64xf32, #tpu.memory_space<vmem>>
      %dma_wait3A_784 = tpu.memref_squeeze %dma_wait3A_783 : memref<1x1x64x64xf32, #tpu.memory_space<vmem>> -> memref<64x64xf32, #tpu.memory_space<vmem>>
      %dma_wait3A_785 = arith.constant 0 : i32
      %dma_wait3A_786 = tpu.memref_slice %arg5[%dma_wait3A_777, %dma_wait3A_785] : memref<50x512xi32, #tpu.memory_space<vmem>> -> memref<1x64xi32, #tpu.memory_space<vmem>>
      %dma_wait3A_787 = tpu.memref_squeeze %dma_wait3A_786 : memref<1x64xi32, #tpu.memory_space<vmem>> -> memref<64xi32, #tpu.memory_space<vmem>>
      %dma_wait3A_788 = arith.constant 0 : i32
      %dma_wait3A_789 = arith.constant 0 : i32
      %dma_wait3A_790 = tpu.memref_slice %arg3[%dma_wait3A_788, %dma_wait3A_789] : memref<1000000x64xf32, #tpu.memory_space<hbm>> -> memref<1000000x64xf32, #tpu.memory_space<hbm>>
      %dma_wait3A_791 = tpu.memref_slice %arg7[%dma_wait3A_780] : memref<10x!tpu.dma_semaphore, #tpu.memory_space<semaphore_mem>> -> memref<1x!tpu.dma_semaphore, #tpu.memory_space<semaphore_mem>>
      %dma_wait3A_792 = tpu.memref_squeeze %dma_wait3A_791 : memref<1x!tpu.dma_semaphore, #tpu.memory_space<semaphore_mem>> -> memref<!tpu.dma_semaphore, #tpu.memory_space<semaphore_mem>>
      tpu.wait_indirect_dma semaphore(%dma_wait3A_792 : memref<!tpu.dma_semaphore, #tpu.memory_space<semaphore_mem>>) src(%dma_wait3A_790 : memref<1000000x64xf32, #tpu.memory_space<hbm>>) dst(%dma_wait3A_784 : memref<64x64xf32, #tpu.memory_space<vmem>>)
      %dma_wait3A_793 = arith.constant 0 : i32
      %dma_wait3A_794 = arith.constant 3 : i32
      %dma_wait3A_795 = arith.constant 1 : i32
      %dma_wait3A_796 = arith.constant 3 : i32
      %dma_wait3A_797 = arith.constant 0 : i32
      %dma_wait3A_798 = arith.constant 0 : i32
      %dma_wait3A_799 = tpu.memref_slice %arg6[%dma_wait3A_794, %dma_wait3A_795, %dma_wait3A_797, %dma_wait3A_798] : memref<10x2x64x64xf32, #tpu.memory_space<vmem>> -> memref<1x1x64x64xf32, #tpu.memory_space<vmem>>
      %dma_wait3A_800 = tpu.memref_squeeze %dma_wait3A_799 : memref<1x1x64x64xf32, #tpu.memory_space<vmem>> -> memref<64x64xf32, #tpu.memory_space<vmem>>
      %dma_wait3A_801 = arith.constant 0 : i32
      %dma_wait3A_802 = tpu.memref_slice %arg5[%dma_wait3A_793, %dma_wait3A_801] : memref<50x512xi32, #tpu.memory_space<vmem>> -> memref<1x64xi32, #tpu.memory_space<vmem>>
      %dma_wait3A_803 = tpu.memref_squeeze %dma_wait3A_802 : memref<1x64xi32, #tpu.memory_space<vmem>> -> memref<64xi32, #tpu.memory_space<vmem>>
      %dma_wait3A_804 = arith.constant 0 : i32
      %dma_wait3A_805 = arith.constant 0 : i32
      %dma_wait3A_806 = tpu.memref_slice %arg3[%dma_wait3A_804, %dma_wait3A_805] : memref<1000000x64xf32, #tpu.memory_space<hbm>> -> memref<1000000x64xf32, #tpu.memory_space<hbm>>
      %dma_wait3A_807 = tpu.memref_slice %arg7[%dma_wait3A_796] : memref<10x!tpu.dma_semaphore, #tpu.memory_space<semaphore_mem>> -> memref<1x!tpu.dma_semaphore, #tpu.memory_space<semaphore_mem>>
      %dma_wait3A_808 = tpu.memref_squeeze %dma_wait3A_807 : memref<1x!tpu.dma_semaphore, #tpu.memory_space<semaphore_mem>> -> memref<!tpu.dma_semaphore, #tpu.memory_space<semaphore_mem>>
      tpu.wait_indirect_dma semaphore(%dma_wait3A_808 : memref<!tpu.dma_semaphore, #tpu.memory_space<semaphore_mem>>) src(%dma_wait3A_806 : memref<1000000x64xf32, #tpu.memory_space<hbm>>) dst(%dma_wait3A_800 : memref<64x64xf32, #tpu.memory_space<vmem>>)
      %jit3A_809 = arith.constant 4 : i32
      %div3A_810 = arith.divsi %add3A_776, %jit3A_809 : i32
      %sign3A_811 = arith.constant 0 : i32
      %sign3A_812 = arith.cmpi sgt, %add3A_776, %sign3A_811 : i32
      %sign3A_813 = arith.extui %sign3A_812 : i1 to i32
      %sign3A_814 = arith.constant 0 : i32
      %sign3A_815 = arith.cmpi slt, %add3A_776, %sign3A_814 : i32
      %sign3A_816 = arith.extui %sign3A_815 : i1 to i32
      %sign3A_817 = arith.subi %sign3A_813, %sign3A_816 : i32
      %sign3A_818 = arith.constant 0 : i32
      %sign3A_819 = arith.cmpi sgt, %jit3A_809, %sign3A_818 : i32
      %sign3A_820 = arith.extui %sign3A_819 : i1 to i32
      %sign3A_821 = arith.constant 0 : i32
      %sign3A_822 = arith.cmpi slt, %jit3A_809, %sign3A_821 : i32
      %sign3A_823 = arith.extui %sign3A_822 : i1 to i32
      %sign3A_824 = arith.subi %sign3A_820, %sign3A_823 : i32
      %ne3A_825 = arith.cmpi ne, %sign3A_817, %sign3A_824 : i32
      %rem3A_826 = arith.remsi %add3A_776, %jit3A_809 : i32
      %ne3A_827 = arith.constant 0 : i32
      %ne3A_828 = arith.cmpi ne, %rem3A_826, %ne3A_827 : i32
      %and3A_829 = arith.andi %ne3A_825, %ne3A_828 : i1
      %sub3A_830 = arith.constant 1 : i32
      %sub3A_831 = arith.subi %div3A_810, %sub3A_830 : i32
      %select_n3A_832 = arith.select %and3A_829, %sub3A_831, %div3A_810 : i32
      %mul3A_833 = arith.constant 4 : i32
      %mul3A_834 = arith.muli %add3A, %mul3A_833 : i32
      %jit3A_835 = arith.constant 4 : i32
      %eq3A_836 = arith.constant 0 : i32
      %eq3A_837 = arith.cmpi eq, %jit3A_835, %eq3A_836 : i32
      %jit3A_838 = arith.constant 1 : i32
      %select_n3A_839 = arith.select %eq3A_837, %jit3A_838, %jit3A_835 : i32
      %rem3A_840 = arith.remsi %add3A_776, %select_n3A_839 : i32
      %ne3A_841 = arith.constant 0 : i32
      %ne3A_842 = arith.cmpi ne, %rem3A_840, %ne3A_841 : i32
      %lt3A_843 = arith.constant 0 : i32
      %lt3A_844 = arith.cmpi slt, %rem3A_840, %lt3A_843 : i32
      %lt3A_845 = arith.constant 0 : i32
      %lt3A_846 = arith.cmpi slt, %select_n3A_839, %lt3A_845 : i32
      %ne3A_847 = arith.xori %lt3A_844, %lt3A_846 : i1
      %and3A_848 = arith.andi %ne3A_847, %ne3A_842 : i1
      %add3A_849 = arith.addi %rem3A_840, %select_n3A_839 : i32
      %select_n3A_850 = arith.select %and3A_848, %add3A_849, %rem3A_840 : i32
      %add3A_851 = arith.addi %mul3A_834, %select_n3A_850 : i32
      %mul3A_852 = arith.constant 64 : i32
      %mul3A_853 = arith.muli %add3A_851, %mul3A_852 : i32
      %mul3A_854 = arith.constant 8192 : i32
      %mul3A_855 = arith.muli %select_n3A_832, %mul3A_854 : i32
      %add3A_856 = arith.addi %mul3A_855, %mul3A_853 : i32
      %dma_start3A_857 = arith.constant 3 : i32
      %dma_start3A_858 = arith.constant 0 : i32
      %dma_start3A_859 = arith.constant 3 : i32
      %dma_start3A_860 = arith.constant 0 : i32
      %dma_start3A_861 = arith.constant 0 : i32
      %dma_start3A_862 = tpu.memref_slice %arg6[%dma_start3A_857, %dma_start3A_858, %dma_start3A_860, %dma_start3A_861] : memref<10x2x64x64xf32, #tpu.memory_space<vmem>> -> memref<1x1x64x64xf32, #tpu.memory_space<vmem>>
      %dma_start3A_863 = tpu.memref_squeeze %dma_start3A_862 : memref<1x1x64x64xf32, #tpu.memory_space<vmem>> -> memref<64x64xf32, #tpu.memory_space<vmem>>
      %dma_start3A_864 = arith.constant 0 : i32
      %dma_start3A_865 = tpu.memref_slice %arg4[%add3A_856, %dma_start3A_864] : memref<409600x128xf32, #tpu.memory_space<hbm>> -> memref<64x64xf32, #tpu.memory_space<hbm>>
      %dma_start3A_866 = tpu.memref_slice %arg8[%dma_start3A_859] : memref<10x!tpu.dma_semaphore, #tpu.memory_space<semaphore_mem>> -> memref<1x!tpu.dma_semaphore, #tpu.memory_space<semaphore_mem>>
      %dma_start3A_867 = tpu.memref_squeeze %dma_start3A_866 : memref<1x!tpu.dma_semaphore, #tpu.memory_space<semaphore_mem>> -> memref<!tpu.dma_semaphore, #tpu.memory_space<semaphore_mem>>
      %dma_start3A_868 = arith.constant 0 : i32
      %dma_start3A_869 = tpu.memref_slice %arg4[%add3A_856, %dma_start3A_868] : memref<409600x128xf32, #tpu.memory_space<hbm>> -> memref<64x64xf32, #tpu.memory_space<hbm>>
      %dma_start3A_870 = arith.constant 0 : i32
      %dma_start3A_871 = arith.constant 0 : i32
      %dma_start3A_872 = tpu.memref_slice %arg6[%dma_start3A_857, %dma_start3A_858, %dma_start3A_870, %dma_start3A_871] : memref<10x2x64x64xf32, #tpu.memory_space<vmem>> -> memref<1x1x64x64xf32, #tpu.memory_space<vmem>>
      %dma_start3A_873 = tpu.memref_squeeze %dma_start3A_872 : memref<1x1x64x64xf32, #tpu.memory_space<vmem>> -> memref<64x64xf32, #tpu.memory_space<vmem>>
      tpu.enqueue_dma source(%dma_start3A_873 : memref<64x64xf32, #tpu.memory_space<vmem>>) target(%dma_start3A_869 : memref<64x64xf32, #tpu.memory_space<hbm>>) target_semaphore(%dma_start3A_867 : memref<!tpu.dma_semaphore, #tpu.memory_space<semaphore_mem>>)
      %mul3A_874 = arith.constant 8192 : i32
      %mul3A_875 = arith.muli %select_n3A_832, %mul3A_874 : i32
      %add3A_876 = arith.addi %mul3A_875, %mul3A_853 : i32
      %dma_start3A_877 = arith.constant 3 : i32
      %dma_start3A_878 = arith.constant 1 : i32
      %dma_start3A_879 = arith.constant 3 : i32
      %dma_start3A_880 = arith.constant 0 : i32
      %dma_start3A_881 = arith.constant 0 : i32
      %dma_start3A_882 = tpu.memref_slice %arg6[%dma_start3A_877, %dma_start3A_878, %dma_start3A_880, %dma_start3A_881] : memref<10x2x64x64xf32, #tpu.memory_space<vmem>> -> memref<1x1x64x64xf32, #tpu.memory_space<vmem>>
      %dma_start3A_883 = tpu.memref_squeeze %dma_start3A_882 : memref<1x1x64x64xf32, #tpu.memory_space<vmem>> -> memref<64x64xf32, #tpu.memory_space<vmem>>
      %dma_start3A_884 = arith.constant 64 : i32
      %dma_start3A_885 = tpu.memref_slice %arg4[%add3A_876, %dma_start3A_884] : memref<409600x128xf32, #tpu.memory_space<hbm>> -> memref<64x64xf32, #tpu.memory_space<hbm>>
      %dma_start3A_886 = tpu.memref_slice %arg8[%dma_start3A_879] : memref<10x!tpu.dma_semaphore, #tpu.memory_space<semaphore_mem>> -> memref<1x!tpu.dma_semaphore, #tpu.memory_space<semaphore_mem>>
      %dma_start3A_887 = tpu.memref_squeeze %dma_start3A_886 : memref<1x!tpu.dma_semaphore, #tpu.memory_space<semaphore_mem>> -> memref<!tpu.dma_semaphore, #tpu.memory_space<semaphore_mem>>
      %dma_start3A_888 = arith.constant 64 : i32
      %dma_start3A_889 = tpu.memref_slice %arg4[%add3A_876, %dma_start3A_888] : memref<409600x128xf32, #tpu.memory_space<hbm>> -> memref<64x64xf32, #tpu.memory_space<hbm>>
      %dma_start3A_890 = arith.constant 0 : i32
      %dma_start3A_891 = arith.constant 0 : i32
      %dma_start3A_892 = tpu.memref_slice %arg6[%dma_start3A_877, %dma_start3A_878, %dma_start3A_890, %dma_start3A_891] : memref<10x2x64x64xf32, #tpu.memory_space<vmem>> -> memref<1x1x64x64xf32, #tpu.memory_space<vmem>>
      %dma_start3A_893 = tpu.memref_squeeze %dma_start3A_892 : memref<1x1x64x64xf32, #tpu.memory_space<vmem>> -> memref<64x64xf32, #tpu.memory_space<vmem>>
      tpu.enqueue_dma source(%dma_start3A_893 : memref<64x64xf32, #tpu.memory_space<vmem>>) target(%dma_start3A_889 : memref<64x64xf32, #tpu.memory_space<hbm>>) target_semaphore(%dma_start3A_887 : memref<!tpu.dma_semaphore, #tpu.memory_space<semaphore_mem>>)
      %add3A_894 = arith.constant 5 : i32
      %add3A_895 = arith.addi %add3A_776, %add3A_894 : i32
      %ge3A_896 = arith.constant 10 : i32
      %ge3A_897 = arith.cmpi sge, %add3A_895, %ge3A_896 : i32
      %convert_element_type3A_898 = arith.extui %ge3A_897 : i1 to i32
      %cond3A_899 = arith.constant 0 : i32
      %cond3A_900 = arith.cmpi ne, %convert_element_type3A_898, %cond3A_899 : i32
      scf.if %cond3A_900 {
        %sub3A_1704 = arith.constant 10 : i32
        %sub3A_1705 = arith.subi %add3A_895, %sub3A_1704 : i32
        %jit3A_1706 = arith.constant 4 : i32
        %div3A_1707 = arith.divsi %sub3A_1705, %jit3A_1706 : i32
        %sign3A_1708 = arith.constant 0 : i32
        %sign3A_1709 = arith.cmpi sgt, %sub3A_1705, %sign3A_1708 : i32
        %sign3A_1710 = arith.extui %sign3A_1709 : i1 to i32
        %sign3A_1711 = arith.constant 0 : i32
        %sign3A_1712 = arith.cmpi slt, %sub3A_1705, %sign3A_1711 : i32
        %sign3A_1713 = arith.extui %sign3A_1712 : i1 to i32
        %sign3A_1714 = arith.subi %sign3A_1710, %sign3A_1713 : i32
        %sign3A_1715 = arith.constant 0 : i32
        %sign3A_1716 = arith.cmpi sgt, %jit3A_1706, %sign3A_1715 : i32
        %sign3A_1717 = arith.extui %sign3A_1716 : i1 to i32
        %sign3A_1718 = arith.constant 0 : i32
        %sign3A_1719 = arith.cmpi slt, %jit3A_1706, %sign3A_1718 : i32
        %sign3A_1720 = arith.extui %sign3A_1719 : i1 to i32
        %sign3A_1721 = arith.subi %sign3A_1717, %sign3A_1720 : i32
        %ne3A_1722 = arith.cmpi ne, %sign3A_1714, %sign3A_1721 : i32
        %rem3A_1723 = arith.remsi %sub3A_1705, %jit3A_1706 : i32
        %ne3A_1724 = arith.constant 0 : i32
        %ne3A_1725 = arith.cmpi ne, %rem3A_1723, %ne3A_1724 : i32
        %and3A_1726 = arith.andi %ne3A_1722, %ne3A_1725 : i1
        %sub3A_1727 = arith.constant 1 : i32
        %sub3A_1728 = arith.subi %div3A_1707, %sub3A_1727 : i32
        %select_n3A_1729 = arith.select %and3A_1726, %sub3A_1728, %div3A_1707 : i32
        %mul3A_1730 = arith.constant 4 : i32
        %mul3A_1731 = arith.muli %add3A, %mul3A_1730 : i32
        %jit3A_1732 = arith.constant 4 : i32
        %eq3A_1733 = arith.constant 0 : i32
        %eq3A_1734 = arith.cmpi eq, %jit3A_1732, %eq3A_1733 : i32
        %jit3A_1735 = arith.constant 1 : i32
        %select_n3A_1736 = arith.select %eq3A_1734, %jit3A_1735, %jit3A_1732 : i32
        %rem3A_1737 = arith.remsi %sub3A_1705, %select_n3A_1736 : i32
        %ne3A_1738 = arith.constant 0 : i32
        %ne3A_1739 = arith.cmpi ne, %rem3A_1737, %ne3A_1738 : i32
        %lt3A_1740 = arith.constant 0 : i32
        %lt3A_1741 = arith.cmpi slt, %rem3A_1737, %lt3A_1740 : i32
        %lt3A_1742 = arith.constant 0 : i32
        %lt3A_1743 = arith.cmpi slt, %select_n3A_1736, %lt3A_1742 : i32
        %ne3A_1744 = arith.xori %lt3A_1741, %lt3A_1743 : i1
        %and3A_1745 = arith.andi %ne3A_1744, %ne3A_1739 : i1
        %add3A_1746 = arith.addi %rem3A_1737, %select_n3A_1736 : i32
        %select_n3A_1747 = arith.select %and3A_1745, %add3A_1746, %rem3A_1737 : i32
        %add3A_1748 = arith.addi %mul3A_1731, %select_n3A_1747 : i32
        %mul3A_1749 = arith.constant 64 : i32
        %mul3A_1750 = arith.muli %add3A_1748, %mul3A_1749 : i32
        %mul3A_1751 = arith.constant 8192 : i32
        %mul3A_1752 = arith.muli %select_n3A_1729, %mul3A_1751 : i32
        %add3A_1753 = arith.addi %mul3A_1752, %mul3A_1750 : i32
        %dma_wait3A_1754 = arith.constant 8 : i32
        %dma_wait3A_1755 = arith.constant 0 : i32
        %dma_wait3A_1756 = arith.constant 8 : i32
        %dma_wait3A_1757 = arith.constant 0 : i32
        %dma_wait3A_1758 = arith.constant 0 : i32
        %dma_wait3A_1759 = tpu.memref_slice %arg6[%dma_wait3A_1754, %dma_wait3A_1755, %dma_wait3A_1757, %dma_wait3A_1758] : memref<10x2x64x64xf32, #tpu.memory_space<vmem>> -> memref<1x1x64x64xf32, #tpu.memory_space<vmem>>
        %dma_wait3A_1760 = tpu.memref_squeeze %dma_wait3A_1759 : memref<1x1x64x64xf32, #tpu.memory_space<vmem>> -> memref<64x64xf32, #tpu.memory_space<vmem>>
        %dma_wait3A_1761 = arith.constant 0 : i32
        %dma_wait3A_1762 = tpu.memref_slice %arg4[%add3A_1753, %dma_wait3A_1761] : memref<409600x128xf32, #tpu.memory_space<hbm>> -> memref<64x64xf32, #tpu.memory_space<hbm>>
        %dma_wait3A_1763 = tpu.memref_slice %arg8[%dma_wait3A_1756] : memref<10x!tpu.dma_semaphore, #tpu.memory_space<semaphore_mem>> -> memref<1x!tpu.dma_semaphore, #tpu.memory_space<semaphore_mem>>
        %dma_wait3A_1764 = tpu.memref_squeeze %dma_wait3A_1763 : memref<1x!tpu.dma_semaphore, #tpu.memory_space<semaphore_mem>> -> memref<!tpu.dma_semaphore, #tpu.memory_space<semaphore_mem>>
        %dma_wait3A_1765 = arith.constant 0 : i32
        %dma_wait3A_1766 = tpu.memref_slice %arg4[%add3A_1753, %dma_wait3A_1765] : memref<409600x128xf32, #tpu.memory_space<hbm>> -> memref<64x64xf32, #tpu.memory_space<hbm>>
        %dma_wait3A_1767 = arith.constant 0 : i32
        %dma_wait3A_1768 = arith.constant 0 : i32
        %dma_wait3A_1769 = tpu.memref_slice %arg6[%dma_wait3A_1754, %dma_wait3A_1755, %dma_wait3A_1767, %dma_wait3A_1768] : memref<10x2x64x64xf32, #tpu.memory_space<vmem>> -> memref<1x1x64x64xf32, #tpu.memory_space<vmem>>
        %dma_wait3A_1770 = tpu.memref_squeeze %dma_wait3A_1769 : memref<1x1x64x64xf32, #tpu.memory_space<vmem>> -> memref<64x64xf32, #tpu.memory_space<vmem>>
        tpu.wait_dma2 semaphore(%dma_wait3A_1764 : memref<!tpu.dma_semaphore, #tpu.memory_space<semaphore_mem>>) src(%dma_wait3A_1770 : memref<64x64xf32, #tpu.memory_space<vmem>>) dst(%dma_wait3A_1766 : memref<64x64xf32, #tpu.memory_space<hbm>>)
        %mul3A_1771 = arith.constant 8192 : i32
        %mul3A_1772 = arith.muli %select_n3A_1729, %mul3A_1771 : i32
        %add3A_1773 = arith.addi %mul3A_1772, %mul3A_1750 : i32
        %dma_wait3A_1774 = arith.constant 8 : i32
        %dma_wait3A_1775 = arith.constant 1 : i32
        %dma_wait3A_1776 = arith.constant 8 : i32
        %dma_wait3A_1777 = arith.constant 0 : i32
        %dma_wait3A_1778 = arith.constant 0 : i32
        %dma_wait3A_1779 = tpu.memref_slice %arg6[%dma_wait3A_1774, %dma_wait3A_1775, %dma_wait3A_1777, %dma_wait3A_1778] : memref<10x2x64x64xf32, #tpu.memory_space<vmem>> -> memref<1x1x64x64xf32, #tpu.memory_space<vmem>>
        %dma_wait3A_1780 = tpu.memref_squeeze %dma_wait3A_1779 : memref<1x1x64x64xf32, #tpu.memory_space<vmem>> -> memref<64x64xf32, #tpu.memory_space<vmem>>
        %dma_wait3A_1781 = arith.constant 64 : i32
        %dma_wait3A_1782 = tpu.memref_slice %arg4[%add3A_1773, %dma_wait3A_1781] : memref<409600x128xf32, #tpu.memory_space<hbm>> -> memref<64x64xf32, #tpu.memory_space<hbm>>
        %dma_wait3A_1783 = tpu.memref_slice %arg8[%dma_wait3A_1776] : memref<10x!tpu.dma_semaphore, #tpu.memory_space<semaphore_mem>> -> memref<1x!tpu.dma_semaphore, #tpu.memory_space<semaphore_mem>>
        %dma_wait3A_1784 = tpu.memref_squeeze %dma_wait3A_1783 : memref<1x!tpu.dma_semaphore, #tpu.memory_space<semaphore_mem>> -> memref<!tpu.dma_semaphore, #tpu.memory_space<semaphore_mem>>
        %dma_wait3A_1785 = arith.constant 64 : i32
        %dma_wait3A_1786 = tpu.memref_slice %arg4[%add3A_1773, %dma_wait3A_1785] : memref<409600x128xf32, #tpu.memory_space<hbm>> -> memref<64x64xf32, #tpu.memory_space<hbm>>
        %dma_wait3A_1787 = arith.constant 0 : i32
        %dma_wait3A_1788 = arith.constant 0 : i32
        %dma_wait3A_1789 = tpu.memref_slice %arg6[%dma_wait3A_1774, %dma_wait3A_1775, %dma_wait3A_1787, %dma_wait3A_1788] : memref<10x2x64x64xf32, #tpu.memory_space<vmem>> -> memref<1x1x64x64xf32, #tpu.memory_space<vmem>>
        %dma_wait3A_1790 = tpu.memref_squeeze %dma_wait3A_1789 : memref<1x1x64x64xf32, #tpu.memory_space<vmem>> -> memref<64x64xf32, #tpu.memory_space<vmem>>
        tpu.wait_dma2 semaphore(%dma_wait3A_1784 : memref<!tpu.dma_semaphore, #tpu.memory_space<semaphore_mem>>) src(%dma_wait3A_1790 : memref<64x64xf32, #tpu.memory_space<vmem>>) dst(%dma_wait3A_1786 : memref<64x64xf32, #tpu.memory_space<hbm>>)
      } else {
      }
      %lt3A_901 = arith.constant 200 : i32
      %lt3A_902 = arith.cmpi slt, %add3A_895, %lt3A_901 : i32
      %convert_element_type3A_903 = arith.extui %lt3A_902 : i1 to i32
      %cond3A_904 = arith.constant 0 : i32
      %cond3A_905 = arith.cmpi ne, %convert_element_type3A_903, %cond3A_904 : i32
      scf.if %cond3A_905 {
        %jit3A_1704 = arith.constant 4 : i32
        %div3A_1705 = arith.divsi %add3A_895, %jit3A_1704 : i32
        %sign3A_1706 = arith.constant 0 : i32
        %sign3A_1707 = arith.cmpi sgt, %add3A_895, %sign3A_1706 : i32
        %sign3A_1708 = arith.extui %sign3A_1707 : i1 to i32
        %sign3A_1709 = arith.constant 0 : i32
        %sign3A_1710 = arith.cmpi slt, %add3A_895, %sign3A_1709 : i32
        %sign3A_1711 = arith.extui %sign3A_1710 : i1 to i32
        %sign3A_1712 = arith.subi %sign3A_1708, %sign3A_1711 : i32
        %sign3A_1713 = arith.constant 0 : i32
        %sign3A_1714 = arith.cmpi sgt, %jit3A_1704, %sign3A_1713 : i32
        %sign3A_1715 = arith.extui %sign3A_1714 : i1 to i32
        %sign3A_1716 = arith.constant 0 : i32
        %sign3A_1717 = arith.cmpi slt, %jit3A_1704, %sign3A_1716 : i32
        %sign3A_1718 = arith.extui %sign3A_1717 : i1 to i32
        %sign3A_1719 = arith.subi %sign3A_1715, %sign3A_1718 : i32
        %ne3A_1720 = arith.cmpi ne, %sign3A_1712, %sign3A_1719 : i32
        %rem3A_1721 = arith.remsi %add3A_895, %jit3A_1704 : i32
        %ne3A_1722 = arith.constant 0 : i32
        %ne3A_1723 = arith.cmpi ne, %rem3A_1721, %ne3A_1722 : i32
        %and3A_1724 = arith.andi %ne3A_1720, %ne3A_1723 : i1
        %sub3A_1725 = arith.constant 1 : i32
        %sub3A_1726 = arith.subi %div3A_1705, %sub3A_1725 : i32
        %select_n3A_1727 = arith.select %and3A_1724, %sub3A_1726, %div3A_1705 : i32
        %jit3A_1728 = arith.constant 4 : i32
        %eq3A_1729 = arith.constant 0 : i32
        %eq3A_1730 = arith.cmpi eq, %jit3A_1728, %eq3A_1729 : i32
        %jit3A_1731 = arith.constant 1 : i32
        %select_n3A_1732 = arith.select %eq3A_1730, %jit3A_1731, %jit3A_1728 : i32
        %rem3A_1733 = arith.remsi %add3A_895, %select_n3A_1732 : i32
        %ne3A_1734 = arith.constant 0 : i32
        %ne3A_1735 = arith.cmpi ne, %rem3A_1733, %ne3A_1734 : i32
        %lt3A_1736 = arith.constant 0 : i32
        %lt3A_1737 = arith.cmpi slt, %rem3A_1733, %lt3A_1736 : i32
        %lt3A_1738 = arith.constant 0 : i32
        %lt3A_1739 = arith.cmpi slt, %select_n3A_1732, %lt3A_1738 : i32
        %ne3A_1740 = arith.xori %lt3A_1737, %lt3A_1739 : i1
        %and3A_1741 = arith.andi %ne3A_1740, %ne3A_1735 : i1
        %add3A_1742 = arith.addi %rem3A_1733, %select_n3A_1732 : i32
        %select_n3A_1743 = arith.select %and3A_1741, %add3A_1742, %rem3A_1733 : i32
        %mul3A_1744 = arith.constant 128 : i32
        %mul3A_1745 = arith.muli %select_n3A_1743, %mul3A_1744 : i32
        %add3A_1746 = arith.constant 0 : i32
        %add3A_1747 = arith.addi %mul3A_1745, %add3A_1746 : i32
        %dma_start3A_1748 = arith.constant 8 : i32
        %dma_start3A_1749 = arith.constant 0 : i32
        %dma_start3A_1750 = arith.constant 8 : i32
        %dma_start3A_1751 = arith.constant 0 : i32
        %dma_start3A_1752 = arith.constant 0 : i32
        %dma_start3A_1753 = tpu.memref_slice %arg6[%dma_start3A_1748, %dma_start3A_1749, %dma_start3A_1751, %dma_start3A_1752] : memref<10x2x64x64xf32, #tpu.memory_space<vmem>> -> memref<1x1x64x64xf32, #tpu.memory_space<vmem>>
        %dma_start3A_1754 = tpu.memref_squeeze %dma_start3A_1753 : memref<1x1x64x64xf32, #tpu.memory_space<vmem>> -> memref<64x64xf32, #tpu.memory_space<vmem>>
        %dma_start3A_1755 = tpu.memref_slice %arg5[%select_n3A_1727, %add3A_1747] : memref<50x512xi32, #tpu.memory_space<vmem>> -> memref<1x64xi32, #tpu.memory_space<vmem>>
        %dma_start3A_1756 = tpu.memref_squeeze %dma_start3A_1755 : memref<1x64xi32, #tpu.memory_space<vmem>> -> memref<64xi32, #tpu.memory_space<vmem>>
        %dma_start3A_1757 = arith.constant 0 : i32
        %dma_start3A_1758 = arith.constant 0 : i32
        %dma_start3A_1759 = tpu.memref_slice %arg3[%dma_start3A_1757, %dma_start3A_1758] : memref<1000000x64xf32, #tpu.memory_space<hbm>> -> memref<1000000x64xf32, #tpu.memory_space<hbm>>
        %dma_start3A_1760 = tpu.memref_slice %arg7[%dma_start3A_1750] : memref<10x!tpu.dma_semaphore, #tpu.memory_space<semaphore_mem>> -> memref<1x!tpu.dma_semaphore, #tpu.memory_space<semaphore_mem>>
        %dma_start3A_1761 = tpu.memref_squeeze %dma_start3A_1760 : memref<1x!tpu.dma_semaphore, #tpu.memory_space<semaphore_mem>> -> memref<!tpu.dma_semaphore, #tpu.memory_space<semaphore_mem>>
        tpu.enqueue_indirect_dma source(%dma_start3A_1759 : memref<1000000x64xf32, #tpu.memory_space<hbm>>) target(%dma_start3A_1754 : memref<64x64xf32, #tpu.memory_space<vmem>>) offsets(%dma_start3A_1756 : memref<64xi32, #tpu.memory_space<vmem>>) semaphore(%dma_start3A_1761 : memref<!tpu.dma_semaphore, #tpu.memory_space<semaphore_mem>>)
        %mul3A_1762 = arith.constant 128 : i32
        %mul3A_1763 = arith.muli %select_n3A_1743, %mul3A_1762 : i32
        %add3A_1764 = arith.constant 64 : i32
        %add3A_1765 = arith.addi %mul3A_1763, %add3A_1764 : i32
        %dma_start3A_1766 = arith.constant 8 : i32
        %dma_start3A_1767 = arith.constant 1 : i32
        %dma_start3A_1768 = arith.constant 8 : i32
        %dma_start3A_1769 = arith.constant 0 : i32
        %dma_start3A_1770 = arith.constant 0 : i32
        %dma_start3A_1771 = tpu.memref_slice %arg6[%dma_start3A_1766, %dma_start3A_1767, %dma_start3A_1769, %dma_start3A_1770] : memref<10x2x64x64xf32, #tpu.memory_space<vmem>> -> memref<1x1x64x64xf32, #tpu.memory_space<vmem>>
        %dma_start3A_1772 = tpu.memref_squeeze %dma_start3A_1771 : memref<1x1x64x64xf32, #tpu.memory_space<vmem>> -> memref<64x64xf32, #tpu.memory_space<vmem>>
        %dma_start3A_1773 = tpu.memref_slice %arg5[%select_n3A_1727, %add3A_1765] : memref<50x512xi32, #tpu.memory_space<vmem>> -> memref<1x64xi32, #tpu.memory_space<vmem>>
        %dma_start3A_1774 = tpu.memref_squeeze %dma_start3A_1773 : memref<1x64xi32, #tpu.memory_space<vmem>> -> memref<64xi32, #tpu.memory_space<vmem>>
        %dma_start3A_1775 = arith.constant 0 : i32
        %dma_start3A_1776 = arith.constant 0 : i32
        %dma_start3A_1777 = tpu.memref_slice %arg3[%dma_start3A_1775, %dma_start3A_1776] : memref<1000000x64xf32, #tpu.memory_space<hbm>> -> memref<1000000x64xf32, #tpu.memory_space<hbm>>
        %dma_start3A_1778 = tpu.memref_slice %arg7[%dma_start3A_1768] : memref<10x!tpu.dma_semaphore, #tpu.memory_space<semaphore_mem>> -> memref<1x!tpu.dma_semaphore, #tpu.memory_space<semaphore_mem>>
        %dma_start3A_1779 = tpu.memref_squeeze %dma_start3A_1778 : memref<1x!tpu.dma_semaphore, #tpu.memory_space<semaphore_mem>> -> memref<!tpu.dma_semaphore, #tpu.memory_space<semaphore_mem>>
        tpu.enqueue_indirect_dma source(%dma_start3A_1777 : memref<1000000x64xf32, #tpu.memory_space<hbm>>) target(%dma_start3A_1772 : memref<64x64xf32, #tpu.memory_space<vmem>>) offsets(%dma_start3A_1774 : memref<64xi32, #tpu.memory_space<vmem>>) semaphore(%dma_start3A_1779 : memref<!tpu.dma_semaphore, #tpu.memory_space<semaphore_mem>>)
      } else {
      }
      %mul3A_906 = arith.constant 10 : i32
      %mul3A_907 = arith.muli %scan3A_386, %mul3A_906 : i32
      %add3A_908 = arith.constant 4 : i32
      %add3A_909 = arith.addi %mul3A_907, %add3A_908 : i32
      %dma_wait3A_910 = arith.constant 0 : i32
      %dma_wait3A_911 = arith.constant 4 : i32
      %dma_wait3A_912 = arith.constant 0 : i32
      %dma_wait3A_913 = arith.constant 4 : i32
      %dma_wait3A_914 = arith.constant 0 : i32
      %dma_wait3A_915 = arith.constant 0 : i32
      %dma_wait3A_916 = tpu.memref_slice %arg6[%dma_wait3A_911, %dma_wait3A_912, %dma_wait3A_914, %dma_wait3A_915] : memref<10x2x64x64xf32, #tpu.memory_space<vmem>> -> memref<1x1x64x64xf32, #tpu.memory_space<vmem>>
      %dma_wait3A_917 = tpu.memref_squeeze %dma_wait3A_916 : memref<1x1x64x64xf32, #tpu.memory_space<vmem>> -> memref<64x64xf32, #tpu.memory_space<vmem>>
      %dma_wait3A_918 = arith.constant 0 : i32
      %dma_wait3A_919 = tpu.memref_slice %arg5[%dma_wait3A_910, %dma_wait3A_918] : memref<50x512xi32, #tpu.memory_space<vmem>> -> memref<1x64xi32, #tpu.memory_space<vmem>>
      %dma_wait3A_920 = tpu.memref_squeeze %dma_wait3A_919 : memref<1x64xi32, #tpu.memory_space<vmem>> -> memref<64xi32, #tpu.memory_space<vmem>>
      %dma_wait3A_921 = arith.constant 0 : i32
      %dma_wait3A_922 = arith.constant 0 : i32
      %dma_wait3A_923 = tpu.memref_slice %arg3[%dma_wait3A_921, %dma_wait3A_922] : memref<1000000x64xf32, #tpu.memory_space<hbm>> -> memref<1000000x64xf32, #tpu.memory_space<hbm>>
      %dma_wait3A_924 = tpu.memref_slice %arg7[%dma_wait3A_913] : memref<10x!tpu.dma_semaphore, #tpu.memory_space<semaphore_mem>> -> memref<1x!tpu.dma_semaphore, #tpu.memory_space<semaphore_mem>>
      %dma_wait3A_925 = tpu.memref_squeeze %dma_wait3A_924 : memref<1x!tpu.dma_semaphore, #tpu.memory_space<semaphore_mem>> -> memref<!tpu.dma_semaphore, #tpu.memory_space<semaphore_mem>>
      tpu.wait_indirect_dma semaphore(%dma_wait3A_925 : memref<!tpu.dma_semaphore, #tpu.memory_space<semaphore_mem>>) src(%dma_wait3A_923 : memref<1000000x64xf32, #tpu.memory_space<hbm>>) dst(%dma_wait3A_917 : memref<64x64xf32, #tpu.memory_space<vmem>>)
      %dma_wait3A_926 = arith.constant 0 : i32
      %dma_wait3A_927 = arith.constant 4 : i32
      %dma_wait3A_928 = arith.constant 1 : i32
      %dma_wait3A_929 = arith.constant 4 : i32
      %dma_wait3A_930 = arith.constant 0 : i32
      %dma_wait3A_931 = arith.constant 0 : i32
      %dma_wait3A_932 = tpu.memref_slice %arg6[%dma_wait3A_927, %dma_wait3A_928, %dma_wait3A_930, %dma_wait3A_931] : memref<10x2x64x64xf32, #tpu.memory_space<vmem>> -> memref<1x1x64x64xf32, #tpu.memory_space<vmem>>
      %dma_wait3A_933 = tpu.memref_squeeze %dma_wait3A_932 : memref<1x1x64x64xf32, #tpu.memory_space<vmem>> -> memref<64x64xf32, #tpu.memory_space<vmem>>
      %dma_wait3A_934 = arith.constant 0 : i32
      %dma_wait3A_935 = tpu.memref_slice %arg5[%dma_wait3A_926, %dma_wait3A_934] : memref<50x512xi32, #tpu.memory_space<vmem>> -> memref<1x64xi32, #tpu.memory_space<vmem>>
      %dma_wait3A_936 = tpu.memref_squeeze %dma_wait3A_935 : memref<1x64xi32, #tpu.memory_space<vmem>> -> memref<64xi32, #tpu.memory_space<vmem>>
      %dma_wait3A_937 = arith.constant 0 : i32
      %dma_wait3A_938 = arith.constant 0 : i32
      %dma_wait3A_939 = tpu.memref_slice %arg3[%dma_wait3A_937, %dma_wait3A_938] : memref<1000000x64xf32, #tpu.memory_space<hbm>> -> memref<1000000x64xf32, #tpu.memory_space<hbm>>
      %dma_wait3A_940 = tpu.memref_slice %arg7[%dma_wait3A_929] : memref<10x!tpu.dma_semaphore, #tpu.memory_space<semaphore_mem>> -> memref<1x!tpu.dma_semaphore, #tpu.memory_space<semaphore_mem>>
      %dma_wait3A_941 = tpu.memref_squeeze %dma_wait3A_940 : memref<1x!tpu.dma_semaphore, #tpu.memory_space<semaphore_mem>> -> memref<!tpu.dma_semaphore, #tpu.memory_space<semaphore_mem>>
      tpu.wait_indirect_dma semaphore(%dma_wait3A_941 : memref<!tpu.dma_semaphore, #tpu.memory_space<semaphore_mem>>) src(%dma_wait3A_939 : memref<1000000x64xf32, #tpu.memory_space<hbm>>) dst(%dma_wait3A_933 : memref<64x64xf32, #tpu.memory_space<vmem>>)
      %jit3A_942 = arith.constant 4 : i32
      %div3A_943 = arith.divsi %add3A_909, %jit3A_942 : i32
      %sign3A_944 = arith.constant 0 : i32
      %sign3A_945 = arith.cmpi sgt, %add3A_909, %sign3A_944 : i32
      %sign3A_946 = arith.extui %sign3A_945 : i1 to i32
      %sign3A_947 = arith.constant 0 : i32
      %sign3A_948 = arith.cmpi slt, %add3A_909, %sign3A_947 : i32
      %sign3A_949 = arith.extui %sign3A_948 : i1 to i32
      %sign3A_950 = arith.subi %sign3A_946, %sign3A_949 : i32
      %sign3A_951 = arith.constant 0 : i32
      %sign3A_952 = arith.cmpi sgt, %jit3A_942, %sign3A_951 : i32
      %sign3A_953 = arith.extui %sign3A_952 : i1 to i32
      %sign3A_954 = arith.constant 0 : i32
      %sign3A_955 = arith.cmpi slt, %jit3A_942, %sign3A_954 : i32
      %sign3A_956 = arith.extui %sign3A_955 : i1 to i32
      %sign3A_957 = arith.subi %sign3A_953, %sign3A_956 : i32
      %ne3A_958 = arith.cmpi ne, %sign3A_950, %sign3A_957 : i32
      %rem3A_959 = arith.remsi %add3A_909, %jit3A_942 : i32
      %ne3A_960 = arith.constant 0 : i32
      %ne3A_961 = arith.cmpi ne, %rem3A_959, %ne3A_960 : i32
      %and3A_962 = arith.andi %ne3A_958, %ne3A_961 : i1
      %sub3A_963 = arith.constant 1 : i32
      %sub3A_964 = arith.subi %div3A_943, %sub3A_963 : i32
      %select_n3A_965 = arith.select %and3A_962, %sub3A_964, %div3A_943 : i32
      %mul3A_966 = arith.constant 4 : i32
      %mul3A_967 = arith.muli %add3A, %mul3A_966 : i32
      %jit3A_968 = arith.constant 4 : i32
      %eq3A_969 = arith.constant 0 : i32
      %eq3A_970 = arith.cmpi eq, %jit3A_968, %eq3A_969 : i32
      %jit3A_971 = arith.constant 1 : i32
      %select_n3A_972 = arith.select %eq3A_970, %jit3A_971, %jit3A_968 : i32
      %rem3A_973 = arith.remsi %add3A_909, %select_n3A_972 : i32
      %ne3A_974 = arith.constant 0 : i32
      %ne3A_975 = arith.cmpi ne, %rem3A_973, %ne3A_974 : i32
      %lt3A_976 = arith.constant 0 : i32
      %lt3A_977 = arith.cmpi slt, %rem3A_973, %lt3A_976 : i32
      %lt3A_978 = arith.constant 0 : i32
      %lt3A_979 = arith.cmpi slt, %select_n3A_972, %lt3A_978 : i32
      %ne3A_980 = arith.xori %lt3A_977, %lt3A_979 : i1
      %and3A_981 = arith.andi %ne3A_980, %ne3A_975 : i1
      %add3A_982 = arith.addi %rem3A_973, %select_n3A_972 : i32
      %select_n3A_983 = arith.select %and3A_981, %add3A_982, %rem3A_973 : i32
      %add3A_984 = arith.addi %mul3A_967, %select_n3A_983 : i32
      %mul3A_985 = arith.constant 64 : i32
      %mul3A_986 = arith.muli %add3A_984, %mul3A_985 : i32
      %mul3A_987 = arith.constant 8192 : i32
      %mul3A_988 = arith.muli %select_n3A_965, %mul3A_987 : i32
      %add3A_989 = arith.addi %mul3A_988, %mul3A_986 : i32
      %dma_start3A_990 = arith.constant 4 : i32
      %dma_start3A_991 = arith.constant 0 : i32
      %dma_start3A_992 = arith.constant 4 : i32
      %dma_start3A_993 = arith.constant 0 : i32
      %dma_start3A_994 = arith.constant 0 : i32
      %dma_start3A_995 = tpu.memref_slice %arg6[%dma_start3A_990, %dma_start3A_991, %dma_start3A_993, %dma_start3A_994] : memref<10x2x64x64xf32, #tpu.memory_space<vmem>> -> memref<1x1x64x64xf32, #tpu.memory_space<vmem>>
      %dma_start3A_996 = tpu.memref_squeeze %dma_start3A_995 : memref<1x1x64x64xf32, #tpu.memory_space<vmem>> -> memref<64x64xf32, #tpu.memory_space<vmem>>
      %dma_start3A_997 = arith.constant 0 : i32
      %dma_start3A_998 = tpu.memref_slice %arg4[%add3A_989, %dma_start3A_997] : memref<409600x128xf32, #tpu.memory_space<hbm>> -> memref<64x64xf32, #tpu.memory_space<hbm>>
      %dma_start3A_999 = tpu.memref_slice %arg8[%dma_start3A_992] : memref<10x!tpu.dma_semaphore, #tpu.memory_space<semaphore_mem>> -> memref<1x!tpu.dma_semaphore, #tpu.memory_space<semaphore_mem>>
      %dma_start3A_1000 = tpu.memref_squeeze %dma_start3A_999 : memref<1x!tpu.dma_semaphore, #tpu.memory_space<semaphore_mem>> -> memref<!tpu.dma_semaphore, #tpu.memory_space<semaphore_mem>>
      %dma_start3A_1001 = arith.constant 0 : i32
      %dma_start3A_1002 = tpu.memref_slice %arg4[%add3A_989, %dma_start3A_1001] : memref<409600x128xf32, #tpu.memory_space<hbm>> -> memref<64x64xf32, #tpu.memory_space<hbm>>
      %dma_start3A_1003 = arith.constant 0 : i32
      %dma_start3A_1004 = arith.constant 0 : i32
      %dma_start3A_1005 = tpu.memref_slice %arg6[%dma_start3A_990, %dma_start3A_991, %dma_start3A_1003, %dma_start3A_1004] : memref<10x2x64x64xf32, #tpu.memory_space<vmem>> -> memref<1x1x64x64xf32, #tpu.memory_space<vmem>>
      %dma_start3A_1006 = tpu.memref_squeeze %dma_start3A_1005 : memref<1x1x64x64xf32, #tpu.memory_space<vmem>> -> memref<64x64xf32, #tpu.memory_space<vmem>>
      tpu.enqueue_dma source(%dma_start3A_1006 : memref<64x64xf32, #tpu.memory_space<vmem>>) target(%dma_start3A_1002 : memref<64x64xf32, #tpu.memory_space<hbm>>) target_semaphore(%dma_start3A_1000 : memref<!tpu.dma_semaphore, #tpu.memory_space<semaphore_mem>>)
      %mul3A_1007 = arith.constant 8192 : i32
      %mul3A_1008 = arith.muli %select_n3A_965, %mul3A_1007 : i32
      %add3A_1009 = arith.addi %mul3A_1008, %mul3A_986 : i32
      %dma_start3A_1010 = arith.constant 4 : i32
      %dma_start3A_1011 = arith.constant 1 : i32
      %dma_start3A_1012 = arith.constant 4 : i32
      %dma_start3A_1013 = arith.constant 0 : i32
      %dma_start3A_1014 = arith.constant 0 : i32
      %dma_start3A_1015 = tpu.memref_slice %arg6[%dma_start3A_1010, %dma_start3A_1011, %dma_start3A_1013, %dma_start3A_1014] : memref<10x2x64x64xf32, #tpu.memory_space<vmem>> -> memref<1x1x64x64xf32, #tpu.memory_space<vmem>>
      %dma_start3A_1016 = tpu.memref_squeeze %dma_start3A_1015 : memref<1x1x64x64xf32, #tpu.memory_space<vmem>> -> memref<64x64xf32, #tpu.memory_space<vmem>>
      %dma_start3A_1017 = arith.constant 64 : i32
      %dma_start3A_1018 = tpu.memref_slice %arg4[%add3A_1009, %dma_start3A_1017] : memref<409600x128xf32, #tpu.memory_space<hbm>> -> memref<64x64xf32, #tpu.memory_space<hbm>>
      %dma_start3A_1019 = tpu.memref_slice %arg8[%dma_start3A_1012] : memref<10x!tpu.dma_semaphore, #tpu.memory_space<semaphore_mem>> -> memref<1x!tpu.dma_semaphore, #tpu.memory_space<semaphore_mem>>
      %dma_start3A_1020 = tpu.memref_squeeze %dma_start3A_1019 : memref<1x!tpu.dma_semaphore, #tpu.memory_space<semaphore_mem>> -> memref<!tpu.dma_semaphore, #tpu.memory_space<semaphore_mem>>
      %dma_start3A_1021 = arith.constant 64 : i32
      %dma_start3A_1022 = tpu.memref_slice %arg4[%add3A_1009, %dma_start3A_1021] : memref<409600x128xf32, #tpu.memory_space<hbm>> -> memref<64x64xf32, #tpu.memory_space<hbm>>
      %dma_start3A_1023 = arith.constant 0 : i32
      %dma_start3A_1024 = arith.constant 0 : i32
      %dma_start3A_1025 = tpu.memref_slice %arg6[%dma_start3A_1010, %dma_start3A_1011, %dma_start3A_1023, %dma_start3A_1024] : memref<10x2x64x64xf32, #tpu.memory_space<vmem>> -> memref<1x1x64x64xf32, #tpu.memory_space<vmem>>
      %dma_start3A_1026 = tpu.memref_squeeze %dma_start3A_1025 : memref<1x1x64x64xf32, #tpu.memory_space<vmem>> -> memref<64x64xf32, #tpu.memory_space<vmem>>
      tpu.enqueue_dma source(%dma_start3A_1026 : memref<64x64xf32, #tpu.memory_space<vmem>>) target(%dma_start3A_1022 : memref<64x64xf32, #tpu.memory_space<hbm>>) target_semaphore(%dma_start3A_1020 : memref<!tpu.dma_semaphore, #tpu.memory_space<semaphore_mem>>)
      %add3A_1027 = arith.constant 5 : i32
      %add3A_1028 = arith.addi %add3A_909, %add3A_1027 : i32
      %ge3A_1029 = arith.constant 10 : i32
      %ge3A_1030 = arith.cmpi sge, %add3A_1028, %ge3A_1029 : i32
      %convert_element_type3A_1031 = arith.extui %ge3A_1030 : i1 to i32
      %cond3A_1032 = arith.constant 0 : i32
      %cond3A_1033 = arith.cmpi ne, %convert_element_type3A_1031, %cond3A_1032 : i32
      scf.if %cond3A_1033 {
        %sub3A_1704 = arith.constant 10 : i32
        %sub3A_1705 = arith.subi %add3A_1028, %sub3A_1704 : i32
        %jit3A_1706 = arith.constant 4 : i32
        %div3A_1707 = arith.divsi %sub3A_1705, %jit3A_1706 : i32
        %sign3A_1708 = arith.constant 0 : i32
        %sign3A_1709 = arith.cmpi sgt, %sub3A_1705, %sign3A_1708 : i32
        %sign3A_1710 = arith.extui %sign3A_1709 : i1 to i32
        %sign3A_1711 = arith.constant 0 : i32
        %sign3A_1712 = arith.cmpi slt, %sub3A_1705, %sign3A_1711 : i32
        %sign3A_1713 = arith.extui %sign3A_1712 : i1 to i32
        %sign3A_1714 = arith.subi %sign3A_1710, %sign3A_1713 : i32
        %sign3A_1715 = arith.constant 0 : i32
        %sign3A_1716 = arith.cmpi sgt, %jit3A_1706, %sign3A_1715 : i32
        %sign3A_1717 = arith.extui %sign3A_1716 : i1 to i32
        %sign3A_1718 = arith.constant 0 : i32
        %sign3A_1719 = arith.cmpi slt, %jit3A_1706, %sign3A_1718 : i32
        %sign3A_1720 = arith.extui %sign3A_1719 : i1 to i32
        %sign3A_1721 = arith.subi %sign3A_1717, %sign3A_1720 : i32
        %ne3A_1722 = arith.cmpi ne, %sign3A_1714, %sign3A_1721 : i32
        %rem3A_1723 = arith.remsi %sub3A_1705, %jit3A_1706 : i32
        %ne3A_1724 = arith.constant 0 : i32
        %ne3A_1725 = arith.cmpi ne, %rem3A_1723, %ne3A_1724 : i32
        %and3A_1726 = arith.andi %ne3A_1722, %ne3A_1725 : i1
        %sub3A_1727 = arith.constant 1 : i32
        %sub3A_1728 = arith.subi %div3A_1707, %sub3A_1727 : i32
        %select_n3A_1729 = arith.select %and3A_1726, %sub3A_1728, %div3A_1707 : i32
        %mul3A_1730 = arith.constant 4 : i32
        %mul3A_1731 = arith.muli %add3A, %mul3A_1730 : i32
        %jit3A_1732 = arith.constant 4 : i32
        %eq3A_1733 = arith.constant 0 : i32
        %eq3A_1734 = arith.cmpi eq, %jit3A_1732, %eq3A_1733 : i32
        %jit3A_1735 = arith.constant 1 : i32
        %select_n3A_1736 = arith.select %eq3A_1734, %jit3A_1735, %jit3A_1732 : i32
        %rem3A_1737 = arith.remsi %sub3A_1705, %select_n3A_1736 : i32
        %ne3A_1738 = arith.constant 0 : i32
        %ne3A_1739 = arith.cmpi ne, %rem3A_1737, %ne3A_1738 : i32
        %lt3A_1740 = arith.constant 0 : i32
        %lt3A_1741 = arith.cmpi slt, %rem3A_1737, %lt3A_1740 : i32
        %lt3A_1742 = arith.constant 0 : i32
        %lt3A_1743 = arith.cmpi slt, %select_n3A_1736, %lt3A_1742 : i32
        %ne3A_1744 = arith.xori %lt3A_1741, %lt3A_1743 : i1
        %and3A_1745 = arith.andi %ne3A_1744, %ne3A_1739 : i1
        %add3A_1746 = arith.addi %rem3A_1737, %select_n3A_1736 : i32
        %select_n3A_1747 = arith.select %and3A_1745, %add3A_1746, %rem3A_1737 : i32
        %add3A_1748 = arith.addi %mul3A_1731, %select_n3A_1747 : i32
        %mul3A_1749 = arith.constant 64 : i32
        %mul3A_1750 = arith.muli %add3A_1748, %mul3A_1749 : i32
        %mul3A_1751 = arith.constant 8192 : i32
        %mul3A_1752 = arith.muli %select_n3A_1729, %mul3A_1751 : i32
        %add3A_1753 = arith.addi %mul3A_1752, %mul3A_1750 : i32
        %dma_wait3A_1754 = arith.constant 9 : i32
        %dma_wait3A_1755 = arith.constant 0 : i32
        %dma_wait3A_1756 = arith.constant 9 : i32
        %dma_wait3A_1757 = arith.constant 0 : i32
        %dma_wait3A_1758 = arith.constant 0 : i32
        %dma_wait3A_1759 = tpu.memref_slice %arg6[%dma_wait3A_1754, %dma_wait3A_1755, %dma_wait3A_1757, %dma_wait3A_1758] : memref<10x2x64x64xf32, #tpu.memory_space<vmem>> -> memref<1x1x64x64xf32, #tpu.memory_space<vmem>>
        %dma_wait3A_1760 = tpu.memref_squeeze %dma_wait3A_1759 : memref<1x1x64x64xf32, #tpu.memory_space<vmem>> -> memref<64x64xf32, #tpu.memory_space<vmem>>
        %dma_wait3A_1761 = arith.constant 0 : i32
        %dma_wait3A_1762 = tpu.memref_slice %arg4[%add3A_1753, %dma_wait3A_1761] : memref<409600x128xf32, #tpu.memory_space<hbm>> -> memref<64x64xf32, #tpu.memory_space<hbm>>
        %dma_wait3A_1763 = tpu.memref_slice %arg8[%dma_wait3A_1756] : memref<10x!tpu.dma_semaphore, #tpu.memory_space<semaphore_mem>> -> memref<1x!tpu.dma_semaphore, #tpu.memory_space<semaphore_mem>>
        %dma_wait3A_1764 = tpu.memref_squeeze %dma_wait3A_1763 : memref<1x!tpu.dma_semaphore, #tpu.memory_space<semaphore_mem>> -> memref<!tpu.dma_semaphore, #tpu.memory_space<semaphore_mem>>
        %dma_wait3A_1765 = arith.constant 0 : i32
        %dma_wait3A_1766 = tpu.memref_slice %arg4[%add3A_1753, %dma_wait3A_1765] : memref<409600x128xf32, #tpu.memory_space<hbm>> -> memref<64x64xf32, #tpu.memory_space<hbm>>
        %dma_wait3A_1767 = arith.constant 0 : i32
        %dma_wait3A_1768 = arith.constant 0 : i32
        %dma_wait3A_1769 = tpu.memref_slice %arg6[%dma_wait3A_1754, %dma_wait3A_1755, %dma_wait3A_1767, %dma_wait3A_1768] : memref<10x2x64x64xf32, #tpu.memory_space<vmem>> -> memref<1x1x64x64xf32, #tpu.memory_space<vmem>>
        %dma_wait3A_1770 = tpu.memref_squeeze %dma_wait3A_1769 : memref<1x1x64x64xf32, #tpu.memory_space<vmem>> -> memref<64x64xf32, #tpu.memory_space<vmem>>
        tpu.wait_dma2 semaphore(%dma_wait3A_1764 : memref<!tpu.dma_semaphore, #tpu.memory_space<semaphore_mem>>) src(%dma_wait3A_1770 : memref<64x64xf32, #tpu.memory_space<vmem>>) dst(%dma_wait3A_1766 : memref<64x64xf32, #tpu.memory_space<hbm>>)
        %mul3A_1771 = arith.constant 8192 : i32
        %mul3A_1772 = arith.muli %select_n3A_1729, %mul3A_1771 : i32
        %add3A_1773 = arith.addi %mul3A_1772, %mul3A_1750 : i32
        %dma_wait3A_1774 = arith.constant 9 : i32
        %dma_wait3A_1775 = arith.constant 1 : i32
        %dma_wait3A_1776 = arith.constant 9 : i32
        %dma_wait3A_1777 = arith.constant 0 : i32
        %dma_wait3A_1778 = arith.constant 0 : i32
        %dma_wait3A_1779 = tpu.memref_slice %arg6[%dma_wait3A_1774, %dma_wait3A_1775, %dma_wait3A_1777, %dma_wait3A_1778] : memref<10x2x64x64xf32, #tpu.memory_space<vmem>> -> memref<1x1x64x64xf32, #tpu.memory_space<vmem>>
        %dma_wait3A_1780 = tpu.memref_squeeze %dma_wait3A_1779 : memref<1x1x64x64xf32, #tpu.memory_space<vmem>> -> memref<64x64xf32, #tpu.memory_space<vmem>>
        %dma_wait3A_1781 = arith.constant 64 : i32
        %dma_wait3A_1782 = tpu.memref_slice %arg4[%add3A_1773, %dma_wait3A_1781] : memref<409600x128xf32, #tpu.memory_space<hbm>> -> memref<64x64xf32, #tpu.memory_space<hbm>>
        %dma_wait3A_1783 = tpu.memref_slice %arg8[%dma_wait3A_1776] : memref<10x!tpu.dma_semaphore, #tpu.memory_space<semaphore_mem>> -> memref<1x!tpu.dma_semaphore, #tpu.memory_space<semaphore_mem>>
        %dma_wait3A_1784 = tpu.memref_squeeze %dma_wait3A_1783 : memref<1x!tpu.dma_semaphore, #tpu.memory_space<semaphore_mem>> -> memref<!tpu.dma_semaphore, #tpu.memory_space<semaphore_mem>>
        %dma_wait3A_1785 = arith.constant 64 : i32
        %dma_wait3A_1786 = tpu.memref_slice %arg4[%add3A_1773, %dma_wait3A_1785] : memref<409600x128xf32, #tpu.memory_space<hbm>> -> memref<64x64xf32, #tpu.memory_space<hbm>>
        %dma_wait3A_1787 = arith.constant 0 : i32
        %dma_wait3A_1788 = arith.constant 0 : i32
        %dma_wait3A_1789 = tpu.memref_slice %arg6[%dma_wait3A_1774, %dma_wait3A_1775, %dma_wait3A_1787, %dma_wait3A_1788] : memref<10x2x64x64xf32, #tpu.memory_space<vmem>> -> memref<1x1x64x64xf32, #tpu.memory_space<vmem>>
        %dma_wait3A_1790 = tpu.memref_squeeze %dma_wait3A_1789 : memref<1x1x64x64xf32, #tpu.memory_space<vmem>> -> memref<64x64xf32, #tpu.memory_space<vmem>>
        tpu.wait_dma2 semaphore(%dma_wait3A_1784 : memref<!tpu.dma_semaphore, #tpu.memory_space<semaphore_mem>>) src(%dma_wait3A_1790 : memref<64x64xf32, #tpu.memory_space<vmem>>) dst(%dma_wait3A_1786 : memref<64x64xf32, #tpu.memory_space<hbm>>)
      } else {
      }
      %lt3A_1034 = arith.constant 200 : i32
      %lt3A_1035 = arith.cmpi slt, %add3A_1028, %lt3A_1034 : i32
      %convert_element_type3A_1036 = arith.extui %lt3A_1035 : i1 to i32
      %cond3A_1037 = arith.constant 0 : i32
      %cond3A_1038 = arith.cmpi ne, %convert_element_type3A_1036, %cond3A_1037 : i32
      scf.if %cond3A_1038 {
        %jit3A_1704 = arith.constant 4 : i32
        %div3A_1705 = arith.divsi %add3A_1028, %jit3A_1704 : i32
        %sign3A_1706 = arith.constant 0 : i32
        %sign3A_1707 = arith.cmpi sgt, %add3A_1028, %sign3A_1706 : i32
        %sign3A_1708 = arith.extui %sign3A_1707 : i1 to i32
        %sign3A_1709 = arith.constant 0 : i32
        %sign3A_1710 = arith.cmpi slt, %add3A_1028, %sign3A_1709 : i32
        %sign3A_1711 = arith.extui %sign3A_1710 : i1 to i32
        %sign3A_1712 = arith.subi %sign3A_1708, %sign3A_1711 : i32
        %sign3A_1713 = arith.constant 0 : i32
        %sign3A_1714 = arith.cmpi sgt, %jit3A_1704, %sign3A_1713 : i32
        %sign3A_1715 = arith.extui %sign3A_1714 : i1 to i32
        %sign3A_1716 = arith.constant 0 : i32
        %sign3A_1717 = arith.cmpi slt, %jit3A_1704, %sign3A_1716 : i32
        %sign3A_1718 = arith.extui %sign3A_1717 : i1 to i32
        %sign3A_1719 = arith.subi %sign3A_1715, %sign3A_1718 : i32
        %ne3A_1720 = arith.cmpi ne, %sign3A_1712, %sign3A_1719 : i32
        %rem3A_1721 = arith.remsi %add3A_1028, %jit3A_1704 : i32
        %ne3A_1722 = arith.constant 0 : i32
        %ne3A_1723 = arith.cmpi ne, %rem3A_1721, %ne3A_1722 : i32
        %and3A_1724 = arith.andi %ne3A_1720, %ne3A_1723 : i1
        %sub3A_1725 = arith.constant 1 : i32
        %sub3A_1726 = arith.subi %div3A_1705, %sub3A_1725 : i32
        %select_n3A_1727 = arith.select %and3A_1724, %sub3A_1726, %div3A_1705 : i32
        %jit3A_1728 = arith.constant 4 : i32
        %eq3A_1729 = arith.constant 0 : i32
        %eq3A_1730 = arith.cmpi eq, %jit3A_1728, %eq3A_1729 : i32
        %jit3A_1731 = arith.constant 1 : i32
        %select_n3A_1732 = arith.select %eq3A_1730, %jit3A_1731, %jit3A_1728 : i32
        %rem3A_1733 = arith.remsi %add3A_1028, %select_n3A_1732 : i32
        %ne3A_1734 = arith.constant 0 : i32
        %ne3A_1735 = arith.cmpi ne, %rem3A_1733, %ne3A_1734 : i32
        %lt3A_1736 = arith.constant 0 : i32
        %lt3A_1737 = arith.cmpi slt, %rem3A_1733, %lt3A_1736 : i32
        %lt3A_1738 = arith.constant 0 : i32
        %lt3A_1739 = arith.cmpi slt, %select_n3A_1732, %lt3A_1738 : i32
        %ne3A_1740 = arith.xori %lt3A_1737, %lt3A_1739 : i1
        %and3A_1741 = arith.andi %ne3A_1740, %ne3A_1735 : i1
        %add3A_1742 = arith.addi %rem3A_1733, %select_n3A_1732 : i32
        %select_n3A_1743 = arith.select %and3A_1741, %add3A_1742, %rem3A_1733 : i32
        %mul3A_1744 = arith.constant 128 : i32
        %mul3A_1745 = arith.muli %select_n3A_1743, %mul3A_1744 : i32
        %add3A_1746 = arith.constant 0 : i32
        %add3A_1747 = arith.addi %mul3A_1745, %add3A_1746 : i32
        %dma_start3A_1748 = arith.constant 9 : i32
        %dma_start3A_1749 = arith.constant 0 : i32
        %dma_start3A_1750 = arith.constant 9 : i32
        %dma_start3A_1751 = arith.constant 0 : i32
        %dma_start3A_1752 = arith.constant 0 : i32
        %dma_start3A_1753 = tpu.memref_slice %arg6[%dma_start3A_1748, %dma_start3A_1749, %dma_start3A_1751, %dma_start3A_1752] : memref<10x2x64x64xf32, #tpu.memory_space<vmem>> -> memref<1x1x64x64xf32, #tpu.memory_space<vmem>>
        %dma_start3A_1754 = tpu.memref_squeeze %dma_start3A_1753 : memref<1x1x64x64xf32, #tpu.memory_space<vmem>> -> memref<64x64xf32, #tpu.memory_space<vmem>>
        %dma_start3A_1755 = tpu.memref_slice %arg5[%select_n3A_1727, %add3A_1747] : memref<50x512xi32, #tpu.memory_space<vmem>> -> memref<1x64xi32, #tpu.memory_space<vmem>>
        %dma_start3A_1756 = tpu.memref_squeeze %dma_start3A_1755 : memref<1x64xi32, #tpu.memory_space<vmem>> -> memref<64xi32, #tpu.memory_space<vmem>>
        %dma_start3A_1757 = arith.constant 0 : i32
        %dma_start3A_1758 = arith.constant 0 : i32
        %dma_start3A_1759 = tpu.memref_slice %arg3[%dma_start3A_1757, %dma_start3A_1758] : memref<1000000x64xf32, #tpu.memory_space<hbm>> -> memref<1000000x64xf32, #tpu.memory_space<hbm>>
        %dma_start3A_1760 = tpu.memref_slice %arg7[%dma_start3A_1750] : memref<10x!tpu.dma_semaphore, #tpu.memory_space<semaphore_mem>> -> memref<1x!tpu.dma_semaphore, #tpu.memory_space<semaphore_mem>>
        %dma_start3A_1761 = tpu.memref_squeeze %dma_start3A_1760 : memref<1x!tpu.dma_semaphore, #tpu.memory_space<semaphore_mem>> -> memref<!tpu.dma_semaphore, #tpu.memory_space<semaphore_mem>>
        tpu.enqueue_indirect_dma source(%dma_start3A_1759 : memref<1000000x64xf32, #tpu.memory_space<hbm>>) target(%dma_start3A_1754 : memref<64x64xf32, #tpu.memory_space<vmem>>) offsets(%dma_start3A_1756 : memref<64xi32, #tpu.memory_space<vmem>>) semaphore(%dma_start3A_1761 : memref<!tpu.dma_semaphore, #tpu.memory_space<semaphore_mem>>)
        %mul3A_1762 = arith.constant 128 : i32
        %mul3A_1763 = arith.muli %select_n3A_1743, %mul3A_1762 : i32
        %add3A_1764 = arith.constant 64 : i32
        %add3A_1765 = arith.addi %mul3A_1763, %add3A_1764 : i32
        %dma_start3A_1766 = arith.constant 9 : i32
        %dma_start3A_1767 = arith.constant 1 : i32
        %dma_start3A_1768 = arith.constant 9 : i32
        %dma_start3A_1769 = arith.constant 0 : i32
        %dma_start3A_1770 = arith.constant 0 : i32
        %dma_start3A_1771 = tpu.memref_slice %arg6[%dma_start3A_1766, %dma_start3A_1767, %dma_start3A_1769, %dma_start3A_1770] : memref<10x2x64x64xf32, #tpu.memory_space<vmem>> -> memref<1x1x64x64xf32, #tpu.memory_space<vmem>>
        %dma_start3A_1772 = tpu.memref_squeeze %dma_start3A_1771 : memref<1x1x64x64xf32, #tpu.memory_space<vmem>> -> memref<64x64xf32, #tpu.memory_space<vmem>>
        %dma_start3A_1773 = tpu.memref_slice %arg5[%select_n3A_1727, %add3A_1765] : memref<50x512xi32, #tpu.memory_space<vmem>> -> memref<1x64xi32, #tpu.memory_space<vmem>>
        %dma_start3A_1774 = tpu.memref_squeeze %dma_start3A_1773 : memref<1x64xi32, #tpu.memory_space<vmem>> -> memref<64xi32, #tpu.memory_space<vmem>>
        %dma_start3A_1775 = arith.constant 0 : i32
        %dma_start3A_1776 = arith.constant 0 : i32
        %dma_start3A_1777 = tpu.memref_slice %arg3[%dma_start3A_1775, %dma_start3A_1776] : memref<1000000x64xf32, #tpu.memory_space<hbm>> -> memref<1000000x64xf32, #tpu.memory_space<hbm>>
        %dma_start3A_1778 = tpu.memref_slice %arg7[%dma_start3A_1768] : memref<10x!tpu.dma_semaphore, #tpu.memory_space<semaphore_mem>> -> memref<1x!tpu.dma_semaphore, #tpu.memory_space<semaphore_mem>>
        %dma_start3A_1779 = tpu.memref_squeeze %dma_start3A_1778 : memref<1x!tpu.dma_semaphore, #tpu.memory_space<semaphore_mem>> -> memref<!tpu.dma_semaphore, #tpu.memory_space<semaphore_mem>>
        tpu.enqueue_indirect_dma source(%dma_start3A_1777 : memref<1000000x64xf32, #tpu.memory_space<hbm>>) target(%dma_start3A_1772 : memref<64x64xf32, #tpu.memory_space<vmem>>) offsets(%dma_start3A_1774 : memref<64xi32, #tpu.memory_space<vmem>>) semaphore(%dma_start3A_1779 : memref<!tpu.dma_semaphore, #tpu.memory_space<semaphore_mem>>)
      } else {
      }
      %mul3A_1039 = arith.constant 10 : i32
      %mul3A_1040 = arith.muli %scan3A_386, %mul3A_1039 : i32
      %add3A_1041 = arith.constant 5 : i32
      %add3A_1042 = arith.addi %mul3A_1040, %add3A_1041 : i32
      %dma_wait3A_1043 = arith.constant 0 : i32
      %dma_wait3A_1044 = arith.constant 5 : i32
      %dma_wait3A_1045 = arith.constant 0 : i32
      %dma_wait3A_1046 = arith.constant 5 : i32
      %dma_wait3A_1047 = arith.constant 0 : i32
      %dma_wait3A_1048 = arith.constant 0 : i32
      %dma_wait3A_1049 = tpu.memref_slice %arg6[%dma_wait3A_1044, %dma_wait3A_1045, %dma_wait3A_1047, %dma_wait3A_1048] : memref<10x2x64x64xf32, #tpu.memory_space<vmem>> -> memref<1x1x64x64xf32, #tpu.memory_space<vmem>>
      %dma_wait3A_1050 = tpu.memref_squeeze %dma_wait3A_1049 : memref<1x1x64x64xf32, #tpu.memory_space<vmem>> -> memref<64x64xf32, #tpu.memory_space<vmem>>
      %dma_wait3A_1051 = arith.constant 0 : i32
      %dma_wait3A_1052 = tpu.memref_slice %arg5[%dma_wait3A_1043, %dma_wait3A_1051] : memref<50x512xi32, #tpu.memory_space<vmem>> -> memref<1x64xi32, #tpu.memory_space<vmem>>
      %dma_wait3A_1053 = tpu.memref_squeeze %dma_wait3A_1052 : memref<1x64xi32, #tpu.memory_space<vmem>> -> memref<64xi32, #tpu.memory_space<vmem>>
      %dma_wait3A_1054 = arith.constant 0 : i32
      %dma_wait3A_1055 = arith.constant 0 : i32
      %dma_wait3A_1056 = tpu.memref_slice %arg3[%dma_wait3A_1054, %dma_wait3A_1055] : memref<1000000x64xf32, #tpu.memory_space<hbm>> -> memref<1000000x64xf32, #tpu.memory_space<hbm>>
      %dma_wait3A_1057 = tpu.memref_slice %arg7[%dma_wait3A_1046] : memref<10x!tpu.dma_semaphore, #tpu.memory_space<semaphore_mem>> -> memref<1x!tpu.dma_semaphore, #tpu.memory_space<semaphore_mem>>
      %dma_wait3A_1058 = tpu.memref_squeeze %dma_wait3A_1057 : memref<1x!tpu.dma_semaphore, #tpu.memory_space<semaphore_mem>> -> memref<!tpu.dma_semaphore, #tpu.memory_space<semaphore_mem>>
      tpu.wait_indirect_dma semaphore(%dma_wait3A_1058 : memref<!tpu.dma_semaphore, #tpu.memory_space<semaphore_mem>>) src(%dma_wait3A_1056 : memref<1000000x64xf32, #tpu.memory_space<hbm>>) dst(%dma_wait3A_1050 : memref<64x64xf32, #tpu.memory_space<vmem>>)
      %dma_wait3A_1059 = arith.constant 0 : i32
      %dma_wait3A_1060 = arith.constant 5 : i32
      %dma_wait3A_1061 = arith.constant 1 : i32
      %dma_wait3A_1062 = arith.constant 5 : i32
      %dma_wait3A_1063 = arith.constant 0 : i32
      %dma_wait3A_1064 = arith.constant 0 : i32
      %dma_wait3A_1065 = tpu.memref_slice %arg6[%dma_wait3A_1060, %dma_wait3A_1061, %dma_wait3A_1063, %dma_wait3A_1064] : memref<10x2x64x64xf32, #tpu.memory_space<vmem>> -> memref<1x1x64x64xf32, #tpu.memory_space<vmem>>
      %dma_wait3A_1066 = tpu.memref_squeeze %dma_wait3A_1065 : memref<1x1x64x64xf32, #tpu.memory_space<vmem>> -> memref<64x64xf32, #tpu.memory_space<vmem>>
      %dma_wait3A_1067 = arith.constant 0 : i32
      %dma_wait3A_1068 = tpu.memref_slice %arg5[%dma_wait3A_1059, %dma_wait3A_1067] : memref<50x512xi32, #tpu.memory_space<vmem>> -> memref<1x64xi32, #tpu.memory_space<vmem>>
      %dma_wait3A_1069 = tpu.memref_squeeze %dma_wait3A_1068 : memref<1x64xi32, #tpu.memory_space<vmem>> -> memref<64xi32, #tpu.memory_space<vmem>>
      %dma_wait3A_1070 = arith.constant 0 : i32
      %dma_wait3A_1071 = arith.constant 0 : i32
      %dma_wait3A_1072 = tpu.memref_slice %arg3[%dma_wait3A_1070, %dma_wait3A_1071] : memref<1000000x64xf32, #tpu.memory_space<hbm>> -> memref<1000000x64xf32, #tpu.memory_space<hbm>>
      %dma_wait3A_1073 = tpu.memref_slice %arg7[%dma_wait3A_1062] : memref<10x!tpu.dma_semaphore, #tpu.memory_space<semaphore_mem>> -> memref<1x!tpu.dma_semaphore, #tpu.memory_space<semaphore_mem>>
      %dma_wait3A_1074 = tpu.memref_squeeze %dma_wait3A_1073 : memref<1x!tpu.dma_semaphore, #tpu.memory_space<semaphore_mem>> -> memref<!tpu.dma_semaphore, #tpu.memory_space<semaphore_mem>>
      tpu.wait_indirect_dma semaphore(%dma_wait3A_1074 : memref<!tpu.dma_semaphore, #tpu.memory_space<semaphore_mem>>) src(%dma_wait3A_1072 : memref<1000000x64xf32, #tpu.memory_space<hbm>>) dst(%dma_wait3A_1066 : memref<64x64xf32, #tpu.memory_space<vmem>>)
      %jit3A_1075 = arith.constant 4 : i32
      %div3A_1076 = arith.divsi %add3A_1042, %jit3A_1075 : i32
      %sign3A_1077 = arith.constant 0 : i32
      %sign3A_1078 = arith.cmpi sgt, %add3A_1042, %sign3A_1077 : i32
      %sign3A_1079 = arith.extui %sign3A_1078 : i1 to i32
      %sign3A_1080 = arith.constant 0 : i32
      %sign3A_1081 = arith.cmpi slt, %add3A_1042, %sign3A_1080 : i32
      %sign3A_1082 = arith.extui %sign3A_1081 : i1 to i32
      %sign3A_1083 = arith.subi %sign3A_1079, %sign3A_1082 : i32
      %sign3A_1084 = arith.constant 0 : i32
      %sign3A_1085 = arith.cmpi sgt, %jit3A_1075, %sign3A_1084 : i32
      %sign3A_1086 = arith.extui %sign3A_1085 : i1 to i32
      %sign3A_1087 = arith.constant 0 : i32
      %sign3A_1088 = arith.cmpi slt, %jit3A_1075, %sign3A_1087 : i32
      %sign3A_1089 = arith.extui %sign3A_1088 : i1 to i32
      %sign3A_1090 = arith.subi %sign3A_1086, %sign3A_1089 : i32
      %ne3A_1091 = arith.cmpi ne, %sign3A_1083, %sign3A_1090 : i32
      %rem3A_1092 = arith.remsi %add3A_1042, %jit3A_1075 : i32
      %ne3A_1093 = arith.constant 0 : i32
      %ne3A_1094 = arith.cmpi ne, %rem3A_1092, %ne3A_1093 : i32
      %and3A_1095 = arith.andi %ne3A_1091, %ne3A_1094 : i1
      %sub3A_1096 = arith.constant 1 : i32
      %sub3A_1097 = arith.subi %div3A_1076, %sub3A_1096 : i32
      %select_n3A_1098 = arith.select %and3A_1095, %sub3A_1097, %div3A_1076 : i32
      %mul3A_1099 = arith.constant 4 : i32
      %mul3A_1100 = arith.muli %add3A, %mul3A_1099 : i32
      %jit3A_1101 = arith.constant 4 : i32
      %eq3A_1102 = arith.constant 0 : i32
      %eq3A_1103 = arith.cmpi eq, %jit3A_1101, %eq3A_1102 : i32
      %jit3A_1104 = arith.constant 1 : i32
      %select_n3A_1105 = arith.select %eq3A_1103, %jit3A_1104, %jit3A_1101 : i32
      %rem3A_1106 = arith.remsi %add3A_1042, %select_n3A_1105 : i32
      %ne3A_1107 = arith.constant 0 : i32
      %ne3A_1108 = arith.cmpi ne, %rem3A_1106, %ne3A_1107 : i32
      %lt3A_1109 = arith.constant 0 : i32
      %lt3A_1110 = arith.cmpi slt, %rem3A_1106, %lt3A_1109 : i32
      %lt3A_1111 = arith.constant 0 : i32
      %lt3A_1112 = arith.cmpi slt, %select_n3A_1105, %lt3A_1111 : i32
      %ne3A_1113 = arith.xori %lt3A_1110, %lt3A_1112 : i1
      %and3A_1114 = arith.andi %ne3A_1113, %ne3A_1108 : i1
      %add3A_1115 = arith.addi %rem3A_1106, %select_n3A_1105 : i32
      %select_n3A_1116 = arith.select %and3A_1114, %add3A_1115, %rem3A_1106 : i32
      %add3A_1117 = arith.addi %mul3A_1100, %select_n3A_1116 : i32
      %mul3A_1118 = arith.constant 64 : i32
      %mul3A_1119 = arith.muli %add3A_1117, %mul3A_1118 : i32
      %mul3A_1120 = arith.constant 8192 : i32
      %mul3A_1121 = arith.muli %select_n3A_1098, %mul3A_1120 : i32
      %add3A_1122 = arith.addi %mul3A_1121, %mul3A_1119 : i32
      %dma_start3A_1123 = arith.constant 5 : i32
      %dma_start3A_1124 = arith.constant 0 : i32
      %dma_start3A_1125 = arith.constant 5 : i32
      %dma_start3A_1126 = arith.constant 0 : i32
      %dma_start3A_1127 = arith.constant 0 : i32
      %dma_start3A_1128 = tpu.memref_slice %arg6[%dma_start3A_1123, %dma_start3A_1124, %dma_start3A_1126, %dma_start3A_1127] : memref<10x2x64x64xf32, #tpu.memory_space<vmem>> -> memref<1x1x64x64xf32, #tpu.memory_space<vmem>>
      %dma_start3A_1129 = tpu.memref_squeeze %dma_start3A_1128 : memref<1x1x64x64xf32, #tpu.memory_space<vmem>> -> memref<64x64xf32, #tpu.memory_space<vmem>>
      %dma_start3A_1130 = arith.constant 0 : i32
      %dma_start3A_1131 = tpu.memref_slice %arg4[%add3A_1122, %dma_start3A_1130] : memref<409600x128xf32, #tpu.memory_space<hbm>> -> memref<64x64xf32, #tpu.memory_space<hbm>>
      %dma_start3A_1132 = tpu.memref_slice %arg8[%dma_start3A_1125] : memref<10x!tpu.dma_semaphore, #tpu.memory_space<semaphore_mem>> -> memref<1x!tpu.dma_semaphore, #tpu.memory_space<semaphore_mem>>
      %dma_start3A_1133 = tpu.memref_squeeze %dma_start3A_1132 : memref<1x!tpu.dma_semaphore, #tpu.memory_space<semaphore_mem>> -> memref<!tpu.dma_semaphore, #tpu.memory_space<semaphore_mem>>
      %dma_start3A_1134 = arith.constant 0 : i32
      %dma_start3A_1135 = tpu.memref_slice %arg4[%add3A_1122, %dma_start3A_1134] : memref<409600x128xf32, #tpu.memory_space<hbm>> -> memref<64x64xf32, #tpu.memory_space<hbm>>
      %dma_start3A_1136 = arith.constant 0 : i32
      %dma_start3A_1137 = arith.constant 0 : i32
      %dma_start3A_1138 = tpu.memref_slice %arg6[%dma_start3A_1123, %dma_start3A_1124, %dma_start3A_1136, %dma_start3A_1137] : memref<10x2x64x64xf32, #tpu.memory_space<vmem>> -> memref<1x1x64x64xf32, #tpu.memory_space<vmem>>
      %dma_start3A_1139 = tpu.memref_squeeze %dma_start3A_1138 : memref<1x1x64x64xf32, #tpu.memory_space<vmem>> -> memref<64x64xf32, #tpu.memory_space<vmem>>
      tpu.enqueue_dma source(%dma_start3A_1139 : memref<64x64xf32, #tpu.memory_space<vmem>>) target(%dma_start3A_1135 : memref<64x64xf32, #tpu.memory_space<hbm>>) target_semaphore(%dma_start3A_1133 : memref<!tpu.dma_semaphore, #tpu.memory_space<semaphore_mem>>)
      %mul3A_1140 = arith.constant 8192 : i32
      %mul3A_1141 = arith.muli %select_n3A_1098, %mul3A_1140 : i32
      %add3A_1142 = arith.addi %mul3A_1141, %mul3A_1119 : i32
      %dma_start3A_1143 = arith.constant 5 : i32
      %dma_start3A_1144 = arith.constant 1 : i32
      %dma_start3A_1145 = arith.constant 5 : i32
      %dma_start3A_1146 = arith.constant 0 : i32
      %dma_start3A_1147 = arith.constant 0 : i32
      %dma_start3A_1148 = tpu.memref_slice %arg6[%dma_start3A_1143, %dma_start3A_1144, %dma_start3A_1146, %dma_start3A_1147] : memref<10x2x64x64xf32, #tpu.memory_space<vmem>> -> memref<1x1x64x64xf32, #tpu.memory_space<vmem>>
      %dma_start3A_1149 = tpu.memref_squeeze %dma_start3A_1148 : memref<1x1x64x64xf32, #tpu.memory_space<vmem>> -> memref<64x64xf32, #tpu.memory_space<vmem>>
      %dma_start3A_1150 = arith.constant 64 : i32
      %dma_start3A_1151 = tpu.memref_slice %arg4[%add3A_1142, %dma_start3A_1150] : memref<409600x128xf32, #tpu.memory_space<hbm>> -> memref<64x64xf32, #tpu.memory_space<hbm>>
      %dma_start3A_1152 = tpu.memref_slice %arg8[%dma_start3A_1145] : memref<10x!tpu.dma_semaphore, #tpu.memory_space<semaphore_mem>> -> memref<1x!tpu.dma_semaphore, #tpu.memory_space<semaphore_mem>>
      %dma_start3A_1153 = tpu.memref_squeeze %dma_start3A_1152 : memref<1x!tpu.dma_semaphore, #tpu.memory_space<semaphore_mem>> -> memref<!tpu.dma_semaphore, #tpu.memory_space<semaphore_mem>>
      %dma_start3A_1154 = arith.constant 64 : i32
      %dma_start3A_1155 = tpu.memref_slice %arg4[%add3A_1142, %dma_start3A_1154] : memref<409600x128xf32, #tpu.memory_space<hbm>> -> memref<64x64xf32, #tpu.memory_space<hbm>>
      %dma_start3A_1156 = arith.constant 0 : i32
      %dma_start3A_1157 = arith.constant 0 : i32
      %dma_start3A_1158 = tpu.memref_slice %arg6[%dma_start3A_1143, %dma_start3A_1144, %dma_start3A_1156, %dma_start3A_1157] : memref<10x2x64x64xf32, #tpu.memory_space<vmem>> -> memref<1x1x64x64xf32, #tpu.memory_space<vmem>>
      %dma_start3A_1159 = tpu.memref_squeeze %dma_start3A_1158 : memref<1x1x64x64xf32, #tpu.memory_space<vmem>> -> memref<64x64xf32, #tpu.memory_space<vmem>>
      tpu.enqueue_dma source(%dma_start3A_1159 : memref<64x64xf32, #tpu.memory_space<vmem>>) target(%dma_start3A_1155 : memref<64x64xf32, #tpu.memory_space<hbm>>) target_semaphore(%dma_start3A_1153 : memref<!tpu.dma_semaphore, #tpu.memory_space<semaphore_mem>>)
      %add3A_1160 = arith.constant 5 : i32
      %add3A_1161 = arith.addi %add3A_1042, %add3A_1160 : i32
      %ge3A_1162 = arith.constant 10 : i32
      %ge3A_1163 = arith.cmpi sge, %add3A_1161, %ge3A_1162 : i32
      %convert_element_type3A_1164 = arith.extui %ge3A_1163 : i1 to i32
      %cond3A_1165 = arith.constant 0 : i32
      %cond3A_1166 = arith.cmpi ne, %convert_element_type3A_1164, %cond3A_1165 : i32
      scf.if %cond3A_1166 {
        %sub3A_1704 = arith.constant 10 : i32
        %sub3A_1705 = arith.subi %add3A_1161, %sub3A_1704 : i32
        %jit3A_1706 = arith.constant 4 : i32
        %div3A_1707 = arith.divsi %sub3A_1705, %jit3A_1706 : i32
        %sign3A_1708 = arith.constant 0 : i32
        %sign3A_1709 = arith.cmpi sgt, %sub3A_1705, %sign3A_1708 : i32
        %sign3A_1710 = arith.extui %sign3A_1709 : i1 to i32
        %sign3A_1711 = arith.constant 0 : i32
        %sign3A_1712 = arith.cmpi slt, %sub3A_1705, %sign3A_1711 : i32
        %sign3A_1713 = arith.extui %sign3A_1712 : i1 to i32
        %sign3A_1714 = arith.subi %sign3A_1710, %sign3A_1713 : i32
        %sign3A_1715 = arith.constant 0 : i32
        %sign3A_1716 = arith.cmpi sgt, %jit3A_1706, %sign3A_1715 : i32
        %sign3A_1717 = arith.extui %sign3A_1716 : i1 to i32
        %sign3A_1718 = arith.constant 0 : i32
        %sign3A_1719 = arith.cmpi slt, %jit3A_1706, %sign3A_1718 : i32
        %sign3A_1720 = arith.extui %sign3A_1719 : i1 to i32
        %sign3A_1721 = arith.subi %sign3A_1717, %sign3A_1720 : i32
        %ne3A_1722 = arith.cmpi ne, %sign3A_1714, %sign3A_1721 : i32
        %rem3A_1723 = arith.remsi %sub3A_1705, %jit3A_1706 : i32
        %ne3A_1724 = arith.constant 0 : i32
        %ne3A_1725 = arith.cmpi ne, %rem3A_1723, %ne3A_1724 : i32
        %and3A_1726 = arith.andi %ne3A_1722, %ne3A_1725 : i1
        %sub3A_1727 = arith.constant 1 : i32
        %sub3A_1728 = arith.subi %div3A_1707, %sub3A_1727 : i32
        %select_n3A_1729 = arith.select %and3A_1726, %sub3A_1728, %div3A_1707 : i32
        %mul3A_1730 = arith.constant 4 : i32
        %mul3A_1731 = arith.muli %add3A, %mul3A_1730 : i32
        %jit3A_1732 = arith.constant 4 : i32
        %eq3A_1733 = arith.constant 0 : i32
        %eq3A_1734 = arith.cmpi eq, %jit3A_1732, %eq3A_1733 : i32
        %jit3A_1735 = arith.constant 1 : i32
        %select_n3A_1736 = arith.select %eq3A_1734, %jit3A_1735, %jit3A_1732 : i32
        %rem3A_1737 = arith.remsi %sub3A_1705, %select_n3A_1736 : i32
        %ne3A_1738 = arith.constant 0 : i32
        %ne3A_1739 = arith.cmpi ne, %rem3A_1737, %ne3A_1738 : i32
        %lt3A_1740 = arith.constant 0 : i32
        %lt3A_1741 = arith.cmpi slt, %rem3A_1737, %lt3A_1740 : i32
        %lt3A_1742 = arith.constant 0 : i32
        %lt3A_1743 = arith.cmpi slt, %select_n3A_1736, %lt3A_1742 : i32
        %ne3A_1744 = arith.xori %lt3A_1741, %lt3A_1743 : i1
        %and3A_1745 = arith.andi %ne3A_1744, %ne3A_1739 : i1
        %add3A_1746 = arith.addi %rem3A_1737, %select_n3A_1736 : i32
        %select_n3A_1747 = arith.select %and3A_1745, %add3A_1746, %rem3A_1737 : i32
        %add3A_1748 = arith.addi %mul3A_1731, %select_n3A_1747 : i32
        %mul3A_1749 = arith.constant 64 : i32
        %mul3A_1750 = arith.muli %add3A_1748, %mul3A_1749 : i32
        %mul3A_1751 = arith.constant 8192 : i32
        %mul3A_1752 = arith.muli %select_n3A_1729, %mul3A_1751 : i32
        %add3A_1753 = arith.addi %mul3A_1752, %mul3A_1750 : i32
        %dma_wait3A_1754 = arith.constant 0 : i32
        %dma_wait3A_1755 = arith.constant 0 : i32
        %dma_wait3A_1756 = arith.constant 0 : i32
        %dma_wait3A_1757 = arith.constant 0 : i32
        %dma_wait3A_1758 = arith.constant 0 : i32
        %dma_wait3A_1759 = tpu.memref_slice %arg6[%dma_wait3A_1754, %dma_wait3A_1755, %dma_wait3A_1757, %dma_wait3A_1758] : memref<10x2x64x64xf32, #tpu.memory_space<vmem>> -> memref<1x1x64x64xf32, #tpu.memory_space<vmem>>
        %dma_wait3A_1760 = tpu.memref_squeeze %dma_wait3A_1759 : memref<1x1x64x64xf32, #tpu.memory_space<vmem>> -> memref<64x64xf32, #tpu.memory_space<vmem>>
        %dma_wait3A_1761 = arith.constant 0 : i32
        %dma_wait3A_1762 = tpu.memref_slice %arg4[%add3A_1753, %dma_wait3A_1761] : memref<409600x128xf32, #tpu.memory_space<hbm>> -> memref<64x64xf32, #tpu.memory_space<hbm>>
        %dma_wait3A_1763 = tpu.memref_slice %arg8[%dma_wait3A_1756] : memref<10x!tpu.dma_semaphore, #tpu.memory_space<semaphore_mem>> -> memref<1x!tpu.dma_semaphore, #tpu.memory_space<semaphore_mem>>
        %dma_wait3A_1764 = tpu.memref_squeeze %dma_wait3A_1763 : memref<1x!tpu.dma_semaphore, #tpu.memory_space<semaphore_mem>> -> memref<!tpu.dma_semaphore, #tpu.memory_space<semaphore_mem>>
        %dma_wait3A_1765 = arith.constant 0 : i32
        %dma_wait3A_1766 = tpu.memref_slice %arg4[%add3A_1753, %dma_wait3A_1765] : memref<409600x128xf32, #tpu.memory_space<hbm>> -> memref<64x64xf32, #tpu.memory_space<hbm>>
        %dma_wait3A_1767 = arith.constant 0 : i32
        %dma_wait3A_1768 = arith.constant 0 : i32
        %dma_wait3A_1769 = tpu.memref_slice %arg6[%dma_wait3A_1754, %dma_wait3A_1755, %dma_wait3A_1767, %dma_wait3A_1768] : memref<10x2x64x64xf32, #tpu.memory_space<vmem>> -> memref<1x1x64x64xf32, #tpu.memory_space<vmem>>
        %dma_wait3A_1770 = tpu.memref_squeeze %dma_wait3A_1769 : memref<1x1x64x64xf32, #tpu.memory_space<vmem>> -> memref<64x64xf32, #tpu.memory_space<vmem>>
        tpu.wait_dma2 semaphore(%dma_wait3A_1764 : memref<!tpu.dma_semaphore, #tpu.memory_space<semaphore_mem>>) src(%dma_wait3A_1770 : memref<64x64xf32, #tpu.memory_space<vmem>>) dst(%dma_wait3A_1766 : memref<64x64xf32, #tpu.memory_space<hbm>>)
        %mul3A_1771 = arith.constant 8192 : i32
        %mul3A_1772 = arith.muli %select_n3A_1729, %mul3A_1771 : i32
        %add3A_1773 = arith.addi %mul3A_1772, %mul3A_1750 : i32
        %dma_wait3A_1774 = arith.constant 0 : i32
        %dma_wait3A_1775 = arith.constant 1 : i32
        %dma_wait3A_1776 = arith.constant 0 : i32
        %dma_wait3A_1777 = arith.constant 0 : i32
        %dma_wait3A_1778 = arith.constant 0 : i32
        %dma_wait3A_1779 = tpu.memref_slice %arg6[%dma_wait3A_1774, %dma_wait3A_1775, %dma_wait3A_1777, %dma_wait3A_1778] : memref<10x2x64x64xf32, #tpu.memory_space<vmem>> -> memref<1x1x64x64xf32, #tpu.memory_space<vmem>>
        %dma_wait3A_1780 = tpu.memref_squeeze %dma_wait3A_1779 : memref<1x1x64x64xf32, #tpu.memory_space<vmem>> -> memref<64x64xf32, #tpu.memory_space<vmem>>
        %dma_wait3A_1781 = arith.constant 64 : i32
        %dma_wait3A_1782 = tpu.memref_slice %arg4[%add3A_1773, %dma_wait3A_1781] : memref<409600x128xf32, #tpu.memory_space<hbm>> -> memref<64x64xf32, #tpu.memory_space<hbm>>
        %dma_wait3A_1783 = tpu.memref_slice %arg8[%dma_wait3A_1776] : memref<10x!tpu.dma_semaphore, #tpu.memory_space<semaphore_mem>> -> memref<1x!tpu.dma_semaphore, #tpu.memory_space<semaphore_mem>>
        %dma_wait3A_1784 = tpu.memref_squeeze %dma_wait3A_1783 : memref<1x!tpu.dma_semaphore, #tpu.memory_space<semaphore_mem>> -> memref<!tpu.dma_semaphore, #tpu.memory_space<semaphore_mem>>
        %dma_wait3A_1785 = arith.constant 64 : i32
        %dma_wait3A_1786 = tpu.memref_slice %arg4[%add3A_1773, %dma_wait3A_1785] : memref<409600x128xf32, #tpu.memory_space<hbm>> -> memref<64x64xf32, #tpu.memory_space<hbm>>
        %dma_wait3A_1787 = arith.constant 0 : i32
        %dma_wait3A_1788 = arith.constant 0 : i32
        %dma_wait3A_1789 = tpu.memref_slice %arg6[%dma_wait3A_1774, %dma_wait3A_1775, %dma_wait3A_1787, %dma_wait3A_1788] : memref<10x2x64x64xf32, #tpu.memory_space<vmem>> -> memref<1x1x64x64xf32, #tpu.memory_space<vmem>>
        %dma_wait3A_1790 = tpu.memref_squeeze %dma_wait3A_1789 : memref<1x1x64x64xf32, #tpu.memory_space<vmem>> -> memref<64x64xf32, #tpu.memory_space<vmem>>
        tpu.wait_dma2 semaphore(%dma_wait3A_1784 : memref<!tpu.dma_semaphore, #tpu.memory_space<semaphore_mem>>) src(%dma_wait3A_1790 : memref<64x64xf32, #tpu.memory_space<vmem>>) dst(%dma_wait3A_1786 : memref<64x64xf32, #tpu.memory_space<hbm>>)
      } else {
      }
      %lt3A_1167 = arith.constant 200 : i32
      %lt3A_1168 = arith.cmpi slt, %add3A_1161, %lt3A_1167 : i32
      %convert_element_type3A_1169 = arith.extui %lt3A_1168 : i1 to i32
      %cond3A_1170 = arith.constant 0 : i32
      %cond3A_1171 = arith.cmpi ne, %convert_element_type3A_1169, %cond3A_1170 : i32
      scf.if %cond3A_1171 {
        %jit3A_1704 = arith.constant 4 : i32
        %div3A_1705 = arith.divsi %add3A_1161, %jit3A_1704 : i32
        %sign3A_1706 = arith.constant 0 : i32
        %sign3A_1707 = arith.cmpi sgt, %add3A_1161, %sign3A_1706 : i32
        %sign3A_1708 = arith.extui %sign3A_1707 : i1 to i32
        %sign3A_1709 = arith.constant 0 : i32
        %sign3A_1710 = arith.cmpi slt, %add3A_1161, %sign3A_1709 : i32
        %sign3A_1711 = arith.extui %sign3A_1710 : i1 to i32
        %sign3A_1712 = arith.subi %sign3A_1708, %sign3A_1711 : i32
        %sign3A_1713 = arith.constant 0 : i32
        %sign3A_1714 = arith.cmpi sgt, %jit3A_1704, %sign3A_1713 : i32
        %sign3A_1715 = arith.extui %sign3A_1714 : i1 to i32
        %sign3A_1716 = arith.constant 0 : i32
        %sign3A_1717 = arith.cmpi slt, %jit3A_1704, %sign3A_1716 : i32
        %sign3A_1718 = arith.extui %sign3A_1717 : i1 to i32
        %sign3A_1719 = arith.subi %sign3A_1715, %sign3A_1718 : i32
        %ne3A_1720 = arith.cmpi ne, %sign3A_1712, %sign3A_1719 : i32
        %rem3A_1721 = arith.remsi %add3A_1161, %jit3A_1704 : i32
        %ne3A_1722 = arith.constant 0 : i32
        %ne3A_1723 = arith.cmpi ne, %rem3A_1721, %ne3A_1722 : i32
        %and3A_1724 = arith.andi %ne3A_1720, %ne3A_1723 : i1
        %sub3A_1725 = arith.constant 1 : i32
        %sub3A_1726 = arith.subi %div3A_1705, %sub3A_1725 : i32
        %select_n3A_1727 = arith.select %and3A_1724, %sub3A_1726, %div3A_1705 : i32
        %jit3A_1728 = arith.constant 4 : i32
        %eq3A_1729 = arith.constant 0 : i32
        %eq3A_1730 = arith.cmpi eq, %jit3A_1728, %eq3A_1729 : i32
        %jit3A_1731 = arith.constant 1 : i32
        %select_n3A_1732 = arith.select %eq3A_1730, %jit3A_1731, %jit3A_1728 : i32
        %rem3A_1733 = arith.remsi %add3A_1161, %select_n3A_1732 : i32
        %ne3A_1734 = arith.constant 0 : i32
        %ne3A_1735 = arith.cmpi ne, %rem3A_1733, %ne3A_1734 : i32
        %lt3A_1736 = arith.constant 0 : i32
        %lt3A_1737 = arith.cmpi slt, %rem3A_1733, %lt3A_1736 : i32
        %lt3A_1738 = arith.constant 0 : i32
        %lt3A_1739 = arith.cmpi slt, %select_n3A_1732, %lt3A_1738 : i32
        %ne3A_1740 = arith.xori %lt3A_1737, %lt3A_1739 : i1
        %and3A_1741 = arith.andi %ne3A_1740, %ne3A_1735 : i1
        %add3A_1742 = arith.addi %rem3A_1733, %select_n3A_1732 : i32
        %select_n3A_1743 = arith.select %and3A_1741, %add3A_1742, %rem3A_1733 : i32
        %mul3A_1744 = arith.constant 128 : i32
        %mul3A_1745 = arith.muli %select_n3A_1743, %mul3A_1744 : i32
        %add3A_1746 = arith.constant 0 : i32
        %add3A_1747 = arith.addi %mul3A_1745, %add3A_1746 : i32
        %dma_start3A_1748 = arith.constant 0 : i32
        %dma_start3A_1749 = arith.constant 0 : i32
        %dma_start3A_1750 = arith.constant 0 : i32
        %dma_start3A_1751 = arith.constant 0 : i32
        %dma_start3A_1752 = arith.constant 0 : i32
        %dma_start3A_1753 = tpu.memref_slice %arg6[%dma_start3A_1748, %dma_start3A_1749, %dma_start3A_1751, %dma_start3A_1752] : memref<10x2x64x64xf32, #tpu.memory_space<vmem>> -> memref<1x1x64x64xf32, #tpu.memory_space<vmem>>
        %dma_start3A_1754 = tpu.memref_squeeze %dma_start3A_1753 : memref<1x1x64x64xf32, #tpu.memory_space<vmem>> -> memref<64x64xf32, #tpu.memory_space<vmem>>
        %dma_start3A_1755 = tpu.memref_slice %arg5[%select_n3A_1727, %add3A_1747] : memref<50x512xi32, #tpu.memory_space<vmem>> -> memref<1x64xi32, #tpu.memory_space<vmem>>
        %dma_start3A_1756 = tpu.memref_squeeze %dma_start3A_1755 : memref<1x64xi32, #tpu.memory_space<vmem>> -> memref<64xi32, #tpu.memory_space<vmem>>
        %dma_start3A_1757 = arith.constant 0 : i32
        %dma_start3A_1758 = arith.constant 0 : i32
        %dma_start3A_1759 = tpu.memref_slice %arg3[%dma_start3A_1757, %dma_start3A_1758] : memref<1000000x64xf32, #tpu.memory_space<hbm>> -> memref<1000000x64xf32, #tpu.memory_space<hbm>>
        %dma_start3A_1760 = tpu.memref_slice %arg7[%dma_start3A_1750] : memref<10x!tpu.dma_semaphore, #tpu.memory_space<semaphore_mem>> -> memref<1x!tpu.dma_semaphore, #tpu.memory_space<semaphore_mem>>
        %dma_start3A_1761 = tpu.memref_squeeze %dma_start3A_1760 : memref<1x!tpu.dma_semaphore, #tpu.memory_space<semaphore_mem>> -> memref<!tpu.dma_semaphore, #tpu.memory_space<semaphore_mem>>
        tpu.enqueue_indirect_dma source(%dma_start3A_1759 : memref<1000000x64xf32, #tpu.memory_space<hbm>>) target(%dma_start3A_1754 : memref<64x64xf32, #tpu.memory_space<vmem>>) offsets(%dma_start3A_1756 : memref<64xi32, #tpu.memory_space<vmem>>) semaphore(%dma_start3A_1761 : memref<!tpu.dma_semaphore, #tpu.memory_space<semaphore_mem>>)
        %mul3A_1762 = arith.constant 128 : i32
        %mul3A_1763 = arith.muli %select_n3A_1743, %mul3A_1762 : i32
        %add3A_1764 = arith.constant 64 : i32
        %add3A_1765 = arith.addi %mul3A_1763, %add3A_1764 : i32
        %dma_start3A_1766 = arith.constant 0 : i32
        %dma_start3A_1767 = arith.constant 1 : i32
        %dma_start3A_1768 = arith.constant 0 : i32
        %dma_start3A_1769 = arith.constant 0 : i32
        %dma_start3A_1770 = arith.constant 0 : i32
        %dma_start3A_1771 = tpu.memref_slice %arg6[%dma_start3A_1766, %dma_start3A_1767, %dma_start3A_1769, %dma_start3A_1770] : memref<10x2x64x64xf32, #tpu.memory_space<vmem>> -> memref<1x1x64x64xf32, #tpu.memory_space<vmem>>
        %dma_start3A_1772 = tpu.memref_squeeze %dma_start3A_1771 : memref<1x1x64x64xf32, #tpu.memory_space<vmem>> -> memref<64x64xf32, #tpu.memory_space<vmem>>
        %dma_start3A_1773 = tpu.memref_slice %arg5[%select_n3A_1727, %add3A_1765] : memref<50x512xi32, #tpu.memory_space<vmem>> -> memref<1x64xi32, #tpu.memory_space<vmem>>
        %dma_start3A_1774 = tpu.memref_squeeze %dma_start3A_1773 : memref<1x64xi32, #tpu.memory_space<vmem>> -> memref<64xi32, #tpu.memory_space<vmem>>
        %dma_start3A_1775 = arith.constant 0 : i32
        %dma_start3A_1776 = arith.constant 0 : i32
        %dma_start3A_1777 = tpu.memref_slice %arg3[%dma_start3A_1775, %dma_start3A_1776] : memref<1000000x64xf32, #tpu.memory_space<hbm>> -> memref<1000000x64xf32, #tpu.memory_space<hbm>>
        %dma_start3A_1778 = tpu.memref_slice %arg7[%dma_start3A_1768] : memref<10x!tpu.dma_semaphore, #tpu.memory_space<semaphore_mem>> -> memref<1x!tpu.dma_semaphore, #tpu.memory_space<semaphore_mem>>
        %dma_start3A_1779 = tpu.memref_squeeze %dma_start3A_1778 : memref<1x!tpu.dma_semaphore, #tpu.memory_space<semaphore_mem>> -> memref<!tpu.dma_semaphore, #tpu.memory_space<semaphore_mem>>
        tpu.enqueue_indirect_dma source(%dma_start3A_1777 : memref<1000000x64xf32, #tpu.memory_space<hbm>>) target(%dma_start3A_1772 : memref<64x64xf32, #tpu.memory_space<vmem>>) offsets(%dma_start3A_1774 : memref<64xi32, #tpu.memory_space<vmem>>) semaphore(%dma_start3A_1779 : memref<!tpu.dma_semaphore, #tpu.memory_space<semaphore_mem>>)
      } else {
      }
      %mul3A_1172 = arith.constant 10 : i32
      %mul3A_1173 = arith.muli %scan3A_386, %mul3A_1172 : i32
      %add3A_1174 = arith.constant 6 : i32
      %add3A_1175 = arith.addi %mul3A_1173, %add3A_1174 : i32
      %dma_wait3A_1176 = arith.constant 0 : i32
      %dma_wait3A_1177 = arith.constant 6 : i32
      %dma_wait3A_1178 = arith.constant 0 : i32
      %dma_wait3A_1179 = arith.constant 6 : i32
      %dma_wait3A_1180 = arith.constant 0 : i32
      %dma_wait3A_1181 = arith.constant 0 : i32
      %dma_wait3A_1182 = tpu.memref_slice %arg6[%dma_wait3A_1177, %dma_wait3A_1178, %dma_wait3A_1180, %dma_wait3A_1181] : memref<10x2x64x64xf32, #tpu.memory_space<vmem>> -> memref<1x1x64x64xf32, #tpu.memory_space<vmem>>
      %dma_wait3A_1183 = tpu.memref_squeeze %dma_wait3A_1182 : memref<1x1x64x64xf32, #tpu.memory_space<vmem>> -> memref<64x64xf32, #tpu.memory_space<vmem>>
      %dma_wait3A_1184 = arith.constant 0 : i32
      %dma_wait3A_1185 = tpu.memref_slice %arg5[%dma_wait3A_1176, %dma_wait3A_1184] : memref<50x512xi32, #tpu.memory_space<vmem>> -> memref<1x64xi32, #tpu.memory_space<vmem>>
      %dma_wait3A_1186 = tpu.memref_squeeze %dma_wait3A_1185 : memref<1x64xi32, #tpu.memory_space<vmem>> -> memref<64xi32, #tpu.memory_space<vmem>>
      %dma_wait3A_1187 = arith.constant 0 : i32
      %dma_wait3A_1188 = arith.constant 0 : i32
      %dma_wait3A_1189 = tpu.memref_slice %arg3[%dma_wait3A_1187, %dma_wait3A_1188] : memref<1000000x64xf32, #tpu.memory_space<hbm>> -> memref<1000000x64xf32, #tpu.memory_space<hbm>>
      %dma_wait3A_1190 = tpu.memref_slice %arg7[%dma_wait3A_1179] : memref<10x!tpu.dma_semaphore, #tpu.memory_space<semaphore_mem>> -> memref<1x!tpu.dma_semaphore, #tpu.memory_space<semaphore_mem>>
      %dma_wait3A_1191 = tpu.memref_squeeze %dma_wait3A_1190 : memref<1x!tpu.dma_semaphore, #tpu.memory_space<semaphore_mem>> -> memref<!tpu.dma_semaphore, #tpu.memory_space<semaphore_mem>>
      tpu.wait_indirect_dma semaphore(%dma_wait3A_1191 : memref<!tpu.dma_semaphore, #tpu.memory_space<semaphore_mem>>) src(%dma_wait3A_1189 : memref<1000000x64xf32, #tpu.memory_space<hbm>>) dst(%dma_wait3A_1183 : memref<64x64xf32, #tpu.memory_space<vmem>>)
      %dma_wait3A_1192 = arith.constant 0 : i32
      %dma_wait3A_1193 = arith.constant 6 : i32
      %dma_wait3A_1194 = arith.constant 1 : i32
      %dma_wait3A_1195 = arith.constant 6 : i32
      %dma_wait3A_1196 = arith.constant 0 : i32
      %dma_wait3A_1197 = arith.constant 0 : i32
      %dma_wait3A_1198 = tpu.memref_slice %arg6[%dma_wait3A_1193, %dma_wait3A_1194, %dma_wait3A_1196, %dma_wait3A_1197] : memref<10x2x64x64xf32, #tpu.memory_space<vmem>> -> memref<1x1x64x64xf32, #tpu.memory_space<vmem>>
      %dma_wait3A_1199 = tpu.memref_squeeze %dma_wait3A_1198 : memref<1x1x64x64xf32, #tpu.memory_space<vmem>> -> memref<64x64xf32, #tpu.memory_space<vmem>>
      %dma_wait3A_1200 = arith.constant 0 : i32
      %dma_wait3A_1201 = tpu.memref_slice %arg5[%dma_wait3A_1192, %dma_wait3A_1200] : memref<50x512xi32, #tpu.memory_space<vmem>> -> memref<1x64xi32, #tpu.memory_space<vmem>>
      %dma_wait3A_1202 = tpu.memref_squeeze %dma_wait3A_1201 : memref<1x64xi32, #tpu.memory_space<vmem>> -> memref<64xi32, #tpu.memory_space<vmem>>
      %dma_wait3A_1203 = arith.constant 0 : i32
      %dma_wait3A_1204 = arith.constant 0 : i32
      %dma_wait3A_1205 = tpu.memref_slice %arg3[%dma_wait3A_1203, %dma_wait3A_1204] : memref<1000000x64xf32, #tpu.memory_space<hbm>> -> memref<1000000x64xf32, #tpu.memory_space<hbm>>
      %dma_wait3A_1206 = tpu.memref_slice %arg7[%dma_wait3A_1195] : memref<10x!tpu.dma_semaphore, #tpu.memory_space<semaphore_mem>> -> memref<1x!tpu.dma_semaphore, #tpu.memory_space<semaphore_mem>>
      %dma_wait3A_1207 = tpu.memref_squeeze %dma_wait3A_1206 : memref<1x!tpu.dma_semaphore, #tpu.memory_space<semaphore_mem>> -> memref<!tpu.dma_semaphore, #tpu.memory_space<semaphore_mem>>
      tpu.wait_indirect_dma semaphore(%dma_wait3A_1207 : memref<!tpu.dma_semaphore, #tpu.memory_space<semaphore_mem>>) src(%dma_wait3A_1205 : memref<1000000x64xf32, #tpu.memory_space<hbm>>) dst(%dma_wait3A_1199 : memref<64x64xf32, #tpu.memory_space<vmem>>)
      %jit3A_1208 = arith.constant 4 : i32
      %div3A_1209 = arith.divsi %add3A_1175, %jit3A_1208 : i32
      %sign3A_1210 = arith.constant 0 : i32
      %sign3A_1211 = arith.cmpi sgt, %add3A_1175, %sign3A_1210 : i32
      %sign3A_1212 = arith.extui %sign3A_1211 : i1 to i32
      %sign3A_1213 = arith.constant 0 : i32
      %sign3A_1214 = arith.cmpi slt, %add3A_1175, %sign3A_1213 : i32
      %sign3A_1215 = arith.extui %sign3A_1214 : i1 to i32
      %sign3A_1216 = arith.subi %sign3A_1212, %sign3A_1215 : i32
      %sign3A_1217 = arith.constant 0 : i32
      %sign3A_1218 = arith.cmpi sgt, %jit3A_1208, %sign3A_1217 : i32
      %sign3A_1219 = arith.extui %sign3A_1218 : i1 to i32
      %sign3A_1220 = arith.constant 0 : i32
      %sign3A_1221 = arith.cmpi slt, %jit3A_1208, %sign3A_1220 : i32
      %sign3A_1222 = arith.extui %sign3A_1221 : i1 to i32
      %sign3A_1223 = arith.subi %sign3A_1219, %sign3A_1222 : i32
      %ne3A_1224 = arith.cmpi ne, %sign3A_1216, %sign3A_1223 : i32
      %rem3A_1225 = arith.remsi %add3A_1175, %jit3A_1208 : i32
      %ne3A_1226 = arith.constant 0 : i32
      %ne3A_1227 = arith.cmpi ne, %rem3A_1225, %ne3A_1226 : i32
      %and3A_1228 = arith.andi %ne3A_1224, %ne3A_1227 : i1
      %sub3A_1229 = arith.constant 1 : i32
      %sub3A_1230 = arith.subi %div3A_1209, %sub3A_1229 : i32
      %select_n3A_1231 = arith.select %and3A_1228, %sub3A_1230, %div3A_1209 : i32
      %mul3A_1232 = arith.constant 4 : i32
      %mul3A_1233 = arith.muli %add3A, %mul3A_1232 : i32
      %jit3A_1234 = arith.constant 4 : i32
      %eq3A_1235 = arith.constant 0 : i32
      %eq3A_1236 = arith.cmpi eq, %jit3A_1234, %eq3A_1235 : i32
      %jit3A_1237 = arith.constant 1 : i32
      %select_n3A_1238 = arith.select %eq3A_1236, %jit3A_1237, %jit3A_1234 : i32
      %rem3A_1239 = arith.remsi %add3A_1175, %select_n3A_1238 : i32
      %ne3A_1240 = arith.constant 0 : i32
      %ne3A_1241 = arith.cmpi ne, %rem3A_1239, %ne3A_1240 : i32
      %lt3A_1242 = arith.constant 0 : i32
      %lt3A_1243 = arith.cmpi slt, %rem3A_1239, %lt3A_1242 : i32
      %lt3A_1244 = arith.constant 0 : i32
      %lt3A_1245 = arith.cmpi slt, %select_n3A_1238, %lt3A_1244 : i32
      %ne3A_1246 = arith.xori %lt3A_1243, %lt3A_1245 : i1
      %and3A_1247 = arith.andi %ne3A_1246, %ne3A_1241 : i1
      %add3A_1248 = arith.addi %rem3A_1239, %select_n3A_1238 : i32
      %select_n3A_1249 = arith.select %and3A_1247, %add3A_1248, %rem3A_1239 : i32
      %add3A_1250 = arith.addi %mul3A_1233, %select_n3A_1249 : i32
      %mul3A_1251 = arith.constant 64 : i32
      %mul3A_1252 = arith.muli %add3A_1250, %mul3A_1251 : i32
      %mul3A_1253 = arith.constant 8192 : i32
      %mul3A_1254 = arith.muli %select_n3A_1231, %mul3A_1253 : i32
      %add3A_1255 = arith.addi %mul3A_1254, %mul3A_1252 : i32
      %dma_start3A_1256 = arith.constant 6 : i32
      %dma_start3A_1257 = arith.constant 0 : i32
      %dma_start3A_1258 = arith.constant 6 : i32
      %dma_start3A_1259 = arith.constant 0 : i32
      %dma_start3A_1260 = arith.constant 0 : i32
      %dma_start3A_1261 = tpu.memref_slice %arg6[%dma_start3A_1256, %dma_start3A_1257, %dma_start3A_1259, %dma_start3A_1260] : memref<10x2x64x64xf32, #tpu.memory_space<vmem>> -> memref<1x1x64x64xf32, #tpu.memory_space<vmem>>
      %dma_start3A_1262 = tpu.memref_squeeze %dma_start3A_1261 : memref<1x1x64x64xf32, #tpu.memory_space<vmem>> -> memref<64x64xf32, #tpu.memory_space<vmem>>
      %dma_start3A_1263 = arith.constant 0 : i32
      %dma_start3A_1264 = tpu.memref_slice %arg4[%add3A_1255, %dma_start3A_1263] : memref<409600x128xf32, #tpu.memory_space<hbm>> -> memref<64x64xf32, #tpu.memory_space<hbm>>
      %dma_start3A_1265 = tpu.memref_slice %arg8[%dma_start3A_1258] : memref<10x!tpu.dma_semaphore, #tpu.memory_space<semaphore_mem>> -> memref<1x!tpu.dma_semaphore, #tpu.memory_space<semaphore_mem>>
      %dma_start3A_1266 = tpu.memref_squeeze %dma_start3A_1265 : memref<1x!tpu.dma_semaphore, #tpu.memory_space<semaphore_mem>> -> memref<!tpu.dma_semaphore, #tpu.memory_space<semaphore_mem>>
      %dma_start3A_1267 = arith.constant 0 : i32
      %dma_start3A_1268 = tpu.memref_slice %arg4[%add3A_1255, %dma_start3A_1267] : memref<409600x128xf32, #tpu.memory_space<hbm>> -> memref<64x64xf32, #tpu.memory_space<hbm>>
      %dma_start3A_1269 = arith.constant 0 : i32
      %dma_start3A_1270 = arith.constant 0 : i32
      %dma_start3A_1271 = tpu.memref_slice %arg6[%dma_start3A_1256, %dma_start3A_1257, %dma_start3A_1269, %dma_start3A_1270] : memref<10x2x64x64xf32, #tpu.memory_space<vmem>> -> memref<1x1x64x64xf32, #tpu.memory_space<vmem>>
      %dma_start3A_1272 = tpu.memref_squeeze %dma_start3A_1271 : memref<1x1x64x64xf32, #tpu.memory_space<vmem>> -> memref<64x64xf32, #tpu.memory_space<vmem>>
      tpu.enqueue_dma source(%dma_start3A_1272 : memref<64x64xf32, #tpu.memory_space<vmem>>) target(%dma_start3A_1268 : memref<64x64xf32, #tpu.memory_space<hbm>>) target_semaphore(%dma_start3A_1266 : memref<!tpu.dma_semaphore, #tpu.memory_space<semaphore_mem>>)
      %mul3A_1273 = arith.constant 8192 : i32
      %mul3A_1274 = arith.muli %select_n3A_1231, %mul3A_1273 : i32
      %add3A_1275 = arith.addi %mul3A_1274, %mul3A_1252 : i32
      %dma_start3A_1276 = arith.constant 6 : i32
      %dma_start3A_1277 = arith.constant 1 : i32
      %dma_start3A_1278 = arith.constant 6 : i32
      %dma_start3A_1279 = arith.constant 0 : i32
      %dma_start3A_1280 = arith.constant 0 : i32
      %dma_start3A_1281 = tpu.memref_slice %arg6[%dma_start3A_1276, %dma_start3A_1277, %dma_start3A_1279, %dma_start3A_1280] : memref<10x2x64x64xf32, #tpu.memory_space<vmem>> -> memref<1x1x64x64xf32, #tpu.memory_space<vmem>>
      %dma_start3A_1282 = tpu.memref_squeeze %dma_start3A_1281 : memref<1x1x64x64xf32, #tpu.memory_space<vmem>> -> memref<64x64xf32, #tpu.memory_space<vmem>>
      %dma_start3A_1283 = arith.constant 64 : i32
      %dma_start3A_1284 = tpu.memref_slice %arg4[%add3A_1275, %dma_start3A_1283] : memref<409600x128xf32, #tpu.memory_space<hbm>> -> memref<64x64xf32, #tpu.memory_space<hbm>>
      %dma_start3A_1285 = tpu.memref_slice %arg8[%dma_start3A_1278] : memref<10x!tpu.dma_semaphore, #tpu.memory_space<semaphore_mem>> -> memref<1x!tpu.dma_semaphore, #tpu.memory_space<semaphore_mem>>
      %dma_start3A_1286 = tpu.memref_squeeze %dma_start3A_1285 : memref<1x!tpu.dma_semaphore, #tpu.memory_space<semaphore_mem>> -> memref<!tpu.dma_semaphore, #tpu.memory_space<semaphore_mem>>
      %dma_start3A_1287 = arith.constant 64 : i32
      %dma_start3A_1288 = tpu.memref_slice %arg4[%add3A_1275, %dma_start3A_1287] : memref<409600x128xf32, #tpu.memory_space<hbm>> -> memref<64x64xf32, #tpu.memory_space<hbm>>
      %dma_start3A_1289 = arith.constant 0 : i32
      %dma_start3A_1290 = arith.constant 0 : i32
      %dma_start3A_1291 = tpu.memref_slice %arg6[%dma_start3A_1276, %dma_start3A_1277, %dma_start3A_1289, %dma_start3A_1290] : memref<10x2x64x64xf32, #tpu.memory_space<vmem>> -> memref<1x1x64x64xf32, #tpu.memory_space<vmem>>
      %dma_start3A_1292 = tpu.memref_squeeze %dma_start3A_1291 : memref<1x1x64x64xf32, #tpu.memory_space<vmem>> -> memref<64x64xf32, #tpu.memory_space<vmem>>
      tpu.enqueue_dma source(%dma_start3A_1292 : memref<64x64xf32, #tpu.memory_space<vmem>>) target(%dma_start3A_1288 : memref<64x64xf32, #tpu.memory_space<hbm>>) target_semaphore(%dma_start3A_1286 : memref<!tpu.dma_semaphore, #tpu.memory_space<semaphore_mem>>)
      %add3A_1293 = arith.constant 5 : i32
      %add3A_1294 = arith.addi %add3A_1175, %add3A_1293 : i32
      %ge3A_1295 = arith.constant 10 : i32
      %ge3A_1296 = arith.cmpi sge, %add3A_1294, %ge3A_1295 : i32
      %convert_element_type3A_1297 = arith.extui %ge3A_1296 : i1 to i32
      %cond3A_1298 = arith.constant 0 : i32
      %cond3A_1299 = arith.cmpi ne, %convert_element_type3A_1297, %cond3A_1298 : i32
      scf.if %cond3A_1299 {
        %sub3A_1704 = arith.constant 10 : i32
        %sub3A_1705 = arith.subi %add3A_1294, %sub3A_1704 : i32
        %jit3A_1706 = arith.constant 4 : i32
        %div3A_1707 = arith.divsi %sub3A_1705, %jit3A_1706 : i32
        %sign3A_1708 = arith.constant 0 : i32
        %sign3A_1709 = arith.cmpi sgt, %sub3A_1705, %sign3A_1708 : i32
        %sign3A_1710 = arith.extui %sign3A_1709 : i1 to i32
        %sign3A_1711 = arith.constant 0 : i32
        %sign3A_1712 = arith.cmpi slt, %sub3A_1705, %sign3A_1711 : i32
        %sign3A_1713 = arith.extui %sign3A_1712 : i1 to i32
        %sign3A_1714 = arith.subi %sign3A_1710, %sign3A_1713 : i32
        %sign3A_1715 = arith.constant 0 : i32
        %sign3A_1716 = arith.cmpi sgt, %jit3A_1706, %sign3A_1715 : i32
        %sign3A_1717 = arith.extui %sign3A_1716 : i1 to i32
        %sign3A_1718 = arith.constant 0 : i32
        %sign3A_1719 = arith.cmpi slt, %jit3A_1706, %sign3A_1718 : i32
        %sign3A_1720 = arith.extui %sign3A_1719 : i1 to i32
        %sign3A_1721 = arith.subi %sign3A_1717, %sign3A_1720 : i32
        %ne3A_1722 = arith.cmpi ne, %sign3A_1714, %sign3A_1721 : i32
        %rem3A_1723 = arith.remsi %sub3A_1705, %jit3A_1706 : i32
        %ne3A_1724 = arith.constant 0 : i32
        %ne3A_1725 = arith.cmpi ne, %rem3A_1723, %ne3A_1724 : i32
        %and3A_1726 = arith.andi %ne3A_1722, %ne3A_1725 : i1
        %sub3A_1727 = arith.constant 1 : i32
        %sub3A_1728 = arith.subi %div3A_1707, %sub3A_1727 : i32
        %select_n3A_1729 = arith.select %and3A_1726, %sub3A_1728, %div3A_1707 : i32
        %mul3A_1730 = arith.constant 4 : i32
        %mul3A_1731 = arith.muli %add3A, %mul3A_1730 : i32
        %jit3A_1732 = arith.constant 4 : i32
        %eq3A_1733 = arith.constant 0 : i32
        %eq3A_1734 = arith.cmpi eq, %jit3A_1732, %eq3A_1733 : i32
        %jit3A_1735 = arith.constant 1 : i32
        %select_n3A_1736 = arith.select %eq3A_1734, %jit3A_1735, %jit3A_1732 : i32
        %rem3A_1737 = arith.remsi %sub3A_1705, %select_n3A_1736 : i32
        %ne3A_1738 = arith.constant 0 : i32
        %ne3A_1739 = arith.cmpi ne, %rem3A_1737, %ne3A_1738 : i32
        %lt3A_1740 = arith.constant 0 : i32
        %lt3A_1741 = arith.cmpi slt, %rem3A_1737, %lt3A_1740 : i32
        %lt3A_1742 = arith.constant 0 : i32
        %lt3A_1743 = arith.cmpi slt, %select_n3A_1736, %lt3A_1742 : i32
        %ne3A_1744 = arith.xori %lt3A_1741, %lt3A_1743 : i1
        %and3A_1745 = arith.andi %ne3A_1744, %ne3A_1739 : i1
        %add3A_1746 = arith.addi %rem3A_1737, %select_n3A_1736 : i32
        %select_n3A_1747 = arith.select %and3A_1745, %add3A_1746, %rem3A_1737 : i32
        %add3A_1748 = arith.addi %mul3A_1731, %select_n3A_1747 : i32
        %mul3A_1749 = arith.constant 64 : i32
        %mul3A_1750 = arith.muli %add3A_1748, %mul3A_1749 : i32
        %mul3A_1751 = arith.constant 8192 : i32
        %mul3A_1752 = arith.muli %select_n3A_1729, %mul3A_1751 : i32
        %add3A_1753 = arith.addi %mul3A_1752, %mul3A_1750 : i32
        %dma_wait3A_1754 = arith.constant 1 : i32
        %dma_wait3A_1755 = arith.constant 0 : i32
        %dma_wait3A_1756 = arith.constant 1 : i32
        %dma_wait3A_1757 = arith.constant 0 : i32
        %dma_wait3A_1758 = arith.constant 0 : i32
        %dma_wait3A_1759 = tpu.memref_slice %arg6[%dma_wait3A_1754, %dma_wait3A_1755, %dma_wait3A_1757, %dma_wait3A_1758] : memref<10x2x64x64xf32, #tpu.memory_space<vmem>> -> memref<1x1x64x64xf32, #tpu.memory_space<vmem>>
        %dma_wait3A_1760 = tpu.memref_squeeze %dma_wait3A_1759 : memref<1x1x64x64xf32, #tpu.memory_space<vmem>> -> memref<64x64xf32, #tpu.memory_space<vmem>>
        %dma_wait3A_1761 = arith.constant 0 : i32
        %dma_wait3A_1762 = tpu.memref_slice %arg4[%add3A_1753, %dma_wait3A_1761] : memref<409600x128xf32, #tpu.memory_space<hbm>> -> memref<64x64xf32, #tpu.memory_space<hbm>>
        %dma_wait3A_1763 = tpu.memref_slice %arg8[%dma_wait3A_1756] : memref<10x!tpu.dma_semaphore, #tpu.memory_space<semaphore_mem>> -> memref<1x!tpu.dma_semaphore, #tpu.memory_space<semaphore_mem>>
        %dma_wait3A_1764 = tpu.memref_squeeze %dma_wait3A_1763 : memref<1x!tpu.dma_semaphore, #tpu.memory_space<semaphore_mem>> -> memref<!tpu.dma_semaphore, #tpu.memory_space<semaphore_mem>>
        %dma_wait3A_1765 = arith.constant 0 : i32
        %dma_wait3A_1766 = tpu.memref_slice %arg4[%add3A_1753, %dma_wait3A_1765] : memref<409600x128xf32, #tpu.memory_space<hbm>> -> memref<64x64xf32, #tpu.memory_space<hbm>>
        %dma_wait3A_1767 = arith.constant 0 : i32
        %dma_wait3A_1768 = arith.constant 0 : i32
        %dma_wait3A_1769 = tpu.memref_slice %arg6[%dma_wait3A_1754, %dma_wait3A_1755, %dma_wait3A_1767, %dma_wait3A_1768] : memref<10x2x64x64xf32, #tpu.memory_space<vmem>> -> memref<1x1x64x64xf32, #tpu.memory_space<vmem>>
        %dma_wait3A_1770 = tpu.memref_squeeze %dma_wait3A_1769 : memref<1x1x64x64xf32, #tpu.memory_space<vmem>> -> memref<64x64xf32, #tpu.memory_space<vmem>>
        tpu.wait_dma2 semaphore(%dma_wait3A_1764 : memref<!tpu.dma_semaphore, #tpu.memory_space<semaphore_mem>>) src(%dma_wait3A_1770 : memref<64x64xf32, #tpu.memory_space<vmem>>) dst(%dma_wait3A_1766 : memref<64x64xf32, #tpu.memory_space<hbm>>)
        %mul3A_1771 = arith.constant 8192 : i32
        %mul3A_1772 = arith.muli %select_n3A_1729, %mul3A_1771 : i32
        %add3A_1773 = arith.addi %mul3A_1772, %mul3A_1750 : i32
        %dma_wait3A_1774 = arith.constant 1 : i32
        %dma_wait3A_1775 = arith.constant 1 : i32
        %dma_wait3A_1776 = arith.constant 1 : i32
        %dma_wait3A_1777 = arith.constant 0 : i32
        %dma_wait3A_1778 = arith.constant 0 : i32
        %dma_wait3A_1779 = tpu.memref_slice %arg6[%dma_wait3A_1774, %dma_wait3A_1775, %dma_wait3A_1777, %dma_wait3A_1778] : memref<10x2x64x64xf32, #tpu.memory_space<vmem>> -> memref<1x1x64x64xf32, #tpu.memory_space<vmem>>
        %dma_wait3A_1780 = tpu.memref_squeeze %dma_wait3A_1779 : memref<1x1x64x64xf32, #tpu.memory_space<vmem>> -> memref<64x64xf32, #tpu.memory_space<vmem>>
        %dma_wait3A_1781 = arith.constant 64 : i32
        %dma_wait3A_1782 = tpu.memref_slice %arg4[%add3A_1773, %dma_wait3A_1781] : memref<409600x128xf32, #tpu.memory_space<hbm>> -> memref<64x64xf32, #tpu.memory_space<hbm>>
        %dma_wait3A_1783 = tpu.memref_slice %arg8[%dma_wait3A_1776] : memref<10x!tpu.dma_semaphore, #tpu.memory_space<semaphore_mem>> -> memref<1x!tpu.dma_semaphore, #tpu.memory_space<semaphore_mem>>
        %dma_wait3A_1784 = tpu.memref_squeeze %dma_wait3A_1783 : memref<1x!tpu.dma_semaphore, #tpu.memory_space<semaphore_mem>> -> memref<!tpu.dma_semaphore, #tpu.memory_space<semaphore_mem>>
        %dma_wait3A_1785 = arith.constant 64 : i32
        %dma_wait3A_1786 = tpu.memref_slice %arg4[%add3A_1773, %dma_wait3A_1785] : memref<409600x128xf32, #tpu.memory_space<hbm>> -> memref<64x64xf32, #tpu.memory_space<hbm>>
        %dma_wait3A_1787 = arith.constant 0 : i32
        %dma_wait3A_1788 = arith.constant 0 : i32
        %dma_wait3A_1789 = tpu.memref_slice %arg6[%dma_wait3A_1774, %dma_wait3A_1775, %dma_wait3A_1787, %dma_wait3A_1788] : memref<10x2x64x64xf32, #tpu.memory_space<vmem>> -> memref<1x1x64x64xf32, #tpu.memory_space<vmem>>
        %dma_wait3A_1790 = tpu.memref_squeeze %dma_wait3A_1789 : memref<1x1x64x64xf32, #tpu.memory_space<vmem>> -> memref<64x64xf32, #tpu.memory_space<vmem>>
        tpu.wait_dma2 semaphore(%dma_wait3A_1784 : memref<!tpu.dma_semaphore, #tpu.memory_space<semaphore_mem>>) src(%dma_wait3A_1790 : memref<64x64xf32, #tpu.memory_space<vmem>>) dst(%dma_wait3A_1786 : memref<64x64xf32, #tpu.memory_space<hbm>>)
      } else {
      }
      %lt3A_1300 = arith.constant 200 : i32
      %lt3A_1301 = arith.cmpi slt, %add3A_1294, %lt3A_1300 : i32
      %convert_element_type3A_1302 = arith.extui %lt3A_1301 : i1 to i32
      %cond3A_1303 = arith.constant 0 : i32
      %cond3A_1304 = arith.cmpi ne, %convert_element_type3A_1302, %cond3A_1303 : i32
      scf.if %cond3A_1304 {
        %jit3A_1704 = arith.constant 4 : i32
        %div3A_1705 = arith.divsi %add3A_1294, %jit3A_1704 : i32
        %sign3A_1706 = arith.constant 0 : i32
        %sign3A_1707 = arith.cmpi sgt, %add3A_1294, %sign3A_1706 : i32
        %sign3A_1708 = arith.extui %sign3A_1707 : i1 to i32
        %sign3A_1709 = arith.constant 0 : i32
        %sign3A_1710 = arith.cmpi slt, %add3A_1294, %sign3A_1709 : i32
        %sign3A_1711 = arith.extui %sign3A_1710 : i1 to i32
        %sign3A_1712 = arith.subi %sign3A_1708, %sign3A_1711 : i32
        %sign3A_1713 = arith.constant 0 : i32
        %sign3A_1714 = arith.cmpi sgt, %jit3A_1704, %sign3A_1713 : i32
        %sign3A_1715 = arith.extui %sign3A_1714 : i1 to i32
        %sign3A_1716 = arith.constant 0 : i32
        %sign3A_1717 = arith.cmpi slt, %jit3A_1704, %sign3A_1716 : i32
        %sign3A_1718 = arith.extui %sign3A_1717 : i1 to i32
        %sign3A_1719 = arith.subi %sign3A_1715, %sign3A_1718 : i32
        %ne3A_1720 = arith.cmpi ne, %sign3A_1712, %sign3A_1719 : i32
        %rem3A_1721 = arith.remsi %add3A_1294, %jit3A_1704 : i32
        %ne3A_1722 = arith.constant 0 : i32
        %ne3A_1723 = arith.cmpi ne, %rem3A_1721, %ne3A_1722 : i32
        %and3A_1724 = arith.andi %ne3A_1720, %ne3A_1723 : i1
        %sub3A_1725 = arith.constant 1 : i32
        %sub3A_1726 = arith.subi %div3A_1705, %sub3A_1725 : i32
        %select_n3A_1727 = arith.select %and3A_1724, %sub3A_1726, %div3A_1705 : i32
        %jit3A_1728 = arith.constant 4 : i32
        %eq3A_1729 = arith.constant 0 : i32
        %eq3A_1730 = arith.cmpi eq, %jit3A_1728, %eq3A_1729 : i32
        %jit3A_1731 = arith.constant 1 : i32
        %select_n3A_1732 = arith.select %eq3A_1730, %jit3A_1731, %jit3A_1728 : i32
        %rem3A_1733 = arith.remsi %add3A_1294, %select_n3A_1732 : i32
        %ne3A_1734 = arith.constant 0 : i32
        %ne3A_1735 = arith.cmpi ne, %rem3A_1733, %ne3A_1734 : i32
        %lt3A_1736 = arith.constant 0 : i32
        %lt3A_1737 = arith.cmpi slt, %rem3A_1733, %lt3A_1736 : i32
        %lt3A_1738 = arith.constant 0 : i32
        %lt3A_1739 = arith.cmpi slt, %select_n3A_1732, %lt3A_1738 : i32
        %ne3A_1740 = arith.xori %lt3A_1737, %lt3A_1739 : i1
        %and3A_1741 = arith.andi %ne3A_1740, %ne3A_1735 : i1
        %add3A_1742 = arith.addi %rem3A_1733, %select_n3A_1732 : i32
        %select_n3A_1743 = arith.select %and3A_1741, %add3A_1742, %rem3A_1733 : i32
        %mul3A_1744 = arith.constant 128 : i32
        %mul3A_1745 = arith.muli %select_n3A_1743, %mul3A_1744 : i32
        %add3A_1746 = arith.constant 0 : i32
        %add3A_1747 = arith.addi %mul3A_1745, %add3A_1746 : i32
        %dma_start3A_1748 = arith.constant 1 : i32
        %dma_start3A_1749 = arith.constant 0 : i32
        %dma_start3A_1750 = arith.constant 1 : i32
        %dma_start3A_1751 = arith.constant 0 : i32
        %dma_start3A_1752 = arith.constant 0 : i32
        %dma_start3A_1753 = tpu.memref_slice %arg6[%dma_start3A_1748, %dma_start3A_1749, %dma_start3A_1751, %dma_start3A_1752] : memref<10x2x64x64xf32, #tpu.memory_space<vmem>> -> memref<1x1x64x64xf32, #tpu.memory_space<vmem>>
        %dma_start3A_1754 = tpu.memref_squeeze %dma_start3A_1753 : memref<1x1x64x64xf32, #tpu.memory_space<vmem>> -> memref<64x64xf32, #tpu.memory_space<vmem>>
        %dma_start3A_1755 = tpu.memref_slice %arg5[%select_n3A_1727, %add3A_1747] : memref<50x512xi32, #tpu.memory_space<vmem>> -> memref<1x64xi32, #tpu.memory_space<vmem>>
        %dma_start3A_1756 = tpu.memref_squeeze %dma_start3A_1755 : memref<1x64xi32, #tpu.memory_space<vmem>> -> memref<64xi32, #tpu.memory_space<vmem>>
        %dma_start3A_1757 = arith.constant 0 : i32
        %dma_start3A_1758 = arith.constant 0 : i32
        %dma_start3A_1759 = tpu.memref_slice %arg3[%dma_start3A_1757, %dma_start3A_1758] : memref<1000000x64xf32, #tpu.memory_space<hbm>> -> memref<1000000x64xf32, #tpu.memory_space<hbm>>
        %dma_start3A_1760 = tpu.memref_slice %arg7[%dma_start3A_1750] : memref<10x!tpu.dma_semaphore, #tpu.memory_space<semaphore_mem>> -> memref<1x!tpu.dma_semaphore, #tpu.memory_space<semaphore_mem>>
        %dma_start3A_1761 = tpu.memref_squeeze %dma_start3A_1760 : memref<1x!tpu.dma_semaphore, #tpu.memory_space<semaphore_mem>> -> memref<!tpu.dma_semaphore, #tpu.memory_space<semaphore_mem>>
        tpu.enqueue_indirect_dma source(%dma_start3A_1759 : memref<1000000x64xf32, #tpu.memory_space<hbm>>) target(%dma_start3A_1754 : memref<64x64xf32, #tpu.memory_space<vmem>>) offsets(%dma_start3A_1756 : memref<64xi32, #tpu.memory_space<vmem>>) semaphore(%dma_start3A_1761 : memref<!tpu.dma_semaphore, #tpu.memory_space<semaphore_mem>>)
        %mul3A_1762 = arith.constant 128 : i32
        %mul3A_1763 = arith.muli %select_n3A_1743, %mul3A_1762 : i32
        %add3A_1764 = arith.constant 64 : i32
        %add3A_1765 = arith.addi %mul3A_1763, %add3A_1764 : i32
        %dma_start3A_1766 = arith.constant 1 : i32
        %dma_start3A_1767 = arith.constant 1 : i32
        %dma_start3A_1768 = arith.constant 1 : i32
        %dma_start3A_1769 = arith.constant 0 : i32
        %dma_start3A_1770 = arith.constant 0 : i32
        %dma_start3A_1771 = tpu.memref_slice %arg6[%dma_start3A_1766, %dma_start3A_1767, %dma_start3A_1769, %dma_start3A_1770] : memref<10x2x64x64xf32, #tpu.memory_space<vmem>> -> memref<1x1x64x64xf32, #tpu.memory_space<vmem>>
        %dma_start3A_1772 = tpu.memref_squeeze %dma_start3A_1771 : memref<1x1x64x64xf32, #tpu.memory_space<vmem>> -> memref<64x64xf32, #tpu.memory_space<vmem>>
        %dma_start3A_1773 = tpu.memref_slice %arg5[%select_n3A_1727, %add3A_1765] : memref<50x512xi32, #tpu.memory_space<vmem>> -> memref<1x64xi32, #tpu.memory_space<vmem>>
        %dma_start3A_1774 = tpu.memref_squeeze %dma_start3A_1773 : memref<1x64xi32, #tpu.memory_space<vmem>> -> memref<64xi32, #tpu.memory_space<vmem>>
        %dma_start3A_1775 = arith.constant 0 : i32
        %dma_start3A_1776 = arith.constant 0 : i32
        %dma_start3A_1777 = tpu.memref_slice %arg3[%dma_start3A_1775, %dma_start3A_1776] : memref<1000000x64xf32, #tpu.memory_space<hbm>> -> memref<1000000x64xf32, #tpu.memory_space<hbm>>
        %dma_start3A_1778 = tpu.memref_slice %arg7[%dma_start3A_1768] : memref<10x!tpu.dma_semaphore, #tpu.memory_space<semaphore_mem>> -> memref<1x!tpu.dma_semaphore, #tpu.memory_space<semaphore_mem>>
        %dma_start3A_1779 = tpu.memref_squeeze %dma_start3A_1778 : memref<1x!tpu.dma_semaphore, #tpu.memory_space<semaphore_mem>> -> memref<!tpu.dma_semaphore, #tpu.memory_space<semaphore_mem>>
        tpu.enqueue_indirect_dma source(%dma_start3A_1777 : memref<1000000x64xf32, #tpu.memory_space<hbm>>) target(%dma_start3A_1772 : memref<64x64xf32, #tpu.memory_space<vmem>>) offsets(%dma_start3A_1774 : memref<64xi32, #tpu.memory_space<vmem>>) semaphore(%dma_start3A_1779 : memref<!tpu.dma_semaphore, #tpu.memory_space<semaphore_mem>>)
      } else {
      }
      %mul3A_1305 = arith.constant 10 : i32
      %mul3A_1306 = arith.muli %scan3A_386, %mul3A_1305 : i32
      %add3A_1307 = arith.constant 7 : i32
      %add3A_1308 = arith.addi %mul3A_1306, %add3A_1307 : i32
      %dma_wait3A_1309 = arith.constant 0 : i32
      %dma_wait3A_1310 = arith.constant 7 : i32
      %dma_wait3A_1311 = arith.constant 0 : i32
      %dma_wait3A_1312 = arith.constant 7 : i32
      %dma_wait3A_1313 = arith.constant 0 : i32
      %dma_wait3A_1314 = arith.constant 0 : i32
      %dma_wait3A_1315 = tpu.memref_slice %arg6[%dma_wait3A_1310, %dma_wait3A_1311, %dma_wait3A_1313, %dma_wait3A_1314] : memref<10x2x64x64xf32, #tpu.memory_space<vmem>> -> memref<1x1x64x64xf32, #tpu.memory_space<vmem>>
      %dma_wait3A_1316 = tpu.memref_squeeze %dma_wait3A_1315 : memref<1x1x64x64xf32, #tpu.memory_space<vmem>> -> memref<64x64xf32, #tpu.memory_space<vmem>>
      %dma_wait3A_1317 = arith.constant 0 : i32
      %dma_wait3A_1318 = tpu.memref_slice %arg5[%dma_wait3A_1309, %dma_wait3A_1317] : memref<50x512xi32, #tpu.memory_space<vmem>> -> memref<1x64xi32, #tpu.memory_space<vmem>>
      %dma_wait3A_1319 = tpu.memref_squeeze %dma_wait3A_1318 : memref<1x64xi32, #tpu.memory_space<vmem>> -> memref<64xi32, #tpu.memory_space<vmem>>
      %dma_wait3A_1320 = arith.constant 0 : i32
      %dma_wait3A_1321 = arith.constant 0 : i32
      %dma_wait3A_1322 = tpu.memref_slice %arg3[%dma_wait3A_1320, %dma_wait3A_1321] : memref<1000000x64xf32, #tpu.memory_space<hbm>> -> memref<1000000x64xf32, #tpu.memory_space<hbm>>
      %dma_wait3A_1323 = tpu.memref_slice %arg7[%dma_wait3A_1312] : memref<10x!tpu.dma_semaphore, #tpu.memory_space<semaphore_mem>> -> memref<1x!tpu.dma_semaphore, #tpu.memory_space<semaphore_mem>>
      %dma_wait3A_1324 = tpu.memref_squeeze %dma_wait3A_1323 : memref<1x!tpu.dma_semaphore, #tpu.memory_space<semaphore_mem>> -> memref<!tpu.dma_semaphore, #tpu.memory_space<semaphore_mem>>
      tpu.wait_indirect_dma semaphore(%dma_wait3A_1324 : memref<!tpu.dma_semaphore, #tpu.memory_space<semaphore_mem>>) src(%dma_wait3A_1322 : memref<1000000x64xf32, #tpu.memory_space<hbm>>) dst(%dma_wait3A_1316 : memref<64x64xf32, #tpu.memory_space<vmem>>)
      %dma_wait3A_1325 = arith.constant 0 : i32
      %dma_wait3A_1326 = arith.constant 7 : i32
      %dma_wait3A_1327 = arith.constant 1 : i32
      %dma_wait3A_1328 = arith.constant 7 : i32
      %dma_wait3A_1329 = arith.constant 0 : i32
      %dma_wait3A_1330 = arith.constant 0 : i32
      %dma_wait3A_1331 = tpu.memref_slice %arg6[%dma_wait3A_1326, %dma_wait3A_1327, %dma_wait3A_1329, %dma_wait3A_1330] : memref<10x2x64x64xf32, #tpu.memory_space<vmem>> -> memref<1x1x64x64xf32, #tpu.memory_space<vmem>>
      %dma_wait3A_1332 = tpu.memref_squeeze %dma_wait3A_1331 : memref<1x1x64x64xf32, #tpu.memory_space<vmem>> -> memref<64x64xf32, #tpu.memory_space<vmem>>
      %dma_wait3A_1333 = arith.constant 0 : i32
      %dma_wait3A_1334 = tpu.memref_slice %arg5[%dma_wait3A_1325, %dma_wait3A_1333] : memref<50x512xi32, #tpu.memory_space<vmem>> -> memref<1x64xi32, #tpu.memory_space<vmem>>
      %dma_wait3A_1335 = tpu.memref_squeeze %dma_wait3A_1334 : memref<1x64xi32, #tpu.memory_space<vmem>> -> memref<64xi32, #tpu.memory_space<vmem>>
      %dma_wait3A_1336 = arith.constant 0 : i32
      %dma_wait3A_1337 = arith.constant 0 : i32
      %dma_wait3A_1338 = tpu.memref_slice %arg3[%dma_wait3A_1336, %dma_wait3A_1337] : memref<1000000x64xf32, #tpu.memory_space<hbm>> -> memref<1000000x64xf32, #tpu.memory_space<hbm>>
      %dma_wait3A_1339 = tpu.memref_slice %arg7[%dma_wait3A_1328] : memref<10x!tpu.dma_semaphore, #tpu.memory_space<semaphore_mem>> -> memref<1x!tpu.dma_semaphore, #tpu.memory_space<semaphore_mem>>
      %dma_wait3A_1340 = tpu.memref_squeeze %dma_wait3A_1339 : memref<1x!tpu.dma_semaphore, #tpu.memory_space<semaphore_mem>> -> memref<!tpu.dma_semaphore, #tpu.memory_space<semaphore_mem>>
      tpu.wait_indirect_dma semaphore(%dma_wait3A_1340 : memref<!tpu.dma_semaphore, #tpu.memory_space<semaphore_mem>>) src(%dma_wait3A_1338 : memref<1000000x64xf32, #tpu.memory_space<hbm>>) dst(%dma_wait3A_1332 : memref<64x64xf32, #tpu.memory_space<vmem>>)
      %jit3A_1341 = arith.constant 4 : i32
      %div3A_1342 = arith.divsi %add3A_1308, %jit3A_1341 : i32
      %sign3A_1343 = arith.constant 0 : i32
      %sign3A_1344 = arith.cmpi sgt, %add3A_1308, %sign3A_1343 : i32
      %sign3A_1345 = arith.extui %sign3A_1344 : i1 to i32
      %sign3A_1346 = arith.constant 0 : i32
      %sign3A_1347 = arith.cmpi slt, %add3A_1308, %sign3A_1346 : i32
      %sign3A_1348 = arith.extui %sign3A_1347 : i1 to i32
      %sign3A_1349 = arith.subi %sign3A_1345, %sign3A_1348 : i32
      %sign3A_1350 = arith.constant 0 : i32
      %sign3A_1351 = arith.cmpi sgt, %jit3A_1341, %sign3A_1350 : i32
      %sign3A_1352 = arith.extui %sign3A_1351 : i1 to i32
      %sign3A_1353 = arith.constant 0 : i32
      %sign3A_1354 = arith.cmpi slt, %jit3A_1341, %sign3A_1353 : i32
      %sign3A_1355 = arith.extui %sign3A_1354 : i1 to i32
      %sign3A_1356 = arith.subi %sign3A_1352, %sign3A_1355 : i32
      %ne3A_1357 = arith.cmpi ne, %sign3A_1349, %sign3A_1356 : i32
      %rem3A_1358 = arith.remsi %add3A_1308, %jit3A_1341 : i32
      %ne3A_1359 = arith.constant 0 : i32
      %ne3A_1360 = arith.cmpi ne, %rem3A_1358, %ne3A_1359 : i32
      %and3A_1361 = arith.andi %ne3A_1357, %ne3A_1360 : i1
      %sub3A_1362 = arith.constant 1 : i32
      %sub3A_1363 = arith.subi %div3A_1342, %sub3A_1362 : i32
      %select_n3A_1364 = arith.select %and3A_1361, %sub3A_1363, %div3A_1342 : i32
      %mul3A_1365 = arith.constant 4 : i32
      %mul3A_1366 = arith.muli %add3A, %mul3A_1365 : i32
      %jit3A_1367 = arith.constant 4 : i32
      %eq3A_1368 = arith.constant 0 : i32
      %eq3A_1369 = arith.cmpi eq, %jit3A_1367, %eq3A_1368 : i32
      %jit3A_1370 = arith.constant 1 : i32
      %select_n3A_1371 = arith.select %eq3A_1369, %jit3A_1370, %jit3A_1367 : i32
      %rem3A_1372 = arith.remsi %add3A_1308, %select_n3A_1371 : i32
      %ne3A_1373 = arith.constant 0 : i32
      %ne3A_1374 = arith.cmpi ne, %rem3A_1372, %ne3A_1373 : i32
      %lt3A_1375 = arith.constant 0 : i32
      %lt3A_1376 = arith.cmpi slt, %rem3A_1372, %lt3A_1375 : i32
      %lt3A_1377 = arith.constant 0 : i32
      %lt3A_1378 = arith.cmpi slt, %select_n3A_1371, %lt3A_1377 : i32
      %ne3A_1379 = arith.xori %lt3A_1376, %lt3A_1378 : i1
      %and3A_1380 = arith.andi %ne3A_1379, %ne3A_1374 : i1
      %add3A_1381 = arith.addi %rem3A_1372, %select_n3A_1371 : i32
      %select_n3A_1382 = arith.select %and3A_1380, %add3A_1381, %rem3A_1372 : i32
      %add3A_1383 = arith.addi %mul3A_1366, %select_n3A_1382 : i32
      %mul3A_1384 = arith.constant 64 : i32
      %mul3A_1385 = arith.muli %add3A_1383, %mul3A_1384 : i32
      %mul3A_1386 = arith.constant 8192 : i32
      %mul3A_1387 = arith.muli %select_n3A_1364, %mul3A_1386 : i32
      %add3A_1388 = arith.addi %mul3A_1387, %mul3A_1385 : i32
      %dma_start3A_1389 = arith.constant 7 : i32
      %dma_start3A_1390 = arith.constant 0 : i32
      %dma_start3A_1391 = arith.constant 7 : i32
      %dma_start3A_1392 = arith.constant 0 : i32
      %dma_start3A_1393 = arith.constant 0 : i32
      %dma_start3A_1394 = tpu.memref_slice %arg6[%dma_start3A_1389, %dma_start3A_1390, %dma_start3A_1392, %dma_start3A_1393] : memref<10x2x64x64xf32, #tpu.memory_space<vmem>> -> memref<1x1x64x64xf32, #tpu.memory_space<vmem>>
      %dma_start3A_1395 = tpu.memref_squeeze %dma_start3A_1394 : memref<1x1x64x64xf32, #tpu.memory_space<vmem>> -> memref<64x64xf32, #tpu.memory_space<vmem>>
      %dma_start3A_1396 = arith.constant 0 : i32
      %dma_start3A_1397 = tpu.memref_slice %arg4[%add3A_1388, %dma_start3A_1396] : memref<409600x128xf32, #tpu.memory_space<hbm>> -> memref<64x64xf32, #tpu.memory_space<hbm>>
      %dma_start3A_1398 = tpu.memref_slice %arg8[%dma_start3A_1391] : memref<10x!tpu.dma_semaphore, #tpu.memory_space<semaphore_mem>> -> memref<1x!tpu.dma_semaphore, #tpu.memory_space<semaphore_mem>>
      %dma_start3A_1399 = tpu.memref_squeeze %dma_start3A_1398 : memref<1x!tpu.dma_semaphore, #tpu.memory_space<semaphore_mem>> -> memref<!tpu.dma_semaphore, #tpu.memory_space<semaphore_mem>>
      %dma_start3A_1400 = arith.constant 0 : i32
      %dma_start3A_1401 = tpu.memref_slice %arg4[%add3A_1388, %dma_start3A_1400] : memref<409600x128xf32, #tpu.memory_space<hbm>> -> memref<64x64xf32, #tpu.memory_space<hbm>>
      %dma_start3A_1402 = arith.constant 0 : i32
      %dma_start3A_1403 = arith.constant 0 : i32
      %dma_start3A_1404 = tpu.memref_slice %arg6[%dma_start3A_1389, %dma_start3A_1390, %dma_start3A_1402, %dma_start3A_1403] : memref<10x2x64x64xf32, #tpu.memory_space<vmem>> -> memref<1x1x64x64xf32, #tpu.memory_space<vmem>>
      %dma_start3A_1405 = tpu.memref_squeeze %dma_start3A_1404 : memref<1x1x64x64xf32, #tpu.memory_space<vmem>> -> memref<64x64xf32, #tpu.memory_space<vmem>>
      tpu.enqueue_dma source(%dma_start3A_1405 : memref<64x64xf32, #tpu.memory_space<vmem>>) target(%dma_start3A_1401 : memref<64x64xf32, #tpu.memory_space<hbm>>) target_semaphore(%dma_start3A_1399 : memref<!tpu.dma_semaphore, #tpu.memory_space<semaphore_mem>>)
      %mul3A_1406 = arith.constant 8192 : i32
      %mul3A_1407 = arith.muli %select_n3A_1364, %mul3A_1406 : i32
      %add3A_1408 = arith.addi %mul3A_1407, %mul3A_1385 : i32
      %dma_start3A_1409 = arith.constant 7 : i32
      %dma_start3A_1410 = arith.constant 1 : i32
      %dma_start3A_1411 = arith.constant 7 : i32
      %dma_start3A_1412 = arith.constant 0 : i32
      %dma_start3A_1413 = arith.constant 0 : i32
      %dma_start3A_1414 = tpu.memref_slice %arg6[%dma_start3A_1409, %dma_start3A_1410, %dma_start3A_1412, %dma_start3A_1413] : memref<10x2x64x64xf32, #tpu.memory_space<vmem>> -> memref<1x1x64x64xf32, #tpu.memory_space<vmem>>
      %dma_start3A_1415 = tpu.memref_squeeze %dma_start3A_1414 : memref<1x1x64x64xf32, #tpu.memory_space<vmem>> -> memref<64x64xf32, #tpu.memory_space<vmem>>
      %dma_start3A_1416 = arith.constant 64 : i32
      %dma_start3A_1417 = tpu.memref_slice %arg4[%add3A_1408, %dma_start3A_1416] : memref<409600x128xf32, #tpu.memory_space<hbm>> -> memref<64x64xf32, #tpu.memory_space<hbm>>
      %dma_start3A_1418 = tpu.memref_slice %arg8[%dma_start3A_1411] : memref<10x!tpu.dma_semaphore, #tpu.memory_space<semaphore_mem>> -> memref<1x!tpu.dma_semaphore, #tpu.memory_space<semaphore_mem>>
      %dma_start3A_1419 = tpu.memref_squeeze %dma_start3A_1418 : memref<1x!tpu.dma_semaphore, #tpu.memory_space<semaphore_mem>> -> memref<!tpu.dma_semaphore, #tpu.memory_space<semaphore_mem>>
      %dma_start3A_1420 = arith.constant 64 : i32
      %dma_start3A_1421 = tpu.memref_slice %arg4[%add3A_1408, %dma_start3A_1420] : memref<409600x128xf32, #tpu.memory_space<hbm>> -> memref<64x64xf32, #tpu.memory_space<hbm>>
      %dma_start3A_1422 = arith.constant 0 : i32
      %dma_start3A_1423 = arith.constant 0 : i32
      %dma_start3A_1424 = tpu.memref_slice %arg6[%dma_start3A_1409, %dma_start3A_1410, %dma_start3A_1422, %dma_start3A_1423] : memref<10x2x64x64xf32, #tpu.memory_space<vmem>> -> memref<1x1x64x64xf32, #tpu.memory_space<vmem>>
      %dma_start3A_1425 = tpu.memref_squeeze %dma_start3A_1424 : memref<1x1x64x64xf32, #tpu.memory_space<vmem>> -> memref<64x64xf32, #tpu.memory_space<vmem>>
      tpu.enqueue_dma source(%dma_start3A_1425 : memref<64x64xf32, #tpu.memory_space<vmem>>) target(%dma_start3A_1421 : memref<64x64xf32, #tpu.memory_space<hbm>>) target_semaphore(%dma_start3A_1419 : memref<!tpu.dma_semaphore, #tpu.memory_space<semaphore_mem>>)
      %add3A_1426 = arith.constant 5 : i32
      %add3A_1427 = arith.addi %add3A_1308, %add3A_1426 : i32
      %ge3A_1428 = arith.constant 10 : i32
      %ge3A_1429 = arith.cmpi sge, %add3A_1427, %ge3A_1428 : i32
      %convert_element_type3A_1430 = arith.extui %ge3A_1429 : i1 to i32
      %cond3A_1431 = arith.constant 0 : i32
      %cond3A_1432 = arith.cmpi ne, %convert_element_type3A_1430, %cond3A_1431 : i32
      scf.if %cond3A_1432 {
        %sub3A_1704 = arith.constant 10 : i32
        %sub3A_1705 = arith.subi %add3A_1427, %sub3A_1704 : i32
        %jit3A_1706 = arith.constant 4 : i32
        %div3A_1707 = arith.divsi %sub3A_1705, %jit3A_1706 : i32
        %sign3A_1708 = arith.constant 0 : i32
        %sign3A_1709 = arith.cmpi sgt, %sub3A_1705, %sign3A_1708 : i32
        %sign3A_1710 = arith.extui %sign3A_1709 : i1 to i32
        %sign3A_1711 = arith.constant 0 : i32
        %sign3A_1712 = arith.cmpi slt, %sub3A_1705, %sign3A_1711 : i32
        %sign3A_1713 = arith.extui %sign3A_1712 : i1 to i32
        %sign3A_1714 = arith.subi %sign3A_1710, %sign3A_1713 : i32
        %sign3A_1715 = arith.constant 0 : i32
        %sign3A_1716 = arith.cmpi sgt, %jit3A_1706, %sign3A_1715 : i32
        %sign3A_1717 = arith.extui %sign3A_1716 : i1 to i32
        %sign3A_1718 = arith.constant 0 : i32
        %sign3A_1719 = arith.cmpi slt, %jit3A_1706, %sign3A_1718 : i32
        %sign3A_1720 = arith.extui %sign3A_1719 : i1 to i32
        %sign3A_1721 = arith.subi %sign3A_1717, %sign3A_1720 : i32
        %ne3A_1722 = arith.cmpi ne, %sign3A_1714, %sign3A_1721 : i32
        %rem3A_1723 = arith.remsi %sub3A_1705, %jit3A_1706 : i32
        %ne3A_1724 = arith.constant 0 : i32
        %ne3A_1725 = arith.cmpi ne, %rem3A_1723, %ne3A_1724 : i32
        %and3A_1726 = arith.andi %ne3A_1722, %ne3A_1725 : i1
        %sub3A_1727 = arith.constant 1 : i32
        %sub3A_1728 = arith.subi %div3A_1707, %sub3A_1727 : i32
        %select_n3A_1729 = arith.select %and3A_1726, %sub3A_1728, %div3A_1707 : i32
        %mul3A_1730 = arith.constant 4 : i32
        %mul3A_1731 = arith.muli %add3A, %mul3A_1730 : i32
        %jit3A_1732 = arith.constant 4 : i32
        %eq3A_1733 = arith.constant 0 : i32
        %eq3A_1734 = arith.cmpi eq, %jit3A_1732, %eq3A_1733 : i32
        %jit3A_1735 = arith.constant 1 : i32
        %select_n3A_1736 = arith.select %eq3A_1734, %jit3A_1735, %jit3A_1732 : i32
        %rem3A_1737 = arith.remsi %sub3A_1705, %select_n3A_1736 : i32
        %ne3A_1738 = arith.constant 0 : i32
        %ne3A_1739 = arith.cmpi ne, %rem3A_1737, %ne3A_1738 : i32
        %lt3A_1740 = arith.constant 0 : i32
        %lt3A_1741 = arith.cmpi slt, %rem3A_1737, %lt3A_1740 : i32
        %lt3A_1742 = arith.constant 0 : i32
        %lt3A_1743 = arith.cmpi slt, %select_n3A_1736, %lt3A_1742 : i32
        %ne3A_1744 = arith.xori %lt3A_1741, %lt3A_1743 : i1
        %and3A_1745 = arith.andi %ne3A_1744, %ne3A_1739 : i1
        %add3A_1746 = arith.addi %rem3A_1737, %select_n3A_1736 : i32
        %select_n3A_1747 = arith.select %and3A_1745, %add3A_1746, %rem3A_1737 : i32
        %add3A_1748 = arith.addi %mul3A_1731, %select_n3A_1747 : i32
        %mul3A_1749 = arith.constant 64 : i32
        %mul3A_1750 = arith.muli %add3A_1748, %mul3A_1749 : i32
        %mul3A_1751 = arith.constant 8192 : i32
        %mul3A_1752 = arith.muli %select_n3A_1729, %mul3A_1751 : i32
        %add3A_1753 = arith.addi %mul3A_1752, %mul3A_1750 : i32
        %dma_wait3A_1754 = arith.constant 2 : i32
        %dma_wait3A_1755 = arith.constant 0 : i32
        %dma_wait3A_1756 = arith.constant 2 : i32
        %dma_wait3A_1757 = arith.constant 0 : i32
        %dma_wait3A_1758 = arith.constant 0 : i32
        %dma_wait3A_1759 = tpu.memref_slice %arg6[%dma_wait3A_1754, %dma_wait3A_1755, %dma_wait3A_1757, %dma_wait3A_1758] : memref<10x2x64x64xf32, #tpu.memory_space<vmem>> -> memref<1x1x64x64xf32, #tpu.memory_space<vmem>>
        %dma_wait3A_1760 = tpu.memref_squeeze %dma_wait3A_1759 : memref<1x1x64x64xf32, #tpu.memory_space<vmem>> -> memref<64x64xf32, #tpu.memory_space<vmem>>
        %dma_wait3A_1761 = arith.constant 0 : i32
        %dma_wait3A_1762 = tpu.memref_slice %arg4[%add3A_1753, %dma_wait3A_1761] : memref<409600x128xf32, #tpu.memory_space<hbm>> -> memref<64x64xf32, #tpu.memory_space<hbm>>
        %dma_wait3A_1763 = tpu.memref_slice %arg8[%dma_wait3A_1756] : memref<10x!tpu.dma_semaphore, #tpu.memory_space<semaphore_mem>> -> memref<1x!tpu.dma_semaphore, #tpu.memory_space<semaphore_mem>>
        %dma_wait3A_1764 = tpu.memref_squeeze %dma_wait3A_1763 : memref<1x!tpu.dma_semaphore, #tpu.memory_space<semaphore_mem>> -> memref<!tpu.dma_semaphore, #tpu.memory_space<semaphore_mem>>
        %dma_wait3A_1765 = arith.constant 0 : i32
        %dma_wait3A_1766 = tpu.memref_slice %arg4[%add3A_1753, %dma_wait3A_1765] : memref<409600x128xf32, #tpu.memory_space<hbm>> -> memref<64x64xf32, #tpu.memory_space<hbm>>
        %dma_wait3A_1767 = arith.constant 0 : i32
        %dma_wait3A_1768 = arith.constant 0 : i32
        %dma_wait3A_1769 = tpu.memref_slice %arg6[%dma_wait3A_1754, %dma_wait3A_1755, %dma_wait3A_1767, %dma_wait3A_1768] : memref<10x2x64x64xf32, #tpu.memory_space<vmem>> -> memref<1x1x64x64xf32, #tpu.memory_space<vmem>>
        %dma_wait3A_1770 = tpu.memref_squeeze %dma_wait3A_1769 : memref<1x1x64x64xf32, #tpu.memory_space<vmem>> -> memref<64x64xf32, #tpu.memory_space<vmem>>
        tpu.wait_dma2 semaphore(%dma_wait3A_1764 : memref<!tpu.dma_semaphore, #tpu.memory_space<semaphore_mem>>) src(%dma_wait3A_1770 : memref<64x64xf32, #tpu.memory_space<vmem>>) dst(%dma_wait3A_1766 : memref<64x64xf32, #tpu.memory_space<hbm>>)
        %mul3A_1771 = arith.constant 8192 : i32
        %mul3A_1772 = arith.muli %select_n3A_1729, %mul3A_1771 : i32
        %add3A_1773 = arith.addi %mul3A_1772, %mul3A_1750 : i32
        %dma_wait3A_1774 = arith.constant 2 : i32
        %dma_wait3A_1775 = arith.constant 1 : i32
        %dma_wait3A_1776 = arith.constant 2 : i32
        %dma_wait3A_1777 = arith.constant 0 : i32
        %dma_wait3A_1778 = arith.constant 0 : i32
        %dma_wait3A_1779 = tpu.memref_slice %arg6[%dma_wait3A_1774, %dma_wait3A_1775, %dma_wait3A_1777, %dma_wait3A_1778] : memref<10x2x64x64xf32, #tpu.memory_space<vmem>> -> memref<1x1x64x64xf32, #tpu.memory_space<vmem>>
        %dma_wait3A_1780 = tpu.memref_squeeze %dma_wait3A_1779 : memref<1x1x64x64xf32, #tpu.memory_space<vmem>> -> memref<64x64xf32, #tpu.memory_space<vmem>>
        %dma_wait3A_1781 = arith.constant 64 : i32
        %dma_wait3A_1782 = tpu.memref_slice %arg4[%add3A_1773, %dma_wait3A_1781] : memref<409600x128xf32, #tpu.memory_space<hbm>> -> memref<64x64xf32, #tpu.memory_space<hbm>>
        %dma_wait3A_1783 = tpu.memref_slice %arg8[%dma_wait3A_1776] : memref<10x!tpu.dma_semaphore, #tpu.memory_space<semaphore_mem>> -> memref<1x!tpu.dma_semaphore, #tpu.memory_space<semaphore_mem>>
        %dma_wait3A_1784 = tpu.memref_squeeze %dma_wait3A_1783 : memref<1x!tpu.dma_semaphore, #tpu.memory_space<semaphore_mem>> -> memref<!tpu.dma_semaphore, #tpu.memory_space<semaphore_mem>>
        %dma_wait3A_1785 = arith.constant 64 : i32
        %dma_wait3A_1786 = tpu.memref_slice %arg4[%add3A_1773, %dma_wait3A_1785] : memref<409600x128xf32, #tpu.memory_space<hbm>> -> memref<64x64xf32, #tpu.memory_space<hbm>>
        %dma_wait3A_1787 = arith.constant 0 : i32
        %dma_wait3A_1788 = arith.constant 0 : i32
        %dma_wait3A_1789 = tpu.memref_slice %arg6[%dma_wait3A_1774, %dma_wait3A_1775, %dma_wait3A_1787, %dma_wait3A_1788] : memref<10x2x64x64xf32, #tpu.memory_space<vmem>> -> memref<1x1x64x64xf32, #tpu.memory_space<vmem>>
        %dma_wait3A_1790 = tpu.memref_squeeze %dma_wait3A_1789 : memref<1x1x64x64xf32, #tpu.memory_space<vmem>> -> memref<64x64xf32, #tpu.memory_space<vmem>>
        tpu.wait_dma2 semaphore(%dma_wait3A_1784 : memref<!tpu.dma_semaphore, #tpu.memory_space<semaphore_mem>>) src(%dma_wait3A_1790 : memref<64x64xf32, #tpu.memory_space<vmem>>) dst(%dma_wait3A_1786 : memref<64x64xf32, #tpu.memory_space<hbm>>)
      } else {
      }
      %lt3A_1433 = arith.constant 200 : i32
      %lt3A_1434 = arith.cmpi slt, %add3A_1427, %lt3A_1433 : i32
      %convert_element_type3A_1435 = arith.extui %lt3A_1434 : i1 to i32
      %cond3A_1436 = arith.constant 0 : i32
      %cond3A_1437 = arith.cmpi ne, %convert_element_type3A_1435, %cond3A_1436 : i32
      scf.if %cond3A_1437 {
        %jit3A_1704 = arith.constant 4 : i32
        %div3A_1705 = arith.divsi %add3A_1427, %jit3A_1704 : i32
        %sign3A_1706 = arith.constant 0 : i32
        %sign3A_1707 = arith.cmpi sgt, %add3A_1427, %sign3A_1706 : i32
        %sign3A_1708 = arith.extui %sign3A_1707 : i1 to i32
        %sign3A_1709 = arith.constant 0 : i32
        %sign3A_1710 = arith.cmpi slt, %add3A_1427, %sign3A_1709 : i32
        %sign3A_1711 = arith.extui %sign3A_1710 : i1 to i32
        %sign3A_1712 = arith.subi %sign3A_1708, %sign3A_1711 : i32
        %sign3A_1713 = arith.constant 0 : i32
        %sign3A_1714 = arith.cmpi sgt, %jit3A_1704, %sign3A_1713 : i32
        %sign3A_1715 = arith.extui %sign3A_1714 : i1 to i32
        %sign3A_1716 = arith.constant 0 : i32
        %sign3A_1717 = arith.cmpi slt, %jit3A_1704, %sign3A_1716 : i32
        %sign3A_1718 = arith.extui %sign3A_1717 : i1 to i32
        %sign3A_1719 = arith.subi %sign3A_1715, %sign3A_1718 : i32
        %ne3A_1720 = arith.cmpi ne, %sign3A_1712, %sign3A_1719 : i32
        %rem3A_1721 = arith.remsi %add3A_1427, %jit3A_1704 : i32
        %ne3A_1722 = arith.constant 0 : i32
        %ne3A_1723 = arith.cmpi ne, %rem3A_1721, %ne3A_1722 : i32
        %and3A_1724 = arith.andi %ne3A_1720, %ne3A_1723 : i1
        %sub3A_1725 = arith.constant 1 : i32
        %sub3A_1726 = arith.subi %div3A_1705, %sub3A_1725 : i32
        %select_n3A_1727 = arith.select %and3A_1724, %sub3A_1726, %div3A_1705 : i32
        %jit3A_1728 = arith.constant 4 : i32
        %eq3A_1729 = arith.constant 0 : i32
        %eq3A_1730 = arith.cmpi eq, %jit3A_1728, %eq3A_1729 : i32
        %jit3A_1731 = arith.constant 1 : i32
        %select_n3A_1732 = arith.select %eq3A_1730, %jit3A_1731, %jit3A_1728 : i32
        %rem3A_1733 = arith.remsi %add3A_1427, %select_n3A_1732 : i32
        %ne3A_1734 = arith.constant 0 : i32
        %ne3A_1735 = arith.cmpi ne, %rem3A_1733, %ne3A_1734 : i32
        %lt3A_1736 = arith.constant 0 : i32
        %lt3A_1737 = arith.cmpi slt, %rem3A_1733, %lt3A_1736 : i32
        %lt3A_1738 = arith.constant 0 : i32
        %lt3A_1739 = arith.cmpi slt, %select_n3A_1732, %lt3A_1738 : i32
        %ne3A_1740 = arith.xori %lt3A_1737, %lt3A_1739 : i1
        %and3A_1741 = arith.andi %ne3A_1740, %ne3A_1735 : i1
        %add3A_1742 = arith.addi %rem3A_1733, %select_n3A_1732 : i32
        %select_n3A_1743 = arith.select %and3A_1741, %add3A_1742, %rem3A_1733 : i32
        %mul3A_1744 = arith.constant 128 : i32
        %mul3A_1745 = arith.muli %select_n3A_1743, %mul3A_1744 : i32
        %add3A_1746 = arith.constant 0 : i32
        %add3A_1747 = arith.addi %mul3A_1745, %add3A_1746 : i32
        %dma_start3A_1748 = arith.constant 2 : i32
        %dma_start3A_1749 = arith.constant 0 : i32
        %dma_start3A_1750 = arith.constant 2 : i32
        %dma_start3A_1751 = arith.constant 0 : i32
        %dma_start3A_1752 = arith.constant 0 : i32
        %dma_start3A_1753 = tpu.memref_slice %arg6[%dma_start3A_1748, %dma_start3A_1749, %dma_start3A_1751, %dma_start3A_1752] : memref<10x2x64x64xf32, #tpu.memory_space<vmem>> -> memref<1x1x64x64xf32, #tpu.memory_space<vmem>>
        %dma_start3A_1754 = tpu.memref_squeeze %dma_start3A_1753 : memref<1x1x64x64xf32, #tpu.memory_space<vmem>> -> memref<64x64xf32, #tpu.memory_space<vmem>>
        %dma_start3A_1755 = tpu.memref_slice %arg5[%select_n3A_1727, %add3A_1747] : memref<50x512xi32, #tpu.memory_space<vmem>> -> memref<1x64xi32, #tpu.memory_space<vmem>>
        %dma_start3A_1756 = tpu.memref_squeeze %dma_start3A_1755 : memref<1x64xi32, #tpu.memory_space<vmem>> -> memref<64xi32, #tpu.memory_space<vmem>>
        %dma_start3A_1757 = arith.constant 0 : i32
        %dma_start3A_1758 = arith.constant 0 : i32
        %dma_start3A_1759 = tpu.memref_slice %arg3[%dma_start3A_1757, %dma_start3A_1758] : memref<1000000x64xf32, #tpu.memory_space<hbm>> -> memref<1000000x64xf32, #tpu.memory_space<hbm>>
        %dma_start3A_1760 = tpu.memref_slice %arg7[%dma_start3A_1750] : memref<10x!tpu.dma_semaphore, #tpu.memory_space<semaphore_mem>> -> memref<1x!tpu.dma_semaphore, #tpu.memory_space<semaphore_mem>>
        %dma_start3A_1761 = tpu.memref_squeeze %dma_start3A_1760 : memref<1x!tpu.dma_semaphore, #tpu.memory_space<semaphore_mem>> -> memref<!tpu.dma_semaphore, #tpu.memory_space<semaphore_mem>>
        tpu.enqueue_indirect_dma source(%dma_start3A_1759 : memref<1000000x64xf32, #tpu.memory_space<hbm>>) target(%dma_start3A_1754 : memref<64x64xf32, #tpu.memory_space<vmem>>) offsets(%dma_start3A_1756 : memref<64xi32, #tpu.memory_space<vmem>>) semaphore(%dma_start3A_1761 : memref<!tpu.dma_semaphore, #tpu.memory_space<semaphore_mem>>)
        %mul3A_1762 = arith.constant 128 : i32
        %mul3A_1763 = arith.muli %select_n3A_1743, %mul3A_1762 : i32
        %add3A_1764 = arith.constant 64 : i32
        %add3A_1765 = arith.addi %mul3A_1763, %add3A_1764 : i32
        %dma_start3A_1766 = arith.constant 2 : i32
        %dma_start3A_1767 = arith.constant 1 : i32
        %dma_start3A_1768 = arith.constant 2 : i32
        %dma_start3A_1769 = arith.constant 0 : i32
        %dma_start3A_1770 = arith.constant 0 : i32
        %dma_start3A_1771 = tpu.memref_slice %arg6[%dma_start3A_1766, %dma_start3A_1767, %dma_start3A_1769, %dma_start3A_1770] : memref<10x2x64x64xf32, #tpu.memory_space<vmem>> -> memref<1x1x64x64xf32, #tpu.memory_space<vmem>>
        %dma_start3A_1772 = tpu.memref_squeeze %dma_start3A_1771 : memref<1x1x64x64xf32, #tpu.memory_space<vmem>> -> memref<64x64xf32, #tpu.memory_space<vmem>>
        %dma_start3A_1773 = tpu.memref_slice %arg5[%select_n3A_1727, %add3A_1765] : memref<50x512xi32, #tpu.memory_space<vmem>> -> memref<1x64xi32, #tpu.memory_space<vmem>>
        %dma_start3A_1774 = tpu.memref_squeeze %dma_start3A_1773 : memref<1x64xi32, #tpu.memory_space<vmem>> -> memref<64xi32, #tpu.memory_space<vmem>>
        %dma_start3A_1775 = arith.constant 0 : i32
        %dma_start3A_1776 = arith.constant 0 : i32
        %dma_start3A_1777 = tpu.memref_slice %arg3[%dma_start3A_1775, %dma_start3A_1776] : memref<1000000x64xf32, #tpu.memory_space<hbm>> -> memref<1000000x64xf32, #tpu.memory_space<hbm>>
        %dma_start3A_1778 = tpu.memref_slice %arg7[%dma_start3A_1768] : memref<10x!tpu.dma_semaphore, #tpu.memory_space<semaphore_mem>> -> memref<1x!tpu.dma_semaphore, #tpu.memory_space<semaphore_mem>>
        %dma_start3A_1779 = tpu.memref_squeeze %dma_start3A_1778 : memref<1x!tpu.dma_semaphore, #tpu.memory_space<semaphore_mem>> -> memref<!tpu.dma_semaphore, #tpu.memory_space<semaphore_mem>>
        tpu.enqueue_indirect_dma source(%dma_start3A_1777 : memref<1000000x64xf32, #tpu.memory_space<hbm>>) target(%dma_start3A_1772 : memref<64x64xf32, #tpu.memory_space<vmem>>) offsets(%dma_start3A_1774 : memref<64xi32, #tpu.memory_space<vmem>>) semaphore(%dma_start3A_1779 : memref<!tpu.dma_semaphore, #tpu.memory_space<semaphore_mem>>)
      } else {
      }
      %mul3A_1438 = arith.constant 10 : i32
      %mul3A_1439 = arith.muli %scan3A_386, %mul3A_1438 : i32
      %add3A_1440 = arith.constant 8 : i32
      %add3A_1441 = arith.addi %mul3A_1439, %add3A_1440 : i32
      %dma_wait3A_1442 = arith.constant 0 : i32
      %dma_wait3A_1443 = arith.constant 8 : i32
      %dma_wait3A_1444 = arith.constant 0 : i32
      %dma_wait3A_1445 = arith.constant 8 : i32
      %dma_wait3A_1446 = arith.constant 0 : i32
      %dma_wait3A_1447 = arith.constant 0 : i32
      %dma_wait3A_1448 = tpu.memref_slice %arg6[%dma_wait3A_1443, %dma_wait3A_1444, %dma_wait3A_1446, %dma_wait3A_1447] : memref<10x2x64x64xf32, #tpu.memory_space<vmem>> -> memref<1x1x64x64xf32, #tpu.memory_space<vmem>>
      %dma_wait3A_1449 = tpu.memref_squeeze %dma_wait3A_1448 : memref<1x1x64x64xf32, #tpu.memory_space<vmem>> -> memref<64x64xf32, #tpu.memory_space<vmem>>
      %dma_wait3A_1450 = arith.constant 0 : i32
      %dma_wait3A_1451 = tpu.memref_slice %arg5[%dma_wait3A_1442, %dma_wait3A_1450] : memref<50x512xi32, #tpu.memory_space<vmem>> -> memref<1x64xi32, #tpu.memory_space<vmem>>
      %dma_wait3A_1452 = tpu.memref_squeeze %dma_wait3A_1451 : memref<1x64xi32, #tpu.memory_space<vmem>> -> memref<64xi32, #tpu.memory_space<vmem>>
      %dma_wait3A_1453 = arith.constant 0 : i32
      %dma_wait3A_1454 = arith.constant 0 : i32
      %dma_wait3A_1455 = tpu.memref_slice %arg3[%dma_wait3A_1453, %dma_wait3A_1454] : memref<1000000x64xf32, #tpu.memory_space<hbm>> -> memref<1000000x64xf32, #tpu.memory_space<hbm>>
      %dma_wait3A_1456 = tpu.memref_slice %arg7[%dma_wait3A_1445] : memref<10x!tpu.dma_semaphore, #tpu.memory_space<semaphore_mem>> -> memref<1x!tpu.dma_semaphore, #tpu.memory_space<semaphore_mem>>
      %dma_wait3A_1457 = tpu.memref_squeeze %dma_wait3A_1456 : memref<1x!tpu.dma_semaphore, #tpu.memory_space<semaphore_mem>> -> memref<!tpu.dma_semaphore, #tpu.memory_space<semaphore_mem>>
      tpu.wait_indirect_dma semaphore(%dma_wait3A_1457 : memref<!tpu.dma_semaphore, #tpu.memory_space<semaphore_mem>>) src(%dma_wait3A_1455 : memref<1000000x64xf32, #tpu.memory_space<hbm>>) dst(%dma_wait3A_1449 : memref<64x64xf32, #tpu.memory_space<vmem>>)
      %dma_wait3A_1458 = arith.constant 0 : i32
      %dma_wait3A_1459 = arith.constant 8 : i32
      %dma_wait3A_1460 = arith.constant 1 : i32
      %dma_wait3A_1461 = arith.constant 8 : i32
      %dma_wait3A_1462 = arith.constant 0 : i32
      %dma_wait3A_1463 = arith.constant 0 : i32
      %dma_wait3A_1464 = tpu.memref_slice %arg6[%dma_wait3A_1459, %dma_wait3A_1460, %dma_wait3A_1462, %dma_wait3A_1463] : memref<10x2x64x64xf32, #tpu.memory_space<vmem>> -> memref<1x1x64x64xf32, #tpu.memory_space<vmem>>
      %dma_wait3A_1465 = tpu.memref_squeeze %dma_wait3A_1464 : memref<1x1x64x64xf32, #tpu.memory_space<vmem>> -> memref<64x64xf32, #tpu.memory_space<vmem>>
      %dma_wait3A_1466 = arith.constant 0 : i32
      %dma_wait3A_1467 = tpu.memref_slice %arg5[%dma_wait3A_1458, %dma_wait3A_1466] : memref<50x512xi32, #tpu.memory_space<vmem>> -> memref<1x64xi32, #tpu.memory_space<vmem>>
      %dma_wait3A_1468 = tpu.memref_squeeze %dma_wait3A_1467 : memref<1x64xi32, #tpu.memory_space<vmem>> -> memref<64xi32, #tpu.memory_space<vmem>>
      %dma_wait3A_1469 = arith.constant 0 : i32
      %dma_wait3A_1470 = arith.constant 0 : i32
      %dma_wait3A_1471 = tpu.memref_slice %arg3[%dma_wait3A_1469, %dma_wait3A_1470] : memref<1000000x64xf32, #tpu.memory_space<hbm>> -> memref<1000000x64xf32, #tpu.memory_space<hbm>>
      %dma_wait3A_1472 = tpu.memref_slice %arg7[%dma_wait3A_1461] : memref<10x!tpu.dma_semaphore, #tpu.memory_space<semaphore_mem>> -> memref<1x!tpu.dma_semaphore, #tpu.memory_space<semaphore_mem>>
      %dma_wait3A_1473 = tpu.memref_squeeze %dma_wait3A_1472 : memref<1x!tpu.dma_semaphore, #tpu.memory_space<semaphore_mem>> -> memref<!tpu.dma_semaphore, #tpu.memory_space<semaphore_mem>>
      tpu.wait_indirect_dma semaphore(%dma_wait3A_1473 : memref<!tpu.dma_semaphore, #tpu.memory_space<semaphore_mem>>) src(%dma_wait3A_1471 : memref<1000000x64xf32, #tpu.memory_space<hbm>>) dst(%dma_wait3A_1465 : memref<64x64xf32, #tpu.memory_space<vmem>>)
      %jit3A_1474 = arith.constant 4 : i32
      %div3A_1475 = arith.divsi %add3A_1441, %jit3A_1474 : i32
      %sign3A_1476 = arith.constant 0 : i32
      %sign3A_1477 = arith.cmpi sgt, %add3A_1441, %sign3A_1476 : i32
      %sign3A_1478 = arith.extui %sign3A_1477 : i1 to i32
      %sign3A_1479 = arith.constant 0 : i32
      %sign3A_1480 = arith.cmpi slt, %add3A_1441, %sign3A_1479 : i32
      %sign3A_1481 = arith.extui %sign3A_1480 : i1 to i32
      %sign3A_1482 = arith.subi %sign3A_1478, %sign3A_1481 : i32
      %sign3A_1483 = arith.constant 0 : i32
      %sign3A_1484 = arith.cmpi sgt, %jit3A_1474, %sign3A_1483 : i32
      %sign3A_1485 = arith.extui %sign3A_1484 : i1 to i32
      %sign3A_1486 = arith.constant 0 : i32
      %sign3A_1487 = arith.cmpi slt, %jit3A_1474, %sign3A_1486 : i32
      %sign3A_1488 = arith.extui %sign3A_1487 : i1 to i32
      %sign3A_1489 = arith.subi %sign3A_1485, %sign3A_1488 : i32
      %ne3A_1490 = arith.cmpi ne, %sign3A_1482, %sign3A_1489 : i32
      %rem3A_1491 = arith.remsi %add3A_1441, %jit3A_1474 : i32
      %ne3A_1492 = arith.constant 0 : i32
      %ne3A_1493 = arith.cmpi ne, %rem3A_1491, %ne3A_1492 : i32
      %and3A_1494 = arith.andi %ne3A_1490, %ne3A_1493 : i1
      %sub3A_1495 = arith.constant 1 : i32
      %sub3A_1496 = arith.subi %div3A_1475, %sub3A_1495 : i32
      %select_n3A_1497 = arith.select %and3A_1494, %sub3A_1496, %div3A_1475 : i32
      %mul3A_1498 = arith.constant 4 : i32
      %mul3A_1499 = arith.muli %add3A, %mul3A_1498 : i32
      %jit3A_1500 = arith.constant 4 : i32
      %eq3A_1501 = arith.constant 0 : i32
      %eq3A_1502 = arith.cmpi eq, %jit3A_1500, %eq3A_1501 : i32
      %jit3A_1503 = arith.constant 1 : i32
      %select_n3A_1504 = arith.select %eq3A_1502, %jit3A_1503, %jit3A_1500 : i32
      %rem3A_1505 = arith.remsi %add3A_1441, %select_n3A_1504 : i32
      %ne3A_1506 = arith.constant 0 : i32
      %ne3A_1507 = arith.cmpi ne, %rem3A_1505, %ne3A_1506 : i32
      %lt3A_1508 = arith.constant 0 : i32
      %lt3A_1509 = arith.cmpi slt, %rem3A_1505, %lt3A_1508 : i32
      %lt3A_1510 = arith.constant 0 : i32
      %lt3A_1511 = arith.cmpi slt, %select_n3A_1504, %lt3A_1510 : i32
      %ne3A_1512 = arith.xori %lt3A_1509, %lt3A_1511 : i1
      %and3A_1513 = arith.andi %ne3A_1512, %ne3A_1507 : i1
      %add3A_1514 = arith.addi %rem3A_1505, %select_n3A_1504 : i32
      %select_n3A_1515 = arith.select %and3A_1513, %add3A_1514, %rem3A_1505 : i32
      %add3A_1516 = arith.addi %mul3A_1499, %select_n3A_1515 : i32
      %mul3A_1517 = arith.constant 64 : i32
      %mul3A_1518 = arith.muli %add3A_1516, %mul3A_1517 : i32
      %mul3A_1519 = arith.constant 8192 : i32
      %mul3A_1520 = arith.muli %select_n3A_1497, %mul3A_1519 : i32
      %add3A_1521 = arith.addi %mul3A_1520, %mul3A_1518 : i32
      %dma_start3A_1522 = arith.constant 8 : i32
      %dma_start3A_1523 = arith.constant 0 : i32
      %dma_start3A_1524 = arith.constant 8 : i32
      %dma_start3A_1525 = arith.constant 0 : i32
      %dma_start3A_1526 = arith.constant 0 : i32
      %dma_start3A_1527 = tpu.memref_slice %arg6[%dma_start3A_1522, %dma_start3A_1523, %dma_start3A_1525, %dma_start3A_1526] : memref<10x2x64x64xf32, #tpu.memory_space<vmem>> -> memref<1x1x64x64xf32, #tpu.memory_space<vmem>>
      %dma_start3A_1528 = tpu.memref_squeeze %dma_start3A_1527 : memref<1x1x64x64xf32, #tpu.memory_space<vmem>> -> memref<64x64xf32, #tpu.memory_space<vmem>>
      %dma_start3A_1529 = arith.constant 0 : i32
      %dma_start3A_1530 = tpu.memref_slice %arg4[%add3A_1521, %dma_start3A_1529] : memref<409600x128xf32, #tpu.memory_space<hbm>> -> memref<64x64xf32, #tpu.memory_space<hbm>>
      %dma_start3A_1531 = tpu.memref_slice %arg8[%dma_start3A_1524] : memref<10x!tpu.dma_semaphore, #tpu.memory_space<semaphore_mem>> -> memref<1x!tpu.dma_semaphore, #tpu.memory_space<semaphore_mem>>
      %dma_start3A_1532 = tpu.memref_squeeze %dma_start3A_1531 : memref<1x!tpu.dma_semaphore, #tpu.memory_space<semaphore_mem>> -> memref<!tpu.dma_semaphore, #tpu.memory_space<semaphore_mem>>
      %dma_start3A_1533 = arith.constant 0 : i32
      %dma_start3A_1534 = tpu.memref_slice %arg4[%add3A_1521, %dma_start3A_1533] : memref<409600x128xf32, #tpu.memory_space<hbm>> -> memref<64x64xf32, #tpu.memory_space<hbm>>
      %dma_start3A_1535 = arith.constant 0 : i32
      %dma_start3A_1536 = arith.constant 0 : i32
      %dma_start3A_1537 = tpu.memref_slice %arg6[%dma_start3A_1522, %dma_start3A_1523, %dma_start3A_1535, %dma_start3A_1536] : memref<10x2x64x64xf32, #tpu.memory_space<vmem>> -> memref<1x1x64x64xf32, #tpu.memory_space<vmem>>
      %dma_start3A_1538 = tpu.memref_squeeze %dma_start3A_1537 : memref<1x1x64x64xf32, #tpu.memory_space<vmem>> -> memref<64x64xf32, #tpu.memory_space<vmem>>
      tpu.enqueue_dma source(%dma_start3A_1538 : memref<64x64xf32, #tpu.memory_space<vmem>>) target(%dma_start3A_1534 : memref<64x64xf32, #tpu.memory_space<hbm>>) target_semaphore(%dma_start3A_1532 : memref<!tpu.dma_semaphore, #tpu.memory_space<semaphore_mem>>)
      %mul3A_1539 = arith.constant 8192 : i32
      %mul3A_1540 = arith.muli %select_n3A_1497, %mul3A_1539 : i32
      %add3A_1541 = arith.addi %mul3A_1540, %mul3A_1518 : i32
      %dma_start3A_1542 = arith.constant 8 : i32
      %dma_start3A_1543 = arith.constant 1 : i32
      %dma_start3A_1544 = arith.constant 8 : i32
      %dma_start3A_1545 = arith.constant 0 : i32
      %dma_start3A_1546 = arith.constant 0 : i32
      %dma_start3A_1547 = tpu.memref_slice %arg6[%dma_start3A_1542, %dma_start3A_1543, %dma_start3A_1545, %dma_start3A_1546] : memref<10x2x64x64xf32, #tpu.memory_space<vmem>> -> memref<1x1x64x64xf32, #tpu.memory_space<vmem>>
      %dma_start3A_1548 = tpu.memref_squeeze %dma_start3A_1547 : memref<1x1x64x64xf32, #tpu.memory_space<vmem>> -> memref<64x64xf32, #tpu.memory_space<vmem>>
      %dma_start3A_1549 = arith.constant 64 : i32
      %dma_start3A_1550 = tpu.memref_slice %arg4[%add3A_1541, %dma_start3A_1549] : memref<409600x128xf32, #tpu.memory_space<hbm>> -> memref<64x64xf32, #tpu.memory_space<hbm>>
      %dma_start3A_1551 = tpu.memref_slice %arg8[%dma_start3A_1544] : memref<10x!tpu.dma_semaphore, #tpu.memory_space<semaphore_mem>> -> memref<1x!tpu.dma_semaphore, #tpu.memory_space<semaphore_mem>>
      %dma_start3A_1552 = tpu.memref_squeeze %dma_start3A_1551 : memref<1x!tpu.dma_semaphore, #tpu.memory_space<semaphore_mem>> -> memref<!tpu.dma_semaphore, #tpu.memory_space<semaphore_mem>>
      %dma_start3A_1553 = arith.constant 64 : i32
      %dma_start3A_1554 = tpu.memref_slice %arg4[%add3A_1541, %dma_start3A_1553] : memref<409600x128xf32, #tpu.memory_space<hbm>> -> memref<64x64xf32, #tpu.memory_space<hbm>>
      %dma_start3A_1555 = arith.constant 0 : i32
      %dma_start3A_1556 = arith.constant 0 : i32
      %dma_start3A_1557 = tpu.memref_slice %arg6[%dma_start3A_1542, %dma_start3A_1543, %dma_start3A_1555, %dma_start3A_1556] : memref<10x2x64x64xf32, #tpu.memory_space<vmem>> -> memref<1x1x64x64xf32, #tpu.memory_space<vmem>>
      %dma_start3A_1558 = tpu.memref_squeeze %dma_start3A_1557 : memref<1x1x64x64xf32, #tpu.memory_space<vmem>> -> memref<64x64xf32, #tpu.memory_space<vmem>>
      tpu.enqueue_dma source(%dma_start3A_1558 : memref<64x64xf32, #tpu.memory_space<vmem>>) target(%dma_start3A_1554 : memref<64x64xf32, #tpu.memory_space<hbm>>) target_semaphore(%dma_start3A_1552 : memref<!tpu.dma_semaphore, #tpu.memory_space<semaphore_mem>>)
      %add3A_1559 = arith.constant 5 : i32
      %add3A_1560 = arith.addi %add3A_1441, %add3A_1559 : i32
      %ge3A_1561 = arith.constant 10 : i32
      %ge3A_1562 = arith.cmpi sge, %add3A_1560, %ge3A_1561 : i32
      %convert_element_type3A_1563 = arith.extui %ge3A_1562 : i1 to i32
      %cond3A_1564 = arith.constant 0 : i32
      %cond3A_1565 = arith.cmpi ne, %convert_element_type3A_1563, %cond3A_1564 : i32
      scf.if %cond3A_1565 {
        %sub3A_1704 = arith.constant 10 : i32
        %sub3A_1705 = arith.subi %add3A_1560, %sub3A_1704 : i32
        %jit3A_1706 = arith.constant 4 : i32
        %div3A_1707 = arith.divsi %sub3A_1705, %jit3A_1706 : i32
        %sign3A_1708 = arith.constant 0 : i32
        %sign3A_1709 = arith.cmpi sgt, %sub3A_1705, %sign3A_1708 : i32
        %sign3A_1710 = arith.extui %sign3A_1709 : i1 to i32
        %sign3A_1711 = arith.constant 0 : i32
        %sign3A_1712 = arith.cmpi slt, %sub3A_1705, %sign3A_1711 : i32
        %sign3A_1713 = arith.extui %sign3A_1712 : i1 to i32
        %sign3A_1714 = arith.subi %sign3A_1710, %sign3A_1713 : i32
        %sign3A_1715 = arith.constant 0 : i32
        %sign3A_1716 = arith.cmpi sgt, %jit3A_1706, %sign3A_1715 : i32
        %sign3A_1717 = arith.extui %sign3A_1716 : i1 to i32
        %sign3A_1718 = arith.constant 0 : i32
        %sign3A_1719 = arith.cmpi slt, %jit3A_1706, %sign3A_1718 : i32
        %sign3A_1720 = arith.extui %sign3A_1719 : i1 to i32
        %sign3A_1721 = arith.subi %sign3A_1717, %sign3A_1720 : i32
        %ne3A_1722 = arith.cmpi ne, %sign3A_1714, %sign3A_1721 : i32
        %rem3A_1723 = arith.remsi %sub3A_1705, %jit3A_1706 : i32
        %ne3A_1724 = arith.constant 0 : i32
        %ne3A_1725 = arith.cmpi ne, %rem3A_1723, %ne3A_1724 : i32
        %and3A_1726 = arith.andi %ne3A_1722, %ne3A_1725 : i1
        %sub3A_1727 = arith.constant 1 : i32
        %sub3A_1728 = arith.subi %div3A_1707, %sub3A_1727 : i32
        %select_n3A_1729 = arith.select %and3A_1726, %sub3A_1728, %div3A_1707 : i32
        %mul3A_1730 = arith.constant 4 : i32
        %mul3A_1731 = arith.muli %add3A, %mul3A_1730 : i32
        %jit3A_1732 = arith.constant 4 : i32
        %eq3A_1733 = arith.constant 0 : i32
        %eq3A_1734 = arith.cmpi eq, %jit3A_1732, %eq3A_1733 : i32
        %jit3A_1735 = arith.constant 1 : i32
        %select_n3A_1736 = arith.select %eq3A_1734, %jit3A_1735, %jit3A_1732 : i32
        %rem3A_1737 = arith.remsi %sub3A_1705, %select_n3A_1736 : i32
        %ne3A_1738 = arith.constant 0 : i32
        %ne3A_1739 = arith.cmpi ne, %rem3A_1737, %ne3A_1738 : i32
        %lt3A_1740 = arith.constant 0 : i32
        %lt3A_1741 = arith.cmpi slt, %rem3A_1737, %lt3A_1740 : i32
        %lt3A_1742 = arith.constant 0 : i32
        %lt3A_1743 = arith.cmpi slt, %select_n3A_1736, %lt3A_1742 : i32
        %ne3A_1744 = arith.xori %lt3A_1741, %lt3A_1743 : i1
        %and3A_1745 = arith.andi %ne3A_1744, %ne3A_1739 : i1
        %add3A_1746 = arith.addi %rem3A_1737, %select_n3A_1736 : i32
        %select_n3A_1747 = arith.select %and3A_1745, %add3A_1746, %rem3A_1737 : i32
        %add3A_1748 = arith.addi %mul3A_1731, %select_n3A_1747 : i32
        %mul3A_1749 = arith.constant 64 : i32
        %mul3A_1750 = arith.muli %add3A_1748, %mul3A_1749 : i32
        %mul3A_1751 = arith.constant 8192 : i32
        %mul3A_1752 = arith.muli %select_n3A_1729, %mul3A_1751 : i32
        %add3A_1753 = arith.addi %mul3A_1752, %mul3A_1750 : i32
        %dma_wait3A_1754 = arith.constant 3 : i32
        %dma_wait3A_1755 = arith.constant 0 : i32
        %dma_wait3A_1756 = arith.constant 3 : i32
        %dma_wait3A_1757 = arith.constant 0 : i32
        %dma_wait3A_1758 = arith.constant 0 : i32
        %dma_wait3A_1759 = tpu.memref_slice %arg6[%dma_wait3A_1754, %dma_wait3A_1755, %dma_wait3A_1757, %dma_wait3A_1758] : memref<10x2x64x64xf32, #tpu.memory_space<vmem>> -> memref<1x1x64x64xf32, #tpu.memory_space<vmem>>
        %dma_wait3A_1760 = tpu.memref_squeeze %dma_wait3A_1759 : memref<1x1x64x64xf32, #tpu.memory_space<vmem>> -> memref<64x64xf32, #tpu.memory_space<vmem>>
        %dma_wait3A_1761 = arith.constant 0 : i32
        %dma_wait3A_1762 = tpu.memref_slice %arg4[%add3A_1753, %dma_wait3A_1761] : memref<409600x128xf32, #tpu.memory_space<hbm>> -> memref<64x64xf32, #tpu.memory_space<hbm>>
        %dma_wait3A_1763 = tpu.memref_slice %arg8[%dma_wait3A_1756] : memref<10x!tpu.dma_semaphore, #tpu.memory_space<semaphore_mem>> -> memref<1x!tpu.dma_semaphore, #tpu.memory_space<semaphore_mem>>
        %dma_wait3A_1764 = tpu.memref_squeeze %dma_wait3A_1763 : memref<1x!tpu.dma_semaphore, #tpu.memory_space<semaphore_mem>> -> memref<!tpu.dma_semaphore, #tpu.memory_space<semaphore_mem>>
        %dma_wait3A_1765 = arith.constant 0 : i32
        %dma_wait3A_1766 = tpu.memref_slice %arg4[%add3A_1753, %dma_wait3A_1765] : memref<409600x128xf32, #tpu.memory_space<hbm>> -> memref<64x64xf32, #tpu.memory_space<hbm>>
        %dma_wait3A_1767 = arith.constant 0 : i32
        %dma_wait3A_1768 = arith.constant 0 : i32
        %dma_wait3A_1769 = tpu.memref_slice %arg6[%dma_wait3A_1754, %dma_wait3A_1755, %dma_wait3A_1767, %dma_wait3A_1768] : memref<10x2x64x64xf32, #tpu.memory_space<vmem>> -> memref<1x1x64x64xf32, #tpu.memory_space<vmem>>
        %dma_wait3A_1770 = tpu.memref_squeeze %dma_wait3A_1769 : memref<1x1x64x64xf32, #tpu.memory_space<vmem>> -> memref<64x64xf32, #tpu.memory_space<vmem>>
        tpu.wait_dma2 semaphore(%dma_wait3A_1764 : memref<!tpu.dma_semaphore, #tpu.memory_space<semaphore_mem>>) src(%dma_wait3A_1770 : memref<64x64xf32, #tpu.memory_space<vmem>>) dst(%dma_wait3A_1766 : memref<64x64xf32, #tpu.memory_space<hbm>>)
        %mul3A_1771 = arith.constant 8192 : i32
        %mul3A_1772 = arith.muli %select_n3A_1729, %mul3A_1771 : i32
        %add3A_1773 = arith.addi %mul3A_1772, %mul3A_1750 : i32
        %dma_wait3A_1774 = arith.constant 3 : i32
        %dma_wait3A_1775 = arith.constant 1 : i32
        %dma_wait3A_1776 = arith.constant 3 : i32
        %dma_wait3A_1777 = arith.constant 0 : i32
        %dma_wait3A_1778 = arith.constant 0 : i32
        %dma_wait3A_1779 = tpu.memref_slice %arg6[%dma_wait3A_1774, %dma_wait3A_1775, %dma_wait3A_1777, %dma_wait3A_1778] : memref<10x2x64x64xf32, #tpu.memory_space<vmem>> -> memref<1x1x64x64xf32, #tpu.memory_space<vmem>>
        %dma_wait3A_1780 = tpu.memref_squeeze %dma_wait3A_1779 : memref<1x1x64x64xf32, #tpu.memory_space<vmem>> -> memref<64x64xf32, #tpu.memory_space<vmem>>
        %dma_wait3A_1781 = arith.constant 64 : i32
        %dma_wait3A_1782 = tpu.memref_slice %arg4[%add3A_1773, %dma_wait3A_1781] : memref<409600x128xf32, #tpu.memory_space<hbm>> -> memref<64x64xf32, #tpu.memory_space<hbm>>
        %dma_wait3A_1783 = tpu.memref_slice %arg8[%dma_wait3A_1776] : memref<10x!tpu.dma_semaphore, #tpu.memory_space<semaphore_mem>> -> memref<1x!tpu.dma_semaphore, #tpu.memory_space<semaphore_mem>>
        %dma_wait3A_1784 = tpu.memref_squeeze %dma_wait3A_1783 : memref<1x!tpu.dma_semaphore, #tpu.memory_space<semaphore_mem>> -> memref<!tpu.dma_semaphore, #tpu.memory_space<semaphore_mem>>
        %dma_wait3A_1785 = arith.constant 64 : i32
        %dma_wait3A_1786 = tpu.memref_slice %arg4[%add3A_1773, %dma_wait3A_1785] : memref<409600x128xf32, #tpu.memory_space<hbm>> -> memref<64x64xf32, #tpu.memory_space<hbm>>
        %dma_wait3A_1787 = arith.constant 0 : i32
        %dma_wait3A_1788 = arith.constant 0 : i32
        %dma_wait3A_1789 = tpu.memref_slice %arg6[%dma_wait3A_1774, %dma_wait3A_1775, %dma_wait3A_1787, %dma_wait3A_1788] : memref<10x2x64x64xf32, #tpu.memory_space<vmem>> -> memref<1x1x64x64xf32, #tpu.memory_space<vmem>>
        %dma_wait3A_1790 = tpu.memref_squeeze %dma_wait3A_1789 : memref<1x1x64x64xf32, #tpu.memory_space<vmem>> -> memref<64x64xf32, #tpu.memory_space<vmem>>
        tpu.wait_dma2 semaphore(%dma_wait3A_1784 : memref<!tpu.dma_semaphore, #tpu.memory_space<semaphore_mem>>) src(%dma_wait3A_1790 : memref<64x64xf32, #tpu.memory_space<vmem>>) dst(%dma_wait3A_1786 : memref<64x64xf32, #tpu.memory_space<hbm>>)
      } else {
      }
      %lt3A_1566 = arith.constant 200 : i32
      %lt3A_1567 = arith.cmpi slt, %add3A_1560, %lt3A_1566 : i32
      %convert_element_type3A_1568 = arith.extui %lt3A_1567 : i1 to i32
      %cond3A_1569 = arith.constant 0 : i32
      %cond3A_1570 = arith.cmpi ne, %convert_element_type3A_1568, %cond3A_1569 : i32
      scf.if %cond3A_1570 {
        %jit3A_1704 = arith.constant 4 : i32
        %div3A_1705 = arith.divsi %add3A_1560, %jit3A_1704 : i32
        %sign3A_1706 = arith.constant 0 : i32
        %sign3A_1707 = arith.cmpi sgt, %add3A_1560, %sign3A_1706 : i32
        %sign3A_1708 = arith.extui %sign3A_1707 : i1 to i32
        %sign3A_1709 = arith.constant 0 : i32
        %sign3A_1710 = arith.cmpi slt, %add3A_1560, %sign3A_1709 : i32
        %sign3A_1711 = arith.extui %sign3A_1710 : i1 to i32
        %sign3A_1712 = arith.subi %sign3A_1708, %sign3A_1711 : i32
        %sign3A_1713 = arith.constant 0 : i32
        %sign3A_1714 = arith.cmpi sgt, %jit3A_1704, %sign3A_1713 : i32
        %sign3A_1715 = arith.extui %sign3A_1714 : i1 to i32
        %sign3A_1716 = arith.constant 0 : i32
        %sign3A_1717 = arith.cmpi slt, %jit3A_1704, %sign3A_1716 : i32
        %sign3A_1718 = arith.extui %sign3A_1717 : i1 to i32
        %sign3A_1719 = arith.subi %sign3A_1715, %sign3A_1718 : i32
        %ne3A_1720 = arith.cmpi ne, %sign3A_1712, %sign3A_1719 : i32
        %rem3A_1721 = arith.remsi %add3A_1560, %jit3A_1704 : i32
        %ne3A_1722 = arith.constant 0 : i32
        %ne3A_1723 = arith.cmpi ne, %rem3A_1721, %ne3A_1722 : i32
        %and3A_1724 = arith.andi %ne3A_1720, %ne3A_1723 : i1
        %sub3A_1725 = arith.constant 1 : i32
        %sub3A_1726 = arith.subi %div3A_1705, %sub3A_1725 : i32
        %select_n3A_1727 = arith.select %and3A_1724, %sub3A_1726, %div3A_1705 : i32
        %jit3A_1728 = arith.constant 4 : i32
        %eq3A_1729 = arith.constant 0 : i32
        %eq3A_1730 = arith.cmpi eq, %jit3A_1728, %eq3A_1729 : i32
        %jit3A_1731 = arith.constant 1 : i32
        %select_n3A_1732 = arith.select %eq3A_1730, %jit3A_1731, %jit3A_1728 : i32
        %rem3A_1733 = arith.remsi %add3A_1560, %select_n3A_1732 : i32
        %ne3A_1734 = arith.constant 0 : i32
        %ne3A_1735 = arith.cmpi ne, %rem3A_1733, %ne3A_1734 : i32
        %lt3A_1736 = arith.constant 0 : i32
        %lt3A_1737 = arith.cmpi slt, %rem3A_1733, %lt3A_1736 : i32
        %lt3A_1738 = arith.constant 0 : i32
        %lt3A_1739 = arith.cmpi slt, %select_n3A_1732, %lt3A_1738 : i32
        %ne3A_1740 = arith.xori %lt3A_1737, %lt3A_1739 : i1
        %and3A_1741 = arith.andi %ne3A_1740, %ne3A_1735 : i1
        %add3A_1742 = arith.addi %rem3A_1733, %select_n3A_1732 : i32
        %select_n3A_1743 = arith.select %and3A_1741, %add3A_1742, %rem3A_1733 : i32
        %mul3A_1744 = arith.constant 128 : i32
        %mul3A_1745 = arith.muli %select_n3A_1743, %mul3A_1744 : i32
        %add3A_1746 = arith.constant 0 : i32
        %add3A_1747 = arith.addi %mul3A_1745, %add3A_1746 : i32
        %dma_start3A_1748 = arith.constant 3 : i32
        %dma_start3A_1749 = arith.constant 0 : i32
        %dma_start3A_1750 = arith.constant 3 : i32
        %dma_start3A_1751 = arith.constant 0 : i32
        %dma_start3A_1752 = arith.constant 0 : i32
        %dma_start3A_1753 = tpu.memref_slice %arg6[%dma_start3A_1748, %dma_start3A_1749, %dma_start3A_1751, %dma_start3A_1752] : memref<10x2x64x64xf32, #tpu.memory_space<vmem>> -> memref<1x1x64x64xf32, #tpu.memory_space<vmem>>
        %dma_start3A_1754 = tpu.memref_squeeze %dma_start3A_1753 : memref<1x1x64x64xf32, #tpu.memory_space<vmem>> -> memref<64x64xf32, #tpu.memory_space<vmem>>
        %dma_start3A_1755 = tpu.memref_slice %arg5[%select_n3A_1727, %add3A_1747] : memref<50x512xi32, #tpu.memory_space<vmem>> -> memref<1x64xi32, #tpu.memory_space<vmem>>
        %dma_start3A_1756 = tpu.memref_squeeze %dma_start3A_1755 : memref<1x64xi32, #tpu.memory_space<vmem>> -> memref<64xi32, #tpu.memory_space<vmem>>
        %dma_start3A_1757 = arith.constant 0 : i32
        %dma_start3A_1758 = arith.constant 0 : i32
        %dma_start3A_1759 = tpu.memref_slice %arg3[%dma_start3A_1757, %dma_start3A_1758] : memref<1000000x64xf32, #tpu.memory_space<hbm>> -> memref<1000000x64xf32, #tpu.memory_space<hbm>>
        %dma_start3A_1760 = tpu.memref_slice %arg7[%dma_start3A_1750] : memref<10x!tpu.dma_semaphore, #tpu.memory_space<semaphore_mem>> -> memref<1x!tpu.dma_semaphore, #tpu.memory_space<semaphore_mem>>
        %dma_start3A_1761 = tpu.memref_squeeze %dma_start3A_1760 : memref<1x!tpu.dma_semaphore, #tpu.memory_space<semaphore_mem>> -> memref<!tpu.dma_semaphore, #tpu.memory_space<semaphore_mem>>
        tpu.enqueue_indirect_dma source(%dma_start3A_1759 : memref<1000000x64xf32, #tpu.memory_space<hbm>>) target(%dma_start3A_1754 : memref<64x64xf32, #tpu.memory_space<vmem>>) offsets(%dma_start3A_1756 : memref<64xi32, #tpu.memory_space<vmem>>) semaphore(%dma_start3A_1761 : memref<!tpu.dma_semaphore, #tpu.memory_space<semaphore_mem>>)
        %mul3A_1762 = arith.constant 128 : i32
        %mul3A_1763 = arith.muli %select_n3A_1743, %mul3A_1762 : i32
        %add3A_1764 = arith.constant 64 : i32
        %add3A_1765 = arith.addi %mul3A_1763, %add3A_1764 : i32
        %dma_start3A_1766 = arith.constant 3 : i32
        %dma_start3A_1767 = arith.constant 1 : i32
        %dma_start3A_1768 = arith.constant 3 : i32
        %dma_start3A_1769 = arith.constant 0 : i32
        %dma_start3A_1770 = arith.constant 0 : i32
        %dma_start3A_1771 = tpu.memref_slice %arg6[%dma_start3A_1766, %dma_start3A_1767, %dma_start3A_1769, %dma_start3A_1770] : memref<10x2x64x64xf32, #tpu.memory_space<vmem>> -> memref<1x1x64x64xf32, #tpu.memory_space<vmem>>
        %dma_start3A_1772 = tpu.memref_squeeze %dma_start3A_1771 : memref<1x1x64x64xf32, #tpu.memory_space<vmem>> -> memref<64x64xf32, #tpu.memory_space<vmem>>
        %dma_start3A_1773 = tpu.memref_slice %arg5[%select_n3A_1727, %add3A_1765] : memref<50x512xi32, #tpu.memory_space<vmem>> -> memref<1x64xi32, #tpu.memory_space<vmem>>
        %dma_start3A_1774 = tpu.memref_squeeze %dma_start3A_1773 : memref<1x64xi32, #tpu.memory_space<vmem>> -> memref<64xi32, #tpu.memory_space<vmem>>
        %dma_start3A_1775 = arith.constant 0 : i32
        %dma_start3A_1776 = arith.constant 0 : i32
        %dma_start3A_1777 = tpu.memref_slice %arg3[%dma_start3A_1775, %dma_start3A_1776] : memref<1000000x64xf32, #tpu.memory_space<hbm>> -> memref<1000000x64xf32, #tpu.memory_space<hbm>>
        %dma_start3A_1778 = tpu.memref_slice %arg7[%dma_start3A_1768] : memref<10x!tpu.dma_semaphore, #tpu.memory_space<semaphore_mem>> -> memref<1x!tpu.dma_semaphore, #tpu.memory_space<semaphore_mem>>
        %dma_start3A_1779 = tpu.memref_squeeze %dma_start3A_1778 : memref<1x!tpu.dma_semaphore, #tpu.memory_space<semaphore_mem>> -> memref<!tpu.dma_semaphore, #tpu.memory_space<semaphore_mem>>
        tpu.enqueue_indirect_dma source(%dma_start3A_1777 : memref<1000000x64xf32, #tpu.memory_space<hbm>>) target(%dma_start3A_1772 : memref<64x64xf32, #tpu.memory_space<vmem>>) offsets(%dma_start3A_1774 : memref<64xi32, #tpu.memory_space<vmem>>) semaphore(%dma_start3A_1779 : memref<!tpu.dma_semaphore, #tpu.memory_space<semaphore_mem>>)
      } else {
      }
      %mul3A_1571 = arith.constant 10 : i32
      %mul3A_1572 = arith.muli %scan3A_386, %mul3A_1571 : i32
      %add3A_1573 = arith.constant 9 : i32
      %add3A_1574 = arith.addi %mul3A_1572, %add3A_1573 : i32
      %dma_wait3A_1575 = arith.constant 0 : i32
      %dma_wait3A_1576 = arith.constant 9 : i32
      %dma_wait3A_1577 = arith.constant 0 : i32
      %dma_wait3A_1578 = arith.constant 9 : i32
      %dma_wait3A_1579 = arith.constant 0 : i32
      %dma_wait3A_1580 = arith.constant 0 : i32
      %dma_wait3A_1581 = tpu.memref_slice %arg6[%dma_wait3A_1576, %dma_wait3A_1577, %dma_wait3A_1579, %dma_wait3A_1580] : memref<10x2x64x64xf32, #tpu.memory_space<vmem>> -> memref<1x1x64x64xf32, #tpu.memory_space<vmem>>
      %dma_wait3A_1582 = tpu.memref_squeeze %dma_wait3A_1581 : memref<1x1x64x64xf32, #tpu.memory_space<vmem>> -> memref<64x64xf32, #tpu.memory_space<vmem>>
      %dma_wait3A_1583 = arith.constant 0 : i32
      %dma_wait3A_1584 = tpu.memref_slice %arg5[%dma_wait3A_1575, %dma_wait3A_1583] : memref<50x512xi32, #tpu.memory_space<vmem>> -> memref<1x64xi32, #tpu.memory_space<vmem>>
      %dma_wait3A_1585 = tpu.memref_squeeze %dma_wait3A_1584 : memref<1x64xi32, #tpu.memory_space<vmem>> -> memref<64xi32, #tpu.memory_space<vmem>>
      %dma_wait3A_1586 = arith.constant 0 : i32
      %dma_wait3A_1587 = arith.constant 0 : i32
      %dma_wait3A_1588 = tpu.memref_slice %arg3[%dma_wait3A_1586, %dma_wait3A_1587] : memref<1000000x64xf32, #tpu.memory_space<hbm>> -> memref<1000000x64xf32, #tpu.memory_space<hbm>>
      %dma_wait3A_1589 = tpu.memref_slice %arg7[%dma_wait3A_1578] : memref<10x!tpu.dma_semaphore, #tpu.memory_space<semaphore_mem>> -> memref<1x!tpu.dma_semaphore, #tpu.memory_space<semaphore_mem>>
      %dma_wait3A_1590 = tpu.memref_squeeze %dma_wait3A_1589 : memref<1x!tpu.dma_semaphore, #tpu.memory_space<semaphore_mem>> -> memref<!tpu.dma_semaphore, #tpu.memory_space<semaphore_mem>>
      tpu.wait_indirect_dma semaphore(%dma_wait3A_1590 : memref<!tpu.dma_semaphore, #tpu.memory_space<semaphore_mem>>) src(%dma_wait3A_1588 : memref<1000000x64xf32, #tpu.memory_space<hbm>>) dst(%dma_wait3A_1582 : memref<64x64xf32, #tpu.memory_space<vmem>>)
      %dma_wait3A_1591 = arith.constant 0 : i32
      %dma_wait3A_1592 = arith.constant 9 : i32
      %dma_wait3A_1593 = arith.constant 1 : i32
      %dma_wait3A_1594 = arith.constant 9 : i32
      %dma_wait3A_1595 = arith.constant 0 : i32
      %dma_wait3A_1596 = arith.constant 0 : i32
      %dma_wait3A_1597 = tpu.memref_slice %arg6[%dma_wait3A_1592, %dma_wait3A_1593, %dma_wait3A_1595, %dma_wait3A_1596] : memref<10x2x64x64xf32, #tpu.memory_space<vmem>> -> memref<1x1x64x64xf32, #tpu.memory_space<vmem>>
      %dma_wait3A_1598 = tpu.memref_squeeze %dma_wait3A_1597 : memref<1x1x64x64xf32, #tpu.memory_space<vmem>> -> memref<64x64xf32, #tpu.memory_space<vmem>>
      %dma_wait3A_1599 = arith.constant 0 : i32
      %dma_wait3A_1600 = tpu.memref_slice %arg5[%dma_wait3A_1591, %dma_wait3A_1599] : memref<50x512xi32, #tpu.memory_space<vmem>> -> memref<1x64xi32, #tpu.memory_space<vmem>>
      %dma_wait3A_1601 = tpu.memref_squeeze %dma_wait3A_1600 : memref<1x64xi32, #tpu.memory_space<vmem>> -> memref<64xi32, #tpu.memory_space<vmem>>
      %dma_wait3A_1602 = arith.constant 0 : i32
      %dma_wait3A_1603 = arith.constant 0 : i32
      %dma_wait3A_1604 = tpu.memref_slice %arg3[%dma_wait3A_1602, %dma_wait3A_1603] : memref<1000000x64xf32, #tpu.memory_space<hbm>> -> memref<1000000x64xf32, #tpu.memory_space<hbm>>
      %dma_wait3A_1605 = tpu.memref_slice %arg7[%dma_wait3A_1594] : memref<10x!tpu.dma_semaphore, #tpu.memory_space<semaphore_mem>> -> memref<1x!tpu.dma_semaphore, #tpu.memory_space<semaphore_mem>>
      %dma_wait3A_1606 = tpu.memref_squeeze %dma_wait3A_1605 : memref<1x!tpu.dma_semaphore, #tpu.memory_space<semaphore_mem>> -> memref<!tpu.dma_semaphore, #tpu.memory_space<semaphore_mem>>
      tpu.wait_indirect_dma semaphore(%dma_wait3A_1606 : memref<!tpu.dma_semaphore, #tpu.memory_space<semaphore_mem>>) src(%dma_wait3A_1604 : memref<1000000x64xf32, #tpu.memory_space<hbm>>) dst(%dma_wait3A_1598 : memref<64x64xf32, #tpu.memory_space<vmem>>)
      %jit3A_1607 = arith.constant 4 : i32
      %div3A_1608 = arith.divsi %add3A_1574, %jit3A_1607 : i32
      %sign3A_1609 = arith.constant 0 : i32
      %sign3A_1610 = arith.cmpi sgt, %add3A_1574, %sign3A_1609 : i32
      %sign3A_1611 = arith.extui %sign3A_1610 : i1 to i32
      %sign3A_1612 = arith.constant 0 : i32
      %sign3A_1613 = arith.cmpi slt, %add3A_1574, %sign3A_1612 : i32
      %sign3A_1614 = arith.extui %sign3A_1613 : i1 to i32
      %sign3A_1615 = arith.subi %sign3A_1611, %sign3A_1614 : i32
      %sign3A_1616 = arith.constant 0 : i32
      %sign3A_1617 = arith.cmpi sgt, %jit3A_1607, %sign3A_1616 : i32
      %sign3A_1618 = arith.extui %sign3A_1617 : i1 to i32
      %sign3A_1619 = arith.constant 0 : i32
      %sign3A_1620 = arith.cmpi slt, %jit3A_1607, %sign3A_1619 : i32
      %sign3A_1621 = arith.extui %sign3A_1620 : i1 to i32
      %sign3A_1622 = arith.subi %sign3A_1618, %sign3A_1621 : i32
      %ne3A_1623 = arith.cmpi ne, %sign3A_1615, %sign3A_1622 : i32
      %rem3A_1624 = arith.remsi %add3A_1574, %jit3A_1607 : i32
      %ne3A_1625 = arith.constant 0 : i32
      %ne3A_1626 = arith.cmpi ne, %rem3A_1624, %ne3A_1625 : i32
      %and3A_1627 = arith.andi %ne3A_1623, %ne3A_1626 : i1
      %sub3A_1628 = arith.constant 1 : i32
      %sub3A_1629 = arith.subi %div3A_1608, %sub3A_1628 : i32
      %select_n3A_1630 = arith.select %and3A_1627, %sub3A_1629, %div3A_1608 : i32
      %mul3A_1631 = arith.constant 4 : i32
      %mul3A_1632 = arith.muli %add3A, %mul3A_1631 : i32
      %jit3A_1633 = arith.constant 4 : i32
      %eq3A_1634 = arith.constant 0 : i32
      %eq3A_1635 = arith.cmpi eq, %jit3A_1633, %eq3A_1634 : i32
      %jit3A_1636 = arith.constant 1 : i32
      %select_n3A_1637 = arith.select %eq3A_1635, %jit3A_1636, %jit3A_1633 : i32
      %rem3A_1638 = arith.remsi %add3A_1574, %select_n3A_1637 : i32
      %ne3A_1639 = arith.constant 0 : i32
      %ne3A_1640 = arith.cmpi ne, %rem3A_1638, %ne3A_1639 : i32
      %lt3A_1641 = arith.constant 0 : i32
      %lt3A_1642 = arith.cmpi slt, %rem3A_1638, %lt3A_1641 : i32
      %lt3A_1643 = arith.constant 0 : i32
      %lt3A_1644 = arith.cmpi slt, %select_n3A_1637, %lt3A_1643 : i32
      %ne3A_1645 = arith.xori %lt3A_1642, %lt3A_1644 : i1
      %and3A_1646 = arith.andi %ne3A_1645, %ne3A_1640 : i1
      %add3A_1647 = arith.addi %rem3A_1638, %select_n3A_1637 : i32
      %select_n3A_1648 = arith.select %and3A_1646, %add3A_1647, %rem3A_1638 : i32
      %add3A_1649 = arith.addi %mul3A_1632, %select_n3A_1648 : i32
      %mul3A_1650 = arith.constant 64 : i32
      %mul3A_1651 = arith.muli %add3A_1649, %mul3A_1650 : i32
      %mul3A_1652 = arith.constant 8192 : i32
      %mul3A_1653 = arith.muli %select_n3A_1630, %mul3A_1652 : i32
      %add3A_1654 = arith.addi %mul3A_1653, %mul3A_1651 : i32
      %dma_start3A_1655 = arith.constant 9 : i32
      %dma_start3A_1656 = arith.constant 0 : i32
      %dma_start3A_1657 = arith.constant 9 : i32
      %dma_start3A_1658 = arith.constant 0 : i32
      %dma_start3A_1659 = arith.constant 0 : i32
      %dma_start3A_1660 = tpu.memref_slice %arg6[%dma_start3A_1655, %dma_start3A_1656, %dma_start3A_1658, %dma_start3A_1659] : memref<10x2x64x64xf32, #tpu.memory_space<vmem>> -> memref<1x1x64x64xf32, #tpu.memory_space<vmem>>
      %dma_start3A_1661 = tpu.memref_squeeze %dma_start3A_1660 : memref<1x1x64x64xf32, #tpu.memory_space<vmem>> -> memref<64x64xf32, #tpu.memory_space<vmem>>
      %dma_start3A_1662 = arith.constant 0 : i32
      %dma_start3A_1663 = tpu.memref_slice %arg4[%add3A_1654, %dma_start3A_1662] : memref<409600x128xf32, #tpu.memory_space<hbm>> -> memref<64x64xf32, #tpu.memory_space<hbm>>
      %dma_start3A_1664 = tpu.memref_slice %arg8[%dma_start3A_1657] : memref<10x!tpu.dma_semaphore, #tpu.memory_space<semaphore_mem>> -> memref<1x!tpu.dma_semaphore, #tpu.memory_space<semaphore_mem>>
      %dma_start3A_1665 = tpu.memref_squeeze %dma_start3A_1664 : memref<1x!tpu.dma_semaphore, #tpu.memory_space<semaphore_mem>> -> memref<!tpu.dma_semaphore, #tpu.memory_space<semaphore_mem>>
      %dma_start3A_1666 = arith.constant 0 : i32
      %dma_start3A_1667 = tpu.memref_slice %arg4[%add3A_1654, %dma_start3A_1666] : memref<409600x128xf32, #tpu.memory_space<hbm>> -> memref<64x64xf32, #tpu.memory_space<hbm>>
      %dma_start3A_1668 = arith.constant 0 : i32
      %dma_start3A_1669 = arith.constant 0 : i32
      %dma_start3A_1670 = tpu.memref_slice %arg6[%dma_start3A_1655, %dma_start3A_1656, %dma_start3A_1668, %dma_start3A_1669] : memref<10x2x64x64xf32, #tpu.memory_space<vmem>> -> memref<1x1x64x64xf32, #tpu.memory_space<vmem>>
      %dma_start3A_1671 = tpu.memref_squeeze %dma_start3A_1670 : memref<1x1x64x64xf32, #tpu.memory_space<vmem>> -> memref<64x64xf32, #tpu.memory_space<vmem>>
      tpu.enqueue_dma source(%dma_start3A_1671 : memref<64x64xf32, #tpu.memory_space<vmem>>) target(%dma_start3A_1667 : memref<64x64xf32, #tpu.memory_space<hbm>>) target_semaphore(%dma_start3A_1665 : memref<!tpu.dma_semaphore, #tpu.memory_space<semaphore_mem>>)
      %mul3A_1672 = arith.constant 8192 : i32
      %mul3A_1673 = arith.muli %select_n3A_1630, %mul3A_1672 : i32
      %add3A_1674 = arith.addi %mul3A_1673, %mul3A_1651 : i32
      %dma_start3A_1675 = arith.constant 9 : i32
      %dma_start3A_1676 = arith.constant 1 : i32
      %dma_start3A_1677 = arith.constant 9 : i32
      %dma_start3A_1678 = arith.constant 0 : i32
      %dma_start3A_1679 = arith.constant 0 : i32
      %dma_start3A_1680 = tpu.memref_slice %arg6[%dma_start3A_1675, %dma_start3A_1676, %dma_start3A_1678, %dma_start3A_1679] : memref<10x2x64x64xf32, #tpu.memory_space<vmem>> -> memref<1x1x64x64xf32, #tpu.memory_space<vmem>>
      %dma_start3A_1681 = tpu.memref_squeeze %dma_start3A_1680 : memref<1x1x64x64xf32, #tpu.memory_space<vmem>> -> memref<64x64xf32, #tpu.memory_space<vmem>>
      %dma_start3A_1682 = arith.constant 64 : i32
      %dma_start3A_1683 = tpu.memref_slice %arg4[%add3A_1674, %dma_start3A_1682] : memref<409600x128xf32, #tpu.memory_space<hbm>> -> memref<64x64xf32, #tpu.memory_space<hbm>>
      %dma_start3A_1684 = tpu.memref_slice %arg8[%dma_start3A_1677] : memref<10x!tpu.dma_semaphore, #tpu.memory_space<semaphore_mem>> -> memref<1x!tpu.dma_semaphore, #tpu.memory_space<semaphore_mem>>
      %dma_start3A_1685 = tpu.memref_squeeze %dma_start3A_1684 : memref<1x!tpu.dma_semaphore, #tpu.memory_space<semaphore_mem>> -> memref<!tpu.dma_semaphore, #tpu.memory_space<semaphore_mem>>
      %dma_start3A_1686 = arith.constant 64 : i32
      %dma_start3A_1687 = tpu.memref_slice %arg4[%add3A_1674, %dma_start3A_1686] : memref<409600x128xf32, #tpu.memory_space<hbm>> -> memref<64x64xf32, #tpu.memory_space<hbm>>
      %dma_start3A_1688 = arith.constant 0 : i32
      %dma_start3A_1689 = arith.constant 0 : i32
      %dma_start3A_1690 = tpu.memref_slice %arg6[%dma_start3A_1675, %dma_start3A_1676, %dma_start3A_1688, %dma_start3A_1689] : memref<10x2x64x64xf32, #tpu.memory_space<vmem>> -> memref<1x1x64x64xf32, #tpu.memory_space<vmem>>
      %dma_start3A_1691 = tpu.memref_squeeze %dma_start3A_1690 : memref<1x1x64x64xf32, #tpu.memory_space<vmem>> -> memref<64x64xf32, #tpu.memory_space<vmem>>
      tpu.enqueue_dma source(%dma_start3A_1691 : memref<64x64xf32, #tpu.memory_space<vmem>>) target(%dma_start3A_1687 : memref<64x64xf32, #tpu.memory_space<hbm>>) target_semaphore(%dma_start3A_1685 : memref<!tpu.dma_semaphore, #tpu.memory_space<semaphore_mem>>)
      %add3A_1692 = arith.constant 5 : i32
      %add3A_1693 = arith.addi %add3A_1574, %add3A_1692 : i32
      %ge3A_1694 = arith.constant 10 : i32
      %ge3A_1695 = arith.cmpi sge, %add3A_1693, %ge3A_1694 : i32
      %convert_element_type3A_1696 = arith.extui %ge3A_1695 : i1 to i32
      %cond3A_1697 = arith.constant 0 : i32
      %cond3A_1698 = arith.cmpi ne, %convert_element_type3A_1696, %cond3A_1697 : i32
      scf.if %cond3A_1698 {
        %sub3A_1704 = arith.constant 10 : i32
        %sub3A_1705 = arith.subi %add3A_1693, %sub3A_1704 : i32
        %jit3A_1706 = arith.constant 4 : i32
        %div3A_1707 = arith.divsi %sub3A_1705, %jit3A_1706 : i32
        %sign3A_1708 = arith.constant 0 : i32
        %sign3A_1709 = arith.cmpi sgt, %sub3A_1705, %sign3A_1708 : i32
        %sign3A_1710 = arith.extui %sign3A_1709 : i1 to i32
        %sign3A_1711 = arith.constant 0 : i32
        %sign3A_1712 = arith.cmpi slt, %sub3A_1705, %sign3A_1711 : i32
        %sign3A_1713 = arith.extui %sign3A_1712 : i1 to i32
        %sign3A_1714 = arith.subi %sign3A_1710, %sign3A_1713 : i32
        %sign3A_1715 = arith.constant 0 : i32
        %sign3A_1716 = arith.cmpi sgt, %jit3A_1706, %sign3A_1715 : i32
        %sign3A_1717 = arith.extui %sign3A_1716 : i1 to i32
        %sign3A_1718 = arith.constant 0 : i32
        %sign3A_1719 = arith.cmpi slt, %jit3A_1706, %sign3A_1718 : i32
        %sign3A_1720 = arith.extui %sign3A_1719 : i1 to i32
        %sign3A_1721 = arith.subi %sign3A_1717, %sign3A_1720 : i32
        %ne3A_1722 = arith.cmpi ne, %sign3A_1714, %sign3A_1721 : i32
        %rem3A_1723 = arith.remsi %sub3A_1705, %jit3A_1706 : i32
        %ne3A_1724 = arith.constant 0 : i32
        %ne3A_1725 = arith.cmpi ne, %rem3A_1723, %ne3A_1724 : i32
        %and3A_1726 = arith.andi %ne3A_1722, %ne3A_1725 : i1
        %sub3A_1727 = arith.constant 1 : i32
        %sub3A_1728 = arith.subi %div3A_1707, %sub3A_1727 : i32
        %select_n3A_1729 = arith.select %and3A_1726, %sub3A_1728, %div3A_1707 : i32
        %mul3A_1730 = arith.constant 4 : i32
        %mul3A_1731 = arith.muli %add3A, %mul3A_1730 : i32
        %jit3A_1732 = arith.constant 4 : i32
        %eq3A_1733 = arith.constant 0 : i32
        %eq3A_1734 = arith.cmpi eq, %jit3A_1732, %eq3A_1733 : i32
        %jit3A_1735 = arith.constant 1 : i32
        %select_n3A_1736 = arith.select %eq3A_1734, %jit3A_1735, %jit3A_1732 : i32
        %rem3A_1737 = arith.remsi %sub3A_1705, %select_n3A_1736 : i32
        %ne3A_1738 = arith.constant 0 : i32
        %ne3A_1739 = arith.cmpi ne, %rem3A_1737, %ne3A_1738 : i32
        %lt3A_1740 = arith.constant 0 : i32
        %lt3A_1741 = arith.cmpi slt, %rem3A_1737, %lt3A_1740 : i32
        %lt3A_1742 = arith.constant 0 : i32
        %lt3A_1743 = arith.cmpi slt, %select_n3A_1736, %lt3A_1742 : i32
        %ne3A_1744 = arith.xori %lt3A_1741, %lt3A_1743 : i1
        %and3A_1745 = arith.andi %ne3A_1744, %ne3A_1739 : i1
        %add3A_1746 = arith.addi %rem3A_1737, %select_n3A_1736 : i32
        %select_n3A_1747 = arith.select %and3A_1745, %add3A_1746, %rem3A_1737 : i32
        %add3A_1748 = arith.addi %mul3A_1731, %select_n3A_1747 : i32
        %mul3A_1749 = arith.constant 64 : i32
        %mul3A_1750 = arith.muli %add3A_1748, %mul3A_1749 : i32
        %mul3A_1751 = arith.constant 8192 : i32
        %mul3A_1752 = arith.muli %select_n3A_1729, %mul3A_1751 : i32
        %add3A_1753 = arith.addi %mul3A_1752, %mul3A_1750 : i32
        %dma_wait3A_1754 = arith.constant 4 : i32
        %dma_wait3A_1755 = arith.constant 0 : i32
        %dma_wait3A_1756 = arith.constant 4 : i32
        %dma_wait3A_1757 = arith.constant 0 : i32
        %dma_wait3A_1758 = arith.constant 0 : i32
        %dma_wait3A_1759 = tpu.memref_slice %arg6[%dma_wait3A_1754, %dma_wait3A_1755, %dma_wait3A_1757, %dma_wait3A_1758] : memref<10x2x64x64xf32, #tpu.memory_space<vmem>> -> memref<1x1x64x64xf32, #tpu.memory_space<vmem>>
        %dma_wait3A_1760 = tpu.memref_squeeze %dma_wait3A_1759 : memref<1x1x64x64xf32, #tpu.memory_space<vmem>> -> memref<64x64xf32, #tpu.memory_space<vmem>>
        %dma_wait3A_1761 = arith.constant 0 : i32
        %dma_wait3A_1762 = tpu.memref_slice %arg4[%add3A_1753, %dma_wait3A_1761] : memref<409600x128xf32, #tpu.memory_space<hbm>> -> memref<64x64xf32, #tpu.memory_space<hbm>>
        %dma_wait3A_1763 = tpu.memref_slice %arg8[%dma_wait3A_1756] : memref<10x!tpu.dma_semaphore, #tpu.memory_space<semaphore_mem>> -> memref<1x!tpu.dma_semaphore, #tpu.memory_space<semaphore_mem>>
        %dma_wait3A_1764 = tpu.memref_squeeze %dma_wait3A_1763 : memref<1x!tpu.dma_semaphore, #tpu.memory_space<semaphore_mem>> -> memref<!tpu.dma_semaphore, #tpu.memory_space<semaphore_mem>>
        %dma_wait3A_1765 = arith.constant 0 : i32
        %dma_wait3A_1766 = tpu.memref_slice %arg4[%add3A_1753, %dma_wait3A_1765] : memref<409600x128xf32, #tpu.memory_space<hbm>> -> memref<64x64xf32, #tpu.memory_space<hbm>>
        %dma_wait3A_1767 = arith.constant 0 : i32
        %dma_wait3A_1768 = arith.constant 0 : i32
        %dma_wait3A_1769 = tpu.memref_slice %arg6[%dma_wait3A_1754, %dma_wait3A_1755, %dma_wait3A_1767, %dma_wait3A_1768] : memref<10x2x64x64xf32, #tpu.memory_space<vmem>> -> memref<1x1x64x64xf32, #tpu.memory_space<vmem>>
        %dma_wait3A_1770 = tpu.memref_squeeze %dma_wait3A_1769 : memref<1x1x64x64xf32, #tpu.memory_space<vmem>> -> memref<64x64xf32, #tpu.memory_space<vmem>>
        tpu.wait_dma2 semaphore(%dma_wait3A_1764 : memref<!tpu.dma_semaphore, #tpu.memory_space<semaphore_mem>>) src(%dma_wait3A_1770 : memref<64x64xf32, #tpu.memory_space<vmem>>) dst(%dma_wait3A_1766 : memref<64x64xf32, #tpu.memory_space<hbm>>)
        %mul3A_1771 = arith.constant 8192 : i32
        %mul3A_1772 = arith.muli %select_n3A_1729, %mul3A_1771 : i32
        %add3A_1773 = arith.addi %mul3A_1772, %mul3A_1750 : i32
        %dma_wait3A_1774 = arith.constant 4 : i32
        %dma_wait3A_1775 = arith.constant 1 : i32
        %dma_wait3A_1776 = arith.constant 4 : i32
        %dma_wait3A_1777 = arith.constant 0 : i32
        %dma_wait3A_1778 = arith.constant 0 : i32
        %dma_wait3A_1779 = tpu.memref_slice %arg6[%dma_wait3A_1774, %dma_wait3A_1775, %dma_wait3A_1777, %dma_wait3A_1778] : memref<10x2x64x64xf32, #tpu.memory_space<vmem>> -> memref<1x1x64x64xf32, #tpu.memory_space<vmem>>
        %dma_wait3A_1780 = tpu.memref_squeeze %dma_wait3A_1779 : memref<1x1x64x64xf32, #tpu.memory_space<vmem>> -> memref<64x64xf32, #tpu.memory_space<vmem>>
        %dma_wait3A_1781 = arith.constant 64 : i32
        %dma_wait3A_1782 = tpu.memref_slice %arg4[%add3A_1773, %dma_wait3A_1781] : memref<409600x128xf32, #tpu.memory_space<hbm>> -> memref<64x64xf32, #tpu.memory_space<hbm>>
        %dma_wait3A_1783 = tpu.memref_slice %arg8[%dma_wait3A_1776] : memref<10x!tpu.dma_semaphore, #tpu.memory_space<semaphore_mem>> -> memref<1x!tpu.dma_semaphore, #tpu.memory_space<semaphore_mem>>
        %dma_wait3A_1784 = tpu.memref_squeeze %dma_wait3A_1783 : memref<1x!tpu.dma_semaphore, #tpu.memory_space<semaphore_mem>> -> memref<!tpu.dma_semaphore, #tpu.memory_space<semaphore_mem>>
        %dma_wait3A_1785 = arith.constant 64 : i32
        %dma_wait3A_1786 = tpu.memref_slice %arg4[%add3A_1773, %dma_wait3A_1785] : memref<409600x128xf32, #tpu.memory_space<hbm>> -> memref<64x64xf32, #tpu.memory_space<hbm>>
        %dma_wait3A_1787 = arith.constant 0 : i32
        %dma_wait3A_1788 = arith.constant 0 : i32
        %dma_wait3A_1789 = tpu.memref_slice %arg6[%dma_wait3A_1774, %dma_wait3A_1775, %dma_wait3A_1787, %dma_wait3A_1788] : memref<10x2x64x64xf32, #tpu.memory_space<vmem>> -> memref<1x1x64x64xf32, #tpu.memory_space<vmem>>
        %dma_wait3A_1790 = tpu.memref_squeeze %dma_wait3A_1789 : memref<1x1x64x64xf32, #tpu.memory_space<vmem>> -> memref<64x64xf32, #tpu.memory_space<vmem>>
        tpu.wait_dma2 semaphore(%dma_wait3A_1784 : memref<!tpu.dma_semaphore, #tpu.memory_space<semaphore_mem>>) src(%dma_wait3A_1790 : memref<64x64xf32, #tpu.memory_space<vmem>>) dst(%dma_wait3A_1786 : memref<64x64xf32, #tpu.memory_space<hbm>>)
      } else {
      }
      %lt3A_1699 = arith.constant 200 : i32
      %lt3A_1700 = arith.cmpi slt, %add3A_1693, %lt3A_1699 : i32
      %convert_element_type3A_1701 = arith.extui %lt3A_1700 : i1 to i32
      %cond3A_1702 = arith.constant 0 : i32
      %cond3A_1703 = arith.cmpi ne, %convert_element_type3A_1701, %cond3A_1702 : i32
      scf.if %cond3A_1703 {
        %jit3A_1704 = arith.constant 4 : i32
        %div3A_1705 = arith.divsi %add3A_1693, %jit3A_1704 : i32
        %sign3A_1706 = arith.constant 0 : i32
        %sign3A_1707 = arith.cmpi sgt, %add3A_1693, %sign3A_1706 : i32
        %sign3A_1708 = arith.extui %sign3A_1707 : i1 to i32
        %sign3A_1709 = arith.constant 0 : i32
        %sign3A_1710 = arith.cmpi slt, %add3A_1693, %sign3A_1709 : i32
        %sign3A_1711 = arith.extui %sign3A_1710 : i1 to i32
        %sign3A_1712 = arith.subi %sign3A_1708, %sign3A_1711 : i32
        %sign3A_1713 = arith.constant 0 : i32
        %sign3A_1714 = arith.cmpi sgt, %jit3A_1704, %sign3A_1713 : i32
        %sign3A_1715 = arith.extui %sign3A_1714 : i1 to i32
        %sign3A_1716 = arith.constant 0 : i32
        %sign3A_1717 = arith.cmpi slt, %jit3A_1704, %sign3A_1716 : i32
        %sign3A_1718 = arith.extui %sign3A_1717 : i1 to i32
        %sign3A_1719 = arith.subi %sign3A_1715, %sign3A_1718 : i32
        %ne3A_1720 = arith.cmpi ne, %sign3A_1712, %sign3A_1719 : i32
        %rem3A_1721 = arith.remsi %add3A_1693, %jit3A_1704 : i32
        %ne3A_1722 = arith.constant 0 : i32
        %ne3A_1723 = arith.cmpi ne, %rem3A_1721, %ne3A_1722 : i32
        %and3A_1724 = arith.andi %ne3A_1720, %ne3A_1723 : i1
        %sub3A_1725 = arith.constant 1 : i32
        %sub3A_1726 = arith.subi %div3A_1705, %sub3A_1725 : i32
        %select_n3A_1727 = arith.select %and3A_1724, %sub3A_1726, %div3A_1705 : i32
        %jit3A_1728 = arith.constant 4 : i32
        %eq3A_1729 = arith.constant 0 : i32
        %eq3A_1730 = arith.cmpi eq, %jit3A_1728, %eq3A_1729 : i32
        %jit3A_1731 = arith.constant 1 : i32
        %select_n3A_1732 = arith.select %eq3A_1730, %jit3A_1731, %jit3A_1728 : i32
        %rem3A_1733 = arith.remsi %add3A_1693, %select_n3A_1732 : i32
        %ne3A_1734 = arith.constant 0 : i32
        %ne3A_1735 = arith.cmpi ne, %rem3A_1733, %ne3A_1734 : i32
        %lt3A_1736 = arith.constant 0 : i32
        %lt3A_1737 = arith.cmpi slt, %rem3A_1733, %lt3A_1736 : i32
        %lt3A_1738 = arith.constant 0 : i32
        %lt3A_1739 = arith.cmpi slt, %select_n3A_1732, %lt3A_1738 : i32
        %ne3A_1740 = arith.xori %lt3A_1737, %lt3A_1739 : i1
        %and3A_1741 = arith.andi %ne3A_1740, %ne3A_1735 : i1
        %add3A_1742 = arith.addi %rem3A_1733, %select_n3A_1732 : i32
        %select_n3A_1743 = arith.select %and3A_1741, %add3A_1742, %rem3A_1733 : i32
        %mul3A_1744 = arith.constant 128 : i32
        %mul3A_1745 = arith.muli %select_n3A_1743, %mul3A_1744 : i32
        %add3A_1746 = arith.constant 0 : i32
        %add3A_1747 = arith.addi %mul3A_1745, %add3A_1746 : i32
        %dma_start3A_1748 = arith.constant 4 : i32
        %dma_start3A_1749 = arith.constant 0 : i32
        %dma_start3A_1750 = arith.constant 4 : i32
        %dma_start3A_1751 = arith.constant 0 : i32
        %dma_start3A_1752 = arith.constant 0 : i32
        %dma_start3A_1753 = tpu.memref_slice %arg6[%dma_start3A_1748, %dma_start3A_1749, %dma_start3A_1751, %dma_start3A_1752] : memref<10x2x64x64xf32, #tpu.memory_space<vmem>> -> memref<1x1x64x64xf32, #tpu.memory_space<vmem>>
        %dma_start3A_1754 = tpu.memref_squeeze %dma_start3A_1753 : memref<1x1x64x64xf32, #tpu.memory_space<vmem>> -> memref<64x64xf32, #tpu.memory_space<vmem>>
        %dma_start3A_1755 = tpu.memref_slice %arg5[%select_n3A_1727, %add3A_1747] : memref<50x512xi32, #tpu.memory_space<vmem>> -> memref<1x64xi32, #tpu.memory_space<vmem>>
        %dma_start3A_1756 = tpu.memref_squeeze %dma_start3A_1755 : memref<1x64xi32, #tpu.memory_space<vmem>> -> memref<64xi32, #tpu.memory_space<vmem>>
        %dma_start3A_1757 = arith.constant 0 : i32
        %dma_start3A_1758 = arith.constant 0 : i32
        %dma_start3A_1759 = tpu.memref_slice %arg3[%dma_start3A_1757, %dma_start3A_1758] : memref<1000000x64xf32, #tpu.memory_space<hbm>> -> memref<1000000x64xf32, #tpu.memory_space<hbm>>
        %dma_start3A_1760 = tpu.memref_slice %arg7[%dma_start3A_1750] : memref<10x!tpu.dma_semaphore, #tpu.memory_space<semaphore_mem>> -> memref<1x!tpu.dma_semaphore, #tpu.memory_space<semaphore_mem>>
        %dma_start3A_1761 = tpu.memref_squeeze %dma_start3A_1760 : memref<1x!tpu.dma_semaphore, #tpu.memory_space<semaphore_mem>> -> memref<!tpu.dma_semaphore, #tpu.memory_space<semaphore_mem>>
        tpu.enqueue_indirect_dma source(%dma_start3A_1759 : memref<1000000x64xf32, #tpu.memory_space<hbm>>) target(%dma_start3A_1754 : memref<64x64xf32, #tpu.memory_space<vmem>>) offsets(%dma_start3A_1756 : memref<64xi32, #tpu.memory_space<vmem>>) semaphore(%dma_start3A_1761 : memref<!tpu.dma_semaphore, #tpu.memory_space<semaphore_mem>>)
        %mul3A_1762 = arith.constant 128 : i32
        %mul3A_1763 = arith.muli %select_n3A_1743, %mul3A_1762 : i32
        %add3A_1764 = arith.constant 64 : i32
        %add3A_1765 = arith.addi %mul3A_1763, %add3A_1764 : i32
        %dma_start3A_1766 = arith.constant 4 : i32
        %dma_start3A_1767 = arith.constant 1 : i32
        %dma_start3A_1768 = arith.constant 4 : i32
        %dma_start3A_1769 = arith.constant 0 : i32
        %dma_start3A_1770 = arith.constant 0 : i32
        %dma_start3A_1771 = tpu.memref_slice %arg6[%dma_start3A_1766, %dma_start3A_1767, %dma_start3A_1769, %dma_start3A_1770] : memref<10x2x64x64xf32, #tpu.memory_space<vmem>> -> memref<1x1x64x64xf32, #tpu.memory_space<vmem>>
        %dma_start3A_1772 = tpu.memref_squeeze %dma_start3A_1771 : memref<1x1x64x64xf32, #tpu.memory_space<vmem>> -> memref<64x64xf32, #tpu.memory_space<vmem>>
        %dma_start3A_1773 = tpu.memref_slice %arg5[%select_n3A_1727, %add3A_1765] : memref<50x512xi32, #tpu.memory_space<vmem>> -> memref<1x64xi32, #tpu.memory_space<vmem>>
        %dma_start3A_1774 = tpu.memref_squeeze %dma_start3A_1773 : memref<1x64xi32, #tpu.memory_space<vmem>> -> memref<64xi32, #tpu.memory_space<vmem>>
        %dma_start3A_1775 = arith.constant 0 : i32
        %dma_start3A_1776 = arith.constant 0 : i32
        %dma_start3A_1777 = tpu.memref_slice %arg3[%dma_start3A_1775, %dma_start3A_1776] : memref<1000000x64xf32, #tpu.memory_space<hbm>> -> memref<1000000x64xf32, #tpu.memory_space<hbm>>
        %dma_start3A_1778 = tpu.memref_slice %arg7[%dma_start3A_1768] : memref<10x!tpu.dma_semaphore, #tpu.memory_space<semaphore_mem>> -> memref<1x!tpu.dma_semaphore, #tpu.memory_space<semaphore_mem>>
        %dma_start3A_1779 = tpu.memref_squeeze %dma_start3A_1778 : memref<1x!tpu.dma_semaphore, #tpu.memory_space<semaphore_mem>> -> memref<!tpu.dma_semaphore, #tpu.memory_space<semaphore_mem>>
        tpu.enqueue_indirect_dma source(%dma_start3A_1777 : memref<1000000x64xf32, #tpu.memory_space<hbm>>) target(%dma_start3A_1772 : memref<64x64xf32, #tpu.memory_space<vmem>>) offsets(%dma_start3A_1774 : memref<64xi32, #tpu.memory_space<vmem>>) semaphore(%dma_start3A_1779 : memref<!tpu.dma_semaphore, #tpu.memory_space<semaphore_mem>>)
      } else {
      }
    }
    %scan3A_166 = arith.constant 20 : i32
    %mul3A_167 = arith.constant 4 : i32
    %mul3A_168 = arith.muli %add3A, %mul3A_167 : i32
    %add3A_169 = arith.constant 3 : i32
    %add3A_170 = arith.addi %mul3A_168, %add3A_169 : i32
    %mul3A_171 = arith.constant 64 : i32
    %mul3A_172 = arith.muli %add3A_170, %mul3A_171 : i32
    %add3A_173 = arith.constant 393216 : i32
    %add3A_174 = arith.addi %add3A_173, %mul3A_172 : i32
    %dma_wait3A = arith.constant 5 : i32
    %dma_wait3A_175 = arith.constant 0 : i32
    %dma_wait3A_176 = arith.constant 5 : i32
    %dma_wait3A_177 = arith.constant 0 : i32
    %dma_wait3A_178 = arith.constant 0 : i32
    %dma_wait3A_179 = tpu.memref_slice %arg6[%dma_wait3A, %dma_wait3A_175, %dma_wait3A_177, %dma_wait3A_178] : memref<10x2x64x64xf32, #tpu.memory_space<vmem>> -> memref<1x1x64x64xf32, #tpu.memory_space<vmem>>
    %dma_wait3A_180 = tpu.memref_squeeze %dma_wait3A_179 : memref<1x1x64x64xf32, #tpu.memory_space<vmem>> -> memref<64x64xf32, #tpu.memory_space<vmem>>
    %dma_wait3A_181 = arith.constant 0 : i32
    %dma_wait3A_182 = tpu.memref_slice %arg4[%add3A_174, %dma_wait3A_181] : memref<409600x128xf32, #tpu.memory_space<hbm>> -> memref<64x64xf32, #tpu.memory_space<hbm>>
    %dma_wait3A_183 = tpu.memref_slice %arg8[%dma_wait3A_176] : memref<10x!tpu.dma_semaphore, #tpu.memory_space<semaphore_mem>> -> memref<1x!tpu.dma_semaphore, #tpu.memory_space<semaphore_mem>>
    %dma_wait3A_184 = tpu.memref_squeeze %dma_wait3A_183 : memref<1x!tpu.dma_semaphore, #tpu.memory_space<semaphore_mem>> -> memref<!tpu.dma_semaphore, #tpu.memory_space<semaphore_mem>>
    %dma_wait3A_185 = arith.constant 0 : i32
    %dma_wait3A_186 = tpu.memref_slice %arg4[%add3A_174, %dma_wait3A_185] : memref<409600x128xf32, #tpu.memory_space<hbm>> -> memref<64x64xf32, #tpu.memory_space<hbm>>
    %dma_wait3A_187 = arith.constant 0 : i32
    %dma_wait3A_188 = arith.constant 0 : i32
    %dma_wait3A_189 = tpu.memref_slice %arg6[%dma_wait3A, %dma_wait3A_175, %dma_wait3A_187, %dma_wait3A_188] : memref<10x2x64x64xf32, #tpu.memory_space<vmem>> -> memref<1x1x64x64xf32, #tpu.memory_space<vmem>>
    %dma_wait3A_190 = tpu.memref_squeeze %dma_wait3A_189 : memref<1x1x64x64xf32, #tpu.memory_space<vmem>> -> memref<64x64xf32, #tpu.memory_space<vmem>>
    tpu.wait_dma2 semaphore(%dma_wait3A_184 : memref<!tpu.dma_semaphore, #tpu.memory_space<semaphore_mem>>) src(%dma_wait3A_190 : memref<64x64xf32, #tpu.memory_space<vmem>>) dst(%dma_wait3A_186 : memref<64x64xf32, #tpu.memory_space<hbm>>)
    %add3A_191 = arith.constant 393216 : i32
    %add3A_192 = arith.addi %add3A_191, %mul3A_172 : i32
    %dma_wait3A_193 = arith.constant 5 : i32
    %dma_wait3A_194 = arith.constant 1 : i32
    %dma_wait3A_195 = arith.constant 5 : i32
    %dma_wait3A_196 = arith.constant 0 : i32
    %dma_wait3A_197 = arith.constant 0 : i32
    %dma_wait3A_198 = tpu.memref_slice %arg6[%dma_wait3A_193, %dma_wait3A_194, %dma_wait3A_196, %dma_wait3A_197] : memref<10x2x64x64xf32, #tpu.memory_space<vmem>> -> memref<1x1x64x64xf32, #tpu.memory_space<vmem>>
    %dma_wait3A_199 = tpu.memref_squeeze %dma_wait3A_198 : memref<1x1x64x64xf32, #tpu.memory_space<vmem>> -> memref<64x64xf32, #tpu.memory_space<vmem>>
    %dma_wait3A_200 = arith.constant 64 : i32
    %dma_wait3A_201 = tpu.memref_slice %arg4[%add3A_192, %dma_wait3A_200] : memref<409600x128xf32, #tpu.memory_space<hbm>> -> memref<64x64xf32, #tpu.memory_space<hbm>>
    %dma_wait3A_202 = tpu.memref_slice %arg8[%dma_wait3A_195] : memref<10x!tpu.dma_semaphore, #tpu.memory_space<semaphore_mem>> -> memref<1x!tpu.dma_semaphore, #tpu.memory_space<semaphore_mem>>
    %dma_wait3A_203 = tpu.memref_squeeze %dma_wait3A_202 : memref<1x!tpu.dma_semaphore, #tpu.memory_space<semaphore_mem>> -> memref<!tpu.dma_semaphore, #tpu.memory_space<semaphore_mem>>
    %dma_wait3A_204 = arith.constant 64 : i32
    %dma_wait3A_205 = tpu.memref_slice %arg4[%add3A_192, %dma_wait3A_204] : memref<409600x128xf32, #tpu.memory_space<hbm>> -> memref<64x64xf32, #tpu.memory_space<hbm>>
    %dma_wait3A_206 = arith.constant 0 : i32
    %dma_wait3A_207 = arith.constant 0 : i32
    %dma_wait3A_208 = tpu.memref_slice %arg6[%dma_wait3A_193, %dma_wait3A_194, %dma_wait3A_206, %dma_wait3A_207] : memref<10x2x64x64xf32, #tpu.memory_space<vmem>> -> memref<1x1x64x64xf32, #tpu.memory_space<vmem>>
    %dma_wait3A_209 = tpu.memref_squeeze %dma_wait3A_208 : memref<1x1x64x64xf32, #tpu.memory_space<vmem>> -> memref<64x64xf32, #tpu.memory_space<vmem>>
    tpu.wait_dma2 semaphore(%dma_wait3A_203 : memref<!tpu.dma_semaphore, #tpu.memory_space<semaphore_mem>>) src(%dma_wait3A_209 : memref<64x64xf32, #tpu.memory_space<vmem>>) dst(%dma_wait3A_205 : memref<64x64xf32, #tpu.memory_space<hbm>>)
    %mul3A_210 = arith.constant 4 : i32
    %mul3A_211 = arith.muli %add3A, %mul3A_210 : i32
    %add3A_212 = arith.constant 0 : i32
    %add3A_213 = arith.addi %mul3A_211, %add3A_212 : i32
    %mul3A_214 = arith.constant 64 : i32
    %mul3A_215 = arith.muli %add3A_213, %mul3A_214 : i32
    %add3A_216 = arith.constant 401408 : i32
    %add3A_217 = arith.addi %add3A_216, %mul3A_215 : i32
    %dma_wait3A_218 = arith.constant 6 : i32
    %dma_wait3A_219 = arith.constant 0 : i32
    %dma_wait3A_220 = arith.constant 6 : i32
    %dma_wait3A_221 = arith.constant 0 : i32
    %dma_wait3A_222 = arith.constant 0 : i32
    %dma_wait3A_223 = tpu.memref_slice %arg6[%dma_wait3A_218, %dma_wait3A_219, %dma_wait3A_221, %dma_wait3A_222] : memref<10x2x64x64xf32, #tpu.memory_space<vmem>> -> memref<1x1x64x64xf32, #tpu.memory_space<vmem>>
    %dma_wait3A_224 = tpu.memref_squeeze %dma_wait3A_223 : memref<1x1x64x64xf32, #tpu.memory_space<vmem>> -> memref<64x64xf32, #tpu.memory_space<vmem>>
    %dma_wait3A_225 = arith.constant 0 : i32
    %dma_wait3A_226 = tpu.memref_slice %arg4[%add3A_217, %dma_wait3A_225] : memref<409600x128xf32, #tpu.memory_space<hbm>> -> memref<64x64xf32, #tpu.memory_space<hbm>>
    %dma_wait3A_227 = tpu.memref_slice %arg8[%dma_wait3A_220] : memref<10x!tpu.dma_semaphore, #tpu.memory_space<semaphore_mem>> -> memref<1x!tpu.dma_semaphore, #tpu.memory_space<semaphore_mem>>
    %dma_wait3A_228 = tpu.memref_squeeze %dma_wait3A_227 : memref<1x!tpu.dma_semaphore, #tpu.memory_space<semaphore_mem>> -> memref<!tpu.dma_semaphore, #tpu.memory_space<semaphore_mem>>
    %dma_wait3A_229 = arith.constant 0 : i32
    %dma_wait3A_230 = tpu.memref_slice %arg4[%add3A_217, %dma_wait3A_229] : memref<409600x128xf32, #tpu.memory_space<hbm>> -> memref<64x64xf32, #tpu.memory_space<hbm>>
    %dma_wait3A_231 = arith.constant 0 : i32
    %dma_wait3A_232 = arith.constant 0 : i32
    %dma_wait3A_233 = tpu.memref_slice %arg6[%dma_wait3A_218, %dma_wait3A_219, %dma_wait3A_231, %dma_wait3A_232] : memref<10x2x64x64xf32, #tpu.memory_space<vmem>> -> memref<1x1x64x64xf32, #tpu.memory_space<vmem>>
    %dma_wait3A_234 = tpu.memref_squeeze %dma_wait3A_233 : memref<1x1x64x64xf32, #tpu.memory_space<vmem>> -> memref<64x64xf32, #tpu.memory_space<vmem>>
    tpu.wait_dma2 semaphore(%dma_wait3A_228 : memref<!tpu.dma_semaphore, #tpu.memory_space<semaphore_mem>>) src(%dma_wait3A_234 : memref<64x64xf32, #tpu.memory_space<vmem>>) dst(%dma_wait3A_230 : memref<64x64xf32, #tpu.memory_space<hbm>>)
    %add3A_235 = arith.constant 401408 : i32
    %add3A_236 = arith.addi %add3A_235, %mul3A_215 : i32
    %dma_wait3A_237 = arith.constant 6 : i32
    %dma_wait3A_238 = arith.constant 1 : i32
    %dma_wait3A_239 = arith.constant 6 : i32
    %dma_wait3A_240 = arith.constant 0 : i32
    %dma_wait3A_241 = arith.constant 0 : i32
    %dma_wait3A_242 = tpu.memref_slice %arg6[%dma_wait3A_237, %dma_wait3A_238, %dma_wait3A_240, %dma_wait3A_241] : memref<10x2x64x64xf32, #tpu.memory_space<vmem>> -> memref<1x1x64x64xf32, #tpu.memory_space<vmem>>
    %dma_wait3A_243 = tpu.memref_squeeze %dma_wait3A_242 : memref<1x1x64x64xf32, #tpu.memory_space<vmem>> -> memref<64x64xf32, #tpu.memory_space<vmem>>
    %dma_wait3A_244 = arith.constant 64 : i32
    %dma_wait3A_245 = tpu.memref_slice %arg4[%add3A_236, %dma_wait3A_244] : memref<409600x128xf32, #tpu.memory_space<hbm>> -> memref<64x64xf32, #tpu.memory_space<hbm>>
    %dma_wait3A_246 = tpu.memref_slice %arg8[%dma_wait3A_239] : memref<10x!tpu.dma_semaphore, #tpu.memory_space<semaphore_mem>> -> memref<1x!tpu.dma_semaphore, #tpu.memory_space<semaphore_mem>>
    %dma_wait3A_247 = tpu.memref_squeeze %dma_wait3A_246 : memref<1x!tpu.dma_semaphore, #tpu.memory_space<semaphore_mem>> -> memref<!tpu.dma_semaphore, #tpu.memory_space<semaphore_mem>>
    %dma_wait3A_248 = arith.constant 64 : i32
    %dma_wait3A_249 = tpu.memref_slice %arg4[%add3A_236, %dma_wait3A_248] : memref<409600x128xf32, #tpu.memory_space<hbm>> -> memref<64x64xf32, #tpu.memory_space<hbm>>
    %dma_wait3A_250 = arith.constant 0 : i32
    %dma_wait3A_251 = arith.constant 0 : i32
    %dma_wait3A_252 = tpu.memref_slice %arg6[%dma_wait3A_237, %dma_wait3A_238, %dma_wait3A_250, %dma_wait3A_251] : memref<10x2x64x64xf32, #tpu.memory_space<vmem>> -> memref<1x1x64x64xf32, #tpu.memory_space<vmem>>
    %dma_wait3A_253 = tpu.memref_squeeze %dma_wait3A_252 : memref<1x1x64x64xf32, #tpu.memory_space<vmem>> -> memref<64x64xf32, #tpu.memory_space<vmem>>
    tpu.wait_dma2 semaphore(%dma_wait3A_247 : memref<!tpu.dma_semaphore, #tpu.memory_space<semaphore_mem>>) src(%dma_wait3A_253 : memref<64x64xf32, #tpu.memory_space<vmem>>) dst(%dma_wait3A_249 : memref<64x64xf32, #tpu.memory_space<hbm>>)
    %mul3A_254 = arith.constant 4 : i32
    %mul3A_255 = arith.muli %add3A, %mul3A_254 : i32
    %add3A_256 = arith.constant 1 : i32
    %add3A_257 = arith.addi %mul3A_255, %add3A_256 : i32
    %mul3A_258 = arith.constant 64 : i32
    %mul3A_259 = arith.muli %add3A_257, %mul3A_258 : i32
    %add3A_260 = arith.constant 401408 : i32
    %add3A_261 = arith.addi %add3A_260, %mul3A_259 : i32
    %dma_wait3A_262 = arith.constant 7 : i32
    %dma_wait3A_263 = arith.constant 0 : i32
    %dma_wait3A_264 = arith.constant 7 : i32
    %dma_wait3A_265 = arith.constant 0 : i32
    %dma_wait3A_266 = arith.constant 0 : i32
    %dma_wait3A_267 = tpu.memref_slice %arg6[%dma_wait3A_262, %dma_wait3A_263, %dma_wait3A_265, %dma_wait3A_266] : memref<10x2x64x64xf32, #tpu.memory_space<vmem>> -> memref<1x1x64x64xf32, #tpu.memory_space<vmem>>
    %dma_wait3A_268 = tpu.memref_squeeze %dma_wait3A_267 : memref<1x1x64x64xf32, #tpu.memory_space<vmem>> -> memref<64x64xf32, #tpu.memory_space<vmem>>
    %dma_wait3A_269 = arith.constant 0 : i32
    %dma_wait3A_270 = tpu.memref_slice %arg4[%add3A_261, %dma_wait3A_269] : memref<409600x128xf32, #tpu.memory_space<hbm>> -> memref<64x64xf32, #tpu.memory_space<hbm>>
    %dma_wait3A_271 = tpu.memref_slice %arg8[%dma_wait3A_264] : memref<10x!tpu.dma_semaphore, #tpu.memory_space<semaphore_mem>> -> memref<1x!tpu.dma_semaphore, #tpu.memory_space<semaphore_mem>>
    %dma_wait3A_272 = tpu.memref_squeeze %dma_wait3A_271 : memref<1x!tpu.dma_semaphore, #tpu.memory_space<semaphore_mem>> -> memref<!tpu.dma_semaphore, #tpu.memory_space<semaphore_mem>>
    %dma_wait3A_273 = arith.constant 0 : i32
    %dma_wait3A_274 = tpu.memref_slice %arg4[%add3A_261, %dma_wait3A_273] : memref<409600x128xf32, #tpu.memory_space<hbm>> -> memref<64x64xf32, #tpu.memory_space<hbm>>
    %dma_wait3A_275 = arith.constant 0 : i32
    %dma_wait3A_276 = arith.constant 0 : i32
    %dma_wait3A_277 = tpu.memref_slice %arg6[%dma_wait3A_262, %dma_wait3A_263, %dma_wait3A_275, %dma_wait3A_276] : memref<10x2x64x64xf32, #tpu.memory_space<vmem>> -> memref<1x1x64x64xf32, #tpu.memory_space<vmem>>
    %dma_wait3A_278 = tpu.memref_squeeze %dma_wait3A_277 : memref<1x1x64x64xf32, #tpu.memory_space<vmem>> -> memref<64x64xf32, #tpu.memory_space<vmem>>
    tpu.wait_dma2 semaphore(%dma_wait3A_272 : memref<!tpu.dma_semaphore, #tpu.memory_space<semaphore_mem>>) src(%dma_wait3A_278 : memref<64x64xf32, #tpu.memory_space<vmem>>) dst(%dma_wait3A_274 : memref<64x64xf32, #tpu.memory_space<hbm>>)
    %add3A_279 = arith.constant 401408 : i32
    %add3A_280 = arith.addi %add3A_279, %mul3A_259 : i32
    %dma_wait3A_281 = arith.constant 7 : i32
    %dma_wait3A_282 = arith.constant 1 : i32
    %dma_wait3A_283 = arith.constant 7 : i32
    %dma_wait3A_284 = arith.constant 0 : i32
    %dma_wait3A_285 = arith.constant 0 : i32
    %dma_wait3A_286 = tpu.memref_slice %arg6[%dma_wait3A_281, %dma_wait3A_282, %dma_wait3A_284, %dma_wait3A_285] : memref<10x2x64x64xf32, #tpu.memory_space<vmem>> -> memref<1x1x64x64xf32, #tpu.memory_space<vmem>>
    %dma_wait3A_287 = tpu.memref_squeeze %dma_wait3A_286 : memref<1x1x64x64xf32, #tpu.memory_space<vmem>> -> memref<64x64xf32, #tpu.memory_space<vmem>>
    %dma_wait3A_288 = arith.constant 64 : i32
    %dma_wait3A_289 = tpu.memref_slice %arg4[%add3A_280, %dma_wait3A_288] : memref<409600x128xf32, #tpu.memory_space<hbm>> -> memref<64x64xf32, #tpu.memory_space<hbm>>
    %dma_wait3A_290 = tpu.memref_slice %arg8[%dma_wait3A_283] : memref<10x!tpu.dma_semaphore, #tpu.memory_space<semaphore_mem>> -> memref<1x!tpu.dma_semaphore, #tpu.memory_space<semaphore_mem>>
    %dma_wait3A_291 = tpu.memref_squeeze %dma_wait3A_290 : memref<1x!tpu.dma_semaphore, #tpu.memory_space<semaphore_mem>> -> memref<!tpu.dma_semaphore, #tpu.memory_space<semaphore_mem>>
    %dma_wait3A_292 = arith.constant 64 : i32
    %dma_wait3A_293 = tpu.memref_slice %arg4[%add3A_280, %dma_wait3A_292] : memref<409600x128xf32, #tpu.memory_space<hbm>> -> memref<64x64xf32, #tpu.memory_space<hbm>>
    %dma_wait3A_294 = arith.constant 0 : i32
    %dma_wait3A_295 = arith.constant 0 : i32
    %dma_wait3A_296 = tpu.memref_slice %arg6[%dma_wait3A_281, %dma_wait3A_282, %dma_wait3A_294, %dma_wait3A_295] : memref<10x2x64x64xf32, #tpu.memory_space<vmem>> -> memref<1x1x64x64xf32, #tpu.memory_space<vmem>>
    %dma_wait3A_297 = tpu.memref_squeeze %dma_wait3A_296 : memref<1x1x64x64xf32, #tpu.memory_space<vmem>> -> memref<64x64xf32, #tpu.memory_space<vmem>>
    tpu.wait_dma2 semaphore(%dma_wait3A_291 : memref<!tpu.dma_semaphore, #tpu.memory_space<semaphore_mem>>) src(%dma_wait3A_297 : memref<64x64xf32, #tpu.memory_space<vmem>>) dst(%dma_wait3A_293 : memref<64x64xf32, #tpu.memory_space<hbm>>)
    %mul3A_298 = arith.constant 4 : i32
    %mul3A_299 = arith.muli %add3A, %mul3A_298 : i32
    %add3A_300 = arith.constant 2 : i32
    %add3A_301 = arith.addi %mul3A_299, %add3A_300 : i32
    %mul3A_302 = arith.constant 64 : i32
    %mul3A_303 = arith.muli %add3A_301, %mul3A_302 : i32
    %add3A_304 = arith.constant 401408 : i32
    %add3A_305 = arith.addi %add3A_304, %mul3A_303 : i32
    %dma_wait3A_306 = arith.constant 8 : i32
    %dma_wait3A_307 = arith.constant 0 : i32
    %dma_wait3A_308 = arith.constant 8 : i32
    %dma_wait3A_309 = arith.constant 0 : i32
    %dma_wait3A_310 = arith.constant 0 : i32
    %dma_wait3A_311 = tpu.memref_slice %arg6[%dma_wait3A_306, %dma_wait3A_307, %dma_wait3A_309, %dma_wait3A_310] : memref<10x2x64x64xf32, #tpu.memory_space<vmem>> -> memref<1x1x64x64xf32, #tpu.memory_space<vmem>>
    %dma_wait3A_312 = tpu.memref_squeeze %dma_wait3A_311 : memref<1x1x64x64xf32, #tpu.memory_space<vmem>> -> memref<64x64xf32, #tpu.memory_space<vmem>>
    %dma_wait3A_313 = arith.constant 0 : i32
    %dma_wait3A_314 = tpu.memref_slice %arg4[%add3A_305, %dma_wait3A_313] : memref<409600x128xf32, #tpu.memory_space<hbm>> -> memref<64x64xf32, #tpu.memory_space<hbm>>
    %dma_wait3A_315 = tpu.memref_slice %arg8[%dma_wait3A_308] : memref<10x!tpu.dma_semaphore, #tpu.memory_space<semaphore_mem>> -> memref<1x!tpu.dma_semaphore, #tpu.memory_space<semaphore_mem>>
    %dma_wait3A_316 = tpu.memref_squeeze %dma_wait3A_315 : memref<1x!tpu.dma_semaphore, #tpu.memory_space<semaphore_mem>> -> memref<!tpu.dma_semaphore, #tpu.memory_space<semaphore_mem>>
    %dma_wait3A_317 = arith.constant 0 : i32
    %dma_wait3A_318 = tpu.memref_slice %arg4[%add3A_305, %dma_wait3A_317] : memref<409600x128xf32, #tpu.memory_space<hbm>> -> memref<64x64xf32, #tpu.memory_space<hbm>>
    %dma_wait3A_319 = arith.constant 0 : i32
    %dma_wait3A_320 = arith.constant 0 : i32
    %dma_wait3A_321 = tpu.memref_slice %arg6[%dma_wait3A_306, %dma_wait3A_307, %dma_wait3A_319, %dma_wait3A_320] : memref<10x2x64x64xf32, #tpu.memory_space<vmem>> -> memref<1x1x64x64xf32, #tpu.memory_space<vmem>>
    %dma_wait3A_322 = tpu.memref_squeeze %dma_wait3A_321 : memref<1x1x64x64xf32, #tpu.memory_space<vmem>> -> memref<64x64xf32, #tpu.memory_space<vmem>>
    tpu.wait_dma2 semaphore(%dma_wait3A_316 : memref<!tpu.dma_semaphore, #tpu.memory_space<semaphore_mem>>) src(%dma_wait3A_322 : memref<64x64xf32, #tpu.memory_space<vmem>>) dst(%dma_wait3A_318 : memref<64x64xf32, #tpu.memory_space<hbm>>)
    %add3A_323 = arith.constant 401408 : i32
    %add3A_324 = arith.addi %add3A_323, %mul3A_303 : i32
    %dma_wait3A_325 = arith.constant 8 : i32
    %dma_wait3A_326 = arith.constant 1 : i32
    %dma_wait3A_327 = arith.constant 8 : i32
    %dma_wait3A_328 = arith.constant 0 : i32
    %dma_wait3A_329 = arith.constant 0 : i32
    %dma_wait3A_330 = tpu.memref_slice %arg6[%dma_wait3A_325, %dma_wait3A_326, %dma_wait3A_328, %dma_wait3A_329] : memref<10x2x64x64xf32, #tpu.memory_space<vmem>> -> memref<1x1x64x64xf32, #tpu.memory_space<vmem>>
    %dma_wait3A_331 = tpu.memref_squeeze %dma_wait3A_330 : memref<1x1x64x64xf32, #tpu.memory_space<vmem>> -> memref<64x64xf32, #tpu.memory_space<vmem>>
    %dma_wait3A_332 = arith.constant 64 : i32
    %dma_wait3A_333 = tpu.memref_slice %arg4[%add3A_324, %dma_wait3A_332] : memref<409600x128xf32, #tpu.memory_space<hbm>> -> memref<64x64xf32, #tpu.memory_space<hbm>>
    %dma_wait3A_334 = tpu.memref_slice %arg8[%dma_wait3A_327] : memref<10x!tpu.dma_semaphore, #tpu.memory_space<semaphore_mem>> -> memref<1x!tpu.dma_semaphore, #tpu.memory_space<semaphore_mem>>
    %dma_wait3A_335 = tpu.memref_squeeze %dma_wait3A_334 : memref<1x!tpu.dma_semaphore, #tpu.memory_space<semaphore_mem>> -> memref<!tpu.dma_semaphore, #tpu.memory_space<semaphore_mem>>
    %dma_wait3A_336 = arith.constant 64 : i32
    %dma_wait3A_337 = tpu.memref_slice %arg4[%add3A_324, %dma_wait3A_336] : memref<409600x128xf32, #tpu.memory_space<hbm>> -> memref<64x64xf32, #tpu.memory_space<hbm>>
    %dma_wait3A_338 = arith.constant 0 : i32
    %dma_wait3A_339 = arith.constant 0 : i32
    %dma_wait3A_340 = tpu.memref_slice %arg6[%dma_wait3A_325, %dma_wait3A_326, %dma_wait3A_338, %dma_wait3A_339] : memref<10x2x64x64xf32, #tpu.memory_space<vmem>> -> memref<1x1x64x64xf32, #tpu.memory_space<vmem>>
    %dma_wait3A_341 = tpu.memref_squeeze %dma_wait3A_340 : memref<1x1x64x64xf32, #tpu.memory_space<vmem>> -> memref<64x64xf32, #tpu.memory_space<vmem>>
    tpu.wait_dma2 semaphore(%dma_wait3A_335 : memref<!tpu.dma_semaphore, #tpu.memory_space<semaphore_mem>>) src(%dma_wait3A_341 : memref<64x64xf32, #tpu.memory_space<vmem>>) dst(%dma_wait3A_337 : memref<64x64xf32, #tpu.memory_space<hbm>>)
    %mul3A_342 = arith.constant 4 : i32
    %mul3A_343 = arith.muli %add3A, %mul3A_342 : i32
    %add3A_344 = arith.constant 3 : i32
    %add3A_345 = arith.addi %mul3A_343, %add3A_344 : i32
    %mul3A_346 = arith.constant 64 : i32
    %mul3A_347 = arith.muli %add3A_345, %mul3A_346 : i32
    %add3A_348 = arith.constant 401408 : i32
    %add3A_349 = arith.addi %add3A_348, %mul3A_347 : i32
    %dma_wait3A_350 = arith.constant 9 : i32
    %dma_wait3A_351 = arith.constant 0 : i32
    %dma_wait3A_352 = arith.constant 9 : i32
    %dma_wait3A_353 = arith.constant 0 : i32
    %dma_wait3A_354 = arith.constant 0 : i32
    %dma_wait3A_355 = tpu.memref_slice %arg6[%dma_wait3A_350, %dma_wait3A_351, %dma_wait3A_353, %dma_wait3A_354] : memref<10x2x64x64xf32, #tpu.memory_space<vmem>> -> memref<1x1x64x64xf32, #tpu.memory_space<vmem>>
    %dma_wait3A_356 = tpu.memref_squeeze %dma_wait3A_355 : memref<1x1x64x64xf32, #tpu.memory_space<vmem>> -> memref<64x64xf32, #tpu.memory_space<vmem>>
    %dma_wait3A_357 = arith.constant 0 : i32
    %dma_wait3A_358 = tpu.memref_slice %arg4[%add3A_349, %dma_wait3A_357] : memref<409600x128xf32, #tpu.memory_space<hbm>> -> memref<64x64xf32, #tpu.memory_space<hbm>>
    %dma_wait3A_359 = tpu.memref_slice %arg8[%dma_wait3A_352] : memref<10x!tpu.dma_semaphore, #tpu.memory_space<semaphore_mem>> -> memref<1x!tpu.dma_semaphore, #tpu.memory_space<semaphore_mem>>
    %dma_wait3A_360 = tpu.memref_squeeze %dma_wait3A_359 : memref<1x!tpu.dma_semaphore, #tpu.memory_space<semaphore_mem>> -> memref<!tpu.dma_semaphore, #tpu.memory_space<semaphore_mem>>
    %dma_wait3A_361 = arith.constant 0 : i32
    %dma_wait3A_362 = tpu.memref_slice %arg4[%add3A_349, %dma_wait3A_361] : memref<409600x128xf32, #tpu.memory_space<hbm>> -> memref<64x64xf32, #tpu.memory_space<hbm>>
    %dma_wait3A_363 = arith.constant 0 : i32
    %dma_wait3A_364 = arith.constant 0 : i32
    %dma_wait3A_365 = tpu.memref_slice %arg6[%dma_wait3A_350, %dma_wait3A_351, %dma_wait3A_363, %dma_wait3A_364] : memref<10x2x64x64xf32, #tpu.memory_space<vmem>> -> memref<1x1x64x64xf32, #tpu.memory_space<vmem>>
    %dma_wait3A_366 = tpu.memref_squeeze %dma_wait3A_365 : memref<1x1x64x64xf32, #tpu.memory_space<vmem>> -> memref<64x64xf32, #tpu.memory_space<vmem>>
    tpu.wait_dma2 semaphore(%dma_wait3A_360 : memref<!tpu.dma_semaphore, #tpu.memory_space<semaphore_mem>>) src(%dma_wait3A_366 : memref<64x64xf32, #tpu.memory_space<vmem>>) dst(%dma_wait3A_362 : memref<64x64xf32, #tpu.memory_space<hbm>>)
    %add3A_367 = arith.constant 401408 : i32
    %add3A_368 = arith.addi %add3A_367, %mul3A_347 : i32
    %dma_wait3A_369 = arith.constant 9 : i32
    %dma_wait3A_370 = arith.constant 1 : i32
    %dma_wait3A_371 = arith.constant 9 : i32
    %dma_wait3A_372 = arith.constant 0 : i32
    %dma_wait3A_373 = arith.constant 0 : i32
    %dma_wait3A_374 = tpu.memref_slice %arg6[%dma_wait3A_369, %dma_wait3A_370, %dma_wait3A_372, %dma_wait3A_373] : memref<10x2x64x64xf32, #tpu.memory_space<vmem>> -> memref<1x1x64x64xf32, #tpu.memory_space<vmem>>
    %dma_wait3A_375 = tpu.memref_squeeze %dma_wait3A_374 : memref<1x1x64x64xf32, #tpu.memory_space<vmem>> -> memref<64x64xf32, #tpu.memory_space<vmem>>
    %dma_wait3A_376 = arith.constant 64 : i32
    %dma_wait3A_377 = tpu.memref_slice %arg4[%add3A_368, %dma_wait3A_376] : memref<409600x128xf32, #tpu.memory_space<hbm>> -> memref<64x64xf32, #tpu.memory_space<hbm>>
    %dma_wait3A_378 = tpu.memref_slice %arg8[%dma_wait3A_371] : memref<10x!tpu.dma_semaphore, #tpu.memory_space<semaphore_mem>> -> memref<1x!tpu.dma_semaphore, #tpu.memory_space<semaphore_mem>>
    %dma_wait3A_379 = tpu.memref_squeeze %dma_wait3A_378 : memref<1x!tpu.dma_semaphore, #tpu.memory_space<semaphore_mem>> -> memref<!tpu.dma_semaphore, #tpu.memory_space<semaphore_mem>>
    %dma_wait3A_380 = arith.constant 64 : i32
    %dma_wait3A_381 = tpu.memref_slice %arg4[%add3A_368, %dma_wait3A_380] : memref<409600x128xf32, #tpu.memory_space<hbm>> -> memref<64x64xf32, #tpu.memory_space<hbm>>
    %dma_wait3A_382 = arith.constant 0 : i32
    %dma_wait3A_383 = arith.constant 0 : i32
    %dma_wait3A_384 = tpu.memref_slice %arg6[%dma_wait3A_369, %dma_wait3A_370, %dma_wait3A_382, %dma_wait3A_383] : memref<10x2x64x64xf32, #tpu.memory_space<vmem>> -> memref<1x1x64x64xf32, #tpu.memory_space<vmem>>
    %dma_wait3A_385 = tpu.memref_squeeze %dma_wait3A_384 : memref<1x1x64x64xf32, #tpu.memory_space<vmem>> -> memref<64x64xf32, #tpu.memory_space<vmem>>
    tpu.wait_dma2 semaphore(%dma_wait3A_379 : memref<!tpu.dma_semaphore, #tpu.memory_space<semaphore_mem>>) src(%dma_wait3A_385 : memref<64x64xf32, #tpu.memory_space<vmem>>) dst(%dma_wait3A_381 : memref<64x64xf32, #tpu.memory_space<hbm>>)
    return
  }
}

</mosaic_0001>

<sc_bundles>
// kernel: kernel.3.cloned.1.call-start
scs
__scs_entry_jumppad:
0x0: {  	(pc) =	sbr.rel $0x88, $3  }
0x1: {  	(tag) =	ssettag $0x0;
	lr =	simm.s32 $0x1  }
0x2: {  	[smem:$0x3F9F] =	sst lr;
	_ =	strace $0xD0000000  }
0x3: {  	_ = 	snop  }
0x4: {  	_ = 	snop  }
0x5: {  	_ = 	snop  }
0x6: {  	_ = 	snop  }
0x7: {  	_ = 	snop  }
__scs_overlays_trampoline_lowered:
0x8: {  	[smem:$0x3FAE] =	sst s0  }
0x9: {  	[smem:$0x3FAF] =	sst s1  }
0xa: {  	[smem:$0x3FB0] =	sst s2  }
0xb: {  	[smem:$0x3FB1] =	sst s3  }
0xc: {  	[smem:$0x3FB2] =	sst s4  }
0xd: {  	[smem:$0x3FB3] =	sst s5  }
0xe: {  	[smem:$0x3FB4] =	sst s6  }
0xf: {  	[smem:$0x3FB5] =	sst s7  }
0x10: {  	[smem:$0x3FB6] =	sst s8  }
0x11: {  	[smem:$0x3FB7] =	sst s9;
	s0 =	simm.s32 @!p0 $0x0  }
0x12: {  	s1 =	sld [smem:$0x3F9D];
	s0 =	simm.s32 @p0 $0x1  }
0x13: {  	[smem:$0x3FB8] =	sst s0;
	s0 =	simm.s32 @!p1 $0x0  }
0x14: {  	s2 =	sld [smem:$0x3F9C];
	s0 =	simm.s32 @p1 $0x1  }
0x15: {  	[smem:$0x3FB9] =	sst s0;
	s0 =	simm.s32 @!p2 $0x0  }
0x16: {  	s3 =	sld [smem:$0x3FDB];
	s0 =	simm.s32 @p2 $0x1  }
0x17: {  	s4 =	simm.s32 $0x1BF5;
	[smem:$0x3FBB] =	sst s0  }
0x18: {  	s0 =	sld [smem:$0x3F9E];
	_ =	swait.ge [sflag:s4], $0x0  }
0x19: {  	s7 =	sld [smem:$0x3F9F]  }
0x1a: {  	s8 =	sadd.s32 $0xFFFFE003, lr  }
0x1b: {  	s9 =	sadd.s32 $0xFFFFFEF7, lr;
	s5 =	simm.s32 $0xFFFFFFFF;
	p2 =	slt.u32 s8, $0xFFFFF086  }
0x1c: {  	p1 =	slt.u32 s9, $0xF7A;
	s5 =	simm.s32 @!p2 $0x0  }
0x1d: {  	s5 =	simm.s32 @p1 $0x1;
	p0 =	seq.s32 s7, s2  }
0x1e: {  	s7 =	smul.u32 @!p0 $0xF7A, s2;
	p2 =	seq.s32 @!p0 s5, $0x0  }
0x1f: {  	s9 =	smul.u32 $0xF7A, s1;
	s8 =	simm.s32 @!p0 $0x1BF5;
	p2 =	por !p2, p0  }
0x20: {  	[sflag:s8] =	ssyncset.s32 @!p0 $0xFFFFF086;
	s6 =	sadd.s32 @!p0 s3, s7;
	s7 =	simm.s32 @!p0 $0x108  }
0x21: {  	s3 =	sadd.s32 s3, s9;
	s6 =	sadd.s32 @!p0 $0x88, s6;
	s7 =	simm.s32 @p2 $0x1082  }
0x22: {  	[simem:s7], [sflag:s8] =	dma.local @!p0 [hbm:s6], $0xF7A  }
0x23: {  	s9 =	sor.u32 $0xD0000000, s2;
	s6 =	simm.s32 $0x108;
	_ =	swait.ge @!p0 [sflag:s8], $0x0  }
0x24: {  	s3 =	sadd.s32 $0x88, s3;
	s6 =	simm.s32 @!p1 $0x1082;
	[sflag:s4] =	ssyncset.s32 $0xFFFFF086  }
0x25: {  	[simem:s6], [sflag:s4] =	dma.local [hbm:s3], $0xF7A  }
0x26: {  	[smem:$0x3F9F] =	sst s1;
	(tag) =	ssettag s2;
	_ =	strace s9  }
0x27: {  	s1 =	sld [smem:$0x3FAF]  }
0x28: {  	s2 =	sld [smem:$0x3FB0]  }
0x29: {  	s4 =	sld [smem:$0x3FB2]  }
0x2a: {  	p0 =	seq.s32 s5, $0x0;
	s5 =	sld [smem:$0x3FB3]  }
0x2b: {  	s6 =	sld [smem:$0x3FB4]  }
0x2c: {  	s7 =	sld [smem:$0x3FB5]  }
0x2d: {  	s3 =	simm.s32 $0x108;
	s8 =	sld [smem:$0x3FB6]  }
0x2e: {  	s3 =	simm.s32 @!p0 $0x1082;
	s9 =	sld [smem:$0x3FB7]  }
0x2f: {  	lr =	sadd.s32 s0, s3;
	s0 =	sld [smem:$0x3FAE]  }
0x30: {  	s3 =	sld [smem:$0x3FB1]  }
0x31: {  	[smem:$0x3FBA] =	sst s10  }
0x32: {  	s10 =	sld [smem:$0x3FB8];
	_ =	sdelay $0x3  }
0x33: {  	p0 =	seq.s32 s10, $0x1;
	s10 =	sld [smem:$0x3FBA];
	_ =	sdelay $0x3  }
0x34: {  	[smem:$0x3FBA] =	sst s10  }
0x35: {  	s10 =	sld [smem:$0x3FB9];
	_ =	sdelay $0x3  }
0x36: {  	p1 =	seq.s32 s10, $0x1;
	s10 =	sld [smem:$0x3FBA];
	_ =	sdelay $0x3  }
0x37: {  	[smem:$0x3FBA] =	sst s10  }
0x38: {  	s10 =	sld [smem:$0x3FBB]  }
0x39: {  	_ = 	snop;
	(pc) =	sbr.ind lr, $3  }
0x3a: {  	_ = 	snop  }
0x3b: {  	_ = 	snop  }
0x3c: {  	p2 =	seq.s32 s10, $0x1;
	s10 =	sld [smem:$0x3FBA]  }
0x3d: {  	_ =	shalt  }
0x3e: {  	_ =	shalt  }
0x3f: {  	_ =	shalt  }
0x40: {  	_ =	shalt  }
0x41: {  	_ =	shalt  }
0x42: {  	_ =	shalt  }
0x43: {  	_ =	shalt  }
0x44: {  	_ =	shalt  }
0x45: {  	_ =	shalt  }
0x46: {  	_ =	shalt  }
0x47: {  	_ =	shalt  }
0x48: {  	_ =	shalt  }
0x49: {  	_ =	shalt  }
0x4a: {  	_ =	shalt  }
0x4b: {  	_ =	shalt  }
0x4c: {  	_ =	shalt  }
0x4d: {  	_ =	shalt  }
0x4e: {  	_ =	shalt  }
0x4f: {  	_ =	shalt  }
0x50: {  	_ =	shalt  }
0x51: {  	_ =	shalt  }
0x52: {  	_ =	shalt  }
0x53: {  	_ =	shalt  }
0x54: {  	_ =	shalt  }
0x55: {  	_ =	shalt  }
0x56: {  	_ =	shalt  }
0x57: {  	_ =	shalt  }
0x58: {  	_ =	shalt  }
0x59: {  	_ =	shalt  }
0x5a: {  	_ =	shalt  }
0x5b: {  	_ =	shalt  }
0x5c: {  	_ =	shalt  }
0x5d: {  	_ =	shalt  }
0x5e: {  	_ =	shalt  }
0x5f: {  	_ =	shalt  }
0x60: {  	_ =	shalt  }
0x61: {  	_ =	shalt  }
0x62: {  	_ =	shalt  }
0x63: {  	_ =	shalt  }
0x64: {  	_ =	shalt  }
0x65: {  	_ =	shalt  }
0x66: {  	_ =	shalt  }
0x67: {  	_ =	shalt  }
0x68: {  	_ =	shalt  }
0x69: {  	_ =	shalt  }
0x6a: {  	_ =	shalt  }
0x6b: {  	_ =	shalt  }
0x6c: {  	_ =	shalt  }
0x6d: {  	_ =	shalt  }
0x6e: {  	_ =	shalt  }
0x6f: {  	_ =	shalt  }
0x70: {  	_ =	shalt  }
0x71: {  	_ =	shalt  }
0x72: {  	_ =	shalt  }
0x73: {  	_ =	shalt  }
0x74: {  	_ =	shalt  }
0x75: {  	_ =	shalt  }
0x76: {  	_ =	shalt  }
0x77: {  	_ =	shalt  }
0x78: {  	_ =	shalt  }
0x79: {  	_ =	shalt  }
0x7a: {  	_ =	shalt  }
0x7b: {  	_ =	shalt  }
0x7c: {  	_ =	shalt  }
0x7d: {  	_ =	shalt  }
0x7e: {  	_ =	shalt  }
0x7f: {  	_ =	shalt  }
0x80: {  	_ =	shalt  }
0x81: {  	_ =	shalt  }
0x82: {  	_ =	shalt  }
0x83: {  	_ =	shalt  }
0x84: {  	_ =	shalt  }
0x85: {  	_ =	shalt  }
0x86: {  	_ =	shalt  }
0x87: {  	_ =	shalt  }
.Lfunc_end0:
.L_simem_size_0:
called_computation.3_lowered:
.L_overlay_start_0:
0x88: {  	s2 =	sld [smem:$0x3FD9]  }
0x89: {  	s3 =	sld [smem:$0x3FFE];
	_ =	sdelay $0x1  }
0x8a: {  	s1 =	srdreg.scid  }
0x8b: {  	s0 =	sand.u32 $0x1, s1  }
0x8c: {  	s17 =	sshll.u32 s0, $0xA;
	s2 =	sadd.s32 s3, s2  }
0x8d: {  	s2 =	sadd.s32 s2, s17  }
0x8e: {  	[smem:$0x3FC6] =	sst s2  }
0x8f: {  	_ = 	snop  }
0x90: {  	s2 =	sld [smem:$0x3FD0];
	(tm) =	ssettm $0x1  }
0x91: {  	s18 =	sld [smem:$0x3FFB];
	_ =	sdelay $0x3  }
0x92: {  	_ =	strace s18  }
0x93: {  	s3 =	sld [smem:$0x3FFC];
	_ =	sdelay $0x3  }
0x94: {  	_ =	strace s3  }
0x95: {  	s3 =	sld [smem:$0x3FFD];
	_ =	sdelay $0x3  }
0x96: {  	_ =	strace s3  }
0x97: {  	_ =	strace $0x8FFFFFFF  }
0x98: {  	s19 =	sld [smem:$0x3FDB];
	_ =	sdelay $0x1  }
0x99: {  	s4 =	simm.s32 $_scs_section_size  }
0x9a: {  	s5 =	simm.s32 $_size__tile_overlayer_lowered;
	s6 =	simm.s32 $_tile_overlayer_lowered  }
0x9b: {  	s22 =	simm.s32 $0x1BFF;
	s21 =	sshll.u32 s6, $0x1;
	s3 =	sadd.s32 s4, s19  }
0x9c: {  	s7 =	simm.s32 $0x0;
	s20 =	sshll.u32 s5, $0x1;
	s5 =	sadd.s32 s21, s3  }
0x9d: {  	[timem:s7], [sflag:s22] =	dma.local [hbm:s5], s20  }
0x9e: {  	_ =	swait.ge [sflag:s22], s20  }
0x9f: {  	s4 =	ssub.s32 $0x0, s20;
	[sflag:s22] =	ssyncset.done $0x0  }
0xa0: {  	[sflag:s22] =	ssyncadd.s32 s4;
	_ =	sdelay $0x1  }
0xa1: {  	s23 =	simm.s32 $0x1B8B  }
0xa2: {  	_ =	swait.ge [sflag:s23], $0x1  }
0xa3: {  	[sflag:s23] =	ssyncset.done $0x0  }
0xa4: {  	s25 =	simm.s32 $0x1B8E;
	s24 =	sld [smem:$0x3FFE];
	[sflag:s23] =	ssyncadd.s32 $0xFFFFFFFF  }
0xa5: {  	s26 =	simm.s32 $execute0_lowered;
	[smem:$0x3FD2] =	sst s25  }
0xa6: {  	s5 =	sshll.u32 s26, $0x1;
	_ =	strace $0x80000046;
	[dreg:$0x1] =	wrdreg $0xFFFFFFFF  }
0xa7: {  	s28 =	simm.s32 $_size_execute0_lowered;
	s3 =	sadd.s32 s3, s5;
	[dreg:$0x0] =	wrdreg $0x0  }
0xa8: {  	s5 =	sshll.u32 s28, $0x1;
	[dreg:$0x2] =	wrdreg s3  }
0xa9: {  	[dreg:$0x3] =	wrdreg s5  }
0xaa: {  	[dreg:$0x4] =	wrdreg $0xC0  }
0xab: {  	_ =	task [dreg:s7], $0x5FFFF  }
0xac: {  	[dreg:$0x1] =	wrdreg $0xFFFFFFFF  }
0xad: {  	[dreg:$0x0] =	wrdreg $0x60  }
0xae: {  	[dreg:$0x2] =	wrdreg s2  }
0xaf: {  	[dreg:$0x3] =	wrdreg s24  }
0xb0: {  	[dreg:$0x4] =	wrdreg $0x9  }
0xb1: {  	_ =	task.clear_ibuf [dreg:s7], $0x5FFFF;
	_ =	strace $0x90000046  }
0xb2: {  	s29 =	simm.s32 $0x9;
	_ =	strace $0x80000048  }
0xb3: {  	_ =	swait.ge [sflag:s29], $0x1  }
0xb4: {  	[sflag:s29] =	ssyncadd.s32 $0xFFFFFFFF  }
0xb5: {  	_ =	strace $0x90000048  }
0xb6: {  	_ =	sfence  }
0xb7: {  	s30 =	sld [smem:$0x0];
	_ =	sdelay $0x2  }
0xb8: {  	s31 =	sshll.u32 s1, $0xD;
	s1 =	sshrl.u32 s1, $0x2  }
0xb9: {  	s3 =	sand.u32 $0x4000, s31;
	s1 =	sadd.s32 s1, s30  }
0xba: {  	s0 =	sor.u32 s3, s0;
	s1 =	sshll.u32 s1, $0x11  }
0xbb: {  	s0 =	sor.u32 s1, s0  }
0xbc: {  	s0 =	sadd.s32 $0x8F2B, s0  }
0xbd: {  	[sflag:s0] =	ssyncadd.remote.s32 $0x1  }
0xbe: {  	_ =	sfence.sel $0xFFFF  }
0xbf: {  	[dreg:$0x0] =	wrdreg $0xFFFFFFFF;
	(pc) =	sbr.abs _section_cstart, $3  }
0xc0: {  	[dreg:$0x1] =	wrdreg $0xFFFFFFFF  }
0xc1: {  	_ =	task.clear_ibuf [dreg:s7], $0x2FFFF;
	_ =	strace $0x9FFFFFFF  }
0xc2: {  	(tm) =	ssettm $0x7FFFFFFF  }
0xc3: {  	_ =	shalt  }
tec
execute0_lowered:
.L_overlay_start_1:
0x0: {  	(tag) =	ssettag $0x1  }
0x1: {  	s0 =	rddreg [dreg:$0x0]  }
0x2: {  	s1 =	rddreg [dreg:$0x1];
	s2 =	simm.s32 $0x0  }
0x3: {  	s25 =	srdreg.scid;
	s3 =	stileid.u32;
	s12 =	simm.s32 $0x40  }
0x4: {  	s15 =	simm.s32 $0x80;
	s9 =	simm.s32 $0xE400;
	s11 =	simm.s32 $0xF400  }
0x5: {  	s22 =	simm.s32 $0xD;
	s24 =	simm.s32 $0x9;
	s28 =	simm.s32 $0xA  }
0x6: {  	s30 =	simm.s32 $0xF;
	s31 =	simm.s32 $0x11400;
	s21 =	simm.s32 $0x13400  }
0x7: {  	s29 =	simm.s32 $0x14400;
	s13 =	simm.s32 $0x16400;
	s14 =	simm.s32 $0x17400  }
0x8: {  	[smem:$0x7FF] =	sst s2;
	s2 =	sand.u32 $0x1, s25;
	s4 =	sshll.u32 s3, $0x1  }
0x9: {  	s3 =	sadd.s32 $0xF43600, s1;
	_ =	strace $0x80000047;
	s5 =	ssub.s32 $0x2, s2  }
.Ltmp0:
0xa: {  	s2 =	sor.u32 s2, s4;
	s6 =	sshrl.u32 s5, $0x1;
	(pc) =	sbr.rel .LBB2_1-.Ltmp0, $4  }
0xb: {  	s4 =	sadd.s32 $0x1200, s1;
	s7 =	sshll.u32 s2, $0x6;
	s5 =	ssub.s32 s5, s6  }
0xc: {  	s0 =	sadd.s32 s0, s7;
	s6 =	sshll.u32 s2, $0x2;
	s7 =	sadd.s32 $0x1208, s1  }
0xd: {  	s2 =	simm.s32 $0x0;
	[dreg:$0x3] =	wrdreg s0;
	s26 =	smax.u32 s5, $0x1  }
0xe: {  	s5 =	simm.s32 $0x15400;
	[dreg:$0x4] =	wrdreg s26;
	s26 =	simm.s32 $0xE  }
.LBB2_4:
0xf: {  	s0 =	simm.s32 $0x10  }
0x10: {  	_ =	swait.ge [sflag:s0], $0x1000  }
0x11: {  	[sflag:s0] =	ssyncset.done $0x0  }
0x12: {  	[sflag:s0] =	ssyncadd.s32 $0xFFFFF000  }
0x13: {  	_ =	swait.ge [sflag:s0], $0x1000  }
0x14: {  	[sflag:s0] =	ssyncset.done $0x0  }
0x15: {  	s19 =	simm.s32 $0x11;
	[sflag:s0] =	ssyncadd.s32 $0xFFFFF000  }
0x16: {  	_ =	swait.ge [sflag:s19], $0x1000  }
0x17: {  	[sflag:s19] =	ssyncset.done $0x0  }
0x18: {  	[sflag:s19] =	ssyncadd.s32 $0xFFFFF000  }
0x19: {  	_ =	swait.ge [sflag:s19], $0x1000  }
0x1a: {  	[sflag:s19] =	ssyncset.done $0x0  }
0x1b: {  	s20 =	simm.s32 $0x12;
	[sflag:s19] =	ssyncadd.s32 $0xFFFFF000  }
0x1c: {  	_ =	swait.ge [sflag:s20], $0x1000  }
0x1d: {  	[sflag:s20] =	ssyncset.done $0x0  }
0x1e: {  	[sflag:s20] =	ssyncadd.s32 $0xFFFFF000  }
0x1f: {  	_ =	swait.ge [sflag:s20], $0x1000  }
0x20: {  	[sflag:s20] =	ssyncset.done $0x0  }
0x21: {  	s23 =	simm.s32 $0x13;
	[sflag:s20] =	ssyncadd.s32 $0xFFFFF000  }
0x22: {  	_ =	swait.ge [sflag:s23], $0x1000  }
0x23: {  	[sflag:s23] =	ssyncset.done $0x0  }
0x24: {  	[sflag:s23] =	ssyncadd.s32 $0xFFFFF000  }
0x25: {  	_ =	swait.ge [sflag:s23], $0x1000  }
0x26: {  	[sflag:s23] =	ssyncset.done $0x0  }
0x27: {  	s1 =	simm.s32 $0x14;
	[sflag:s23] =	ssyncadd.s32 $0xFFFFF000  }
0x28: {  	_ =	swait.ge [sflag:s1], $0x1000  }
0x29: {  	[sflag:s1] =	ssyncset.done $0x0  }
0x2a: {  	[sflag:s1] =	ssyncadd.s32 $0xFFFFF000  }
0x2b: {  	_ =	swait.ge [sflag:s1], $0x1000  }
0x2c: {  	s2 =	rddreg [dreg:$0x5]  }
0x2d: {  	s25 =	rddreg [dreg:$0x4];
	s2 =	sadd.s32 $0x1, s2  }
0x2e: {  	p0 =	sne.s32 s2, s25  }
.Ltmp1:
0x2f: {  	_ = 	snop;
	(pc) =	sbr.rel @!p0 .LBB2_5-.Ltmp1, $3  }
0x30: {  	_ =	sdelay $0x1  }
0x31: {  	[sflag:s1] =	ssyncset.done $0x0  }
0x32: {  	s9 =	simm.s32 $0xE400;
	s11 =	simm.s32 $0xF400;
	[sflag:s1] =	ssyncadd.s32 $0xFFFFF000  }
.LBB2_1:
0x33: {  	[dreg:$0x5] =	wrdreg s2  }
0x34: {  	s0 =	simm.s32 $0x0;
	s1 =	rddreg [dreg:$0x3]  }
0x35: {  	s2 =	simm.s32 $0x200;
	s8 =	simm.s32 $0x4000;
	s17 =	simm.s32 $0x15  }
0x36: {  	[tilespmem:s0], [sflag:$0x15] =	stream.strided.gather [hbm4b:s1+s2], $0x6400, s8, s2, $0x38;
	[tilespmem:$0x1A400] =	vst v63  }
0x37: {  	_ =	swait.ge [sflag:s17], $0x6400  }
0x38: {  	[sflag:s17] =	ssyncset.done $0x0  }
0x39: {  	s18 =	simm.s32 $0x6400;
	[sflag:s17] =	ssyncadd.s32 $0xFFFF9C00  }
0x3a: {  	[tilespmem:s18], [sflag:$0x1] =	stream.indirect.gather [hbm4b:s3+s12], $0x40, s0, s12, $0xb8;
	[tilespmem:$0x1A400] =	vst v63  }
0x3b: {  	s19 =	simm.s32 $0x7400  }
0x3c: {  	[tilespmem:s19], [sflag:$0x1] =	stream.indirect.gather [hbm4b:s3+s12], $0x40, s12, s12, $0xb8;
	[tilespmem:$0x1A400] =	vst v63  }
0x3d: {  	s20 =	simm.s32 $0x8400  }
0x3e: {  	[tilespmem:s20], [sflag:$0x2] =	stream.indirect.gather [hbm4b:s3+s12], $0x40, s15, s12, $0xb8;
	[tilespmem:$0x1A400] =	vst v63  }
0x3f: {  	s23 =	simm.s32 $0xC0;
	s25 =	simm.s32 $0x9400  }
0x40: {  	[tilespmem:s25], [sflag:$0x2] =	stream.indirect.gather [hbm4b:s3+s12], $0x40, s23, s12, $0xb8;
	[tilespmem:$0x1A400] =	vst v63  }
0x41: {  	s10 =	simm.s32 $0xA400;
	s8 =	simm.s32 $0x100  }
0x42: {  	[tilespmem:s10], [sflag:$0x3] =	stream.indirect.gather [hbm4b:s3+s12], $0x40, s8, s12, $0xb8;
	[tilespmem:$0x1A400] =	vst v63  }
0x43: {  	s16 =	simm.s32 $0x140;
	s17 =	simm.s32 $0xB400  }
0x44: {  	[tilespmem:s17], [sflag:$0x3] =	stream.indirect.gather [hbm4b:s3+s12], $0x40, s16, s12, $0xb8;
	[tilespmem:$0x1A400] =	vst v63  }
0x45: {  	s1 =	simm.s32 $0x48000;
	s18 =	simm.s32 $0x180;
	s19 =	simm.s32 $0xC400  }
0x46: {  	[tilespmem:s19], [sflag:$0x4] =	stream.indirect.gather [hbm4b:s3+s12], $0x40, s18, s12, $0xb8;
	[tilespmem:$0x1A400] =	vst v63  }
0x47: {  	s0 =	simm.s32 $0x700;
	s20 =	simm.s32 $0x1C0;
	s23 =	simm.s32 $0xD400  }
0x48: {  	[tilespmem:s23], [sflag:$0x4] =	stream.indirect.gather [hbm4b:s3+s12], $0x40, s20, s12, $0xb8;
	[tilespmem:$0x1A400] =	vst v63  }
0x49: {  	s25 =	simm.s32 $0x240;
	s17 =	simm.s32 $0x200000;
	s16 =	simm.s32 $0xE400  }
0x4a: {  	[tilespmem:s9], [sflag:$0x5] =	stream.indirect.gather [hbm4b:s3+s12], $0x40, s2, s12, $0xb8;
	[tilespmem:$0x1A400] =	vst v63  }
0x4b: {  	s19 =	simm.s32 $0x0;
	s18 =	simm.s32 $0xF400;
	s23 =	simm.s32 $0x0  }
0x4c: {  	[tilespmem:s11], [sflag:$0x5] =	stream.indirect.gather [hbm4b:s3+s12], $0x40, s25, s12, $0xb8;
	[tilespmem:$0x1A400] =	vst v63  }
.LBB2_2:
0x4d: {  	s8 =	simm.s32 $0x1  }
0x4e: {  	s2 =	sand.u32 $0x2, s23;
	_ =	swait.ge [sflag:s8], $0x1000  }
0x4f: {  	s9 =	sadd.s32 $0xFFE00000, s17;
	s2 =	sor.u32 s6, s2;
	[sflag:s8] =	ssyncset.done $0x0  }
0x50: {  	s25 =	sshll.u32 s2, $0xD;
	s2 =	sand.u32 $0x7F00000, s9;
	[sflag:s8] =	ssyncadd.s32 $0xFFFFF000  }
0x51: {  	s9 =	sor.u32 s2, s25;
	_ =	swait.ge [sflag:s8], $0x1000  }
0x52: {  	s11 =	simm.s32 $0x6400;
	s9 =	sshrl.u32 s9, $0x3;
	[sflag:s8] =	ssyncset.done $0x0  }
0x53: {  	p0 =	seq.s32 s0, $0x700;
	s20 =	sadd.s32 s4, s9;
	[sflag:s8] =	ssyncadd.s32 $0xFFFFF000  }
0x54: {  	[hbm4b:s20+s12] =	stream.strided.scatter [tilespmem:s11], [sflag:$0xB], $0x1000, s15, s12, $0x38;
	[tilespmem:$0x1A400] =	vst v63  }
0x55: {  	s10 =	simm.s32 $0x7400;
	s9 =	sadd.s32 s9, s7;
	s8 =	simm.s32 @!p0 $0x10  }
0x56: {  	[hbm4b:s9+s12] =	stream.strided.scatter [tilespmem:s10], [sflag:$0xB], $0x1000, s15, s12, $0x38;
	[tilespmem:$0x1A400] =	vst v63  }
0x57: {  	_ =	swait.ge @!p0 [sflag:s8], $0x1000  }
0x58: {  	[sflag:s8] =	ssyncset.done @!p0 $0x0  }
0x59: {  	[sflag:s8] =	ssyncadd.s32 @!p0 $0xFFFFF000  }
0x5a: {  	_ =	swait.ge @!p0 [sflag:s8], $0x1000  }
0x5b: {  	s11 =	sadd.s32 $0xFFFFFB80, s0;
	[sflag:s8] =	ssyncset.done @!p0 $0x0  }
0x5c: {  	s20 =	sand.u32 $0x1FF80, s11;
	s11 =	simm.s32 $0x10400;
	[sflag:s8] =	ssyncadd.s32 @!p0 $0xFFFFF000  }
0x5d: {  	[tilespmem:s11], [sflag:$0x6] =	stream.indirect.gather [hbm4b:s3+s12], $0x40, s20, s12, $0xb8;
	[tilespmem:$0x1A400] =	vst v63  }
0x5e: {  	s9 =	simm.s32 $0x2;
	s8 =	sor.u32 $0x40, s20  }
0x5f: {  	[tilespmem:s31], [sflag:$0x6] =	stream.indirect.gather [hbm4b:s3+s12], $0x40, s8, s12, $0xb8;
	[tilespmem:$0x1A400] =	vst v63  }
0x60: {  	_ =	swait.ge [sflag:s9], $0x1000  }
0x61: {  	[sflag:s9] =	ssyncset.done $0x0  }
0x62: {  	s2 =	sadd.s32 s25, s2;
	[sflag:s9] =	ssyncadd.s32 $0xFFFFF000  }
0x63: {  	s2 =	sadd.s32 $0x2000, s2;
	_ =	swait.ge [sflag:s9], $0x1000  }
0x64: {  	s2 =	sshrl.u32 s2, $0x3;
	[sflag:s9] =	ssyncset.done $0x0  }
0x65: {  	s10 =	sadd.s32 s4, s2;
	s20 =	simm.s32 $0x8400;
	[sflag:s9] =	ssyncadd.s32 $0xFFFFF000  }
0x66: {  	[hbm4b:s10+s12] =	stream.strided.scatter [tilespmem:s20], [sflag:$0xC], $0x1000, s15, s12, $0x38;
	[tilespmem:$0x1A400] =	vst v63  }
0x67: {  	s2 =	sadd.s32 s2, s7;
	s9 =	simm.s32 $0x9400  }
0x68: {  	[hbm4b:s2+s12] =	stream.strided.scatter [tilespmem:s9], [sflag:$0xC], $0x1000, s15, s12, $0x38;
	[tilespmem:$0x1A400] =	vst v63  }
0x69: {  	s2 =	simm.s32 @!p0 $0x11  }
0x6a: {  	_ =	swait.ge @!p0 [sflag:s2], $0x1000  }
0x6b: {  	[sflag:s2] =	ssyncset.done @!p0 $0x0  }
0x6c: {  	[sflag:s2] =	ssyncadd.s32 @!p0 $0xFFFFF000  }
0x6d: {  	_ =	swait.ge @!p0 [sflag:s2], $0x1000  }
0x6e: {  	s10 =	sadd.s32 $0xFFFFFC00, s0;
	[sflag:s2] =	ssyncset.done @!p0 $0x0  }
0x6f: {  	s20 =	sand.u32 $0x1FF00, s10;
	s10 =	simm.s32 $0x12400;
	[sflag:s2] =	ssyncadd.s32 @!p0 $0xFFFFF000  }
0x70: {  	[tilespmem:s10], [sflag:$0x7] =	stream.indirect.gather [hbm4b:s3+s12], $0x40, s20, s12, $0xb8;
	[tilespmem:$0x1A400] =	vst v63  }
0x71: {  	s9 =	simm.s32 $0x3;
	s2 =	sor.u32 $0x40, s20  }
0x72: {  	[tilespmem:s21], [sflag:$0x7] =	stream.indirect.gather [hbm4b:s3+s12], $0x40, s2, s12, $0xb8;
	[tilespmem:$0x1A400] =	vst v63  }
0x73: {  	s8 =	sxor.u32 $0xFFFFFFFF, s23;
	_ =	swait.ge [sflag:s9], $0x1000  }
0x74: {  	s2 =	sand.u32 $0x2, s8;
	[sflag:s9] =	ssyncset.done $0x0  }
0x75: {  	s20 =	sadd.s32 $0xFFFC8000, s1;
	s2 =	sor.u32 s6, s2;
	[sflag:s9] =	ssyncadd.s32 $0xFFFFF000  }
0x76: {  	s8 =	sand.u32 $0x1FE0000, s20;
	s2 =	sshll.u32 s2, $0xA;
	_ =	swait.ge [sflag:s9], $0x1000  }
0x77: {  	s2 =	sor.u32 s8, s2;
	[sflag:s9] =	ssyncset.done $0x0  }
0x78: {  	s20 =	simm.s32 $0xA400;
	s8 =	sadd.s32 s4, s2;
	[sflag:s9] =	ssyncadd.s32 $0xFFFFF000  }
0x79: {  	[hbm4b:s8+s12] =	stream.strided.scatter [tilespmem:s20], [sflag:$0xD], $0x1000, s15, s12, $0x38;
	[tilespmem:$0x1A400] =	vst v63  }
0x7a: {  	s2 =	sadd.s32 s2, s7;
	s20 =	simm.s32 $0xB400  }
0x7b: {  	[hbm4b:s2+s12] =	stream.strided.scatter [tilespmem:s20], [sflag:$0xD], $0x1000, s15, s12, $0x38;
	[tilespmem:$0x1A400] =	vst v63  }
0x7c: {  	s2 =	simm.s32 @!p0 $0x12  }
0x7d: {  	_ =	swait.ge @!p0 [sflag:s2], $0x1000  }
0x7e: {  	[sflag:s2] =	ssyncset.done @!p0 $0x0  }
0x7f: {  	[sflag:s2] =	ssyncadd.s32 @!p0 $0xFFFFF000  }
0x80: {  	_ =	swait.ge @!p0 [sflag:s2], $0x1000  }
0x81: {  	s9 =	sadd.s32 $0xFFFFFC80, s0;
	[sflag:s2] =	ssyncset.done @!p0 $0x0  }
0x82: {  	s20 =	sand.u32 $0x1FF80, s9;
	[sflag:s2] =	ssyncadd.s32 @!p0 $0xFFFFF000  }
0x83: {  	[tilespmem:s29], [sflag:$0x8] =	stream.indirect.gather [hbm4b:s3+s12], $0x40, s20, s12, $0xb8;
	[tilespmem:$0x1A400] =	vst v63  }
0x84: {  	s9 =	simm.s32 $0x4;
	s2 =	sor.u32 $0x40, s20  }
0x85: {  	[tilespmem:s5], [sflag:$0x8] =	stream.indirect.gather [hbm4b:s3+s12], $0x40, s2, s12, $0xb8;
	[tilespmem:$0x1A400] =	vst v63  }
0x86: {  	s8 =	sadd.s32 $0xFFFFFFFF, s23;
	_ =	swait.ge [sflag:s9], $0x1000  }
0x87: {  	s2 =	sand.u32 $0x3, s8;
	[sflag:s9] =	ssyncset.done $0x0  }
0x88: {  	s20 =	sadd.s32 $0xFFFD0000, s1;
	s2 =	sor.u32 s6, s2;
	[sflag:s9] =	ssyncadd.s32 $0xFFFFF000  }
0x89: {  	s8 =	sand.u32 $0x1FE0000, s20;
	s2 =	sshll.u32 s2, $0xA;
	_ =	swait.ge [sflag:s9], $0x1000  }
0x8a: {  	s2 =	sor.u32 s8, s2;
	[sflag:s9] =	ssyncset.done $0x0  }
0x8b: {  	s20 =	simm.s32 $0xC400;
	s8 =	sadd.s32 s4, s2;
	[sflag:s9] =	ssyncadd.s32 $0xFFFFF000  }
0x8c: {  	[hbm4b:s8+s12] =	stream.strided.scatter [tilespmem:s20], [sflag:$0xE], $0x1000, s15, s12, $0x38;
	[tilespmem:$0x1A400] =	vst v63  }
0x8d: {  	s2 =	sadd.s32 s2, s7;
	s9 =	simm.s32 $0xD400;
	s8 =	simm.s32 @!p0 $0x13  }
0x8e: {  	[hbm4b:s2+s12] =	stream.strided.scatter [tilespmem:s9], [sflag:$0xE], $0x1000, s15, s12, $0x38;
	[tilespmem:$0x1A400] =	vst v63  }
0x8f: {  	_ =	swait.ge @!p0 [sflag:s8], $0x1000  }
0x90: {  	[sflag:s8] =	ssyncset.done @!p0 $0x0  }
0x91: {  	[sflag:s8] =	ssyncadd.s32 @!p0 $0xFFFFF000  }
0x92: {  	s20 =	sadd.s32 $0xFFFFFD00, s0;
	_ =	swait.ge @!p0 [sflag:s8], $0x1000  }
0x93: {  	s2 =	sand.u32 $0x100, s19;
	s9 =	sand.u32 $0x1FE00, s20;
	[sflag:s8] =	ssyncset.done @!p0 $0x0  }
0x94: {  	s9 =	sor.u32 s2, s9;
	[sflag:s8] =	ssyncadd.s32 @!p0 $0xFFFFF000  }
0x95: {  	[tilespmem:s13], [sflag:$0x9] =	stream.indirect.gather [hbm4b:s3+s12], $0x40, s9, s12, $0xb8;
	[tilespmem:$0x1A400] =	vst v63  }
0x96: {  	s8 =	sor.u32 $0x40, s9;
	s9 =	simm.s32 $0x5  }
0x97: {  	[tilespmem:s14], [sflag:$0x9] =	stream.indirect.gather [hbm4b:s3+s12], $0x40, s8, s12, $0xb8;
	[tilespmem:$0x1A400] =	vst v63  }
0x98: {  	_ =	swait.ge [sflag:s9], $0x1000  }
0x99: {  	s20 =	sadd.s32 $0xFFF00000, s17;
	[sflag:s9] =	ssyncset.done $0x0  }
0x9a: {  	s8 =	sand.u32 $0xFF00000, s20;
	[sflag:s9] =	ssyncadd.s32 $0xFFFFF000  }
0x9b: {  	s8 =	sor.u32 s8, s25;
	_ =	swait.ge [sflag:s9], $0x1000  }
0x9c: {  	s8 =	sshrl.u32 s8, $0x3;
	[sflag:s9] =	ssyncset.done $0x0  }
0x9d: {  	s20 =	sadd.s32 s4, s8;
	[sflag:s9] =	ssyncadd.s32 $0xFFFFF000  }
0x9e: {  	[hbm4b:s20+s12] =	stream.strided.scatter [tilespmem:s16], [sflag:$0xF], $0x1000, s15, s12, $0x38;
	[tilespmem:$0x1A400] =	vst v63  }
0x9f: {  	s8 =	sadd.s32 s8, s7  }
0xa0: {  	[hbm4b:s8+s12] =	stream.strided.scatter [tilespmem:s18], [sflag:$0xF], $0x1000, s15, s12, $0x38;
	[tilespmem:$0x1A400] =	vst v63  }
0xa1: {  	s8 =	simm.s32 @!p0 $0x14  }
0xa2: {  	_ =	swait.ge @!p0 [sflag:s8], $0x1000  }
0xa3: {  	[sflag:s8] =	ssyncset.done @!p0 $0x0  }
0xa4: {  	[sflag:s8] =	ssyncadd.s32 @!p0 $0xFFFFF000  }
0xa5: {  	_ =	swait.ge @!p0 [sflag:s8], $0x1000  }
0xa6: {  	s18 =	sadd.s32 $0xFFFFFD80, s0;
	[sflag:s8] =	ssyncset.done @!p0 $0x0  }
0xa7: {  	s16 =	simm.s32 $0x18400;
	s20 =	sand.u32 $0x1FF80, s18;
	[sflag:s8] =	ssyncadd.s32 @!p0 $0xFFFFF000  }
0xa8: {  	[tilespmem:s16], [sflag:$0xA] =	stream.indirect.gather [hbm4b:s3+s12], $0x40, s20, s12, $0xb8;
	[tilespmem:$0x1A400] =	vst v63  }
0xa9: {  	s18 =	simm.s32 $0x19400;
	s8 =	sor.u32 $0x40, s20;
	s20 =	simm.s32 $0x6  }
0xaa: {  	[tilespmem:s18], [sflag:$0xA] =	stream.indirect.gather [hbm4b:s3+s12], $0x40, s8, s12, $0xb8;
	[tilespmem:$0x1A400] =	vst v63  }
0xab: {  	s9 =	sadd.s32 $0x5, s23;
	_ =	swait.ge [sflag:s20], $0x1000  }
0xac: {  	s8 =	sand.u32 $0x3, s9;
	[sflag:s20] =	ssyncset.done $0x0  }
0xad: {  	s9 =	sadd.s32 $0xFFFE0000, s1;
	s8 =	sor.u32 s6, s8;
	[sflag:s20] =	ssyncadd.s32 $0xFFFFF000  }
0xae: {  	s9 =	sand.u32 $0x1FE0000, s9;
	s8 =	sshll.u32 s8, $0xA;
	_ =	swait.ge [sflag:s20], $0x1000  }
0xaf: {  	s8 =	sor.u32 s9, s8;
	[sflag:s20] =	ssyncset.done $0x0  }
0xb0: {  	s9 =	sadd.s32 s4, s8;
	[sflag:s20] =	ssyncadd.s32 $0xFFFFF000  }
0xb1: {  	[hbm4b:s9+s12] =	stream.strided.scatter [tilespmem:s11], [sflag:$0x10], $0x1000, s15, s12, $0x38;
	[tilespmem:$0x1A400] =	vst v63  }
0xb2: {  	s8 =	sadd.s32 s8, s7;
	s9 =	simm.s32 $0xB  }
0xb3: {  	[hbm4b:s8+s12] =	stream.strided.scatter [tilespmem:s31], [sflag:$0x10], $0x1000, s15, s12, $0x38;
	[tilespmem:$0x1A400] =	vst v63  }
0xb4: {  	_ =	swait.ge [sflag:s9], $0x1000  }
0xb5: {  	[sflag:s9] =	ssyncset.done $0x0  }
0xb6: {  	[sflag:s9] =	ssyncadd.s32 $0xFFFFF000  }
0xb7: {  	p0 =	seq.s32 s0, $0x6600;
	_ =	swait.ge [sflag:s9], $0x1000  }
0xb8: {  	s11 =	simm.s32 @!p0 $0x6400;
	s8 =	sadd.s32 @!p0 $0xFFFFFE00, s0;
	[sflag:s9] =	ssyncset.done $0x0  }
0xb9: {  	s8 =	sand.u32 @!p0 $0x1FF00, s8;
	[sflag:s9] =	ssyncadd.s32 $0xFFFFF000;
	s9 =	simm.s32 @!p0 $0x40  }
0xba: {  	[tilespmem:s11], [sflag:$0x1] =	stream.indirect.gather @!p0 [hbm4b:s3+s9], $0x40, s8, s9, $0xb8;
	[tilespmem:$0x1A400] =	vst v63  }
0xbb: {  	s20 =	simm.s32 $0x7;
	s8 =	sor.u32 @!p0 $0x40, s8;
	s11 =	simm.s32 @!p0 $0x7400  }
0xbc: {  	[tilespmem:s11], [sflag:$0x1] =	stream.indirect.gather @!p0 [hbm4b:s3+s9], $0x40, s8, s9, $0xb8;
	[tilespmem:$0x1A400] =	vst v63  }
0xbd: {  	s11 =	sadd.s32 $0x6, s23;
	_ =	swait.ge [sflag:s20], $0x1000  }
0xbe: {  	s8 =	sand.u32 $0x2, s11;
	[sflag:s20] =	ssyncset.done $0x0  }
0xbf: {  	s11 =	sadd.s32 $0xFFFE8000, s1;
	s8 =	sor.u32 s6, s8;
	[sflag:s20] =	ssyncadd.s32 $0xFFFFF000  }
0xc0: {  	s11 =	sand.u32 $0x1FE0000, s11;
	s8 =	sshll.u32 s8, $0xA;
	_ =	swait.ge [sflag:s20], $0x1000  }
0xc1: {  	s8 =	sor.u32 s11, s8;
	[sflag:s20] =	ssyncset.done $0x0  }
0xc2: {  	s11 =	sadd.s32 s4, s8;
	[sflag:s20] =	ssyncadd.s32 $0xFFFFF000  }
0xc3: {  	[hbm4b:s11+s12] =	stream.strided.scatter [tilespmem:s10], [sflag:$0x11], $0x1000, s15, s12, $0x38;
	[tilespmem:$0x1A400] =	vst v63  }
0xc4: {  	s8 =	sadd.s32 s8, s7;
	s20 =	simm.s32 $0xC  }
0xc5: {  	[hbm4b:s8+s12] =	stream.strided.scatter [tilespmem:s21], [sflag:$0x11], $0x1000, s15, s12, $0x38;
	[tilespmem:$0x1A400] =	vst v63  }
0xc6: {  	_ =	swait.ge [sflag:s20], $0x1000  }
0xc7: {  	[sflag:s20] =	ssyncset.done $0x0  }
0xc8: {  	[sflag:s20] =	ssyncadd.s32 $0xFFFFF000  }
0xc9: {  	_ =	swait.ge [sflag:s20], $0x1000  }
0xca: {  	s8 =	sadd.s32 @!p0 $0xFFFFFE80, s0;
	[sflag:s20] =	ssyncset.done $0x0  }
0xcb: {  	s11 =	simm.s32 @!p0 $0x8400;
	s8 =	sand.u32 @!p0 $0x1FF80, s8;
	[sflag:s20] =	ssyncadd.s32 $0xFFFFF000  }
0xcc: {  	[tilespmem:s11], [sflag:$0x2] =	stream.indirect.gather @!p0 [hbm4b:s3+s9], $0x40, s8, s9, $0xb8;
	[tilespmem:$0x1A400] =	vst v63  }
0xcd: {  	s10 =	simm.s32 $0x8;
	s8 =	sor.u32 @!p0 $0x40, s8;
	s11 =	simm.s32 @!p0 $0x9400  }
0xce: {  	[tilespmem:s11], [sflag:$0x2] =	stream.indirect.gather @!p0 [hbm4b:s3+s9], $0x40, s8, s9, $0xb8;
	[tilespmem:$0x1A400] =	vst v63  }
0xcf: {  	s11 =	sadd.s32 $0x7, s23;
	_ =	swait.ge [sflag:s10], $0x1000  }
0xd0: {  	s8 =	sand.u32 $0x3, s11;
	[sflag:s10] =	ssyncset.done $0x0  }
0xd1: {  	s20 =	sadd.s32 $0xFFFF0000, s1;
	s8 =	sor.u32 s6, s8;
	[sflag:s10] =	ssyncadd.s32 $0xFFFFF000  }
0xd2: {  	s11 =	sand.u32 $0x1FE0000, s20;
	s8 =	sshll.u32 s8, $0xA;
	_ =	swait.ge [sflag:s10], $0x1000  }
0xd3: {  	s8 =	sor.u32 s11, s8;
	[sflag:s10] =	ssyncset.done $0x0  }
0xd4: {  	s11 =	sadd.s32 s4, s8;
	[sflag:s10] =	ssyncadd.s32 $0xFFFFF000  }
0xd5: {  	[hbm4b:s11+s12] =	stream.strided.scatter [tilespmem:s29], [sflag:$0x12], $0x1000, s15, s12, $0x38;
	[tilespmem:$0x1A400] =	vst v63  }
0xd6: {  	s8 =	sadd.s32 s8, s7  }
0xd7: {  	[hbm4b:s8+s12] =	stream.strided.scatter [tilespmem:s5], [sflag:$0x12], $0x1000, s15, s12, $0x38;
	[tilespmem:$0x1A400] =	vst v63  }
0xd8: {  	_ =	swait.ge [sflag:s22], $0x1000  }
0xd9: {  	[sflag:s22] =	ssyncset.done $0x0  }
0xda: {  	[sflag:s22] =	ssyncadd.s32 $0xFFFFF000  }
0xdb: {  	s8 =	sadd.s32 @!p0 $0xFFFFFF00, s0;
	_ =	swait.ge [sflag:s22], $0x1000  }
0xdc: {  	s8 =	sand.u32 @!p0 $0x1FE00, s8;
	[sflag:s22] =	ssyncset.done $0x0  }
0xdd: {  	s2 =	sor.u32 @!p0 s2, s8;
	s8 =	simm.s32 @!p0 $0xA400;
	[sflag:s22] =	ssyncadd.s32 $0xFFFFF000  }
0xde: {  	[tilespmem:s8], [sflag:$0x3] =	stream.indirect.gather @!p0 [hbm4b:s3+s9], $0x40, s2, s9, $0xb8;
	[tilespmem:$0x1A400] =	vst v63  }
0xdf: {  	s2 =	sadd.s32 @!p0 $0x40, s2;
	s8 =	simm.s32 @!p0 $0xB400  }
0xe0: {  	[tilespmem:s8], [sflag:$0x3] =	stream.indirect.gather @!p0 [hbm4b:s3+s9], $0x40, s2, s9, $0xb8;
	[tilespmem:$0x1A400] =	vst v63  }
0xe1: {  	_ =	swait.ge [sflag:s24], $0x1000  }
0xe2: {  	[sflag:s24] =	ssyncset.done $0x0  }
0xe3: {  	s10 =	sand.u32 $0xFF00000, s17;
	[sflag:s24] =	ssyncadd.s32 $0xFFFFF000  }
0xe4: {  	s2 =	sor.u32 s25, s10;
	_ =	swait.ge [sflag:s24], $0x1000  }
0xe5: {  	s2 =	sshrl.u32 s2, $0x3;
	[sflag:s24] =	ssyncset.done $0x0  }
0xe6: {  	s11 =	sadd.s32 s4, s2;
	[sflag:s24] =	ssyncadd.s32 $0xFFFFF000  }
0xe7: {  	[hbm4b:s11+s12] =	stream.strided.scatter [tilespmem:s13], [sflag:$0x13], $0x1000, s15, s12, $0x38;
	[tilespmem:$0x1A400] =	vst v63  }
0xe8: {  	s2 =	sadd.s32 s2, s7  }
0xe9: {  	[hbm4b:s2+s12] =	stream.strided.scatter [tilespmem:s14], [sflag:$0x13], $0x1000, s15, s12, $0x38;
	[tilespmem:$0x1A400] =	vst v63  }
0xea: {  	_ =	swait.ge [sflag:s26], $0x1000  }
0xeb: {  	[sflag:s26] =	ssyncset.done $0x0  }
0xec: {  	[sflag:s26] =	ssyncadd.s32 $0xFFFFF000  }
0xed: {  	_ =	swait.ge [sflag:s26], $0x1000  }
0xee: {  	s2 =	sadd.s32 @!p0 $0xFFFFFF80, s0;
	[sflag:s26] =	ssyncset.done $0x0  }
0xef: {  	s8 =	simm.s32 @!p0 $0xC400;
	s2 =	sand.u32 @!p0 $0x1FF80, s2;
	[sflag:s26] =	ssyncadd.s32 $0xFFFFF000  }
0xf0: {  	[tilespmem:s8], [sflag:$0x4] =	stream.indirect.gather @!p0 [hbm4b:s3+s9], $0x40, s2, s9, $0xb8;
	[tilespmem:$0x1A400] =	vst v63  }
0xf1: {  	s2 =	sor.u32 @!p0 $0x40, s2;
	s8 =	simm.s32 @!p0 $0xD400  }
0xf2: {  	[tilespmem:s8], [sflag:$0x4] =	stream.indirect.gather @!p0 [hbm4b:s3+s9], $0x40, s2, s9, $0xb8;
	[tilespmem:$0x1A400] =	vst v63  }
0xf3: {  	s20 =	sadd.s32 $0x9, s23;
	_ =	swait.ge [sflag:s28], $0x1000  }
0xf4: {  	s2 =	sand.u32 $0x3, s20;
	[sflag:s28] =	ssyncset.done $0x0  }
0xf5: {  	s2 =	sor.u32 s6, s2;
	[sflag:s28] =	ssyncadd.s32 $0xFFFFF000  }
0xf6: {  	s25 =	sand.u32 $0x1FE0000, s1;
	s2 =	sshll.u32 s2, $0xA;
	_ =	swait.ge [sflag:s28], $0x1000  }
0xf7: {  	s2 =	sor.u32 s25, s2;
	[sflag:s28] =	ssyncset.done $0x0  }
0xf8: {  	s8 =	sadd.s32 s4, s2;
	[sflag:s28] =	ssyncadd.s32 $0xFFFFF000  }
0xf9: {  	[hbm4b:s8+s12] =	stream.strided.scatter [tilespmem:s16], [sflag:$0x14], $0x1000, s15, s12, $0x38;
	[tilespmem:$0x1A400] =	vst v63  }
0xfa: {  	s2 =	sadd.s32 s2, s7  }
0xfb: {  	[hbm4b:s2+s12] =	stream.strided.scatter [tilespmem:s18], [sflag:$0x14], $0x1000, s15, s12, $0x38;
	[tilespmem:$0x1A400] =	vst v63  }
0xfc: {  	_ =	swait.ge [sflag:s30], $0x1000  }
.Ltmp2:
0xfd: {  	[sflag:s30] =	ssyncset.done $0x0;
	(pc) =	sbr.rel @p0 .LBB2_4-.Ltmp2, $4  }
0xfe: {  	[sflag:s30] =	ssyncadd.s32 $0xFFFFF000  }
0xff: {  	_ =	swait.ge [sflag:s30], $0x1000  }
0x100: {  	[sflag:s30] =	ssyncset.done $0x0  }
0x101: {  	[sflag:s30] =	ssyncadd.s32 $0xFFFFF000  }
0x102: {  	s2 =	sand.u32 $0x1FF00, s0  }
.Ltmp3:
0x103: {  	s16 =	simm.s32 $0xE400;
	s18 =	simm.s32 $0xF400;
	(pc) =	sbr.rel .LBB2_2-.Ltmp3, $4  }
0x104: {  	s0 =	sadd.s32 $0x500, s0;
	s23 =	sadd.s32 $0xA, s23;
	s1 =	sadd.s32 $0x50000, s1  }
0x105: {  	[tilespmem:s16], [sflag:$0x5] =	stream.indirect.gather [hbm4b:s3+s12], $0x40, s2, s12, $0xb8;
	[tilespmem:$0x1A400] =	vst v63  }
0x106: {  	s17 =	sadd.s32 $0x280000, s17;
	s19 =	sadd.s32 $0x100, s19;
	s2 =	sor.u32 $0x40, s2  }
0x107: {  	[tilespmem:s18], [sflag:$0x5] =	stream.indirect.gather [hbm4b:s3+s12], $0x40, s2, s12, $0xb8;
	[tilespmem:$0x1A400] =	vst v63  }
.LBB2_5:
0x108: {  	_ =	sfence.sel $0x180000  }
0x109: {  	[bflag:$0x0] =	sbarrier.arrive $0xFFFF  }
0x10a: {  	_ =	strace $0x90000047  }
0x10b: {  	s0 =	stileid.u32;
	[bflag:$0x2] =	sbarrier.arrive $0xFFFF  }
0x10c: {  	p0 =	sne.s32 s0, $0x0;
	s0 =	rddreg [dreg:$0x2]  }
0x10d: {  	s0 =	sadd.s32 @!p0 $0x100000, s0  }
0x10e: {  	[sflag:s0] =	ssyncadd.tile.s32 @!p0 $0x1;
	_ =	shalt  }
.Lfunc_end2:
_tile_overlayer_lowered:
.L_overlay_start_2:
0x10f: {  	(tag) =	ssettag $0x2  }
0x110: {  	s0 =	rddreg [dreg:$0x0];
	s2 =	stileid.u32  }
0x111: {  	s1 =	rddreg [dreg:$0x1];
	p0 =	sne.s32 s2, $0x0  }
0x112: {  	s3 =	rddreg [dreg:$0x2];
	[bflag:$0x3] =	sbarrier.arrive $0xFFFF;
	s2 =	simm.s32 @!p0 $0x1C15  }
0x113: {  	[timem:s3], [sflag:s2] =	dma.local @!p0 [hbm:s0], s1  }
0x114: {  	s0 =	simm.s32 @!p0 $0x15  }
0x115: {  	_ =	swait.ge @!p0 [sflag:s0], s1  }
0x116: {  	s1 =	ssub.s32 @!p0 $0x0, s1;
	[sflag:s0] =	ssyncset.done @!p0 $0x0  }
0x117: {  	[sflag:s0] =	ssyncadd.s32 @!p0 s1  }
0x118: {  	[bflag:$0x3] =	sbarrier.arrive $0xFFFF  }
0x119: {  	_ =	shalt  }

// kernel: sparse-core-data-format-call.1.cloned.1.call-start
scs
called_computation.1_lowered:
.L_overlay_start_0:
0x0: {  	s1 =	sld [smem:$0x3FD9]  }
0x1: {  	s2 =	sld [smem:$0x3FFE];
	_ =	sdelay $0x1  }
0x2: {  	s3 =	srdreg.scid  }
0x3: {  	s0 =	sand.u32 $0x1, s3  }
0x4: {  	s17 =	sshll.u32 s0, $0xA;
	s1 =	sadd.s32 s2, s1  }
0x5: {  	s1 =	sadd.s32 s1, s17  }
0x6: {  	[smem:$0x3FC6] =	sst s1  }
0x7: {  	_ = 	snop  }
0x8: {  	(tm) =	ssettm $0x1  }
0x9: {  	s18 =	sld [smem:$0x3FFB];
	_ =	sdelay $0x3  }
0xa: {  	_ =	strace s18  }
0xb: {  	s1 =	sld [smem:$0x3FFC];
	_ =	sdelay $0x3  }
0xc: {  	_ =	strace s1  }
0xd: {  	s1 =	sld [smem:$0x3FFD];
	_ =	sdelay $0x3  }
0xe: {  	_ =	strace s1  }
0xf: {  	_ =	strace $0x8FFFFFFF  }
0x10: {  	s19 =	sld [smem:$0x3FDB];
	_ =	sdelay $0x1  }
0x11: {  	s20 =	simm.s32 $_scs_section_size  }
0x12: {  	s4 =	simm.s32 $_size__tile_overlayer_lowered;
	s5 =	simm.s32 $_tile_overlayer_lowered  }
0x13: {  	s23 =	simm.s32 $0x1BFF;
	s22 =	sshll.u32 s5, $0x1;
	s1 =	sadd.s32 s20, s19  }
0x14: {  	s6 =	simm.s32 $0x0;
	s21 =	sshll.u32 s4, $0x1;
	s4 =	sadd.s32 s22, s1  }
0x15: {  	[timem:s6], [sflag:s23] =	dma.local [hbm:s4], s21  }
0x16: {  	_ =	swait.ge [sflag:s23], s21  }
0x17: {  	s2 =	ssub.s32 $0x0, s21;
	[sflag:s23] =	ssyncset.done $0x0  }
0x18: {  	[sflag:s23] =	ssyncadd.s32 s2;
	_ =	sdelay $0x1  }
0x19: {  	s24 =	simm.s32 $0x1B8B  }
0x1a: {  	_ =	swait.ge [sflag:s24], $0x1  }
0x1b: {  	[sflag:s24] =	ssyncset.done $0x0  }
0x1c: {  	s26 =	simm.s32 $0x1B8E;
	s25 =	sld [smem:$0x3FFE];
	[sflag:s24] =	ssyncadd.s32 $0xFFFFFFFF  }
0x1d: {  	s27 =	simm.s32 $execute0_lowered;
	[smem:$0x3FD2] =	sst s26  }
0x1e: {  	s4 =	sshll.u32 s27, $0x1;
	_ =	strace $0x8000004C;
	[dreg:$0x1] =	wrdreg $0xFFFFFFFF  }
0x1f: {  	s28 =	simm.s32 $_size_execute0_lowered;
	s1 =	sadd.s32 s1, s4;
	[dreg:$0x0] =	wrdreg $0x0  }
0x20: {  	s4 =	sshll.u32 s28, $0x1;
	[dreg:$0x2] =	wrdreg s1  }
0x21: {  	[dreg:$0x3] =	wrdreg s4  }
0x22: {  	[dreg:$0x4] =	wrdreg $0xC0  }
0x23: {  	_ =	task [dreg:s6], $0x5FFFF  }
0x24: {  	[dreg:$0x1] =	wrdreg $0xFFFFFFFF  }
0x25: {  	[dreg:$0x0] =	wrdreg $0x60  }
0x26: {  	[dreg:$0x2] =	wrdreg s25  }
0x27: {  	[dreg:$0x3] =	wrdreg $0x9  }
0x28: {  	_ =	task.clear_ibuf [dreg:s6], $0x4FFFF;
	_ =	strace $0x9000004C  }
0x29: {  	s29 =	simm.s32 $0x9;
	_ =	strace $0x8000004E  }
0x2a: {  	_ =	swait.ge [sflag:s29], $0x1  }
0x2b: {  	[sflag:s29] =	ssyncadd.s32 $0xFFFFFFFF  }
0x2c: {  	_ =	strace $0x9000004E  }
0x2d: {  	_ =	sfence  }
0x2e: {  	s30 =	sld [smem:$0x0];
	_ =	sdelay $0x2  }
0x2f: {  	s31 =	sshll.u32 s3, $0xD;
	s3 =	sshrl.u32 s3, $0x2  }
0x30: {  	s2 =	sand.u32 $0x4000, s31;
	s1 =	sadd.s32 s3, s30  }
0x31: {  	s0 =	sor.u32 s2, s0;
	s1 =	sshll.u32 s1, $0x11  }
0x32: {  	s0 =	sor.u32 s1, s0  }
0x33: {  	s0 =	sadd.s32 $0x8F2B, s0  }
0x34: {  	[sflag:s0] =	ssyncadd.remote.s32 $0x1  }
0x35: {  	_ =	sfence.sel $0xFFFF  }
0x36: {  	[dreg:$0x0] =	wrdreg $0xFFFFFFFF;
	(pc) =	sbr.abs _section_cstart, $3  }
0x37: {  	[dreg:$0x1] =	wrdreg $0xFFFFFFFF  }
0x38: {  	_ =	task.clear_ibuf [dreg:s6], $0x2FFFF;
	_ =	strace $0x9FFFFFFF  }
0x39: {  	(tm) =	ssettm $0x7FFFFFFF  }
tec
execute0_lowered:
.L_overlay_start_1:
0x0: {  	(tag) =	ssettag $0x1  }
0x1: {  	s0 =	srdreg.scid  }
0x2: {  	s6 =	rddreg [dreg:$0x0];
	s1 =	sshll.u32 s0, $0x4  }
0x3: {  	s4 =	simm.s32 $0x1;
	s0 =	stileid.u32;
	s1 =	sand.u32 $0x10, s1  }
0x4: {  	s7 =	simm.s32 $0x2;
	s14 =	simm.s32 $0x0;
	s1 =	sor.u32 s0, s1  }
0x5: {  	s8 =	simm.s32 $0x80;
	s16 =	simm.s32 $0x0;
	s2 =	sshll.u32 s1, $0x7  }
0x6: {  	s15 =	simm.s32 $0x0;
	s17 =	simm.s32 $0x0;
	s3 =	ssub.s32 $0x2000, s2  }
0x7: {  	s9 =	simm.s32 $0x0;
	s11 =	simm.s32 $0x0;
	s31 =	sand.u32 $0xF80, s3  }
0x8: {  	s12 =	simm.s32 $0x0;
	s13 =	simm.s32 $0x0;
	p0 =	sne.s32 s31, $0x0  }
.Ltmp0:
0x9: {  	s3 =	sshrl.u32 s3, $0xC;
	s4 =	simm.s32 @!p0 $0x0;
	(pc) =	sbr.rel .LBB1_1-.Ltmp0, $4  }
0xa: {  	s1 =	rddreg [dreg:$0x1];
	_ =	strace $0x8000004D;
	s5 =	sadd.s32 s4, s3  }
0xb: {  	s10 =	smov.u32 s2;
	s4 =	simm.s32 $0x1;
	s5 =	smul.u32 $0x32, s5  }
0xc: {  	p0 =	por $0x0, $0x0;
	s3 =	sadd.s32 $0x1200, s6;
	[sflag:s4] =	ssyncpa.u1 $0x0  }
0xd: {  	s6 =	sadd.s32 $0x701200, s6;
	[sflag:s7] =	ssyncpa.u1 $0x0;
	s7 =	sor.u32 $0x1, s5  }
.LBB1_7:
0xe: {  	s18 =	sadd.s32 $0x1000, s10  }
0xf: {  	s14 =	simm.s32 $0x1;
	p2 =	sgt.s32 s18, $0x1FFF  }
0x10: {  	s14 =	simm.s32 @!p2 $0x0  }
0x11: {  	s19 =	sadd.s32 s14, s9  }
0x12: {  	s20 =	smov.u32 s11;
	s14 =	sadd.s32 $0x40, s11;
	p3 =	sgt.s32 s19, $0x31  }
0x13: {  	s20 =	smov.u32 @p3 s14  }
0x14: {  	s21 =	smov.u32 s12;
	s14 =	sadd.s32 $0x2, s12;
	p4 =	sgt.s32 s20, $0x3F  }
0x15: {  	p1 =	slt.u32 s13, $0x2;
	s21 =	smov.u32 @p4 s14  }
0x16: {  	s16 =	smov.u32 s9;
	s18 =	smov.u32 @p2 s2;
	p2 =	sgt.s32 s21, $0x1  }
0x17: {  	s22 =	simm.s32 @!p1 $0x2;
	s21 =	simm.s32 @p2 $0x0;
	p2 =	sne.s32 s13, s7  }
.Ltmp1:
0x18: {  	s15 =	smov.u32 s11;
	_ =	swait.ge @!p1 [sflag:s22], $0x4000;
	(pc) =	sbr.rel @!p2 .LBB1_8-.Ltmp1, $4  }
0x19: {  	s17 =	smov.u32 s12;
	[sflag:s22] =	ssyncset.done @!p1 $0x0;
	s19 =	simm.s32 @p3 $0x0  }
0x1a: {  	p0 =	por !p0, !p0;
	[sflag:s22] =	ssyncadd.s32 @!p1 $0xFFFFC000;
	s9 =	smov.u32 s19  }
0x1b: {  	s20 =	simm.s32 @p4 $0x0;
	s14 =	smov.u32 s10;
	s10 =	smov.u32 s18  }
0x1c: {  	s11 =	smov.u32 s20;
	s13 =	sadd.s32 $0x1, s13;
	s12 =	smov.u32 s21  }
.LBB1_1:
0x1d: {  	p1 =	sge.u32 s13, s5  }
0x1e: {  	s18 =	sshll.u32 @!p1 s9, $0xD  }
0x1f: {  	s19 =	sshll.u32 @!p1 s10, $0x3;
	s18 =	sand.u32 @!p1 $0xFFFF0000, s18  }
0x20: {  	s18 =	sadd.s32 @!p1 s18, s19  }
0x21: {  	s22 =	sshll.u32 @!p1 s9, $0x7;
	s18 =	sshrl.u32 @!p1 s18, $0xD  }
0x22: {  	s23 =	sand.u32 @!p1 $0x78, s10;
	s22 =	sand.u32 @!p1 $0x380, s22;
	s20 =	smulhi.u32 @!p1 $0x4924925, s18  }
0x23: {  	s31 =	sadd.s32 $0xFFFFFFFF, s13;
	s22 =	sor.u32 @!p1 s22, s23;
	s23 =	smul.u32 @!p1 $0x380000, s12  }
0x24: {  	s21 =	sxor.u32 @!p1 $0xFFFFFFFF, s13;
	s19 =	sand.u32 @!p1 $0x1C00, s19;
	s20 =	smul.u32 @!p1 $0x38, s20  }
0x25: {  	s21 =	sshll.u32 @!p1 s21, $0xE;
	s19 =	sor.u32 @!p1 s19, s22;
	s22 =	smul.u32 @!p1 $0xE000, s11  }
0x26: {  	s18 =	ssub.s32 @!p1 s18, s20;
	s20 =	sand.u32 @!p1 $0x4000, s21;
	s21 =	sadd.s32 @!p1 s3, s23  }
0x27: {  	s19 =	sshrl.u32 @!p1 s19, $0x3;
	s21 =	sadd.s32 @!p1 s22, s21;
	s22 =	sand.u32 @!p1 $0x7, s10  }
0x28: {  	s18 =	sshll.u32 @!p1 s18, $0xA;
	s19 =	sadd.s32 @!p1 s19, s21;
	s21 =	sshll.u32 @!p1 s22, $0x12  }
0x29: {  	s18 =	sadd.s32 @!p1 s18, s19;
	s19 =	sor.u32 @!p1 $0x80, s21;
	s21 =	simm.s32 @!p1 $0x70000  }
0x2a: {  	[tilespmem:s20], [sflag:$0x1] =	stream.strided.gather @!p1 [hbm4b:s18+s19], $0x4000, s21, s19, $0x38;
	[tilespmem:$0x10200] =	vst v63  }
0x2b: {  	p1 =	sge.u32 s31, s5  }
.Ltmp2:
0x2c: {  	_ = 	snop;
	(pc) =	sbr.rel @p1 .LBB1_7-.Ltmp2, $1  }
0x2d: {  	_ =	sdelay $0x3  }
0x2e: {  	s18 =	simm.s32 $0x1;
	s20 =	sand.u32 $0x1, s13  }
0x2f: {  	_ =	swait.ge [sflag:s4], $0x4000;
	s18 =	simm.s32 @!p0 $0x0;
	s20 =	smul.u32 $0x10400, s20  }
0x30: {  	p2 =	por $0x1, $0x1;
	[sflag:s4] =	ssyncset.done $0x0;
	s19 =	smul.u32 $0x10400, s18  }
0x31: {  	s21 =	sshll.u32 s18, $0x10;
	[sflag:s4] =	ssyncadd.s32 $0xFFFFC000;
	s30 =	sshrl.u32 s20, $0x2  }
0x32: {  	s31 =	sshrl.u32 s21, $0x2;
	s21 =	simm.s32 $0x0;
	s19 =	sshrl.u32 s19, $0x2  }
0x33: {  	s18 =	sor.u32 $0x8000, s30;
	s20 =	sadd.s32 $0x40, s31;
	s19 =	sor.u32 $0x8000, s19  }
.LBB1_3:
0x34: {  	s22 =	sshll.u32 s21, $0xD  }
0x35: {  	s22 =	sand.u32 $0x3FFFE000, s22  }
0x36: {  	s23 =	sadd.s32 s22, s20  }
0x37: {  	s31 =	sand.u32 $0x1, s21;
	v0 =	vld [tilespmem:s23+$0x30]  }
0x38: {  	s21 =	simm.s32 $0x41;
	p1 =	seq.s32 s31, $0x1;
	v1 =	vld [tilespmem:s23+$0xFFFFFFD0]  }
0x39: {  	s21 =	simm.s32 @!p1 $0x0;
	v5 =	vld [tilespmem:s23+$0xFFFFFFE0]  }
0x3a: {  	s21 =	sadd.s32 s21, s19;
	v6 =	vld [tilespmem:s23+$0xFFFFFFF0]  }
0x3b: {  	v2 =	vld [tilespmem:s23+$0x0];
	s22 =	sadd.s32 $0x0, s21  }
0x3c: {  	v3 =	vld [tilespmem:s23+$0x10];
	[tilespmem:s22+$0x38E0 ss:$0x82] =	vst.msk $0xffff, v0  }
0x3d: {  	v4 =	vld [tilespmem:s23+$0x20];
	[tilespmem:s22+$0x820 ss:$0x82] =	vst.msk $0xffff, v1  }
0x3e: {  	v0 =	vld [tilespmem:s23+$0xFFFFFFC0];
	[tilespmem:s22+$0x1040 ss:$0x82] =	vst.msk $0xffff, v5;
	s23 =	sadd.s32 $0x80, s23  }
0x3f: {  	s24 =	simm.s32 $0x4;
	s25 =	simm.s32 $0x8;
	p1 =	por p2, p2;
	[tilespmem:s22+$0x1860 ss:$0x82] =	vst.msk $0xffff, v6;
	v1 =	vld [tilespmem:s23+$0x30]  }
.LBB1_4:
0x40: {  	p2 =	sne.s32 s25, $0xFC;
	v5 =	vld [tilespmem:s23+$0xFFFFFFD0];
	[tilespmem:s22+$0x2080 ss:$0x82] =	vst.msk $0xffff, v2  }
0x41: {  	v6 =	vld [tilespmem:s23+$0xFFFFFFE0];
	[tilespmem:s22+$0x28A0 ss:$0x82] =	vst.msk $0xffff, v3  }
0x42: {  	s26 =	sshra.s32 s24, $0x2;
	s24 =	smov.u32 s25;
	v7 =	vld [tilespmem:s23+$0xFFFFFFF0];
	[tilespmem:s22+$0x30C0 ss:$0x82] =	vst.msk $0xffff, v4  }
.Ltmp3:
0x43: {  	v2 =	vld [tilespmem:s23+$0x0];
	[tilespmem:s22+$0x0 ss:$0x82] =	vst.msk $0xffff, v0;
	s22 =	sadd.s32 s26, s21;
	(pc) =	sbr.rel @p2 .LBB1_4-.Ltmp3, $4  }
0x44: {  	v3 =	vld [tilespmem:s23+$0x10];
	[tilespmem:s22+$0x38E0 ss:$0x82] =	vst.msk $0xffff, v1  }
0x45: {  	[tilespmem:s22+$0x820 ss:$0x82] =	vst.msk $0xffff, v5;
	v4 =	vld [tilespmem:s23+$0x20]  }
0x46: {  	v0 =	vld [tilespmem:s23+$0xFFFFFFC0];
	[tilespmem:s22+$0x1040 ss:$0x82] =	vst.msk $0xffff, v6;
	s23 =	sadd.s32 $0x80, s23  }
0x47: {  	s25 =	sadd.s32 $0x4, s25;
	v1 =	vld [tilespmem:s23+$0x30];
	[tilespmem:s22+$0x1860 ss:$0x82] =	vst.msk $0xffff, v7  }
0x48: {  	v5 =	vld [tilespmem:s23+$0xFFFFFFD0];
	[tilespmem:s22+$0x2080 ss:$0x82] =	vst.msk $0xffff, v2  }
0x49: {  	v58 =	vld [tilespmem:s23+$0xFFFFFFE0];
	[tilespmem:s22+$0x28A0 ss:$0x82] =	vst.msk $0xffff, v3  }
0x4a: {  	s24 =	sshra.s32 s24, $0x2;
	v59 =	vld [tilespmem:s23+$0xFFFFFFF0];
	[tilespmem:s22+$0x30C0 ss:$0x82] =	vst.msk $0xffff, v4  }
0x4b: {  	v60 =	vld [tilespmem:s23+$0x0];
	s21 =	sadd.s32 s24, s21;
	[tilespmem:s22+$0x0 ss:$0x82] =	vst.msk $0xffff, v0  }
0x4c: {  	v61 =	vld [tilespmem:s23+$0x10];
	[tilespmem:s21+$0x38E0 ss:$0x82] =	vst.msk $0xffff, v1  }
0x4d: {  	v62 =	vld [tilespmem:s23+$0x20];
	[tilespmem:s21+$0x820 ss:$0x82] =	vst.msk $0xffff, v5  }
0x4e: {  	v63 =	vld [tilespmem:s23+$0xFFFFFFC0];
	[tilespmem:s21+$0x1040 ss:$0x82] =	vst.msk $0xffff, v58  }
.Ltmp4:
0x4f: {  	[tilespmem:s21+$0x1860 ss:$0x82] =	vst.msk $0xffff, v59;
	(pc) =	sbr.rel @p1 .LBB1_3-.Ltmp4, $4  }
0x50: {  	[tilespmem:s21+$0x2080 ss:$0x82] =	vst.msk $0xffff, v60  }
0x51: {  	[tilespmem:s21+$0x28A0 ss:$0x82] =	vst.msk $0xffff, v61  }
0x52: {  	[tilespmem:s21+$0x30C0 ss:$0x82] =	vst.msk $0xffff, v62  }
0x53: {  	p2 =	por $0x0, $0x0;
	[tilespmem:s21+$0x0 ss:$0x82] =	vst.msk $0xffff, v63;
	s21 =	simm.s32 $0x1  }
0x54: {  	s17 =	sshll.u32 s17, $0x4  }
0x55: {  	s16 =	sshll.u32 s16, $0x12;
	s17 =	sand.u32 $0x10, s17  }
.Ltmp5:
0x56: {  	s19 =	sshrl.u32 s15, $0x3;
	s17 =	sadd.s32 s6, s17;
	(pc) =	sbr.rel .LBB1_7-.Ltmp5, $4  }
0x57: {  	s31 =	sand.u32 $0x7, s15;
	s19 =	sand.u32 $0xF, s19;
	s16 =	sadd.s32 s16, s17  }
0x58: {  	s14 =	sshll.u32 s14, $0x5;
	s15 =	sshll.u32 s31, $0x12;
	s16 =	sadd.s32 s19, s16  }
0x59: {  	s15 =	sor.u32 $0x40, s15;
	s14 =	sadd.s32 s14, s16  }
0x5a: {  	[hbm4b:s14+s15] =	stream.strided.scatter [tilespmem:s18], [sflag:$0x2], $0x4000, s8, s15, $0x18;
	[tilespmem:$0x10200] =	vst v63  }
.LBB1_8:
0x5b: {  	_ =	sfence.sel $0x180000  }
0x5c: {  	s2 =	simm.s32 $0x1;
	[bflag:$0x0] =	sbarrier.arrive $0xFFFF  }
0x5d: {  	s31 =	simm.s32 $0x2;
	[sflag:s2] =	ssyncpa.u1 $0x1  }
0x5e: {  	[sflag:s31] =	ssyncpa.u1 $0x1  }
0x5f: {  	p0 =	sne.s32 s0, $0x0;
	_ =	strace $0x9000004D  }
0x60: {  	s0 =	sadd.s32 @!p0 $0x100000, s1;
	[bflag:$0x2] =	sbarrier.arrive $0xFFFF  }
0x61: {  	[sflag:s0] =	ssyncadd.tile.s32 @!p0 $0x1;
	_ =	shalt  }
.Lfunc_end1:
_tile_overlayer_lowered:
.L_overlay_start_2:
0x62: {  	(tag) =	ssettag $0x2  }
0x63: {  	s0 =	rddreg [dreg:$0x0];
	s2 =	stileid.u32  }
0x64: {  	s1 =	rddreg [dreg:$0x1];
	p0 =	sne.s32 s2, $0x0  }
0x65: {  	s3 =	rddreg [dreg:$0x2];
	[bflag:$0x3] =	sbarrier.arrive $0xFFFF;
	s2 =	simm.s32 @!p0 $0x1C01  }
0x66: {  	[timem:s3], [sflag:s2] =	dma.local @!p0 [hbm:s0], s1  }
0x67: {  	s0 =	simm.s32 @!p0 $0x1  }
0x68: {  	_ =	swait.ge @!p0 [sflag:s0], s1  }
0x69: {  	s1 =	ssub.s32 @!p0 $0x0, s1;
	[sflag:s0] =	ssyncset.done @!p0 $0x0  }
0x6a: {  	[sflag:s0] =	ssyncadd.s32 @!p0 s1  }
0x6b: {  	[bflag:$0x3] =	sbarrier.arrive $0xFFFF  }
0x6c: {  	_ =	shalt  }

// kernel: sparse-core-data-format-call.2.cloned.1.call-start
scs
called_computation.2_lowered:
.L_overlay_start_0:
0x0: {  	s2 =	sld [smem:$0x3FD9]  }
0x1: {  	s3 =	sld [smem:$0x3FFE];
	_ =	sdelay $0x1  }
0x2: {  	s1 =	srdreg.scid  }
0x3: {  	s0 =	sand.u32 $0x1, s1  }
0x4: {  	s18 =	sshll.u32 s0, $0xA;
	s2 =	sadd.s32 s3, s2  }
0x5: {  	s2 =	sadd.s32 s2, s18  }
0x6: {  	[smem:$0x3FC6] =	sst s2  }
0x7: {  	_ = 	snop  }
0x8: {  	s2 =	sld [smem:$0x3FD0];
	(tm) =	ssettm $0x1  }
0x9: {  	s19 =	sld [smem:$0x3FFB];
	_ =	sdelay $0x3  }
0xa: {  	_ =	strace s19  }
0xb: {  	s3 =	sld [smem:$0x3FFC];
	_ =	sdelay $0x3  }
0xc: {  	_ =	strace s3  }
0xd: {  	s3 =	sld [smem:$0x3FFD];
	_ =	sdelay $0x3  }
0xe: {  	_ =	strace s3  }
0xf: {  	_ =	strace $0x8FFFFFFF  }
0x10: {  	s20 =	sld [smem:$0x3FDB];
	_ =	sdelay $0x1  }
0x11: {  	s4 =	simm.s32 $_scs_section_size  }
0x12: {  	s5 =	simm.s32 $_size__tile_overlayer_lowered;
	s6 =	simm.s32 $_tile_overlayer_lowered  }
0x13: {  	s23 =	simm.s32 $0x1BFF;
	s22 =	sshll.u32 s6, $0x1;
	s3 =	sadd.s32 s4, s20  }
0x14: {  	s7 =	simm.s32 $0x0;
	s21 =	sshll.u32 s5, $0x1;
	s5 =	sadd.s32 s22, s3  }
0x15: {  	[timem:s7], [sflag:s23] =	dma.local [hbm:s5], s21  }
0x16: {  	_ =	swait.ge [sflag:s23], s21  }
0x17: {  	s4 =	ssub.s32 $0x0, s21;
	[sflag:s23] =	ssyncset.done $0x0  }
0x18: {  	[sflag:s23] =	ssyncadd.s32 s4;
	_ =	sdelay $0x1  }
0x19: {  	s24 =	simm.s32 $0x1B8B  }
0x1a: {  	_ =	swait.ge [sflag:s24], $0x1  }
0x1b: {  	[sflag:s24] =	ssyncset.done $0x0  }
0x1c: {  	s26 =	simm.s32 $0x1B8E;
	s25 =	sld [smem:$0x3FFE];
	[sflag:s24] =	ssyncadd.s32 $0xFFFFFFFF  }
0x1d: {  	s27 =	simm.s32 $execute0_lowered;
	[smem:$0x3FD2] =	sst s26  }
0x1e: {  	s5 =	sshll.u32 s27, $0x1;
	_ =	strace $0x80000049;
	[dreg:$0x1] =	wrdreg $0xFFFFFFFF  }
0x1f: {  	s28 =	simm.s32 $_size_execute0_lowered;
	s3 =	sadd.s32 s3, s5;
	[dreg:$0x0] =	wrdreg $0x0  }
0x20: {  	s5 =	sshll.u32 s28, $0x1;
	[dreg:$0x2] =	wrdreg s3  }
0x21: {  	[dreg:$0x3] =	wrdreg s5  }
0x22: {  	[dreg:$0x4] =	wrdreg $0xC0  }
0x23: {  	_ =	task [dreg:s7], $0x5FFFF  }
0x24: {  	[dreg:$0x1] =	wrdreg $0xFFFFFFFF  }
0x25: {  	[dreg:$0x0] =	wrdreg $0x60  }
0x26: {  	[dreg:$0x2] =	wrdreg s25  }
0x27: {  	[dreg:$0x3] =	wrdreg s2  }
0x28: {  	[dreg:$0x4] =	wrdreg $0x9  }
0x29: {  	_ =	task.clear_ibuf [dreg:s7], $0x5FFFF;
	_ =	strace $0x90000049  }
0x2a: {  	s29 =	simm.s32 $0x9;
	_ =	strace $0x8000004B  }
0x2b: {  	_ =	swait.ge [sflag:s29], $0x1  }
0x2c: {  	[sflag:s29] =	ssyncadd.s32 $0xFFFFFFFF  }
0x2d: {  	_ =	strace $0x9000004B  }
0x2e: {  	_ =	sfence  }
0x2f: {  	s30 =	sld [smem:$0x0];
	_ =	sdelay $0x2  }
0x30: {  	s31 =	sshll.u32 s1, $0xD;
	s1 =	sshrl.u32 s1, $0x2  }
0x31: {  	s3 =	sand.u32 $0x4000, s31;
	s1 =	sadd.s32 s1, s30  }
0x32: {  	s0 =	sor.u32 s3, s0;
	s1 =	sshll.u32 s1, $0x11  }
0x33: {  	s0 =	sor.u32 s1, s0  }
0x34: {  	s0 =	sadd.s32 $0x8F2B, s0  }
0x35: {  	[sflag:s0] =	ssyncadd.remote.s32 $0x1  }
0x36: {  	_ =	sfence.sel $0xFFFF  }
0x37: {  	[dreg:$0x0] =	wrdreg $0xFFFFFFFF;
	(pc) =	sbr.abs _section_cstart, $3  }
0x38: {  	[dreg:$0x1] =	wrdreg $0xFFFFFFFF  }
0x39: {  	_ =	task.clear_ibuf [dreg:s7], $0x2FFFF;
	_ =	strace $0x9FFFFFFF  }
0x3a: {  	(tm) =	ssettm $0x7FFFFFFF  }
0x3b: {  	_ =	shalt  }
tec
execute0_lowered:
.L_overlay_start_1:
0x0: {  	(tag) =	ssettag $0x1  }
0x1: {  	s0 =	srdreg.scid  }
0x2: {  	s1 =	sshll.u32 s0, $0x4  }
0x3: {  	s4 =	rddreg [dreg:$0x0];
	s0 =	stileid.u32;
	s1 =	sand.u32 $0x10, s1  }
0x4: {  	s2 =	rddreg [dreg:$0x1];
	s7 =	simm.s32 $0x1;
	s1 =	sor.u32 s0, s1  }
0x5: {  	s8 =	simm.s32 $0x2;
	s11 =	simm.s32 $0x0;
	s3 =	sshll.u32 s1, $0x7  }
0x6: {  	s10 =	simm.s32 $0x0;
	s4 =	sadd.s32 $0x1200, s4;
	s6 =	ssub.s32 $0x64000, s3  }
.Ltmp0:
0x7: {  	s1 =	rddreg [dreg:$0x2];
	s5 =	sand.u32 $0xF80, s6;
	(pc) =	sbr.rel .LBB1_1-.Ltmp0, $4  }
0x8: {  	_ =	strace $0x8000004A;
	s9 =	smov.u32 s3;
	p0 =	sne.s32 s5, $0x0  }
0x9: {  	s6 =	sshrl.u32 s6, $0xC;
	s5 =	simm.s32 $0x1;
	s7 =	simm.s32 @!p0 $0x0  }
0xa: {  	[sflag:s5] =	ssyncpa.u1 $0x0;
	p0 =	por $0x0, $0x0;
	s6 =	sadd.s32 s7, s6  }
0xb: {  	[sflag:s8] =	ssyncpa.u1 $0x0;
	s8 =	simm.s32 $0x320000;
	s7 =	sadd.s32 $0x1, s6  }
.LBB1_4:
0xc: {  	v5 =	vld [tilespmem:s15+$0xFFFFFFD0];
	[tilespmem:s14+$0x2040 ss:$0x81] =	vst.msk $0xffff, v3;
	s17 =	sshll.u32 s11, $0x3  }
0xd: {  	v58 =	vld [tilespmem:s15+$0xFFFFFFE0];
	[tilespmem:s14+$0x2850 ss:$0x81] =	vst.msk $0xffff, v4;
	s25 =	sand.u32 $0x7F, s11;
	s18 =	sand.u32 $0xFFFFFC00, s17  }
0xe: {  	s16 =	sshra.s32 s16, $0x2;
	v59 =	vld [tilespmem:s15+$0xFFFFFFF0];
	[tilespmem:s14+$0x3060 ss:$0x81] =	vst.msk $0xffff, v2;
	s11 =	sor.u32 s25, s18  }
0xf: {  	v60 =	vld [tilespmem:s15+$0x0];
	[tilespmem:s14+$0x0 ss:$0x81] =	vst.msk $0xffff, v0;
	s13 =	sadd.s32 s16, s13;
	s26 =	smulhi.u32 $0x51EB851F, s11  }
0x10: {  	v61 =	vld [tilespmem:s15+$0x10];
	s27 =	smulhi.u32 $0x51EB851F, s17;
	[tilespmem:s13+$0x3870 ss:$0x81] =	vst.msk $0xffff, v1  }
0x11: {  	v62 =	vld [tilespmem:s15+$0x20];
	[tilespmem:s13+$0x810 ss:$0x81] =	vst.msk $0xffff, v5;
	s14 =	sshrl.u32 s26, $0x11  }
0x12: {  	v63 =	vld [tilespmem:s15+$0xFFFFFFC0];
	s28 =	sshrl.u32 s27, $0x11;
	[tilespmem:s13+$0x1020 ss:$0x81] =	vst.msk $0xffff, v58;
	s14 =	smul.u32 $0x64000, s14  }
0x13: {  	s15 =	sand.u32 $0x7F, s28;
	[tilespmem:s13+$0x1830 ss:$0x81] =	vst.msk $0xffff, v59  }
0x14: {  	[tilespmem:s13+$0x2040 ss:$0x81] =	vst.msk $0xffff, v60;
	s29 =	smul.u32 $0xC800, s15;
	s11 =	ssub.s32 s11, s14  }
0x15: {  	[tilespmem:s13+$0x2850 ss:$0x81] =	vst.msk $0xffff, v61;
	s30 =	sand.u32 $0x7, s11  }
0x16: {  	[tilespmem:s13+$0x3060 ss:$0x81] =	vst.msk $0xffff, v62;
	s14 =	sadd.s32 s2, s29;
	s11 =	sshrl.u32 s11, $0x3;
	s15 =	sshll.u32 s30, $0x12  }
0x17: {  	[tilespmem:s13+$0x0 ss:$0x81] =	vst.msk $0xffff, v63;
	s11 =	sadd.s32 s11, s14;
	s31 =	sor.u32 $0x400, s15  }
0x18: {  	[hbm4b:s11+s31] =	stream.strided.scatter [tilespmem:s12], [sflag:$0x2], $0x4000, s8, s31, $0x20;
	[tilespmem:$0x10100] =	vst v63  }
.LBB1_5:
0x19: {  	s13 =	sadd.s32 $0x1000, s9  }
0x1a: {  	p2 =	sgt.s32 s13, $0x63FFF  }
0x1b: {  	s13 =	smov.u32 @p2 s3;
	p2 =	sne.s32 s10, s7  }
.Ltmp1:
0x1c: {  	p1 =	slt.u32 s10, $0x2;
	(pc) =	sbr.rel @!p2 .LBB1_6-.Ltmp1, $4  }
0x1d: {  	s12 =	simm.s32 @!p1 $0x2  }
0x1e: {  	s14 =	sadd.s32 $0x1, s10;
	_ =	swait.ge @!p1 [sflag:s12], $0x4000  }
0x1f: {  	s11 =	smov.u32 s9;
	p0 =	por !p0, !p0;
	[sflag:s12] =	ssyncset.done @!p1 $0x0  }
0x20: {  	s10 =	smov.u32 s14;
	s9 =	smov.u32 s13;
	[sflag:s12] =	ssyncadd.s32 @!p1 $0xFFFFC000  }
.LBB1_1:
0x21: {  	p1 =	sge.u32 s10, s6  }
0x22: {  	s12 =	sand.u32 @!p1 $0x1FFFFFF, s9  }
0x23: {  	s13 =	smulhi.u32 @!p1 $0x147AE15, s12;
	_ =	sdelay $0x1  }
0x24: {  	s13 =	sshrl.u32 @!p1 s13, $0xB  }
0x25: {  	s13 =	smul.u32 @!p1 $0x64000, s13;
	_ =	sdelay $0x1  }
0x26: {  	s14 =	sxor.u32 @!p1 $0xFFFFFFFF, s10;
	s12 =	ssub.s32 @!p1 s12, s13  }
0x27: {  	s31 =	sadd.s32 $0xFFFFFFFF, s10;
	s13 =	sshll.u32 @!p1 s14, $0xE;
	s12 =	sshll.u32 @!p1 s12, $0x4  }
0x28: {  	s14 =	simm.s32 @!p1 $0x0;
	s13 =	sand.u32 @!p1 $0x4000, s13;
	s12 =	sadd.s32 @!p1 s4, s12  }
0x29: {  	[tilespmem:s13], [sflag:$0x1] =	stream.linear.gather @!p1 [hbm4b:s12+s14], $0x4000, $0x38;
	[tilespmem:$0x10100] =	vst v63  }
0x2a: {  	p1 =	sge.u32 s31, s6  }
.Ltmp2:
0x2b: {  	_ = 	snop;
	(pc) =	sbr.rel @p1 .LBB1_5-.Ltmp2, $1  }
0x2c: {  	_ =	sdelay $0x3  }
0x2d: {  	s12 =	simm.s32 $0x1  }
0x2e: {  	_ =	swait.ge [sflag:s5], $0x4000;
	s12 =	simm.s32 @!p0 $0x0  }
0x2f: {  	[sflag:s5] =	ssyncset.done $0x0;
	s13 =	sshll.u32 s12, $0xE  }
0x30: {  	[sflag:s5] =	ssyncadd.s32 $0xFFFFC000;
	s15 =	sor.u32 $0x40, s13  }
0x31: {  	s12 =	smul.u32 $0x10200, s12;
	v0 =	vld [tilespmem:s15+$0x30]  }
0x32: {  	v1 =	vld [tilespmem:s15+$0xFFFFFFD0]  }
0x33: {  	s12 =	sshrl.u32 s12, $0x2;
	v5 =	vld [tilespmem:s15+$0xFFFFFFE0]  }
0x34: {  	v6 =	vld [tilespmem:s15+$0xFFFFFFF0];
	s13 =	sor.u32 $0x8000, s12  }
0x35: {  	s31 =	sand.u32 $0x1, s10;
	v3 =	vld [tilespmem:s15+$0x0];
	s14 =	sadd.s32 $0x0, s13  }
0x36: {  	v4 =	vld [tilespmem:s15+$0x10];
	s12 =	smul.u32 $0x10200, s31;
	[tilespmem:s14+$0x3870 ss:$0x81] =	vst.msk $0xffff, v0  }
0x37: {  	v2 =	vld [tilespmem:s15+$0x20];
	[tilespmem:s14+$0x810 ss:$0x81] =	vst.msk $0xffff, v1  }
0x38: {  	s12 =	sshrl.u32 s12, $0x2;
	v0 =	vld [tilespmem:s15+$0xFFFFFFC0];
	[tilespmem:s14+$0x1020 ss:$0x81] =	vst.msk $0xffff, v5;
	s15 =	sadd.s32 $0x80, s15  }
0x39: {  	s16 =	simm.s32 $0x4;
	s17 =	simm.s32 $0x8;
	s12 =	sor.u32 $0x8000, s12;
	[tilespmem:s14+$0x1830 ss:$0x81] =	vst.msk $0xffff, v6;
	v1 =	vld [tilespmem:s15+$0x30]  }
.LBB1_3:
0x3a: {  	p1 =	sne.s32 s17, $0x1FC;
	v5 =	vld [tilespmem:s15+$0xFFFFFFD0];
	[tilespmem:s14+$0x2040 ss:$0x81] =	vst.msk $0xffff, v3  }
0x3b: {  	v6 =	vld [tilespmem:s15+$0xFFFFFFE0];
	[tilespmem:s14+$0x2850 ss:$0x81] =	vst.msk $0xffff, v4  }
0x3c: {  	s18 =	sshra.s32 s16, $0x2;
	s16 =	smov.u32 s17;
	v7 =	vld [tilespmem:s15+$0xFFFFFFF0];
	[tilespmem:s14+$0x3060 ss:$0x81] =	vst.msk $0xffff, v2  }
.Ltmp3:
0x3d: {  	v3 =	vld [tilespmem:s15+$0x0];
	[tilespmem:s14+$0x0 ss:$0x81] =	vst.msk $0xffff, v0;
	s14 =	sadd.s32 s18, s13;
	(pc) =	sbr.rel @p1 .LBB1_3-.Ltmp3, $4  }
0x3e: {  	v4 =	vld [tilespmem:s15+$0x10];
	[tilespmem:s14+$0x3870 ss:$0x81] =	vst.msk $0xffff, v1  }
0x3f: {  	[tilespmem:s14+$0x810 ss:$0x81] =	vst.msk $0xffff, v5;
	v2 =	vld [tilespmem:s15+$0x20]  }
0x40: {  	v0 =	vld [tilespmem:s15+$0xFFFFFFC0];
	[tilespmem:s14+$0x1020 ss:$0x81] =	vst.msk $0xffff, v6;
	s15 =	sadd.s32 $0x80, s15  }
0x41: {  	s17 =	sadd.s32 $0x4, s17;
	v1 =	vld [tilespmem:s15+$0x30];
	[tilespmem:s14+$0x1830 ss:$0x81] =	vst.msk $0xffff, v7  }
.Ltmp4:
0x42: {  	_ = 	snop;
	(pc) =	sbr.rel .LBB1_4-.Ltmp4, $1  }
0x43: {  	_ =	sdelay $0x3  }
.LBB1_6:
0x44: {  	_ =	sfence.sel $0x180000  }
0x45: {  	s2 =	simm.s32 $0x1;
	[bflag:$0x0] =	sbarrier.arrive $0xFFFF  }
0x46: {  	s31 =	simm.s32 $0x2;
	[sflag:s2] =	ssyncpa.u1 $0x1  }
0x47: {  	[sflag:s31] =	ssyncpa.u1 $0x1  }
0x48: {  	p0 =	sne.s32 s0, $0x0;
	_ =	strace $0x9000004A  }
0x49: {  	s0 =	sadd.s32 @!p0 $0x100000, s1;
	[bflag:$0x2] =	sbarrier.arrive $0xFFFF  }
0x4a: {  	[sflag:s0] =	ssyncadd.tile.s32 @!p0 $0x1;
	_ =	shalt  }
.Lfunc_end1:
_tile_overlayer_lowered:
.L_overlay_start_2:
0x4b: {  	(tag) =	ssettag $0x2  }
0x4c: {  	s0 =	rddreg [dreg:$0x0];
	s2 =	stileid.u32  }
0x4d: {  	s1 =	rddreg [dreg:$0x1];
	p0 =	sne.s32 s2, $0x0  }
0x4e: {  	s3 =	rddreg [dreg:$0x2];
	[bflag:$0x3] =	sbarrier.arrive $0xFFFF;
	s2 =	simm.s32 @!p0 $0x1C01  }
0x4f: {  	[timem:s3], [sflag:s2] =	dma.local @!p0 [hbm:s0], s1  }
0x50: {  	s0 =	simm.s32 @!p0 $0x1  }
0x51: {  	_ =	swait.ge @!p0 [sflag:s0], s1  }
0x52: {  	s1 =	ssub.s32 @!p0 $0x0, s1;
	[sflag:s0] =	ssyncset.done @!p0 $0x0  }
0x53: {  	[sflag:s0] =	ssyncadd.s32 @!p0 s1  }
0x54: {  	[bflag:$0x3] =	sbarrier.arrive $0xFFFF  }
0x55: {  	_ =	shalt  }

// kernel: sparse-core-data-format-call.cloned.1.call-start
scs
called_computation_lowered:
.L_overlay_start_0:
0x0: {  	s2 =	sld [smem:$0x3FD9]  }
0x1: {  	s3 =	sld [smem:$0x3FFE];
	_ =	sdelay $0x1  }
0x2: {  	s1 =	srdreg.scid  }
0x3: {  	s0 =	sand.u32 $0x1, s1  }
0x4: {  	s18 =	sshll.u32 s0, $0xA;
	s2 =	sadd.s32 s3, s2  }
0x5: {  	s2 =	sadd.s32 s2, s18  }
0x6: {  	[smem:$0x3FC6] =	sst s2  }
0x7: {  	_ = 	snop  }
0x8: {  	s2 =	sld [smem:$0x3FD0];
	(tm) =	ssettm $0x1  }
0x9: {  	s19 =	sld [smem:$0x3FFB];
	_ =	sdelay $0x3  }
0xa: {  	_ =	strace s19  }
0xb: {  	s3 =	sld [smem:$0x3FFC];
	_ =	sdelay $0x3  }
0xc: {  	_ =	strace s3  }
0xd: {  	s3 =	sld [smem:$0x3FFD];
	_ =	sdelay $0x3  }
0xe: {  	_ =	strace s3  }
0xf: {  	_ =	strace $0x8FFFFFFF  }
0x10: {  	s20 =	sld [smem:$0x3FDB];
	_ =	sdelay $0x1  }
0x11: {  	s4 =	simm.s32 $_scs_section_size  }
0x12: {  	s5 =	simm.s32 $_size__tile_overlayer_lowered;
	s6 =	simm.s32 $_tile_overlayer_lowered  }
0x13: {  	s23 =	simm.s32 $0x1BFF;
	s22 =	sshll.u32 s6, $0x1;
	s3 =	sadd.s32 s4, s20  }
0x14: {  	s7 =	simm.s32 $0x0;
	s21 =	sshll.u32 s5, $0x1;
	s5 =	sadd.s32 s22, s3  }
0x15: {  	[timem:s7], [sflag:s23] =	dma.local [hbm:s5], s21  }
0x16: {  	_ =	swait.ge [sflag:s23], s21  }
0x17: {  	s4 =	ssub.s32 $0x0, s21;
	[sflag:s23] =	ssyncset.done $0x0  }
0x18: {  	[sflag:s23] =	ssyncadd.s32 s4;
	_ =	sdelay $0x1  }
0x19: {  	s24 =	simm.s32 $0x1B8B  }
0x1a: {  	_ =	swait.ge [sflag:s24], $0x1  }
0x1b: {  	[sflag:s24] =	ssyncset.done $0x0  }
0x1c: {  	s26 =	simm.s32 $0x1B8E;
	s25 =	sld [smem:$0x3FFE];
	[sflag:s24] =	ssyncadd.s32 $0xFFFFFFFF  }
0x1d: {  	s27 =	simm.s32 $execute0_lowered;
	[smem:$0x3FD2] =	sst s26  }
0x1e: {  	s5 =	sshll.u32 s27, $0x1;
	_ =	strace $0x8000004F;
	[dreg:$0x1] =	wrdreg $0xFFFFFFFF  }
0x1f: {  	s28 =	simm.s32 $_size_execute0_lowered;
	s3 =	sadd.s32 s3, s5;
	[dreg:$0x0] =	wrdreg $0x0  }
0x20: {  	s5 =	sshll.u32 s28, $0x1;
	[dreg:$0x2] =	wrdreg s3  }
0x21: {  	[dreg:$0x3] =	wrdreg s5  }
0x22: {  	[dreg:$0x4] =	wrdreg $0xC0  }
0x23: {  	_ =	task [dreg:s7], $0x5FFFF  }
0x24: {  	[dreg:$0x1] =	wrdreg $0xFFFFFFFF  }
0x25: {  	[dreg:$0x0] =	wrdreg $0x60  }
0x26: {  	[dreg:$0x2] =	wrdreg s25  }
0x27: {  	[dreg:$0x3] =	wrdreg s2  }
0x28: {  	[dreg:$0x4] =	wrdreg $0x9  }
0x29: {  	_ =	task.clear_ibuf [dreg:s7], $0x5FFFF;
	_ =	strace $0x9000004F  }
0x2a: {  	s29 =	simm.s32 $0x9;
	_ =	strace $0x80000051  }
0x2b: {  	_ =	swait.ge [sflag:s29], $0x1  }
0x2c: {  	[sflag:s29] =	ssyncadd.s32 $0xFFFFFFFF  }
0x2d: {  	_ =	strace $0x90000051  }
0x2e: {  	_ =	sfence  }
0x2f: {  	s30 =	sld [smem:$0x0];
	_ =	sdelay $0x2  }
0x30: {  	s31 =	sshll.u32 s1, $0xD;
	s1 =	sshrl.u32 s1, $0x2  }
0x31: {  	s3 =	sand.u32 $0x4000, s31;
	s1 =	sadd.s32 s1, s30  }
0x32: {  	s0 =	sor.u32 s3, s0;
	s1 =	sshll.u32 s1, $0x11  }
0x33: {  	s0 =	sor.u32 s1, s0  }
0x34: {  	s0 =	sadd.s32 $0x8F2B, s0  }
0x35: {  	[sflag:s0] =	ssyncadd.remote.s32 $0x1  }
0x36: {  	_ =	sfence.sel $0xFFFF  }
0x37: {  	[dreg:$0x0] =	wrdreg $0xFFFFFFFF;
	(pc) =	sbr.abs _section_cstart, $3  }
0x38: {  	[dreg:$0x1] =	wrdreg $0xFFFFFFFF  }
0x39: {  	_ =	task.clear_ibuf [dreg:s7], $0x2FFFF;
	_ =	strace $0x9FFFFFFF  }
0x3a: {  	(tm) =	ssettm $0x7FFFFFFF  }
0x3b: {  	_ =	shalt  }
tec
execute0_lowered:
.L_overlay_start_1:
0x0: {  	(tag) =	ssettag $0x1  }
0x1: {  	s0 =	srdreg.scid  }
0x2: {  	s1 =	sshll.u32 s0, $0x4  }
0x3: {  	s0 =	stileid.u32;
	s1 =	sand.u32 $0x10, s1  }
0x4: {  	s7 =	rddreg [dreg:$0x0];
	s1 =	sor.u32 s0, s1  }
0x5: {  	s4 =	simm.s32 $0x1;
	s8 =	simm.s32 $0x2;
	s2 =	sshll.u32 s1, $0x7  }
0x6: {  	s13 =	simm.s32 $0x0;
	s9 =	simm.s32 $0x20000;
	s1 =	ssub.s32 $0x4000, s2  }
0x7: {  	s14 =	simm.s32 $0x0;
	s11 =	simm.s32 $0x0;
	s3 =	sand.u32 $0xF80, s1  }
0x8: {  	s12 =	simm.s32 $0x0;
	s5 =	sshrl.u32 s1, $0xC;
	p0 =	sne.s32 s3, $0x0  }
.Ltmp0:
0x9: {  	s1 =	rddreg [dreg:$0x2];
	s4 =	simm.s32 @!p0 $0x0;
	(pc) =	sbr.rel .LBB1_1-.Ltmp0, $4  }
0xa: {  	s6 =	sadd.s32 $0x701200, s7;
	s3 =	rddreg [dreg:$0x1];
	s5 =	sadd.s32 s4, s5  }
0xb: {  	_ =	strace $0x80000050;
	s4 =	simm.s32 $0x1;
	s5 =	smul.u32 $0x19, s5  }
0xc: {  	s7 =	sadd.s32 $0x741200, s7;
	s10 =	smov.u32 s2;
	[sflag:s4] =	ssyncpa.u1 $0x0  }
0xd: {  	p0 =	por $0x0, $0x0;
	[sflag:s8] =	ssyncpa.u1 $0x0;
	s8 =	sadd.s32 $0x1, s5  }
.LBB1_7:
0xe: {  	s15 =	sadd.s32 $0x1000, s10  }
0xf: {  	s13 =	sadd.s32 $0x2, s11;
	s17 =	smov.u32 s11;
	p2 =	sgt.s32 s15, $0x3FFF  }
0x10: {  	s17 =	smov.u32 @p2 s13  }
0x11: {  	s15 =	smov.u32 @p2 s2;
	p2 =	sgt.s32 s17, $0x31  }
0x12: {  	s17 =	simm.s32 @p2 $0x0;
	p2 =	sne.s32 s12, s8  }
.Ltmp1:
0x13: {  	p1 =	slt.u32 s12, $0x2;
	(pc) =	sbr.rel @!p2 .LBB1_8-.Ltmp1, $4  }
0x14: {  	s16 =	simm.s32 @!p1 $0x2  }
0x15: {  	s14 =	smov.u32 s11;
	p0 =	por !p0, !p0;
	_ =	swait.ge @!p1 [sflag:s16], $0x4000  }
0x16: {  	s13 =	smov.u32 s10;
	[sflag:s16] =	ssyncset.done @!p1 $0x0;
	s10 =	smov.u32 s15  }
0x17: {  	s12 =	sadd.s32 $0x1, s12;
	[sflag:s16] =	ssyncadd.s32 @!p1 $0xFFFFC000;
	s11 =	smov.u32 s17  }
.LBB1_1:
0x18: {  	p1 =	sge.u32 s12, s5  }
0x19: {  	s15 =	sxor.u32 @!p1 $0xFFFFFFFF, s12;
	s16 =	sshll.u32 @!p1 s11, $0x12  }
0x1a: {  	s17 =	sshll.u32 @!p1 s10, $0x4;
	s19 =	simm.s32 @!p1 $0x40;
	s20 =	simm.s32 @!p1 $0x80  }
0x1b: {  	s15 =	sshll.u32 @!p1 s15, $0xE;
	s17 =	sand.u32 @!p1 $0x3FFF0, s17;
	s18 =	sadd.s32 @!p1 s6, s16  }
0x1c: {  	s16 =	sadd.s32 @!p1 s16, s7;
	s15 =	sand.u32 @!p1 $0x4000, s15;
	s18 =	sadd.s32 @!p1 s17, s18  }
0x1d: {  	[tilespmem:s15], [sflag:$0x1] =	stream.strided.gather @!p1 [hbm4b:s18+s19], $0x2000, s20, s19, $0x38;
	[tilespmem:$0x10100] =	vst v63  }
0x1e: {  	s31 =	sadd.s32 $0xFFFFFFFF, s12;
	s16 =	sadd.s32 @!p1 s17, s16;
	s15 =	sor.u32 @!p1 $0x2000, s15  }
0x1f: {  	[tilespmem:s15], [sflag:$0x1] =	stream.strided.gather @!p1 [hbm4b:s16+s19], $0x2000, s20, s19, $0x38;
	[tilespmem:$0x10100] =	vst v63  }
0x20: {  	p1 =	sge.u32 s31, s5  }
.Ltmp2:
0x21: {  	_ = 	snop;
	(pc) =	sbr.rel @p1 .LBB1_7-.Ltmp2, $1  }
0x22: {  	_ =	sdelay $0x3  }
0x23: {  	s15 =	simm.s32 $0x1;
	s17 =	sand.u32 $0x1, s12  }
0x24: {  	_ =	swait.ge [sflag:s4], $0x4000;
	s15 =	simm.s32 @!p0 $0x0;
	s17 =	smul.u32 $0x10200, s17  }
0x25: {  	p2 =	por $0x1, $0x1;
	[sflag:s4] =	ssyncset.done $0x0;
	s16 =	smul.u32 $0x10200, s15  }
0x26: {  	s18 =	sshll.u32 s15, $0x10;
	[sflag:s4] =	ssyncadd.s32 $0xFFFFC000;
	s30 =	sshrl.u32 s17, $0x2  }
0x27: {  	s31 =	sshrl.u32 s18, $0x2;
	s18 =	simm.s32 $0x0;
	s16 =	sshrl.u32 s16, $0x2  }
0x28: {  	s15 =	sor.u32 $0x8000, s30;
	s17 =	sadd.s32 $0x20, s31;
	s16 =	sor.u32 $0x8000, s16  }
.LBB1_3:
0x29: {  	s19 =	sshll.u32 s18, $0xD  }
0x2a: {  	s19 =	sand.u32 $0x3FFFE000, s19  }
0x2b: {  	s21 =	sadd.s32 s19, s17  }
0x2c: {  	s31 =	smul.u32 $0x8100, s18;
	v3 =	vld [tilespmem:s21+$0x10]  }
0x2d: {  	v1 =	vld [tilespmem:s21+$0xFFFFFFF0]  }
0x2e: {  	s18 =	sshra.s32 s31, $0x2;
	v0 =	vld [tilespmem:s21+$0x0]  }
0x2f: {  	s18 =	sadd.s32 s18, s16;
	v2 =	vld [tilespmem:s21+$0xFFFFFFE0]  }
0x30: {  	s19 =	sadd.s32 $0x0, s18  }
0x31: {  	p1 =	por p2, p2;
	s20 =	simm.s32 $0x4;
	s21 =	sadd.s32 $0x40, s21;
	[tilespmem:s19+$0x1830 ss:$0x81] =	vst.msk $0xffff, v3  }
.LBB1_4:
0x32: {  	v3 =	vld [tilespmem:s21+$0x10];
	p2 =	sne.s32 s20, $0x1FC;
	[tilespmem:s19+$0x810 ss:$0x81] =	vst.msk $0xffff, v1;
	s22 =	smov.u32 s20;
	s20 =	sadd.s32 $0x4, s20  }
.Ltmp3:
0x33: {  	v1 =	vld [tilespmem:s21+$0xFFFFFFF0];
	[tilespmem:s19+$0x1020 ss:$0x81] =	vst.msk $0xffff, v0;
	(pc) =	sbr.rel @p2 .LBB1_4-.Ltmp3, $4  }
0x34: {  	v0 =	vld [tilespmem:s21+$0x0];
	[tilespmem:s19+$0x0 ss:$0x81] =	vst.msk $0xffff, v2  }
0x35: {  	s19 =	sshra.s32 s22, $0x2;
	v2 =	vld [tilespmem:s21+$0xFFFFFFE0]  }
0x36: {  	s19 =	sadd.s32 s19, s18  }
0x37: {  	s21 =	sadd.s32 $0x40, s21;
	[tilespmem:s19+$0x1830 ss:$0x81] =	vst.msk $0xffff, v3  }
.Ltmp4:
0x38: {  	(pc) =	sbr.rel @p1 .LBB1_3-.Ltmp4, $4  }
0x39: {  	_ = 	snop  }
0x3a: {  	[tilespmem:s19+$0x810 ss:$0x81] =	vst.msk $0xffff, v1  }
0x3b: {  	[tilespmem:s19+$0x1020 ss:$0x81] =	vst.msk $0xffff, v0  }
0x3c: {  	s18 =	simm.s32 $0x1;
	p2 =	por $0x0, $0x0;
	[tilespmem:s19+$0x0 ss:$0x81] =	vst.msk $0xffff, v2  }
0x3d: {  	s16 =	sshll.u32 s13, $0x3;
	s17 =	sand.u32 $0x78, s13;
	s14 =	sshll.u32 s14, $0x11  }
.Ltmp5:
0x3e: {  	s30 =	sand.u32 $0x1F800, s13;
	s16 =	sand.u32 $0x3C00, s16;
	(pc) =	sbr.rel .LBB1_7-.Ltmp5, $4  }
0x3f: {  	s31 =	sand.u32 $0x7, s13;
	s14 =	sadd.s32 s3, s14;
	s16 =	sor.u32 s17, s16  }
0x40: {  	s13 =	sshll.u32 s31, $0x12;
	s14 =	sadd.s32 s30, s14;
	s16 =	sshrl.u32 s16, $0x3  }
0x41: {  	s13 =	sor.u32 $0x400, s13;
	s14 =	sadd.s32 s16, s14  }
0x42: {  	[hbm4b:s14+s13] =	stream.strided.scatter [tilespmem:s15], [sflag:$0x2], $0x4000, s9, s13, $0x20;
	[tilespmem:$0x10100] =	vst v63  }
.LBB1_8:
0x43: {  	_ =	sfence.sel $0x180000  }
0x44: {  	s2 =	simm.s32 $0x1;
	[bflag:$0x0] =	sbarrier.arrive $0xFFFF  }
0x45: {  	s31 =	simm.s32 $0x2;
	[sflag:s2] =	ssyncpa.u1 $0x1  }
0x46: {  	[sflag:s31] =	ssyncpa.u1 $0x1  }
0x47: {  	p0 =	sne.s32 s0, $0x0;
	_ =	strace $0x90000050  }
0x48: {  	s0 =	sadd.s32 @!p0 $0x100000, s1;
	[bflag:$0x2] =	sbarrier.arrive $0xFFFF  }
0x49: {  	[sflag:s0] =	ssyncadd.tile.s32 @!p0 $0x1;
	_ =	shalt  }
.Lfunc_end1:
_tile_overlayer_lowered:
.L_overlay_start_2:
0x4a: {  	(tag) =	ssettag $0x2  }
0x4b: {  	s0 =	rddreg [dreg:$0x0];
	s2 =	stileid.u32  }
0x4c: {  	s1 =	rddreg [dreg:$0x1];
	p0 =	sne.s32 s2, $0x0  }
0x4d: {  	s3 =	rddreg [dreg:$0x2];
	[bflag:$0x3] =	sbarrier.arrive $0xFFFF;
	s2 =	simm.s32 @!p0 $0x1C01  }
0x4e: {  	[timem:s3], [sflag:s2] =	dma.local @!p0 [hbm:s0], s1  }
0x4f: {  	s0 =	simm.s32 @!p0 $0x1  }
0x50: {  	_ =	swait.ge @!p0 [sflag:s0], s1  }
0x51: {  	s1 =	ssub.s32 @!p0 $0x0, s1;
	[sflag:s0] =	ssyncset.done @!p0 $0x0  }
0x52: {  	[sflag:s0] =	ssyncadd.s32 @!p0 s1  }
0x53: {  	[bflag:$0x3] =	sbarrier.arrive $0xFFFF  }
0x54: {  	_ =	shalt  }

</sc_bundles>
